<compile_context>
chip_gen: v7x
topology: tpu7x:2x2x1
jax: 0.10.2.dev20260603
libtpu: 0.0.44.dev20260713+nightly
codegen_flags: <defaults>
</compile_context>

<pallas_src>
import functools
import jax
import jax.numpy as jnp
from jax import lax
from jax.experimental import pallas as pl
from jax.experimental.pallas import tpu as pltpu
from jax.experimental.pallas import tpu_sc as plsc

B, C, H, W = 256, 3, 224, 224
OW, OH = 32, 32
D = OW * OH
NC, NS = 2, 16
NW = NC * NS
PER = B // NW


def _sc_body(reg_hbm, obj_hbm, ids_hbm, tab_hbm, out_hbm,
             regb, objb, embb, idxb, sem, sem2):
    wid = lax.axis_index("s") * NC + lax.axis_index("c")
    base = wid * PER

    reg_cp = pltpu.make_async_copy(reg_hbm.at[pl.ds(base, PER)], regb, sem2)
    obj_cp = pltpu.make_async_copy(obj_hbm.at[pl.ds(base, PER)], objb, sem2)
    reg_cp.start()
    obj_cp.start()
    pltpu.sync_copy(ids_hbm.at[pl.ds(base, PER)], idxb)
    pltpu.async_copy(tab_hbm.at[idxb], embb, sem).wait()
    reg_cp.wait()
    obj_cp.wait()

    def comp(i, _):
        for j in range(D // 16):
            m = embb[i, pl.ds(16 * j, 16)]
            for c in range(C):
                r = regb[i, c, pl.ds(16 * j, 16)]
                o = objb[i, c, pl.ds(16 * j, 16)]
                regb[i, c, pl.ds(16 * j, 16)] = r + m * (o - r)
        return 0
    lax.fori_loop(0, PER, comp, 0)

    pltpu.sync_copy(regb, out_hbm.at[pl.ds(base, PER)])


def kernel(obj, bg, coord, obj_id, table):
    x = coord[0]
    y = coord[1]
    zero = jnp.zeros((), dtype=coord.dtype)
    region = lax.dynamic_slice(bg, (zero, zero, x, y), (B, C, OW, OH))
    regf = region.reshape(B, C, D)
    objf = obj.reshape(B, C, D)

    mesh = plsc.VectorSubcoreMesh(
        core_axis_name="c", subcore_axis_name="s",
        num_cores=NC, num_subcores=NS)

    sc = functools.partial(
        pl.kernel,
        mesh=mesh,
        out_type=jax.ShapeDtypeStruct((B, C, D), jnp.float32),
        scratch_types=[
            pltpu.VMEM((PER, C, D), jnp.float32),
            pltpu.VMEM((PER, C, D), jnp.float32),
            pltpu.VMEM((PER, D), jnp.float32),
            pltpu.VMEM((PER,), jnp.int32),
            pltpu.SemaphoreType.DMA,
            pltpu.SemaphoreType.DMA,
        ],
    )(_sc_body)

    newf = sc(regf, objf, obj_id, table)
    new_region = newf.reshape(B, C, OW, OH)
    return lax.dynamic_update_slice(bg, new_region, (zero, zero, x, y))

# --- scband reference (transcript-rebuilt; emitter-appended) ---
"""Pipeline reference for scband-generator-23570780520610 (READ-ONLY COPY).

The authoritative reference and input builder live on the scoring server;
editing this copy changes nothing except your own understanding.
"""

import jax, jax.numpy as jnp
import numpy as np

B, C, H, W = 256, 3, 224, 224
OW, OH = 32, 32
NB = 100000


def setup_inputs(seed: int = 0) -> dict:
    key = jax.random.key(seed)
    k1, k2, k3, k4 = jax.random.split(key, 4)
    obj = jax.random.normal(k1, (B, C, OW, OH), dtype=jnp.float32)
    bg = jax.random.normal(k2, (B, C, H, W), dtype=jnp.float32)
    coord = jax.random.randint(k3, (2,), 0, 192, dtype=jnp.int32)
    obj_id = jax.random.randint(k4, (B,), 0, NB, dtype=jnp.int32)
    # learned parameter: embedding table, initialized to ones as in the torch module
    table = jnp.ones((NB, OW * OH), dtype=jnp.float32)
    return {"obj": obj, "bg": bg, "coord": coord, "obj_id": obj_id, "table": table}


def reference(obj, bg, coord, obj_id, table):
    batch_size, c, obj_w, obj_h = obj.shape
    # embedding lookup: gather rows of the table by obj_id
    embed = jnp.take(table, obj_id, axis=0)            # [B, obj_w*obj_h]
    mask = embed.reshape(batch_size, obj_w, obj_h)     # [B, obj_w, obj_h]
    x = coord[0]
    y = coord[1]
    m = mask[:, None, :, :].astype(jnp.float32)        # broadcast over channels
    zero = jnp.zeros((), dtype=coord.dtype)
    region = jax.lax.dynamic_slice(
        bg, (zero, zero, x, y), (batch_size, c, obj_w, obj_h)
    )                                                  # [B, C, obj_w, obj_h]
    new_region = (1.0 - m) * region + m * obj
    im = jax.lax.dynamic_update_slice(bg, new_region, (zero, zero, x, y))
    return im

if __name__ == "__main__":
    import jax
    _d = setup_inputs()
    print(jax.jit(kernel)(*tuple(_d.values())))

</pallas_src>

<mosaic_0001>
#map = affine_map<(d0, d1) -> (0, 0, 0)>
#map1 = affine_map<(d0, d1) -> (0)>
#map2 = affine_map<(d0, d1) -> (0, 0)>
module attributes {stable_mosaic.version = 14 : i64} {
  func.func @_sc_body(%arg0: i32, %arg1: i32, %arg2: memref<256x3x1024xf32, #tpu.memory_space<hbm>>, %arg3: memref<256x3x1024xf32, #tpu.memory_space<hbm>>, %arg4: memref<256xi32, #tpu.memory_space<hbm>>, %arg5: memref<100000x1024xf32, #tpu.memory_space<hbm>>, %arg6: memref<256x3x1024xf32, #tpu.memory_space<hbm>>, %arg7: memref<8x3x1024xf32, #tpu.memory_space<vmem>>, %arg8: memref<8x3x1024xf32, #tpu.memory_space<vmem>>, %arg9: memref<8x1024xf32, #tpu.memory_space<vmem>>, %arg10: memref<8xi32, #tpu.memory_space<vmem>>, %arg11: memref<!tpu.dma_semaphore, #tpu.memory_space<semaphore_mem>>, %arg12: memref<!tpu.dma_semaphore, #tpu.memory_space<semaphore_mem>>) attributes {dimension_semantics = [#tpu.dimension_semantics<core_parallel>, #tpu.dimension_semantics<subcore_parallel>], iteration_bounds = array<i64: 2, 16>, scalar_prefetch = 0 : i64, scratch_operands = 6 : i64, tpu.core_type = #tpu.core_type<sc_vector_subcore>, window_params = [{transform_indices = #map}, {transform_indices = #map}, {transform_indices = #map1}, {transform_indices = #map2}, {transform_indices = #map}]} {
    %mul3A = arith.constant 2 : i32
    %mul3A_0 = arith.muli %arg1, %mul3A : i32
    %add3A = arith.addi %mul3A_0, %arg0 : i32
    %mul3A_1 = arith.constant 8 : i32
    %mul3A_2 = arith.muli %add3A, %mul3A_1 : i32
    %dma_start3A = arith.constant 0 : i32
    %dma_start3A_3 = arith.constant 0 : i32
    %dma_start3A_4 = tpu.memref_slice %arg2[%mul3A_2, %dma_start3A, %dma_start3A_3] : memref<256x3x1024xf32, #tpu.memory_space<hbm>> -> memref<8x3x1024xf32, #tpu.memory_space<hbm>>
    %dma_start3A_5 = arith.constant 0 : i32
    %dma_start3A_6 = arith.constant 0 : i32
    %dma_start3A_7 = tpu.memref_slice %arg2[%mul3A_2, %dma_start3A_5, %dma_start3A_6] : memref<256x3x1024xf32, #tpu.memory_space<hbm>> -> memref<8x3x1024xf32, #tpu.memory_space<hbm>>
    tpu.enqueue_dma source(%dma_start3A_7 : memref<8x3x1024xf32, #tpu.memory_space<hbm>>) target(%arg7 : memref<8x3x1024xf32, #tpu.memory_space<vmem>>) target_semaphore(%arg12 : memref<!tpu.dma_semaphore, #tpu.memory_space<semaphore_mem>>)
    %dma_start3A_8 = arith.constant 0 : i32
    %dma_start3A_9 = arith.constant 0 : i32
    %dma_start3A_10 = tpu.memref_slice %arg3[%mul3A_2, %dma_start3A_8, %dma_start3A_9] : memref<256x3x1024xf32, #tpu.memory_space<hbm>> -> memref<8x3x1024xf32, #tpu.memory_space<hbm>>
    %dma_start3A_11 = arith.constant 0 : i32
    %dma_start3A_12 = arith.constant 0 : i32
    %dma_start3A_13 = tpu.memref_slice %arg3[%mul3A_2, %dma_start3A_11, %dma_start3A_12] : memref<256x3x1024xf32, #tpu.memory_space<hbm>> -> memref<8x3x1024xf32, #tpu.memory_space<hbm>>
    tpu.enqueue_dma source(%dma_start3A_13 : memref<8x3x1024xf32, #tpu.memory_space<hbm>>) target(%arg8 : memref<8x3x1024xf32, #tpu.memory_space<vmem>>) target_semaphore(%arg12 : memref<!tpu.dma_semaphore, #tpu.memory_space<semaphore_mem>>)
    "tpu.region"() ({
      %run_scoped3A = tpu.sem_alloc : memref<!tpu.dma_semaphore, #tpu.memory_space<semaphore_mem>>
      %dma_start3A_37 = tpu.memref_slice %arg4[%mul3A_2] : memref<256xi32, #tpu.memory_space<hbm>> -> memref<8xi32, #tpu.memory_space<hbm>>
      %dma_start3A_38 = tpu.memref_slice %arg4[%mul3A_2] : memref<256xi32, #tpu.memory_space<hbm>> -> memref<8xi32, #tpu.memory_space<hbm>>
      tpu.enqueue_dma source(%dma_start3A_38 : memref<8xi32, #tpu.memory_space<hbm>>) target(%arg10 : memref<8xi32, #tpu.memory_space<vmem>>) target_semaphore(%run_scoped3A : memref<!tpu.dma_semaphore, #tpu.memory_space<semaphore_mem>>)
      %dma_wait3A_39 = tpu.memref_slice %arg4[%mul3A_2] : memref<256xi32, #tpu.memory_space<hbm>> -> memref<8xi32, #tpu.memory_space<hbm>>
      %dma_wait3A_40 = tpu.memref_slice %arg4[%mul3A_2] : memref<256xi32, #tpu.memory_space<hbm>> -> memref<8xi32, #tpu.memory_space<hbm>>
      tpu.wait_dma2 semaphore(%run_scoped3A : memref<!tpu.dma_semaphore, #tpu.memory_space<semaphore_mem>>) src(%dma_wait3A_40 : memref<8xi32, #tpu.memory_space<hbm>>) dst(%arg10 : memref<8xi32, #tpu.memory_space<vmem>>)
      tpu.yield
    }) : () -> ()
    %dma_start3A_14 = arith.constant 0 : i32
    %dma_start3A_15 = arith.constant 0 : i32
    %dma_start3A_16 = tpu.memref_slice %arg5[%dma_start3A_14, %dma_start3A_15] : memref<100000x1024xf32, #tpu.memory_space<hbm>> -> memref<100000x1024xf32, #tpu.memory_space<hbm>>
    tpu.enqueue_indirect_dma source(%dma_start3A_16 : memref<100000x1024xf32, #tpu.memory_space<hbm>>) target(%arg9 : memref<8x1024xf32, #tpu.memory_space<vmem>>) offsets(%arg10 : memref<8xi32, #tpu.memory_space<vmem>>) semaphore(%arg11 : memref<!tpu.dma_semaphore, #tpu.memory_space<semaphore_mem>>)
    %dma_wait3A = arith.constant 0 : i32
    %dma_wait3A_17 = arith.constant 0 : i32
    %dma_wait3A_18 = tpu.memref_slice %arg5[%dma_wait3A, %dma_wait3A_17] : memref<100000x1024xf32, #tpu.memory_space<hbm>> -> memref<100000x1024xf32, #tpu.memory_space<hbm>>
    tpu.wait_indirect_dma semaphore(%arg11 : memref<!tpu.dma_semaphore, #tpu.memory_space<semaphore_mem>>) src(%dma_wait3A_18 : memref<100000x1024xf32, #tpu.memory_space<hbm>>) dst(%arg9 : memref<8x1024xf32, #tpu.memory_space<vmem>>)
    %dma_wait3A_19 = arith.constant 0 : i32
    %dma_wait3A_20 = arith.constant 0 : i32
    %dma_wait3A_21 = tpu.memref_slice %arg2[%mul3A_2, %dma_wait3A_19, %dma_wait3A_20] : memref<256x3x1024xf32, #tpu.memory_space<hbm>> -> memref<8x3x1024xf32, #tpu.memory_space<hbm>>
    %dma_wait3A_22 = arith.constant 0 : i32
    %dma_wait3A_23 = arith.constant 0 : i32
    %dma_wait3A_24 = tpu.memref_slice %arg2[%mul3A_2, %dma_wait3A_22, %dma_wait3A_23] : memref<256x3x1024xf32, #tpu.memory_space<hbm>> -> memref<8x3x1024xf32, #tpu.memory_space<hbm>>
    tpu.wait_dma2 semaphore(%arg12 : memref<!tpu.dma_semaphore, #tpu.memory_space<semaphore_mem>>) src(%dma_wait3A_24 : memref<8x3x1024xf32, #tpu.memory_space<hbm>>) dst(%arg7 : memref<8x3x1024xf32, #tpu.memory_space<vmem>>)
    %dma_wait3A_25 = arith.constant 0 : i32
    %dma_wait3A_26 = arith.constant 0 : i32
    %dma_wait3A_27 = tpu.memref_slice %arg3[%mul3A_2, %dma_wait3A_25, %dma_wait3A_26] : memref<256x3x1024xf32, #tpu.memory_space<hbm>> -> memref<8x3x1024xf32, #tpu.memory_space<hbm>>
    %dma_wait3A_28 = arith.constant 0 : i32
    %dma_wait3A_29 = arith.constant 0 : i32
    %dma_wait3A_30 = tpu.memref_slice %arg3[%mul3A_2, %dma_wait3A_28, %dma_wait3A_29] : memref<256x3x1024xf32, #tpu.memory_space<hbm>> -> memref<8x3x1024xf32, #tpu.memory_space<hbm>>
    tpu.wait_dma2 semaphore(%arg12 : memref<!tpu.dma_semaphore, #tpu.memory_space<semaphore_mem>>) src(%dma_wait3A_30 : memref<8x3x1024xf32, #tpu.memory_space<hbm>>) dst(%arg8 : memref<8x3x1024xf32, #tpu.memory_space<vmem>>)
    %scan3A = arith.constant 0 : i32
    %scan3A_31 = arith.constant 0 : i32
    %scan3A_32 = arith.constant 8 : i32
    %scan3A_33 = arith.addi %scan3A_31, %scan3A_32 : i32
    %scan3A_34 = arith.constant 1 : i32
    %scan3A_35 = scf.for %scan3A_37 = %scan3A_31 to %scan3A_33 step %scan3A_34 iter_args(%scan3A_38 = %scan3A) -> (i32)  : i32 {
      %get3A = arith.index_cast %scan3A_37 : i32 to index
      %get3A_39 = arith.constant 0 : index
      %get3A_40 = tpu.vector_load %arg9[%get3A, %get3A_39] {strides = array<i32>} : memref<8x1024xf32, #tpu.memory_space<vmem>>, vector<1x16xf32>,
      %get3A_41 = vector.shape_cast %get3A_40 : vector<1x16xf32> to vector<16xf32>
      %get3A_42 = arith.constant 0 : i32
      %get3A_43 = arith.index_cast %scan3A_37 : i32 to index
      %get3A_44 = arith.index_cast %get3A_42 : i32 to index
      %get3A_45 = arith.constant 0 : index
      %get3A_46 = tpu.vector_load %arg7[%get3A_43, %get3A_44, %get3A_45] {strides = array<i32>} : memref<8x3x1024xf32, #tpu.memory_space<vmem>>, vector<1x1x16xf32>,
      %get3A_47 = vector.shape_cast %get3A_46 : vector<1x1x16xf32> to vector<16xf32>
      %get3A_48 = arith.constant 0 : i32
      %get3A_49 = arith.index_cast %scan3A_37 : i32 to index
      %get3A_50 = arith.index_cast %get3A_48 : i32 to index
      %get3A_51 = arith.constant 0 : index
      %get3A_52 = tpu.vector_load %arg8[%get3A_49, %get3A_50, %get3A_51] {strides = array<i32>} : memref<8x3x1024xf32, #tpu.memory_space<vmem>>, vector<1x1x16xf32>,
      %get3A_53 = vector.shape_cast %get3A_52 : vector<1x1x16xf32> to vector<16xf32>
      %sub3A = arith.subf %get3A_53, %get3A_47 : vector<16xf32>
      %mul3A_54 = arith.mulf %get3A_41, %sub3A : vector<16xf32>
      %add3A_55 = arith.addf %get3A_47, %mul3A_54 : vector<16xf32>
      %swap3A = arith.constant 0 : i32
      %swap3A_56 = arith.index_cast %scan3A_37 : i32 to index
      %swap3A_57 = arith.index_cast %swap3A : i32 to index
      %swap3A_58 = arith.constant 0 : index
      %swap3A_59 = tpu.vector_load %arg7[%swap3A_56, %swap3A_57, %swap3A_58] {strides = array<i32>} : memref<8x3x1024xf32, #tpu.memory_space<vmem>>, vector<1x1x16xf32>,
      %swap3A_60 = vector.shape_cast %swap3A_59 : vector<1x1x16xf32> to vector<16xf32>
      %swap3A_61 = vector.shape_cast %add3A_55 : vector<16xf32> to vector<1x1x16xf32>
      tpu.vector_store %arg7[%swap3A_56, %swap3A_57, %swap3A_58], %swap3A_61 {strides = array<i32>} : memref<8x3x1024xf32, #tpu.memory_space<vmem>>, vector<1x1x16xf32>,
      %get3A_62 = arith.constant 1 : i32
      %get3A_63 = arith.index_cast %scan3A_37 : i32 to index
      %get3A_64 = arith.index_cast %get3A_62 : i32 to index
      %get3A_65 = arith.constant 0 : index
      %get3A_66 = tpu.vector_load %arg7[%get3A_63, %get3A_64, %get3A_65] {strides = array<i32>} : memref<8x3x1024xf32, #tpu.memory_space<vmem>>, vector<1x1x16xf32>,
      %get3A_67 = vector.shape_cast %get3A_66 : vector<1x1x16xf32> to vector<16xf32>
      %get3A_68 = arith.constant 1 : i32
      %get3A_69 = arith.index_cast %scan3A_37 : i32 to index
      %get3A_70 = arith.index_cast %get3A_68 : i32 to index
      %get3A_71 = arith.constant 0 : index
      %get3A_72 = tpu.vector_load %arg8[%get3A_69, %get3A_70, %get3A_71] {strides = array<i32>} : memref<8x3x1024xf32, #tpu.memory_space<vmem>>, vector<1x1x16xf32>,
      %get3A_73 = vector.shape_cast %get3A_72 : vector<1x1x16xf32> to vector<16xf32>
      %sub3A_74 = arith.subf %get3A_73, %get3A_67 : vector<16xf32>
      %mul3A_75 = arith.mulf %get3A_41, %sub3A_74 : vector<16xf32>
      %add3A_76 = arith.addf %get3A_67, %mul3A_75 : vector<16xf32>
      %swap3A_77 = arith.constant 1 : i32
      %swap3A_78 = arith.index_cast %scan3A_37 : i32 to index
      %swap3A_79 = arith.index_cast %swap3A_77 : i32 to index
      %swap3A_80 = arith.constant 0 : index
      %swap3A_81 = tpu.vector_load %arg7[%swap3A_78, %swap3A_79, %swap3A_80] {strides = array<i32>} : memref<8x3x1024xf32, #tpu.memory_space<vmem>>, vector<1x1x16xf32>,
      %swap3A_82 = vector.shape_cast %swap3A_81 : vector<1x1x16xf32> to vector<16xf32>
      %swap3A_83 = vector.shape_cast %add3A_76 : vector<16xf32> to vector<1x1x16xf32>
      tpu.vector_store %arg7[%swap3A_78, %swap3A_79, %swap3A_80], %swap3A_83 {strides = array<i32>} : memref<8x3x1024xf32, #tpu.memory_space<vmem>>, vector<1x1x16xf32>,
      %get3A_84 = arith.constant 2 : i32
      %get3A_85 = arith.index_cast %scan3A_37 : i32 to index
      %get3A_86 = arith.index_cast %get3A_84 : i32 to index
      %get3A_87 = arith.constant 0 : index
      %get3A_88 = tpu.vector_load %arg7[%get3A_85, %get3A_86, %get3A_87] {strides = array<i32>} : memref<8x3x1024xf32, #tpu.memory_space<vmem>>, vector<1x1x16xf32>,
      %get3A_89 = vector.shape_cast %get3A_88 : vector<1x1x16xf32> to vector<16xf32>
      %get3A_90 = arith.constant 2 : i32
      %get3A_91 = arith.index_cast %scan3A_37 : i32 to index
      %get3A_92 = arith.index_cast %get3A_90 : i32 to index
      %get3A_93 = arith.constant 0 : index
      %get3A_94 = tpu.vector_load %arg8[%get3A_91, %get3A_92, %get3A_93] {strides = array<i32>} : memref<8x3x1024xf32, #tpu.memory_space<vmem>>, vector<1x1x16xf32>,
      %get3A_95 = vector.shape_cast %get3A_94 : vector<1x1x16xf32> to vector<16xf32>
      %sub3A_96 = arith.subf %get3A_95, %get3A_89 : vector<16xf32>
      %mul3A_97 = arith.mulf %get3A_41, %sub3A_96 : vector<16xf32>
      %add3A_98 = arith.addf %get3A_89, %mul3A_97 : vector<16xf32>
      %swap3A_99 = arith.constant 2 : i32
      %swap3A_100 = arith.index_cast %scan3A_37 : i32 to index
      %swap3A_101 = arith.index_cast %swap3A_99 : i32 to index
      %swap3A_102 = arith.constant 0 : index
      %swap3A_103 = tpu.vector_load %arg7[%swap3A_100, %swap3A_101, %swap3A_102] {strides = array<i32>} : memref<8x3x1024xf32, #tpu.memory_space<vmem>>, vector<1x1x16xf32>,
      %swap3A_104 = vector.shape_cast %swap3A_103 : vector<1x1x16xf32> to vector<16xf32>
      %swap3A_105 = vector.shape_cast %add3A_98 : vector<16xf32> to vector<1x1x16xf32>
      tpu.vector_store %arg7[%swap3A_100, %swap3A_101, %swap3A_102], %swap3A_105 {strides = array<i32>} : memref<8x3x1024xf32, #tpu.memory_space<vmem>>, vector<1x1x16xf32>,
      %get3A_106 = arith.index_cast %scan3A_37 : i32 to index
      %get3A_107 = arith.constant 16 : index
      %get3A_108 = tpu.vector_load %arg9[%get3A_106, %get3A_107] {strides = array<i32>} : memref<8x1024xf32, #tpu.memory_space<vmem>>, vector<1x16xf32>,
      %get3A_109 = vector.shape_cast %get3A_108 : vector<1x16xf32> to vector<16xf32>
      %get3A_110 = arith.constant 0 : i32
      %get3A_111 = arith.index_cast %scan3A_37 : i32 to index
      %get3A_112 = arith.index_cast %get3A_110 : i32 to index
      %get3A_113 = arith.constant 16 : index
      %get3A_114 = tpu.vector_load %arg7[%get3A_111, %get3A_112, %get3A_113] {strides = array<i32>} : memref<8x3x1024xf32, #tpu.memory_space<vmem>>, vector<1x1x16xf32>,
      %get3A_115 = vector.shape_cast %get3A_114 : vector<1x1x16xf32> to vector<16xf32>
      %get3A_116 = arith.constant 0 : i32
      %get3A_117 = arith.index_cast %scan3A_37 : i32 to index
      %get3A_118 = arith.index_cast %get3A_116 : i32 to index
      %get3A_119 = arith.constant 16 : index
      %get3A_120 = tpu.vector_load %arg8[%get3A_117, %get3A_118, %get3A_119] {strides = array<i32>} : memref<8x3x1024xf32, #tpu.memory_space<vmem>>, vector<1x1x16xf32>,
      %get3A_121 = vector.shape_cast %get3A_120 : vector<1x1x16xf32> to vector<16xf32>
      %sub3A_122 = arith.subf %get3A_121, %get3A_115 : vector<16xf32>
      %mul3A_123 = arith.mulf %get3A_109, %sub3A_122 : vector<16xf32>
      %add3A_124 = arith.addf %get3A_115, %mul3A_123 : vector<16xf32>
      %swap3A_125 = arith.constant 0 : i32
      %swap3A_126 = arith.index_cast %scan3A_37 : i32 to index
      %swap3A_127 = arith.index_cast %swap3A_125 : i32 to index
      %swap3A_128 = arith.constant 16 : index
      %swap3A_129 = tpu.vector_load %arg7[%swap3A_126, %swap3A_127, %swap3A_128] {strides = array<i32>} : memref<8x3x1024xf32, #tpu.memory_space<vmem>>, vector<1x1x16xf32>,
      %swap3A_130 = vector.shape_cast %swap3A_129 : vector<1x1x16xf32> to vector<16xf32>
      %swap3A_131 = vector.shape_cast %add3A_124 : vector<16xf32> to vector<1x1x16xf32>
      tpu.vector_store %arg7[%swap3A_126, %swap3A_127, %swap3A_128], %swap3A_131 {strides = array<i32>} : memref<8x3x1024xf32, #tpu.memory_space<vmem>>, vector<1x1x16xf32>,
      %get3A_132 = arith.constant 1 : i32
      %get3A_133 = arith.index_cast %scan3A_37 : i32 to index
      %get3A_134 = arith.index_cast %get3A_132 : i32 to index
      %get3A_135 = arith.constant 16 : index
      %get3A_136 = tpu.vector_load %arg7[%get3A_133, %get3A_134, %get3A_135] {strides = array<i32>} : memref<8x3x1024xf32, #tpu.memory_space<vmem>>, vector<1x1x16xf32>,
      %get3A_137 = vector.shape_cast %get3A_136 : vector<1x1x16xf32> to vector<16xf32>
      %get3A_138 = arith.constant 1 : i32
      %get3A_139 = arith.index_cast %scan3A_37 : i32 to index
      %get3A_140 = arith.index_cast %get3A_138 : i32 to index
      %get3A_141 = arith.constant 16 : index
      %get3A_142 = tpu.vector_load %arg8[%get3A_139, %get3A_140, %get3A_141] {strides = array<i32>} : memref<8x3x1024xf32, #tpu.memory_space<vmem>>, vector<1x1x16xf32>,
      %get3A_143 = vector.shape_cast %get3A_142 : vector<1x1x16xf32> to vector<16xf32>
      %sub3A_144 = arith.subf %get3A_143, %get3A_137 : vector<16xf32>
      %mul3A_145 = arith.mulf %get3A_109, %sub3A_144 : vector<16xf32>
      %add3A_146 = arith.addf %get3A_137, %mul3A_145 : vector<16xf32>
      %swap3A_147 = arith.constant 1 : i32
      %swap3A_148 = arith.index_cast %scan3A_37 : i32 to index
      %swap3A_149 = arith.index_cast %swap3A_147 : i32 to index
      %swap3A_150 = arith.constant 16 : index
      %swap3A_151 = tpu.vector_load %arg7[%swap3A_148, %swap3A_149, %swap3A_150] {strides = array<i32>} : memref<8x3x1024xf32, #tpu.memory_space<vmem>>, vector<1x1x16xf32>,
      %swap3A_152 = vector.shape_cast %swap3A_151 : vector<1x1x16xf32> to vector<16xf32>
      %swap3A_153 = vector.shape_cast %add3A_146 : vector<16xf32> to vector<1x1x16xf32>
      tpu.vector_store %arg7[%swap3A_148, %swap3A_149, %swap3A_150], %swap3A_153 {strides = array<i32>} : memref<8x3x1024xf32, #tpu.memory_space<vmem>>, vector<1x1x16xf32>,
      %get3A_154 = arith.constant 2 : i32
      %get3A_155 = arith.index_cast %scan3A_37 : i32 to index
      %get3A_156 = arith.index_cast %get3A_154 : i32 to index
      %get3A_157 = arith.constant 16 : index
      %get3A_158 = tpu.vector_load %arg7[%get3A_155, %get3A_156, %get3A_157] {strides = array<i32>} : memref<8x3x1024xf32, #tpu.memory_space<vmem>>, vector<1x1x16xf32>,
      %get3A_159 = vector.shape_cast %get3A_158 : vector<1x1x16xf32> to vector<16xf32>
      %get3A_160 = arith.constant 2 : i32
      %get3A_161 = arith.index_cast %scan3A_37 : i32 to index
      %get3A_162 = arith.index_cast %get3A_160 : i32 to index
      %get3A_163 = arith.constant 16 : index
      %get3A_164 = tpu.vector_load %arg8[%get3A_161, %get3A_162, %get3A_163] {strides = array<i32>} : memref<8x3x1024xf32, #tpu.memory_space<vmem>>, vector<1x1x16xf32>,
      %get3A_165 = vector.shape_cast %get3A_164 : vector<1x1x16xf32> to vector<16xf32>
      %sub3A_166 = arith.subf %get3A_165, %get3A_159 : vector<16xf32>
      %mul3A_167 = arith.mulf %get3A_109, %sub3A_166 : vector<16xf32>
      %add3A_168 = arith.addf %get3A_159, %mul3A_167 : vector<16xf32>
      %swap3A_169 = arith.constant 2 : i32
      %swap3A_170 = arith.index_cast %scan3A_37 : i32 to index
      %swap3A_171 = arith.index_cast %swap3A_169 : i32 to index
      %swap3A_172 = arith.constant 16 : index
      %swap3A_173 = tpu.vector_load %arg7[%swap3A_170, %swap3A_171, %swap3A_172] {strides = array<i32>} : memref<8x3x1024xf32, #tpu.memory_space<vmem>>, vector<1x1x16xf32>,
      %swap3A_174 = vector.shape_cast %swap3A_173 : vector<1x1x16xf32> to vector<16xf32>
      %swap3A_175 = vector.shape_cast %add3A_168 : vector<16xf32> to vector<1x1x16xf32>
      tpu.vector_store %arg7[%swap3A_170, %swap3A_171, %swap3A_172], %swap3A_175 {strides = array<i32>} : memref<8x3x1024xf32, #tpu.memory_space<vmem>>, vector<1x1x16xf32>,
      %get3A_176 = arith.index_cast %scan3A_37 : i32 to index
      %get3A_177 = arith.constant 32 : index
      %get3A_178 = tpu.vector_load %arg9[%get3A_176, %get3A_177] {strides = array<i32>} : memref<8x1024xf32, #tpu.memory_space<vmem>>, vector<1x16xf32>,
      %get3A_179 = vector.shape_cast %get3A_178 : vector<1x16xf32> to vector<16xf32>
      %get3A_180 = arith.constant 0 : i32
      %get3A_181 = arith.index_cast %scan3A_37 : i32 to index
      %get3A_182 = arith.index_cast %get3A_180 : i32 to index
      %get3A_183 = arith.constant 32 : index
      %get3A_184 = tpu.vector_load %arg7[%get3A_181, %get3A_182, %get3A_183] {strides = array<i32>} : memref<8x3x1024xf32, #tpu.memory_space<vmem>>, vector<1x1x16xf32>,
      %get3A_185 = vector.shape_cast %get3A_184 : vector<1x1x16xf32> to vector<16xf32>
      %get3A_186 = arith.constant 0 : i32
      %get3A_187 = arith.index_cast %scan3A_37 : i32 to index
      %get3A_188 = arith.index_cast %get3A_186 : i32 to index
      %get3A_189 = arith.constant 32 : index
      %get3A_190 = tpu.vector_load %arg8[%get3A_187, %get3A_188, %get3A_189] {strides = array<i32>} : memref<8x3x1024xf32, #tpu.memory_space<vmem>>, vector<1x1x16xf32>,
      %get3A_191 = vector.shape_cast %get3A_190 : vector<1x1x16xf32> to vector<16xf32>
      %sub3A_192 = arith.subf %get3A_191, %get3A_185 : vector<16xf32>
      %mul3A_193 = arith.mulf %get3A_179, %sub3A_192 : vector<16xf32>
      %add3A_194 = arith.addf %get3A_185, %mul3A_193 : vector<16xf32>
      %swap3A_195 = arith.constant 0 : i32
      %swap3A_196 = arith.index_cast %scan3A_37 : i32 to index
      %swap3A_197 = arith.index_cast %swap3A_195 : i32 to index
      %swap3A_198 = arith.constant 32 : index
      %swap3A_199 = tpu.vector_load %arg7[%swap3A_196, %swap3A_197, %swap3A_198] {strides = array<i32>} : memref<8x3x1024xf32, #tpu.memory_space<vmem>>, vector<1x1x16xf32>,
      %swap3A_200 = vector.shape_cast %swap3A_199 : vector<1x1x16xf32> to vector<16xf32>
      %swap3A_201 = vector.shape_cast %add3A_194 : vector<16xf32> to vector<1x1x16xf32>
      tpu.vector_store %arg7[%swap3A_196, %swap3A_197, %swap3A_198], %swap3A_201 {strides = array<i32>} : memref<8x3x1024xf32, #tpu.memory_space<vmem>>, vector<1x1x16xf32>,
      %get3A_202 = arith.constant 1 : i32
      %get3A_203 = arith.index_cast %scan3A_37 : i32 to index
      %get3A_204 = arith.index_cast %get3A_202 : i32 to index
      %get3A_205 = arith.constant 32 : index
      %get3A_206 = tpu.vector_load %arg7[%get3A_203, %get3A_204, %get3A_205] {strides = array<i32>} : memref<8x3x1024xf32, #tpu.memory_space<vmem>>, vector<1x1x16xf32>,
      %get3A_207 = vector.shape_cast %get3A_206 : vector<1x1x16xf32> to vector<16xf32>
      %get3A_208 = arith.constant 1 : i32
      %get3A_209 = arith.index_cast %scan3A_37 : i32 to index
      %get3A_210 = arith.index_cast %get3A_208 : i32 to index
      %get3A_211 = arith.constant 32 : index
      %get3A_212 = tpu.vector_load %arg8[%get3A_209, %get3A_210, %get3A_211] {strides = array<i32>} : memref<8x3x1024xf32, #tpu.memory_space<vmem>>, vector<1x1x16xf32>,
      %get3A_213 = vector.shape_cast %get3A_212 : vector<1x1x16xf32> to vector<16xf32>
      %sub3A_214 = arith.subf %get3A_213, %get3A_207 : vector<16xf32>
      %mul3A_215 = arith.mulf %get3A_179, %sub3A_214 : vector<16xf32>
      %add3A_216 = arith.addf %get3A_207, %mul3A_215 : vector<16xf32>
      %swap3A_217 = arith.constant 1 : i32
      %swap3A_218 = arith.index_cast %scan3A_37 : i32 to index
      %swap3A_219 = arith.index_cast %swap3A_217 : i32 to index
      %swap3A_220 = arith.constant 32 : index
      %swap3A_221 = tpu.vector_load %arg7[%swap3A_218, %swap3A_219, %swap3A_220] {strides = array<i32>} : memref<8x3x1024xf32, #tpu.memory_space<vmem>>, vector<1x1x16xf32>,
      %swap3A_222 = vector.shape_cast %swap3A_221 : vector<1x1x16xf32> to vector<16xf32>
      %swap3A_223 = vector.shape_cast %add3A_216 : vector<16xf32> to vector<1x1x16xf32>
      tpu.vector_store %arg7[%swap3A_218, %swap3A_219, %swap3A_220], %swap3A_223 {strides = array<i32>} : memref<8x3x1024xf32, #tpu.memory_space<vmem>>, vector<1x1x16xf32>,
      %get3A_224 = arith.constant 2 : i32
      %get3A_225 = arith.index_cast %scan3A_37 : i32 to index
      %get3A_226 = arith.index_cast %get3A_224 : i32 to index
      %get3A_227 = arith.constant 32 : index
      %get3A_228 = tpu.vector_load %arg7[%get3A_225, %get3A_226, %get3A_227] {strides = array<i32>} : memref<8x3x1024xf32, #tpu.memory_space<vmem>>, vector<1x1x16xf32>,
      %get3A_229 = vector.shape_cast %get3A_228 : vector<1x1x16xf32> to vector<16xf32>
      %get3A_230 = arith.constant 2 : i32
      %get3A_231 = arith.index_cast %scan3A_37 : i32 to index
      %get3A_232 = arith.index_cast %get3A_230 : i32 to index
      %get3A_233 = arith.constant 32 : index
      %get3A_234 = tpu.vector_load %arg8[%get3A_231, %get3A_232, %get3A_233] {strides = array<i32>} : memref<8x3x1024xf32, #tpu.memory_space<vmem>>, vector<1x1x16xf32>,
      %get3A_235 = vector.shape_cast %get3A_234 : vector<1x1x16xf32> to vector<16xf32>
      %sub3A_236 = arith.subf %get3A_235, %get3A_229 : vector<16xf32>
      %mul3A_237 = arith.mulf %get3A_179, %sub3A_236 : vector<16xf32>
      %add3A_238 = arith.addf %get3A_229, %mul3A_237 : vector<16xf32>
      %swap3A_239 = arith.constant 2 : i32
      %swap3A_240 = arith.index_cast %scan3A_37 : i32 to index
      %swap3A_241 = arith.index_cast %swap3A_239 : i32 to index
      %swap3A_242 = arith.constant 32 : index
      %swap3A_243 = tpu.vector_load %arg7[%swap3A_240, %swap3A_241, %swap3A_242] {strides = array<i32>} : memref<8x3x1024xf32, #tpu.memory_space<vmem>>, vector<1x1x16xf32>,
      %swap3A_244 = vector.shape_cast %swap3A_243 : vector<1x1x16xf32> to vector<16xf32>
      %swap3A_245 = vector.shape_cast %add3A_238 : vector<16xf32> to vector<1x1x16xf32>
      tpu.vector_store %arg7[%swap3A_240, %swap3A_241, %swap3A_242], %swap3A_245 {strides = array<i32>} : memref<8x3x1024xf32, #tpu.memory_space<vmem>>, vector<1x1x16xf32>,
      %get3A_246 = arith.index_cast %scan3A_37 : i32 to index
      %get3A_247 = arith.constant 48 : index
      %get3A_248 = tpu.vector_load %arg9[%get3A_246, %get3A_247] {strides = array<i32>} : memref<8x1024xf32, #tpu.memory_space<vmem>>, vector<1x16xf32>,
      %get3A_249 = vector.shape_cast %get3A_248 : vector<1x16xf32> to vector<16xf32>
      %get3A_250 = arith.constant 0 : i32
      %get3A_251 = arith.index_cast %scan3A_37 : i32 to index
      %get3A_252 = arith.index_cast %get3A_250 : i32 to index
      %get3A_253 = arith.constant 48 : index
      %get3A_254 = tpu.vector_load %arg7[%get3A_251, %get3A_252, %get3A_253] {strides = array<i32>} : memref<8x3x1024xf32, #tpu.memory_space<vmem>>, vector<1x1x16xf32>,
      %get3A_255 = vector.shape_cast %get3A_254 : vector<1x1x16xf32> to vector<16xf32>
      %get3A_256 = arith.constant 0 : i32
      %get3A_257 = arith.index_cast %scan3A_37 : i32 to index
      %get3A_258 = arith.index_cast %get3A_256 : i32 to index
      %get3A_259 = arith.constant 48 : index
      %get3A_260 = tpu.vector_load %arg8[%get3A_257, %get3A_258, %get3A_259] {strides = array<i32>} : memref<8x3x1024xf32, #tpu.memory_space<vmem>>, vector<1x1x16xf32>,
      %get3A_261 = vector.shape_cast %get3A_260 : vector<1x1x16xf32> to vector<16xf32>
      %sub3A_262 = arith.subf %get3A_261, %get3A_255 : vector<16xf32>
      %mul3A_263 = arith.mulf %get3A_249, %sub3A_262 : vector<16xf32>
      %add3A_264 = arith.addf %get3A_255, %mul3A_263 : vector<16xf32>
      %swap3A_265 = arith.constant 0 : i32
      %swap3A_266 = arith.index_cast %scan3A_37 : i32 to index
      %swap3A_267 = arith.index_cast %swap3A_265 : i32 to index
      %swap3A_268 = arith.constant 48 : index
      %swap3A_269 = tpu.vector_load %arg7[%swap3A_266, %swap3A_267, %swap3A_268] {strides = array<i32>} : memref<8x3x1024xf32, #tpu.memory_space<vmem>>, vector<1x1x16xf32>,
      %swap3A_270 = vector.shape_cast %swap3A_269 : vector<1x1x16xf32> to vector<16xf32>
      %swap3A_271 = vector.shape_cast %add3A_264 : vector<16xf32> to vector<1x1x16xf32>
      tpu.vector_store %arg7[%swap3A_266, %swap3A_267, %swap3A_268], %swap3A_271 {strides = array<i32>} : memref<8x3x1024xf32, #tpu.memory_space<vmem>>, vector<1x1x16xf32>,
      %get3A_272 = arith.constant 1 : i32
      %get3A_273 = arith.index_cast %scan3A_37 : i32 to index
      %get3A_274 = arith.index_cast %get3A_272 : i32 to index
      %get3A_275 = arith.constant 48 : index
      %get3A_276 = tpu.vector_load %arg7[%get3A_273, %get3A_274, %get3A_275] {strides = array<i32>} : memref<8x3x1024xf32, #tpu.memory_space<vmem>>, vector<1x1x16xf32>,
      %get3A_277 = vector.shape_cast %get3A_276 : vector<1x1x16xf32> to vector<16xf32>
      %get3A_278 = arith.constant 1 : i32
      %get3A_279 = arith.index_cast %scan3A_37 : i32 to index
      %get3A_280 = arith.index_cast %get3A_278 : i32 to index
      %get3A_281 = arith.constant 48 : index
      %get3A_282 = tpu.vector_load %arg8[%get3A_279, %get3A_280, %get3A_281] {strides = array<i32>} : memref<8x3x1024xf32, #tpu.memory_space<vmem>>, vector<1x1x16xf32>,
      %get3A_283 = vector.shape_cast %get3A_282 : vector<1x1x16xf32> to vector<16xf32>
      %sub3A_284 = arith.subf %get3A_283, %get3A_277 : vector<16xf32>
      %mul3A_285 = arith.mulf %get3A_249, %sub3A_284 : vector<16xf32>
      %add3A_286 = arith.addf %get3A_277, %mul3A_285 : vector<16xf32>
      %swap3A_287 = arith.constant 1 : i32
      %swap3A_288 = arith.index_cast %scan3A_37 : i32 to index
      %swap3A_289 = arith.index_cast %swap3A_287 : i32 to index
      %swap3A_290 = arith.constant 48 : index
      %swap3A_291 = tpu.vector_load %arg7[%swap3A_288, %swap3A_289, %swap3A_290] {strides = array<i32>} : memref<8x3x1024xf32, #tpu.memory_space<vmem>>, vector<1x1x16xf32>,
      %swap3A_292 = vector.shape_cast %swap3A_291 : vector<1x1x16xf32> to vector<16xf32>
      %swap3A_293 = vector.shape_cast %add3A_286 : vector<16xf32> to vector<1x1x16xf32>
      tpu.vector_store %arg7[%swap3A_288, %swap3A_289, %swap3A_290], %swap3A_293 {strides = array<i32>} : memref<8x3x1024xf32, #tpu.memory_space<vmem>>, vector<1x1x16xf32>,
      %get3A_294 = arith.constant 2 : i32
      %get3A_295 = arith.index_cast %scan3A_37 : i32 to index
      %get3A_296 = arith.index_cast %get3A_294 : i32 to index
      %get3A_297 = arith.constant 48 : index
      %get3A_298 = tpu.vector_load %arg7[%get3A_295, %get3A_296, %get3A_297] {strides = array<i32>} : memref<8x3x1024xf32, #tpu.memory_space<vmem>>, vector<1x1x16xf32>,
      %get3A_299 = vector.shape_cast %get3A_298 : vector<1x1x16xf32> to vector<16xf32>
      %get3A_300 = arith.constant 2 : i32
      %get3A_301 = arith.index_cast %scan3A_37 : i32 to index
      %get3A_302 = arith.index_cast %get3A_300 : i32 to index
      %get3A_303 = arith.constant 48 : index
      %get3A_304 = tpu.vector_load %arg8[%get3A_301, %get3A_302, %get3A_303] {strides = array<i32>} : memref<8x3x1024xf32, #tpu.memory_space<vmem>>, vector<1x1x16xf32>,
      %get3A_305 = vector.shape_cast %get3A_304 : vector<1x1x16xf32> to vector<16xf32>
      %sub3A_306 = arith.subf %get3A_305, %get3A_299 : vector<16xf32>
      %mul3A_307 = arith.mulf %get3A_249, %sub3A_306 : vector<16xf32>
      %add3A_308 = arith.addf %get3A_299, %mul3A_307 : vector<16xf32>
      %swap3A_309 = arith.constant 2 : i32
      %swap3A_310 = arith.index_cast %scan3A_37 : i32 to index
      %swap3A_311 = arith.index_cast %swap3A_309 : i32 to index
      %swap3A_312 = arith.constant 48 : index
      %swap3A_313 = tpu.vector_load %arg7[%swap3A_310, %swap3A_311, %swap3A_312] {strides = array<i32>} : memref<8x3x1024xf32, #tpu.memory_space<vmem>>, vector<1x1x16xf32>,
      %swap3A_314 = vector.shape_cast %swap3A_313 : vector<1x1x16xf32> to vector<16xf32>
      %swap3A_315 = vector.shape_cast %add3A_308 : vector<16xf32> to vector<1x1x16xf32>
      tpu.vector_store %arg7[%swap3A_310, %swap3A_311, %swap3A_312], %swap3A_315 {strides = array<i32>} : memref<8x3x1024xf32, #tpu.memory_space<vmem>>, vector<1x1x16xf32>,
      %get3A_316 = arith.index_cast %scan3A_37 : i32 to index
      %get3A_317 = arith.constant 64 : index
      %get3A_318 = tpu.vector_load %arg9[%get3A_316, %get3A_317] {strides = array<i32>} : memref<8x1024xf32, #tpu.memory_space<vmem>>, vector<1x16xf32>,
      %get3A_319 = vector.shape_cast %get3A_318 : vector<1x16xf32> to vector<16xf32>
      %get3A_320 = arith.constant 0 : i32
      %get3A_321 = arith.index_cast %scan3A_37 : i32 to index
      %get3A_322 = arith.index_cast %get3A_320 : i32 to index
      %get3A_323 = arith.constant 64 : index
      %get3A_324 = tpu.vector_load %arg7[%get3A_321, %get3A_322, %get3A_323] {strides = array<i32>} : memref<8x3x1024xf32, #tpu.memory_space<vmem>>, vector<1x1x16xf32>,
      %get3A_325 = vector.shape_cast %get3A_324 : vector<1x1x16xf32> to vector<16xf32>
      %get3A_326 = arith.constant 0 : i32
      %get3A_327 = arith.index_cast %scan3A_37 : i32 to index
      %get3A_328 = arith.index_cast %get3A_326 : i32 to index
      %get3A_329 = arith.constant 64 : index
      %get3A_330 = tpu.vector_load %arg8[%get3A_327, %get3A_328, %get3A_329] {strides = array<i32>} : memref<8x3x1024xf32, #tpu.memory_space<vmem>>, vector<1x1x16xf32>,
      %get3A_331 = vector.shape_cast %get3A_330 : vector<1x1x16xf32> to vector<16xf32>
      %sub3A_332 = arith.subf %get3A_331, %get3A_325 : vector<16xf32>
      %mul3A_333 = arith.mulf %get3A_319, %sub3A_332 : vector<16xf32>
      %add3A_334 = arith.addf %get3A_325, %mul3A_333 : vector<16xf32>
      %swap3A_335 = arith.constant 0 : i32
      %swap3A_336 = arith.index_cast %scan3A_37 : i32 to index
      %swap3A_337 = arith.index_cast %swap3A_335 : i32 to index
      %swap3A_338 = arith.constant 64 : index
      %swap3A_339 = tpu.vector_load %arg7[%swap3A_336, %swap3A_337, %swap3A_338] {strides = array<i32>} : memref<8x3x1024xf32, #tpu.memory_space<vmem>>, vector<1x1x16xf32>,
      %swap3A_340 = vector.shape_cast %swap3A_339 : vector<1x1x16xf32> to vector<16xf32>
      %swap3A_341 = vector.shape_cast %add3A_334 : vector<16xf32> to vector<1x1x16xf32>
      tpu.vector_store %arg7[%swap3A_336, %swap3A_337, %swap3A_338], %swap3A_341 {strides = array<i32>} : memref<8x3x1024xf32, #tpu.memory_space<vmem>>, vector<1x1x16xf32>,
      %get3A_342 = arith.constant 1 : i32
      %get3A_343 = arith.index_cast %scan3A_37 : i32 to index
      %get3A_344 = arith.index_cast %get3A_342 : i32 to index
      %get3A_345 = arith.constant 64 : index
      %get3A_346 = tpu.vector_load %arg7[%get3A_343, %get3A_344, %get3A_345] {strides = array<i32>} : memref<8x3x1024xf32, #tpu.memory_space<vmem>>, vector<1x1x16xf32>,
      %get3A_347 = vector.shape_cast %get3A_346 : vector<1x1x16xf32> to vector<16xf32>
      %get3A_348 = arith.constant 1 : i32
      %get3A_349 = arith.index_cast %scan3A_37 : i32 to index
      %get3A_350 = arith.index_cast %get3A_348 : i32 to index
      %get3A_351 = arith.constant 64 : index
      %get3A_352 = tpu.vector_load %arg8[%get3A_349, %get3A_350, %get3A_351] {strides = array<i32>} : memref<8x3x1024xf32, #tpu.memory_space<vmem>>, vector<1x1x16xf32>,
      %get3A_353 = vector.shape_cast %get3A_352 : vector<1x1x16xf32> to vector<16xf32>
      %sub3A_354 = arith.subf %get3A_353, %get3A_347 : vector<16xf32>
      %mul3A_355 = arith.mulf %get3A_319, %sub3A_354 : vector<16xf32>
      %add3A_356 = arith.addf %get3A_347, %mul3A_355 : vector<16xf32>
      %swap3A_357 = arith.constant 1 : i32
      %swap3A_358 = arith.index_cast %scan3A_37 : i32 to index
      %swap3A_359 = arith.index_cast %swap3A_357 : i32 to index
      %swap3A_360 = arith.constant 64 : index
      %swap3A_361 = tpu.vector_load %arg7[%swap3A_358, %swap3A_359, %swap3A_360] {strides = array<i32>} : memref<8x3x1024xf32, #tpu.memory_space<vmem>>, vector<1x1x16xf32>,
      %swap3A_362 = vector.shape_cast %swap3A_361 : vector<1x1x16xf32> to vector<16xf32>
      %swap3A_363 = vector.shape_cast %add3A_356 : vector<16xf32> to vector<1x1x16xf32>
      tpu.vector_store %arg7[%swap3A_358, %swap3A_359, %swap3A_360], %swap3A_363 {strides = array<i32>} : memref<8x3x1024xf32, #tpu.memory_space<vmem>>, vector<1x1x16xf32>,
      %get3A_364 = arith.constant 2 : i32
      %get3A_365 = arith.index_cast %scan3A_37 : i32 to index
      %get3A_366 = arith.index_cast %get3A_364 : i32 to index
      %get3A_367 = arith.constant 64 : index
      %get3A_368 = tpu.vector_load %arg7[%get3A_365, %get3A_366, %get3A_367] {strides = array<i32>} : memref<8x3x1024xf32, #tpu.memory_space<vmem>>, vector<1x1x16xf32>,
      %get3A_369 = vector.shape_cast %get3A_368 : vector<1x1x16xf32> to vector<16xf32>
      %get3A_370 = arith.constant 2 : i32
      %get3A_371 = arith.index_cast %scan3A_37 : i32 to index
      %get3A_372 = arith.index_cast %get3A_370 : i32 to index
      %get3A_373 = arith.constant 64 : index
      %get3A_374 = tpu.vector_load %arg8[%get3A_371, %get3A_372, %get3A_373] {strides = array<i32>} : memref<8x3x1024xf32, #tpu.memory_space<vmem>>, vector<1x1x16xf32>,
      %get3A_375 = vector.shape_cast %get3A_374 : vector<1x1x16xf32> to vector<16xf32>
      %sub3A_376 = arith.subf %get3A_375, %get3A_369 : vector<16xf32>
      %mul3A_377 = arith.mulf %get3A_319, %sub3A_376 : vector<16xf32>
      %add3A_378 = arith.addf %get3A_369, %mul3A_377 : vector<16xf32>
      %swap3A_379 = arith.constant 2 : i32
      %swap3A_380 = arith.index_cast %scan3A_37 : i32 to index
      %swap3A_381 = arith.index_cast %swap3A_379 : i32 to index
      %swap3A_382 = arith.constant 64 : index
      %swap3A_383 = tpu.vector_load %arg7[%swap3A_380, %swap3A_381, %swap3A_382] {strides = array<i32>} : memref<8x3x1024xf32, #tpu.memory_space<vmem>>, vector<1x1x16xf32>,
      %swap3A_384 = vector.shape_cast %swap3A_383 : vector<1x1x16xf32> to vector<16xf32>
      %swap3A_385 = vector.shape_cast %add3A_378 : vector<16xf32> to vector<1x1x16xf32>
      tpu.vector_store %arg7[%swap3A_380, %swap3A_381, %swap3A_382], %swap3A_385 {strides = array<i32>} : memref<8x3x1024xf32, #tpu.memory_space<vmem>>, vector<1x1x16xf32>,
      %get3A_386 = arith.index_cast %scan3A_37 : i32 to index
      %get3A_387 = arith.constant 80 : index
      %get3A_388 = tpu.vector_load %arg9[%get3A_386, %get3A_387] {strides = array<i32>} : memref<8x1024xf32, #tpu.memory_space<vmem>>, vector<1x16xf32>,
      %get3A_389 = vector.shape_cast %get3A_388 : vector<1x16xf32> to vector<16xf32>
      %get3A_390 = arith.constant 0 : i32
      %get3A_391 = arith.index_cast %scan3A_37 : i32 to index
      %get3A_392 = arith.index_cast %get3A_390 : i32 to index
      %get3A_393 = arith.constant 80 : index
      %get3A_394 = tpu.vector_load %arg7[%get3A_391, %get3A_392, %get3A_393] {strides = array<i32>} : memref<8x3x1024xf32, #tpu.memory_space<vmem>>, vector<1x1x16xf32>,
      %get3A_395 = vector.shape_cast %get3A_394 : vector<1x1x16xf32> to vector<16xf32>
      %get3A_396 = arith.constant 0 : i32
      %get3A_397 = arith.index_cast %scan3A_37 : i32 to index
      %get3A_398 = arith.index_cast %get3A_396 : i32 to index
      %get3A_399 = arith.constant 80 : index
      %get3A_400 = tpu.vector_load %arg8[%get3A_397, %get3A_398, %get3A_399] {strides = array<i32>} : memref<8x3x1024xf32, #tpu.memory_space<vmem>>, vector<1x1x16xf32>,
      %get3A_401 = vector.shape_cast %get3A_400 : vector<1x1x16xf32> to vector<16xf32>
      %sub3A_402 = arith.subf %get3A_401, %get3A_395 : vector<16xf32>
      %mul3A_403 = arith.mulf %get3A_389, %sub3A_402 : vector<16xf32>
      %add3A_404 = arith.addf %get3A_395, %mul3A_403 : vector<16xf32>
      %swap3A_405 = arith.constant 0 : i32
      %swap3A_406 = arith.index_cast %scan3A_37 : i32 to index
      %swap3A_407 = arith.index_cast %swap3A_405 : i32 to index
      %swap3A_408 = arith.constant 80 : index
      %swap3A_409 = tpu.vector_load %arg7[%swap3A_406, %swap3A_407, %swap3A_408] {strides = array<i32>} : memref<8x3x1024xf32, #tpu.memory_space<vmem>>, vector<1x1x16xf32>,
      %swap3A_410 = vector.shape_cast %swap3A_409 : vector<1x1x16xf32> to vector<16xf32>
      %swap3A_411 = vector.shape_cast %add3A_404 : vector<16xf32> to vector<1x1x16xf32>
      tpu.vector_store %arg7[%swap3A_406, %swap3A_407, %swap3A_408], %swap3A_411 {strides = array<i32>} : memref<8x3x1024xf32, #tpu.memory_space<vmem>>, vector<1x1x16xf32>,
      %get3A_412 = arith.constant 1 : i32
      %get3A_413 = arith.index_cast %scan3A_37 : i32 to index
      %get3A_414 = arith.index_cast %get3A_412 : i32 to index
      %get3A_415 = arith.constant 80 : index
      %get3A_416 = tpu.vector_load %arg7[%get3A_413, %get3A_414, %get3A_415] {strides = array<i32>} : memref<8x3x1024xf32, #tpu.memory_space<vmem>>, vector<1x1x16xf32>,
      %get3A_417 = vector.shape_cast %get3A_416 : vector<1x1x16xf32> to vector<16xf32>
      %get3A_418 = arith.constant 1 : i32
      %get3A_419 = arith.index_cast %scan3A_37 : i32 to index
      %get3A_420 = arith.index_cast %get3A_418 : i32 to index
      %get3A_421 = arith.constant 80 : index
      %get3A_422 = tpu.vector_load %arg8[%get3A_419, %get3A_420, %get3A_421] {strides = array<i32>} : memref<8x3x1024xf32, #tpu.memory_space<vmem>>, vector<1x1x16xf32>,
      %get3A_423 = vector.shape_cast %get3A_422 : vector<1x1x16xf32> to vector<16xf32>
      %sub3A_424 = arith.subf %get3A_423, %get3A_417 : vector<16xf32>
      %mul3A_425 = arith.mulf %get3A_389, %sub3A_424 : vector<16xf32>
      %add3A_426 = arith.addf %get3A_417, %mul3A_425 : vector<16xf32>
      %swap3A_427 = arith.constant 1 : i32
      %swap3A_428 = arith.index_cast %scan3A_37 : i32 to index
      %swap3A_429 = arith.index_cast %swap3A_427 : i32 to index
      %swap3A_430 = arith.constant 80 : index
      %swap3A_431 = tpu.vector_load %arg7[%swap3A_428, %swap3A_429, %swap3A_430] {strides = array<i32>} : memref<8x3x1024xf32, #tpu.memory_space<vmem>>, vector<1x1x16xf32>,
      %swap3A_432 = vector.shape_cast %swap3A_431 : vector<1x1x16xf32> to vector<16xf32>
      %swap3A_433 = vector.shape_cast %add3A_426 : vector<16xf32> to vector<1x1x16xf32>
      tpu.vector_store %arg7[%swap3A_428, %swap3A_429, %swap3A_430], %swap3A_433 {strides = array<i32>} : memref<8x3x1024xf32, #tpu.memory_space<vmem>>, vector<1x1x16xf32>,
      %get3A_434 = arith.constant 2 : i32
      %get3A_435 = arith.index_cast %scan3A_37 : i32 to index
      %get3A_436 = arith.index_cast %get3A_434 : i32 to index
      %get3A_437 = arith.constant 80 : index
      %get3A_438 = tpu.vector_load %arg7[%get3A_435, %get3A_436, %get3A_437] {strides = array<i32>} : memref<8x3x1024xf32, #tpu.memory_space<vmem>>, vector<1x1x16xf32>,
      %get3A_439 = vector.shape_cast %get3A_438 : vector<1x1x16xf32> to vector<16xf32>
      %get3A_440 = arith.constant 2 : i32
      %get3A_441 = arith.index_cast %scan3A_37 : i32 to index
      %get3A_442 = arith.index_cast %get3A_440 : i32 to index
      %get3A_443 = arith.constant 80 : index
      %get3A_444 = tpu.vector_load %arg8[%get3A_441, %get3A_442, %get3A_443] {strides = array<i32>} : memref<8x3x1024xf32, #tpu.memory_space<vmem>>, vector<1x1x16xf32>,
      %get3A_445 = vector.shape_cast %get3A_444 : vector<1x1x16xf32> to vector<16xf32>
      %sub3A_446 = arith.subf %get3A_445, %get3A_439 : vector<16xf32>
      %mul3A_447 = arith.mulf %get3A_389, %sub3A_446 : vector<16xf32>
      %add3A_448 = arith.addf %get3A_439, %mul3A_447 : vector<16xf32>
      %swap3A_449 = arith.constant 2 : i32
      %swap3A_450 = arith.index_cast %scan3A_37 : i32 to index
      %swap3A_451 = arith.index_cast %swap3A_449 : i32 to index
      %swap3A_452 = arith.constant 80 : index
      %swap3A_453 = tpu.vector_load %arg7[%swap3A_450, %swap3A_451, %swap3A_452] {strides = array<i32>} : memref<8x3x1024xf32, #tpu.memory_space<vmem>>, vector<1x1x16xf32>,
      %swap3A_454 = vector.shape_cast %swap3A_453 : vector<1x1x16xf32> to vector<16xf32>
      %swap3A_455 = vector.shape_cast %add3A_448 : vector<16xf32> to vector<1x1x16xf32>
      tpu.vector_store %arg7[%swap3A_450, %swap3A_451, %swap3A_452], %swap3A_455 {strides = array<i32>} : memref<8x3x1024xf32, #tpu.memory_space<vmem>>, vector<1x1x16xf32>,
      %get3A_456 = arith.index_cast %scan3A_37 : i32 to index
      %get3A_457 = arith.constant 96 : index
      %get3A_458 = tpu.vector_load %arg9[%get3A_456, %get3A_457] {strides = array<i32>} : memref<8x1024xf32, #tpu.memory_space<vmem>>, vector<1x16xf32>,
      %get3A_459 = vector.shape_cast %get3A_458 : vector<1x16xf32> to vector<16xf32>
      %get3A_460 = arith.constant 0 : i32
      %get3A_461 = arith.index_cast %scan3A_37 : i32 to index
      %get3A_462 = arith.index_cast %get3A_460 : i32 to index
      %get3A_463 = arith.constant 96 : index
      %get3A_464 = tpu.vector_load %arg7[%get3A_461, %get3A_462, %get3A_463] {strides = array<i32>} : memref<8x3x1024xf32, #tpu.memory_space<vmem>>, vector<1x1x16xf32>,
      %get3A_465 = vector.shape_cast %get3A_464 : vector<1x1x16xf32> to vector<16xf32>
      %get3A_466 = arith.constant 0 : i32
      %get3A_467 = arith.index_cast %scan3A_37 : i32 to index
      %get3A_468 = arith.index_cast %get3A_466 : i32 to index
      %get3A_469 = arith.constant 96 : index
      %get3A_470 = tpu.vector_load %arg8[%get3A_467, %get3A_468, %get3A_469] {strides = array<i32>} : memref<8x3x1024xf32, #tpu.memory_space<vmem>>, vector<1x1x16xf32>,
      %get3A_471 = vector.shape_cast %get3A_470 : vector<1x1x16xf32> to vector<16xf32>
      %sub3A_472 = arith.subf %get3A_471, %get3A_465 : vector<16xf32>
      %mul3A_473 = arith.mulf %get3A_459, %sub3A_472 : vector<16xf32>
      %add3A_474 = arith.addf %get3A_465, %mul3A_473 : vector<16xf32>
      %swap3A_475 = arith.constant 0 : i32
      %swap3A_476 = arith.index_cast %scan3A_37 : i32 to index
      %swap3A_477 = arith.index_cast %swap3A_475 : i32 to index
      %swap3A_478 = arith.constant 96 : index
      %swap3A_479 = tpu.vector_load %arg7[%swap3A_476, %swap3A_477, %swap3A_478] {strides = array<i32>} : memref<8x3x1024xf32, #tpu.memory_space<vmem>>, vector<1x1x16xf32>,
      %swap3A_480 = vector.shape_cast %swap3A_479 : vector<1x1x16xf32> to vector<16xf32>
      %swap3A_481 = vector.shape_cast %add3A_474 : vector<16xf32> to vector<1x1x16xf32>
      tpu.vector_store %arg7[%swap3A_476, %swap3A_477, %swap3A_478], %swap3A_481 {strides = array<i32>} : memref<8x3x1024xf32, #tpu.memory_space<vmem>>, vector<1x1x16xf32>,
      %get3A_482 = arith.constant 1 : i32
      %get3A_483 = arith.index_cast %scan3A_37 : i32 to index
      %get3A_484 = arith.index_cast %get3A_482 : i32 to index
      %get3A_485 = arith.constant 96 : index
      %get3A_486 = tpu.vector_load %arg7[%get3A_483, %get3A_484, %get3A_485] {strides = array<i32>} : memref<8x3x1024xf32, #tpu.memory_space<vmem>>, vector<1x1x16xf32>,
      %get3A_487 = vector.shape_cast %get3A_486 : vector<1x1x16xf32> to vector<16xf32>
      %get3A_488 = arith.constant 1 : i32
      %get3A_489 = arith.index_cast %scan3A_37 : i32 to index
      %get3A_490 = arith.index_cast %get3A_488 : i32 to index
      %get3A_491 = arith.constant 96 : index
      %get3A_492 = tpu.vector_load %arg8[%get3A_489, %get3A_490, %get3A_491] {strides = array<i32>} : memref<8x3x1024xf32, #tpu.memory_space<vmem>>, vector<1x1x16xf32>,
      %get3A_493 = vector.shape_cast %get3A_492 : vector<1x1x16xf32> to vector<16xf32>
      %sub3A_494 = arith.subf %get3A_493, %get3A_487 : vector<16xf32>
      %mul3A_495 = arith.mulf %get3A_459, %sub3A_494 : vector<16xf32>
      %add3A_496 = arith.addf %get3A_487, %mul3A_495 : vector<16xf32>
      %swap3A_497 = arith.constant 1 : i32
      %swap3A_498 = arith.index_cast %scan3A_37 : i32 to index
      %swap3A_499 = arith.index_cast %swap3A_497 : i32 to index
      %swap3A_500 = arith.constant 96 : index
      %swap3A_501 = tpu.vector_load %arg7[%swap3A_498, %swap3A_499, %swap3A_500] {strides = array<i32>} : memref<8x3x1024xf32, #tpu.memory_space<vmem>>, vector<1x1x16xf32>,
      %swap3A_502 = vector.shape_cast %swap3A_501 : vector<1x1x16xf32> to vector<16xf32>
      %swap3A_503 = vector.shape_cast %add3A_496 : vector<16xf32> to vector<1x1x16xf32>
      tpu.vector_store %arg7[%swap3A_498, %swap3A_499, %swap3A_500], %swap3A_503 {strides = array<i32>} : memref<8x3x1024xf32, #tpu.memory_space<vmem>>, vector<1x1x16xf32>,
      %get3A_504 = arith.constant 2 : i32
      %get3A_505 = arith.index_cast %scan3A_37 : i32 to index
      %get3A_506 = arith.index_cast %get3A_504 : i32 to index
      %get3A_507 = arith.constant 96 : index
      %get3A_508 = tpu.vector_load %arg7[%get3A_505, %get3A_506, %get3A_507] {strides = array<i32>} : memref<8x3x1024xf32, #tpu.memory_space<vmem>>, vector<1x1x16xf32>,
      %get3A_509 = vector.shape_cast %get3A_508 : vector<1x1x16xf32> to vector<16xf32>
      %get3A_510 = arith.constant 2 : i32
      %get3A_511 = arith.index_cast %scan3A_37 : i32 to index
      %get3A_512 = arith.index_cast %get3A_510 : i32 to index
      %get3A_513 = arith.constant 96 : index
      %get3A_514 = tpu.vector_load %arg8[%get3A_511, %get3A_512, %get3A_513] {strides = array<i32>} : memref<8x3x1024xf32, #tpu.memory_space<vmem>>, vector<1x1x16xf32>,
      %get3A_515 = vector.shape_cast %get3A_514 : vector<1x1x16xf32> to vector<16xf32>
      %sub3A_516 = arith.subf %get3A_515, %get3A_509 : vector<16xf32>
      %mul3A_517 = arith.mulf %get3A_459, %sub3A_516 : vector<16xf32>
      %add3A_518 = arith.addf %get3A_509, %mul3A_517 : vector<16xf32>
      %swap3A_519 = arith.constant 2 : i32
      %swap3A_520 = arith.index_cast %scan3A_37 : i32 to index
      %swap3A_521 = arith.index_cast %swap3A_519 : i32 to index
      %swap3A_522 = arith.constant 96 : index
      %swap3A_523 = tpu.vector_load %arg7[%swap3A_520, %swap3A_521, %swap3A_522] {strides = array<i32>} : memref<8x3x1024xf32, #tpu.memory_space<vmem>>, vector<1x1x16xf32>,
      %swap3A_524 = vector.shape_cast %swap3A_523 : vector<1x1x16xf32> to vector<16xf32>
      %swap3A_525 = vector.shape_cast %add3A_518 : vector<16xf32> to vector<1x1x16xf32>
      tpu.vector_store %arg7[%swap3A_520, %swap3A_521, %swap3A_522], %swap3A_525 {strides = array<i32>} : memref<8x3x1024xf32, #tpu.memory_space<vmem>>, vector<1x1x16xf32>,
      %get3A_526 = arith.index_cast %scan3A_37 : i32 to index
      %get3A_527 = arith.constant 112 : index
      %get3A_528 = tpu.vector_load %arg9[%get3A_526, %get3A_527] {strides = array<i32>} : memref<8x1024xf32, #tpu.memory_space<vmem>>, vector<1x16xf32>,
      %get3A_529 = vector.shape_cast %get3A_528 : vector<1x16xf32> to vector<16xf32>
      %get3A_530 = arith.constant 0 : i32
      %get3A_531 = arith.index_cast %scan3A_37 : i32 to index
      %get3A_532 = arith.index_cast %get3A_530 : i32 to index
      %get3A_533 = arith.constant 112 : index
      %get3A_534 = tpu.vector_load %arg7[%get3A_531, %get3A_532, %get3A_533] {strides = array<i32>} : memref<8x3x1024xf32, #tpu.memory_space<vmem>>, vector<1x1x16xf32>,
      %get3A_535 = vector.shape_cast %get3A_534 : vector<1x1x16xf32> to vector<16xf32>
      %get3A_536 = arith.constant 0 : i32
      %get3A_537 = arith.index_cast %scan3A_37 : i32 to index
      %get3A_538 = arith.index_cast %get3A_536 : i32 to index
      %get3A_539 = arith.constant 112 : index
      %get3A_540 = tpu.vector_load %arg8[%get3A_537, %get3A_538, %get3A_539] {strides = array<i32>} : memref<8x3x1024xf32, #tpu.memory_space<vmem>>, vector<1x1x16xf32>,
      %get3A_541 = vector.shape_cast %get3A_540 : vector<1x1x16xf32> to vector<16xf32>
      %sub3A_542 = arith.subf %get3A_541, %get3A_535 : vector<16xf32>
      %mul3A_543 = arith.mulf %get3A_529, %sub3A_542 : vector<16xf32>
      %add3A_544 = arith.addf %get3A_535, %mul3A_543 : vector<16xf32>
      %swap3A_545 = arith.constant 0 : i32
      %swap3A_546 = arith.index_cast %scan3A_37 : i32 to index
      %swap3A_547 = arith.index_cast %swap3A_545 : i32 to index
      %swap3A_548 = arith.constant 112 : index
      %swap3A_549 = tpu.vector_load %arg7[%swap3A_546, %swap3A_547, %swap3A_548] {strides = array<i32>} : memref<8x3x1024xf32, #tpu.memory_space<vmem>>, vector<1x1x16xf32>,
      %swap3A_550 = vector.shape_cast %swap3A_549 : vector<1x1x16xf32> to vector<16xf32>
      %swap3A_551 = vector.shape_cast %add3A_544 : vector<16xf32> to vector<1x1x16xf32>
      tpu.vector_store %arg7[%swap3A_546, %swap3A_547, %swap3A_548], %swap3A_551 {strides = array<i32>} : memref<8x3x1024xf32, #tpu.memory_space<vmem>>, vector<1x1x16xf32>,
      %get3A_552 = arith.constant 1 : i32
      %get3A_553 = arith.index_cast %scan3A_37 : i32 to index
      %get3A_554 = arith.index_cast %get3A_552 : i32 to index
      %get3A_555 = arith.constant 112 : index
      %get3A_556 = tpu.vector_load %arg7[%get3A_553, %get3A_554, %get3A_555] {strides = array<i32>} : memref<8x3x1024xf32, #tpu.memory_space<vmem>>, vector<1x1x16xf32>,
      %get3A_557 = vector.shape_cast %get3A_556 : vector<1x1x16xf32> to vector<16xf32>
      %get3A_558 = arith.constant 1 : i32
      %get3A_559 = arith.index_cast %scan3A_37 : i32 to index
      %get3A_560 = arith.index_cast %get3A_558 : i32 to index
      %get3A_561 = arith.constant 112 : index
      %get3A_562 = tpu.vector_load %arg8[%get3A_559, %get3A_560, %get3A_561] {strides = array<i32>} : memref<8x3x1024xf32, #tpu.memory_space<vmem>>, vector<1x1x16xf32>,
      %get3A_563 = vector.shape_cast %get3A_562 : vector<1x1x16xf32> to vector<16xf32>
      %sub3A_564 = arith.subf %get3A_563, %get3A_557 : vector<16xf32>
      %mul3A_565 = arith.mulf %get3A_529, %sub3A_564 : vector<16xf32>
      %add3A_566 = arith.addf %get3A_557, %mul3A_565 : vector<16xf32>
      %swap3A_567 = arith.constant 1 : i32
      %swap3A_568 = arith.index_cast %scan3A_37 : i32 to index
      %swap3A_569 = arith.index_cast %swap3A_567 : i32 to index
      %swap3A_570 = arith.constant 112 : index
      %swap3A_571 = tpu.vector_load %arg7[%swap3A_568, %swap3A_569, %swap3A_570] {strides = array<i32>} : memref<8x3x1024xf32, #tpu.memory_space<vmem>>, vector<1x1x16xf32>,
      %swap3A_572 = vector.shape_cast %swap3A_571 : vector<1x1x16xf32> to vector<16xf32>
      %swap3A_573 = vector.shape_cast %add3A_566 : vector<16xf32> to vector<1x1x16xf32>
      tpu.vector_store %arg7[%swap3A_568, %swap3A_569, %swap3A_570], %swap3A_573 {strides = array<i32>} : memref<8x3x1024xf32, #tpu.memory_space<vmem>>, vector<1x1x16xf32>,
      %get3A_574 = arith.constant 2 : i32
      %get3A_575 = arith.index_cast %scan3A_37 : i32 to index
      %get3A_576 = arith.index_cast %get3A_574 : i32 to index
      %get3A_577 = arith.constant 112 : index
      %get3A_578 = tpu.vector_load %arg7[%get3A_575, %get3A_576, %get3A_577] {strides = array<i32>} : memref<8x3x1024xf32, #tpu.memory_space<vmem>>, vector<1x1x16xf32>,
      %get3A_579 = vector.shape_cast %get3A_578 : vector<1x1x16xf32> to vector<16xf32>
      %get3A_580 = arith.constant 2 : i32
      %get3A_581 = arith.index_cast %scan3A_37 : i32 to index
      %get3A_582 = arith.index_cast %get3A_580 : i32 to index
      %get3A_583 = arith.constant 112 : index
      %get3A_584 = tpu.vector_load %arg8[%get3A_581, %get3A_582, %get3A_583] {strides = array<i32>} : memref<8x3x1024xf32, #tpu.memory_space<vmem>>, vector<1x1x16xf32>,
      %get3A_585 = vector.shape_cast %get3A_584 : vector<1x1x16xf32> to vector<16xf32>
      %sub3A_586 = arith.subf %get3A_585, %get3A_579 : vector<16xf32>
      %mul3A_587 = arith.mulf %get3A_529, %sub3A_586 : vector<16xf32>
      %add3A_588 = arith.addf %get3A_579, %mul3A_587 : vector<16xf32>
      %swap3A_589 = arith.constant 2 : i32
      %swap3A_590 = arith.index_cast %scan3A_37 : i32 to index
      %swap3A_591 = arith.index_cast %swap3A_589 : i32 to index
      %swap3A_592 = arith.constant 112 : index
      %swap3A_593 = tpu.vector_load %arg7[%swap3A_590, %swap3A_591, %swap3A_592] {strides = array<i32>} : memref<8x3x1024xf32, #tpu.memory_space<vmem>>, vector<1x1x16xf32>,
      %swap3A_594 = vector.shape_cast %swap3A_593 : vector<1x1x16xf32> to vector<16xf32>
      %swap3A_595 = vector.shape_cast %add3A_588 : vector<16xf32> to vector<1x1x16xf32>
      tpu.vector_store %arg7[%swap3A_590, %swap3A_591, %swap3A_592], %swap3A_595 {strides = array<i32>} : memref<8x3x1024xf32, #tpu.memory_space<vmem>>, vector<1x1x16xf32>,
      %get3A_596 = arith.index_cast %scan3A_37 : i32 to index
      %get3A_597 = arith.constant 128 : index
      %get3A_598 = tpu.vector_load %arg9[%get3A_596, %get3A_597] {strides = array<i32>} : memref<8x1024xf32, #tpu.memory_space<vmem>>, vector<1x16xf32>,
      %get3A_599 = vector.shape_cast %get3A_598 : vector<1x16xf32> to vector<16xf32>
      %get3A_600 = arith.constant 0 : i32
      %get3A_601 = arith.index_cast %scan3A_37 : i32 to index
      %get3A_602 = arith.index_cast %get3A_600 : i32 to index
      %get3A_603 = arith.constant 128 : index
      %get3A_604 = tpu.vector_load %arg7[%get3A_601, %get3A_602, %get3A_603] {strides = array<i32>} : memref<8x3x1024xf32, #tpu.memory_space<vmem>>, vector<1x1x16xf32>,
      %get3A_605 = vector.shape_cast %get3A_604 : vector<1x1x16xf32> to vector<16xf32>
      %get3A_606 = arith.constant 0 : i32
      %get3A_607 = arith.index_cast %scan3A_37 : i32 to index
      %get3A_608 = arith.index_cast %get3A_606 : i32 to index
      %get3A_609 = arith.constant 128 : index
      %get3A_610 = tpu.vector_load %arg8[%get3A_607, %get3A_608, %get3A_609] {strides = array<i32>} : memref<8x3x1024xf32, #tpu.memory_space<vmem>>, vector<1x1x16xf32>,
      %get3A_611 = vector.shape_cast %get3A_610 : vector<1x1x16xf32> to vector<16xf32>
      %sub3A_612 = arith.subf %get3A_611, %get3A_605 : vector<16xf32>
      %mul3A_613 = arith.mulf %get3A_599, %sub3A_612 : vector<16xf32>
      %add3A_614 = arith.addf %get3A_605, %mul3A_613 : vector<16xf32>
      %swap3A_615 = arith.constant 0 : i32
      %swap3A_616 = arith.index_cast %scan3A_37 : i32 to index
      %swap3A_617 = arith.index_cast %swap3A_615 : i32 to index
      %swap3A_618 = arith.constant 128 : index
      %swap3A_619 = tpu.vector_load %arg7[%swap3A_616, %swap3A_617, %swap3A_618] {strides = array<i32>} : memref<8x3x1024xf32, #tpu.memory_space<vmem>>, vector<1x1x16xf32>,
      %swap3A_620 = vector.shape_cast %swap3A_619 : vector<1x1x16xf32> to vector<16xf32>
      %swap3A_621 = vector.shape_cast %add3A_614 : vector<16xf32> to vector<1x1x16xf32>
      tpu.vector_store %arg7[%swap3A_616, %swap3A_617, %swap3A_618], %swap3A_621 {strides = array<i32>} : memref<8x3x1024xf32, #tpu.memory_space<vmem>>, vector<1x1x16xf32>,
      %get3A_622 = arith.constant 1 : i32
      %get3A_623 = arith.index_cast %scan3A_37 : i32 to index
      %get3A_624 = arith.index_cast %get3A_622 : i32 to index
      %get3A_625 = arith.constant 128 : index
      %get3A_626 = tpu.vector_load %arg7[%get3A_623, %get3A_624, %get3A_625] {strides = array<i32>} : memref<8x3x1024xf32, #tpu.memory_space<vmem>>, vector<1x1x16xf32>,
      %get3A_627 = vector.shape_cast %get3A_626 : vector<1x1x16xf32> to vector<16xf32>
      %get3A_628 = arith.constant 1 : i32
      %get3A_629 = arith.index_cast %scan3A_37 : i32 to index
      %get3A_630 = arith.index_cast %get3A_628 : i32 to index
      %get3A_631 = arith.constant 128 : index
      %get3A_632 = tpu.vector_load %arg8[%get3A_629, %get3A_630, %get3A_631] {strides = array<i32>} : memref<8x3x1024xf32, #tpu.memory_space<vmem>>, vector<1x1x16xf32>,
      %get3A_633 = vector.shape_cast %get3A_632 : vector<1x1x16xf32> to vector<16xf32>
      %sub3A_634 = arith.subf %get3A_633, %get3A_627 : vector<16xf32>
      %mul3A_635 = arith.mulf %get3A_599, %sub3A_634 : vector<16xf32>
      %add3A_636 = arith.addf %get3A_627, %mul3A_635 : vector<16xf32>
      %swap3A_637 = arith.constant 1 : i32
      %swap3A_638 = arith.index_cast %scan3A_37 : i32 to index
      %swap3A_639 = arith.index_cast %swap3A_637 : i32 to index
      %swap3A_640 = arith.constant 128 : index
      %swap3A_641 = tpu.vector_load %arg7[%swap3A_638, %swap3A_639, %swap3A_640] {strides = array<i32>} : memref<8x3x1024xf32, #tpu.memory_space<vmem>>, vector<1x1x16xf32>,
      %swap3A_642 = vector.shape_cast %swap3A_641 : vector<1x1x16xf32> to vector<16xf32>
      %swap3A_643 = vector.shape_cast %add3A_636 : vector<16xf32> to vector<1x1x16xf32>
      tpu.vector_store %arg7[%swap3A_638, %swap3A_639, %swap3A_640], %swap3A_643 {strides = array<i32>} : memref<8x3x1024xf32, #tpu.memory_space<vmem>>, vector<1x1x16xf32>,
      %get3A_644 = arith.constant 2 : i32
      %get3A_645 = arith.index_cast %scan3A_37 : i32 to index
      %get3A_646 = arith.index_cast %get3A_644 : i32 to index
      %get3A_647 = arith.constant 128 : index
      %get3A_648 = tpu.vector_load %arg7[%get3A_645, %get3A_646, %get3A_647] {strides = array<i32>} : memref<8x3x1024xf32, #tpu.memory_space<vmem>>, vector<1x1x16xf32>,
      %get3A_649 = vector.shape_cast %get3A_648 : vector<1x1x16xf32> to vector<16xf32>
      %get3A_650 = arith.constant 2 : i32
      %get3A_651 = arith.index_cast %scan3A_37 : i32 to index
      %get3A_652 = arith.index_cast %get3A_650 : i32 to index
      %get3A_653 = arith.constant 128 : index
      %get3A_654 = tpu.vector_load %arg8[%get3A_651, %get3A_652, %get3A_653] {strides = array<i32>} : memref<8x3x1024xf32, #tpu.memory_space<vmem>>, vector<1x1x16xf32>,
      %get3A_655 = vector.shape_cast %get3A_654 : vector<1x1x16xf32> to vector<16xf32>
      %sub3A_656 = arith.subf %get3A_655, %get3A_649 : vector<16xf32>
      %mul3A_657 = arith.mulf %get3A_599, %sub3A_656 : vector<16xf32>
      %add3A_658 = arith.addf %get3A_649, %mul3A_657 : vector<16xf32>
      %swap3A_659 = arith.constant 2 : i32
      %swap3A_660 = arith.index_cast %scan3A_37 : i32 to index
      %swap3A_661 = arith.index_cast %swap3A_659 : i32 to index
      %swap3A_662 = arith.constant 128 : index
      %swap3A_663 = tpu.vector_load %arg7[%swap3A_660, %swap3A_661, %swap3A_662] {strides = array<i32>} : memref<8x3x1024xf32, #tpu.memory_space<vmem>>, vector<1x1x16xf32>,
      %swap3A_664 = vector.shape_cast %swap3A_663 : vector<1x1x16xf32> to vector<16xf32>
      %swap3A_665 = vector.shape_cast %add3A_658 : vector<16xf32> to vector<1x1x16xf32>
      tpu.vector_store %arg7[%swap3A_660, %swap3A_661, %swap3A_662], %swap3A_665 {strides = array<i32>} : memref<8x3x1024xf32, #tpu.memory_space<vmem>>, vector<1x1x16xf32>,
      %get3A_666 = arith.index_cast %scan3A_37 : i32 to index
      %get3A_667 = arith.constant 144 : index
      %get3A_668 = tpu.vector_load %arg9[%get3A_666, %get3A_667] {strides = array<i32>} : memref<8x1024xf32, #tpu.memory_space<vmem>>, vector<1x16xf32>,
      %get3A_669 = vector.shape_cast %get3A_668 : vector<1x16xf32> to vector<16xf32>
      %get3A_670 = arith.constant 0 : i32
      %get3A_671 = arith.index_cast %scan3A_37 : i32 to index
      %get3A_672 = arith.index_cast %get3A_670 : i32 to index
      %get3A_673 = arith.constant 144 : index
      %get3A_674 = tpu.vector_load %arg7[%get3A_671, %get3A_672, %get3A_673] {strides = array<i32>} : memref<8x3x1024xf32, #tpu.memory_space<vmem>>, vector<1x1x16xf32>,
      %get3A_675 = vector.shape_cast %get3A_674 : vector<1x1x16xf32> to vector<16xf32>
      %get3A_676 = arith.constant 0 : i32
      %get3A_677 = arith.index_cast %scan3A_37 : i32 to index
      %get3A_678 = arith.index_cast %get3A_676 : i32 to index
      %get3A_679 = arith.constant 144 : index
      %get3A_680 = tpu.vector_load %arg8[%get3A_677, %get3A_678, %get3A_679] {strides = array<i32>} : memref<8x3x1024xf32, #tpu.memory_space<vmem>>, vector<1x1x16xf32>,
      %get3A_681 = vector.shape_cast %get3A_680 : vector<1x1x16xf32> to vector<16xf32>
      %sub3A_682 = arith.subf %get3A_681, %get3A_675 : vector<16xf32>
      %mul3A_683 = arith.mulf %get3A_669, %sub3A_682 : vector<16xf32>
      %add3A_684 = arith.addf %get3A_675, %mul3A_683 : vector<16xf32>
      %swap3A_685 = arith.constant 0 : i32
      %swap3A_686 = arith.index_cast %scan3A_37 : i32 to index
      %swap3A_687 = arith.index_cast %swap3A_685 : i32 to index
      %swap3A_688 = arith.constant 144 : index
      %swap3A_689 = tpu.vector_load %arg7[%swap3A_686, %swap3A_687, %swap3A_688] {strides = array<i32>} : memref<8x3x1024xf32, #tpu.memory_space<vmem>>, vector<1x1x16xf32>,
      %swap3A_690 = vector.shape_cast %swap3A_689 : vector<1x1x16xf32> to vector<16xf32>
      %swap3A_691 = vector.shape_cast %add3A_684 : vector<16xf32> to vector<1x1x16xf32>
      tpu.vector_store %arg7[%swap3A_686, %swap3A_687, %swap3A_688], %swap3A_691 {strides = array<i32>} : memref<8x3x1024xf32, #tpu.memory_space<vmem>>, vector<1x1x16xf32>,
      %get3A_692 = arith.constant 1 : i32
      %get3A_693 = arith.index_cast %scan3A_37 : i32 to index
      %get3A_694 = arith.index_cast %get3A_692 : i32 to index
      %get3A_695 = arith.constant 144 : index
      %get3A_696 = tpu.vector_load %arg7[%get3A_693, %get3A_694, %get3A_695] {strides = array<i32>} : memref<8x3x1024xf32, #tpu.memory_space<vmem>>, vector<1x1x16xf32>,
      %get3A_697 = vector.shape_cast %get3A_696 : vector<1x1x16xf32> to vector<16xf32>
      %get3A_698 = arith.constant 1 : i32
      %get3A_699 = arith.index_cast %scan3A_37 : i32 to index
      %get3A_700 = arith.index_cast %get3A_698 : i32 to index
      %get3A_701 = arith.constant 144 : index
      %get3A_702 = tpu.vector_load %arg8[%get3A_699, %get3A_700, %get3A_701] {strides = array<i32>} : memref<8x3x1024xf32, #tpu.memory_space<vmem>>, vector<1x1x16xf32>,
      %get3A_703 = vector.shape_cast %get3A_702 : vector<1x1x16xf32> to vector<16xf32>
      %sub3A_704 = arith.subf %get3A_703, %get3A_697 : vector<16xf32>
      %mul3A_705 = arith.mulf %get3A_669, %sub3A_704 : vector<16xf32>
      %add3A_706 = arith.addf %get3A_697, %mul3A_705 : vector<16xf32>
      %swap3A_707 = arith.constant 1 : i32
      %swap3A_708 = arith.index_cast %scan3A_37 : i32 to index
      %swap3A_709 = arith.index_cast %swap3A_707 : i32 to index
      %swap3A_710 = arith.constant 144 : index
      %swap3A_711 = tpu.vector_load %arg7[%swap3A_708, %swap3A_709, %swap3A_710] {strides = array<i32>} : memref<8x3x1024xf32, #tpu.memory_space<vmem>>, vector<1x1x16xf32>,
      %swap3A_712 = vector.shape_cast %swap3A_711 : vector<1x1x16xf32> to vector<16xf32>
      %swap3A_713 = vector.shape_cast %add3A_706 : vector<16xf32> to vector<1x1x16xf32>
      tpu.vector_store %arg7[%swap3A_708, %swap3A_709, %swap3A_710], %swap3A_713 {strides = array<i32>} : memref<8x3x1024xf32, #tpu.memory_space<vmem>>, vector<1x1x16xf32>,
      %get3A_714 = arith.constant 2 : i32
      %get3A_715 = arith.index_cast %scan3A_37 : i32 to index
      %get3A_716 = arith.index_cast %get3A_714 : i32 to index
      %get3A_717 = arith.constant 144 : index
      %get3A_718 = tpu.vector_load %arg7[%get3A_715, %get3A_716, %get3A_717] {strides = array<i32>} : memref<8x3x1024xf32, #tpu.memory_space<vmem>>, vector<1x1x16xf32>,
      %get3A_719 = vector.shape_cast %get3A_718 : vector<1x1x16xf32> to vector<16xf32>
      %get3A_720 = arith.constant 2 : i32
      %get3A_721 = arith.index_cast %scan3A_37 : i32 to index
      %get3A_722 = arith.index_cast %get3A_720 : i32 to index
      %get3A_723 = arith.constant 144 : index
      %get3A_724 = tpu.vector_load %arg8[%get3A_721, %get3A_722, %get3A_723] {strides = array<i32>} : memref<8x3x1024xf32, #tpu.memory_space<vmem>>, vector<1x1x16xf32>,
      %get3A_725 = vector.shape_cast %get3A_724 : vector<1x1x16xf32> to vector<16xf32>
      %sub3A_726 = arith.subf %get3A_725, %get3A_719 : vector<16xf32>
      %mul3A_727 = arith.mulf %get3A_669, %sub3A_726 : vector<16xf32>
      %add3A_728 = arith.addf %get3A_719, %mul3A_727 : vector<16xf32>
      %swap3A_729 = arith.constant 2 : i32
      %swap3A_730 = arith.index_cast %scan3A_37 : i32 to index
      %swap3A_731 = arith.index_cast %swap3A_729 : i32 to index
      %swap3A_732 = arith.constant 144 : index
      %swap3A_733 = tpu.vector_load %arg7[%swap3A_730, %swap3A_731, %swap3A_732] {strides = array<i32>} : memref<8x3x1024xf32, #tpu.memory_space<vmem>>, vector<1x1x16xf32>,
      %swap3A_734 = vector.shape_cast %swap3A_733 : vector<1x1x16xf32> to vector<16xf32>
      %swap3A_735 = vector.shape_cast %add3A_728 : vector<16xf32> to vector<1x1x16xf32>
      tpu.vector_store %arg7[%swap3A_730, %swap3A_731, %swap3A_732], %swap3A_735 {strides = array<i32>} : memref<8x3x1024xf32, #tpu.memory_space<vmem>>, vector<1x1x16xf32>,
      %get3A_736 = arith.index_cast %scan3A_37 : i32 to index
      %get3A_737 = arith.constant 160 : index
      %get3A_738 = tpu.vector_load %arg9[%get3A_736, %get3A_737] {strides = array<i32>} : memref<8x1024xf32, #tpu.memory_space<vmem>>, vector<1x16xf32>,
      %get3A_739 = vector.shape_cast %get3A_738 : vector<1x16xf32> to vector<16xf32>
      %get3A_740 = arith.constant 0 : i32
      %get3A_741 = arith.index_cast %scan3A_37 : i32 to index
      %get3A_742 = arith.index_cast %get3A_740 : i32 to index
      %get3A_743 = arith.constant 160 : index
      %get3A_744 = tpu.vector_load %arg7[%get3A_741, %get3A_742, %get3A_743] {strides = array<i32>} : memref<8x3x1024xf32, #tpu.memory_space<vmem>>, vector<1x1x16xf32>,
      %get3A_745 = vector.shape_cast %get3A_744 : vector<1x1x16xf32> to vector<16xf32>
      %get3A_746 = arith.constant 0 : i32
      %get3A_747 = arith.index_cast %scan3A_37 : i32 to index
      %get3A_748 = arith.index_cast %get3A_746 : i32 to index
      %get3A_749 = arith.constant 160 : index
      %get3A_750 = tpu.vector_load %arg8[%get3A_747, %get3A_748, %get3A_749] {strides = array<i32>} : memref<8x3x1024xf32, #tpu.memory_space<vmem>>, vector<1x1x16xf32>,
      %get3A_751 = vector.shape_cast %get3A_750 : vector<1x1x16xf32> to vector<16xf32>
      %sub3A_752 = arith.subf %get3A_751, %get3A_745 : vector<16xf32>
      %mul3A_753 = arith.mulf %get3A_739, %sub3A_752 : vector<16xf32>
      %add3A_754 = arith.addf %get3A_745, %mul3A_753 : vector<16xf32>
      %swap3A_755 = arith.constant 0 : i32
      %swap3A_756 = arith.index_cast %scan3A_37 : i32 to index
      %swap3A_757 = arith.index_cast %swap3A_755 : i32 to index
      %swap3A_758 = arith.constant 160 : index
      %swap3A_759 = tpu.vector_load %arg7[%swap3A_756, %swap3A_757, %swap3A_758] {strides = array<i32>} : memref<8x3x1024xf32, #tpu.memory_space<vmem>>, vector<1x1x16xf32>,
      %swap3A_760 = vector.shape_cast %swap3A_759 : vector<1x1x16xf32> to vector<16xf32>
      %swap3A_761 = vector.shape_cast %add3A_754 : vector<16xf32> to vector<1x1x16xf32>
      tpu.vector_store %arg7[%swap3A_756, %swap3A_757, %swap3A_758], %swap3A_761 {strides = array<i32>} : memref<8x3x1024xf32, #tpu.memory_space<vmem>>, vector<1x1x16xf32>,
      %get3A_762 = arith.constant 1 : i32
      %get3A_763 = arith.index_cast %scan3A_37 : i32 to index
      %get3A_764 = arith.index_cast %get3A_762 : i32 to index
      %get3A_765 = arith.constant 160 : index
      %get3A_766 = tpu.vector_load %arg7[%get3A_763, %get3A_764, %get3A_765] {strides = array<i32>} : memref<8x3x1024xf32, #tpu.memory_space<vmem>>, vector<1x1x16xf32>,
      %get3A_767 = vector.shape_cast %get3A_766 : vector<1x1x16xf32> to vector<16xf32>
      %get3A_768 = arith.constant 1 : i32
      %get3A_769 = arith.index_cast %scan3A_37 : i32 to index
      %get3A_770 = arith.index_cast %get3A_768 : i32 to index
      %get3A_771 = arith.constant 160 : index
      %get3A_772 = tpu.vector_load %arg8[%get3A_769, %get3A_770, %get3A_771] {strides = array<i32>} : memref<8x3x1024xf32, #tpu.memory_space<vmem>>, vector<1x1x16xf32>,
      %get3A_773 = vector.shape_cast %get3A_772 : vector<1x1x16xf32> to vector<16xf32>
      %sub3A_774 = arith.subf %get3A_773, %get3A_767 : vector<16xf32>
      %mul3A_775 = arith.mulf %get3A_739, %sub3A_774 : vector<16xf32>
      %add3A_776 = arith.addf %get3A_767, %mul3A_775 : vector<16xf32>
      %swap3A_777 = arith.constant 1 : i32
      %swap3A_778 = arith.index_cast %scan3A_37 : i32 to index
      %swap3A_779 = arith.index_cast %swap3A_777 : i32 to index
      %swap3A_780 = arith.constant 160 : index
      %swap3A_781 = tpu.vector_load %arg7[%swap3A_778, %swap3A_779, %swap3A_780] {strides = array<i32>} : memref<8x3x1024xf32, #tpu.memory_space<vmem>>, vector<1x1x16xf32>,
      %swap3A_782 = vector.shape_cast %swap3A_781 : vector<1x1x16xf32> to vector<16xf32>
      %swap3A_783 = vector.shape_cast %add3A_776 : vector<16xf32> to vector<1x1x16xf32>
      tpu.vector_store %arg7[%swap3A_778, %swap3A_779, %swap3A_780], %swap3A_783 {strides = array<i32>} : memref<8x3x1024xf32, #tpu.memory_space<vmem>>, vector<1x1x16xf32>,
      %get3A_784 = arith.constant 2 : i32
      %get3A_785 = arith.index_cast %scan3A_37 : i32 to index
      %get3A_786 = arith.index_cast %get3A_784 : i32 to index
      %get3A_787 = arith.constant 160 : index
      %get3A_788 = tpu.vector_load %arg7[%get3A_785, %get3A_786, %get3A_787] {strides = array<i32>} : memref<8x3x1024xf32, #tpu.memory_space<vmem>>, vector<1x1x16xf32>,
      %get3A_789 = vector.shape_cast %get3A_788 : vector<1x1x16xf32> to vector<16xf32>
      %get3A_790 = arith.constant 2 : i32
      %get3A_791 = arith.index_cast %scan3A_37 : i32 to index
      %get3A_792 = arith.index_cast %get3A_790 : i32 to index
      %get3A_793 = arith.constant 160 : index
      %get3A_794 = tpu.vector_load %arg8[%get3A_791, %get3A_792, %get3A_793] {strides = array<i32>} : memref<8x3x1024xf32, #tpu.memory_space<vmem>>, vector<1x1x16xf32>,
      %get3A_795 = vector.shape_cast %get3A_794 : vector<1x1x16xf32> to vector<16xf32>
      %sub3A_796 = arith.subf %get3A_795, %get3A_789 : vector<16xf32>
      %mul3A_797 = arith.mulf %get3A_739, %sub3A_796 : vector<16xf32>
      %add3A_798 = arith.addf %get3A_789, %mul3A_797 : vector<16xf32>
      %swap3A_799 = arith.constant 2 : i32
      %swap3A_800 = arith.index_cast %scan3A_37 : i32 to index
      %swap3A_801 = arith.index_cast %swap3A_799 : i32 to index
      %swap3A_802 = arith.constant 160 : index
      %swap3A_803 = tpu.vector_load %arg7[%swap3A_800, %swap3A_801, %swap3A_802] {strides = array<i32>} : memref<8x3x1024xf32, #tpu.memory_space<vmem>>, vector<1x1x16xf32>,
      %swap3A_804 = vector.shape_cast %swap3A_803 : vector<1x1x16xf32> to vector<16xf32>
      %swap3A_805 = vector.shape_cast %add3A_798 : vector<16xf32> to vector<1x1x16xf32>
      tpu.vector_store %arg7[%swap3A_800, %swap3A_801, %swap3A_802], %swap3A_805 {strides = array<i32>} : memref<8x3x1024xf32, #tpu.memory_space<vmem>>, vector<1x1x16xf32>,
      %get3A_806 = arith.index_cast %scan3A_37 : i32 to index
      %get3A_807 = arith.constant 176 : index
      %get3A_808 = tpu.vector_load %arg9[%get3A_806, %get3A_807] {strides = array<i32>} : memref<8x1024xf32, #tpu.memory_space<vmem>>, vector<1x16xf32>,
      %get3A_809 = vector.shape_cast %get3A_808 : vector<1x16xf32> to vector<16xf32>
      %get3A_810 = arith.constant 0 : i32
      %get3A_811 = arith.index_cast %scan3A_37 : i32 to index
      %get3A_812 = arith.index_cast %get3A_810 : i32 to index
      %get3A_813 = arith.constant 176 : index
      %get3A_814 = tpu.vector_load %arg7[%get3A_811, %get3A_812, %get3A_813] {strides = array<i32>} : memref<8x3x1024xf32, #tpu.memory_space<vmem>>, vector<1x1x16xf32>,
      %get3A_815 = vector.shape_cast %get3A_814 : vector<1x1x16xf32> to vector<16xf32>
      %get3A_816 = arith.constant 0 : i32
      %get3A_817 = arith.index_cast %scan3A_37 : i32 to index
      %get3A_818 = arith.index_cast %get3A_816 : i32 to index
      %get3A_819 = arith.constant 176 : index
      %get3A_820 = tpu.vector_load %arg8[%get3A_817, %get3A_818, %get3A_819] {strides = array<i32>} : memref<8x3x1024xf32, #tpu.memory_space<vmem>>, vector<1x1x16xf32>,
      %get3A_821 = vector.shape_cast %get3A_820 : vector<1x1x16xf32> to vector<16xf32>
      %sub3A_822 = arith.subf %get3A_821, %get3A_815 : vector<16xf32>
      %mul3A_823 = arith.mulf %get3A_809, %sub3A_822 : vector<16xf32>
      %add3A_824 = arith.addf %get3A_815, %mul3A_823 : vector<16xf32>
      %swap3A_825 = arith.constant 0 : i32
      %swap3A_826 = arith.index_cast %scan3A_37 : i32 to index
      %swap3A_827 = arith.index_cast %swap3A_825 : i32 to index
      %swap3A_828 = arith.constant 176 : index
      %swap3A_829 = tpu.vector_load %arg7[%swap3A_826, %swap3A_827, %swap3A_828] {strides = array<i32>} : memref<8x3x1024xf32, #tpu.memory_space<vmem>>, vector<1x1x16xf32>,
      %swap3A_830 = vector.shape_cast %swap3A_829 : vector<1x1x16xf32> to vector<16xf32>
      %swap3A_831 = vector.shape_cast %add3A_824 : vector<16xf32> to vector<1x1x16xf32>
      tpu.vector_store %arg7[%swap3A_826, %swap3A_827, %swap3A_828], %swap3A_831 {strides = array<i32>} : memref<8x3x1024xf32, #tpu.memory_space<vmem>>, vector<1x1x16xf32>,
      %get3A_832 = arith.constant 1 : i32
      %get3A_833 = arith.index_cast %scan3A_37 : i32 to index
      %get3A_834 = arith.index_cast %get3A_832 : i32 to index
      %get3A_835 = arith.constant 176 : index
      %get3A_836 = tpu.vector_load %arg7[%get3A_833, %get3A_834, %get3A_835] {strides = array<i32>} : memref<8x3x1024xf32, #tpu.memory_space<vmem>>, vector<1x1x16xf32>,
      %get3A_837 = vector.shape_cast %get3A_836 : vector<1x1x16xf32> to vector<16xf32>
      %get3A_838 = arith.constant 1 : i32
      %get3A_839 = arith.index_cast %scan3A_37 : i32 to index
      %get3A_840 = arith.index_cast %get3A_838 : i32 to index
      %get3A_841 = arith.constant 176 : index
      %get3A_842 = tpu.vector_load %arg8[%get3A_839, %get3A_840, %get3A_841] {strides = array<i32>} : memref<8x3x1024xf32, #tpu.memory_space<vmem>>, vector<1x1x16xf32>,
      %get3A_843 = vector.shape_cast %get3A_842 : vector<1x1x16xf32> to vector<16xf32>
      %sub3A_844 = arith.subf %get3A_843, %get3A_837 : vector<16xf32>
      %mul3A_845 = arith.mulf %get3A_809, %sub3A_844 : vector<16xf32>
      %add3A_846 = arith.addf %get3A_837, %mul3A_845 : vector<16xf32>
      %swap3A_847 = arith.constant 1 : i32
      %swap3A_848 = arith.index_cast %scan3A_37 : i32 to index
      %swap3A_849 = arith.index_cast %swap3A_847 : i32 to index
      %swap3A_850 = arith.constant 176 : index
      %swap3A_851 = tpu.vector_load %arg7[%swap3A_848, %swap3A_849, %swap3A_850] {strides = array<i32>} : memref<8x3x1024xf32, #tpu.memory_space<vmem>>, vector<1x1x16xf32>,
      %swap3A_852 = vector.shape_cast %swap3A_851 : vector<1x1x16xf32> to vector<16xf32>
      %swap3A_853 = vector.shape_cast %add3A_846 : vector<16xf32> to vector<1x1x16xf32>
      tpu.vector_store %arg7[%swap3A_848, %swap3A_849, %swap3A_850], %swap3A_853 {strides = array<i32>} : memref<8x3x1024xf32, #tpu.memory_space<vmem>>, vector<1x1x16xf32>,
      %get3A_854 = arith.constant 2 : i32
      %get3A_855 = arith.index_cast %scan3A_37 : i32 to index
      %get3A_856 = arith.index_cast %get3A_854 : i32 to index
      %get3A_857 = arith.constant 176 : index
      %get3A_858 = tpu.vector_load %arg7[%get3A_855, %get3A_856, %get3A_857] {strides = array<i32>} : memref<8x3x1024xf32, #tpu.memory_space<vmem>>, vector<1x1x16xf32>,
      %get3A_859 = vector.shape_cast %get3A_858 : vector<1x1x16xf32> to vector<16xf32>
      %get3A_860 = arith.constant 2 : i32
      %get3A_861 = arith.index_cast %scan3A_37 : i32 to index
      %get3A_862 = arith.index_cast %get3A_860 : i32 to index
      %get3A_863 = arith.constant 176 : index
      %get3A_864 = tpu.vector_load %arg8[%get3A_861, %get3A_862, %get3A_863] {strides = array<i32>} : memref<8x3x1024xf32, #tpu.memory_space<vmem>>, vector<1x1x16xf32>,
      %get3A_865 = vector.shape_cast %get3A_864 : vector<1x1x16xf32> to vector<16xf32>
      %sub3A_866 = arith.subf %get3A_865, %get3A_859 : vector<16xf32>
      %mul3A_867 = arith.mulf %get3A_809, %sub3A_866 : vector<16xf32>
      %add3A_868 = arith.addf %get3A_859, %mul3A_867 : vector<16xf32>
      %swap3A_869 = arith.constant 2 : i32
      %swap3A_870 = arith.index_cast %scan3A_37 : i32 to index
      %swap3A_871 = arith.index_cast %swap3A_869 : i32 to index
      %swap3A_872 = arith.constant 176 : index
      %swap3A_873 = tpu.vector_load %arg7[%swap3A_870, %swap3A_871, %swap3A_872] {strides = array<i32>} : memref<8x3x1024xf32, #tpu.memory_space<vmem>>, vector<1x1x16xf32>,
      %swap3A_874 = vector.shape_cast %swap3A_873 : vector<1x1x16xf32> to vector<16xf32>
      %swap3A_875 = vector.shape_cast %add3A_868 : vector<16xf32> to vector<1x1x16xf32>
      tpu.vector_store %arg7[%swap3A_870, %swap3A_871, %swap3A_872], %swap3A_875 {strides = array<i32>} : memref<8x3x1024xf32, #tpu.memory_space<vmem>>, vector<1x1x16xf32>,
      %get3A_876 = arith.index_cast %scan3A_37 : i32 to index
      %get3A_877 = arith.constant 192 : index
      %get3A_878 = tpu.vector_load %arg9[%get3A_876, %get3A_877] {strides = array<i32>} : memref<8x1024xf32, #tpu.memory_space<vmem>>, vector<1x16xf32>,
      %get3A_879 = vector.shape_cast %get3A_878 : vector<1x16xf32> to vector<16xf32>
      %get3A_880 = arith.constant 0 : i32
      %get3A_881 = arith.index_cast %scan3A_37 : i32 to index
      %get3A_882 = arith.index_cast %get3A_880 : i32 to index
      %get3A_883 = arith.constant 192 : index
      %get3A_884 = tpu.vector_load %arg7[%get3A_881, %get3A_882, %get3A_883] {strides = array<i32>} : memref<8x3x1024xf32, #tpu.memory_space<vmem>>, vector<1x1x16xf32>,
      %get3A_885 = vector.shape_cast %get3A_884 : vector<1x1x16xf32> to vector<16xf32>
      %get3A_886 = arith.constant 0 : i32
      %get3A_887 = arith.index_cast %scan3A_37 : i32 to index
      %get3A_888 = arith.index_cast %get3A_886 : i32 to index
      %get3A_889 = arith.constant 192 : index
      %get3A_890 = tpu.vector_load %arg8[%get3A_887, %get3A_888, %get3A_889] {strides = array<i32>} : memref<8x3x1024xf32, #tpu.memory_space<vmem>>, vector<1x1x16xf32>,
      %get3A_891 = vector.shape_cast %get3A_890 : vector<1x1x16xf32> to vector<16xf32>
      %sub3A_892 = arith.subf %get3A_891, %get3A_885 : vector<16xf32>
      %mul3A_893 = arith.mulf %get3A_879, %sub3A_892 : vector<16xf32>
      %add3A_894 = arith.addf %get3A_885, %mul3A_893 : vector<16xf32>
      %swap3A_895 = arith.constant 0 : i32
      %swap3A_896 = arith.index_cast %scan3A_37 : i32 to index
      %swap3A_897 = arith.index_cast %swap3A_895 : i32 to index
      %swap3A_898 = arith.constant 192 : index
      %swap3A_899 = tpu.vector_load %arg7[%swap3A_896, %swap3A_897, %swap3A_898] {strides = array<i32>} : memref<8x3x1024xf32, #tpu.memory_space<vmem>>, vector<1x1x16xf32>,
      %swap3A_900 = vector.shape_cast %swap3A_899 : vector<1x1x16xf32> to vector<16xf32>
      %swap3A_901 = vector.shape_cast %add3A_894 : vector<16xf32> to vector<1x1x16xf32>
      tpu.vector_store %arg7[%swap3A_896, %swap3A_897, %swap3A_898], %swap3A_901 {strides = array<i32>} : memref<8x3x1024xf32, #tpu.memory_space<vmem>>, vector<1x1x16xf32>,
      %get3A_902 = arith.constant 1 : i32
      %get3A_903 = arith.index_cast %scan3A_37 : i32 to index
      %get3A_904 = arith.index_cast %get3A_902 : i32 to index
      %get3A_905 = arith.constant 192 : index
      %get3A_906 = tpu.vector_load %arg7[%get3A_903, %get3A_904, %get3A_905] {strides = array<i32>} : memref<8x3x1024xf32, #tpu.memory_space<vmem>>, vector<1x1x16xf32>,
      %get3A_907 = vector.shape_cast %get3A_906 : vector<1x1x16xf32> to vector<16xf32>
      %get3A_908 = arith.constant 1 : i32
      %get3A_909 = arith.index_cast %scan3A_37 : i32 to index
      %get3A_910 = arith.index_cast %get3A_908 : i32 to index
      %get3A_911 = arith.constant 192 : index
      %get3A_912 = tpu.vector_load %arg8[%get3A_909, %get3A_910, %get3A_911] {strides = array<i32>} : memref<8x3x1024xf32, #tpu.memory_space<vmem>>, vector<1x1x16xf32>,
      %get3A_913 = vector.shape_cast %get3A_912 : vector<1x1x16xf32> to vector<16xf32>
      %sub3A_914 = arith.subf %get3A_913, %get3A_907 : vector<16xf32>
      %mul3A_915 = arith.mulf %get3A_879, %sub3A_914 : vector<16xf32>
      %add3A_916 = arith.addf %get3A_907, %mul3A_915 : vector<16xf32>
      %swap3A_917 = arith.constant 1 : i32
      %swap3A_918 = arith.index_cast %scan3A_37 : i32 to index
      %swap3A_919 = arith.index_cast %swap3A_917 : i32 to index
      %swap3A_920 = arith.constant 192 : index
      %swap3A_921 = tpu.vector_load %arg7[%swap3A_918, %swap3A_919, %swap3A_920] {strides = array<i32>} : memref<8x3x1024xf32, #tpu.memory_space<vmem>>, vector<1x1x16xf32>,
      %swap3A_922 = vector.shape_cast %swap3A_921 : vector<1x1x16xf32> to vector<16xf32>
      %swap3A_923 = vector.shape_cast %add3A_916 : vector<16xf32> to vector<1x1x16xf32>
      tpu.vector_store %arg7[%swap3A_918, %swap3A_919, %swap3A_920], %swap3A_923 {strides = array<i32>} : memref<8x3x1024xf32, #tpu.memory_space<vmem>>, vector<1x1x16xf32>,
      %get3A_924 = arith.constant 2 : i32
      %get3A_925 = arith.index_cast %scan3A_37 : i32 to index
      %get3A_926 = arith.index_cast %get3A_924 : i32 to index
      %get3A_927 = arith.constant 192 : index
      %get3A_928 = tpu.vector_load %arg7[%get3A_925, %get3A_926, %get3A_927] {strides = array<i32>} : memref<8x3x1024xf32, #tpu.memory_space<vmem>>, vector<1x1x16xf32>,
      %get3A_929 = vector.shape_cast %get3A_928 : vector<1x1x16xf32> to vector<16xf32>
      %get3A_930 = arith.constant 2 : i32
      %get3A_931 = arith.index_cast %scan3A_37 : i32 to index
      %get3A_932 = arith.index_cast %get3A_930 : i32 to index
      %get3A_933 = arith.constant 192 : index
      %get3A_934 = tpu.vector_load %arg8[%get3A_931, %get3A_932, %get3A_933] {strides = array<i32>} : memref<8x3x1024xf32, #tpu.memory_space<vmem>>, vector<1x1x16xf32>,
      %get3A_935 = vector.shape_cast %get3A_934 : vector<1x1x16xf32> to vector<16xf32>
      %sub3A_936 = arith.subf %get3A_935, %get3A_929 : vector<16xf32>
      %mul3A_937 = arith.mulf %get3A_879, %sub3A_936 : vector<16xf32>
      %add3A_938 = arith.addf %get3A_929, %mul3A_937 : vector<16xf32>
      %swap3A_939 = arith.constant 2 : i32
      %swap3A_940 = arith.index_cast %scan3A_37 : i32 to index
      %swap3A_941 = arith.index_cast %swap3A_939 : i32 to index
      %swap3A_942 = arith.constant 192 : index
      %swap3A_943 = tpu.vector_load %arg7[%swap3A_940, %swap3A_941, %swap3A_942] {strides = array<i32>} : memref<8x3x1024xf32, #tpu.memory_space<vmem>>, vector<1x1x16xf32>,
      %swap3A_944 = vector.shape_cast %swap3A_943 : vector<1x1x16xf32> to vector<16xf32>
      %swap3A_945 = vector.shape_cast %add3A_938 : vector<16xf32> to vector<1x1x16xf32>
      tpu.vector_store %arg7[%swap3A_940, %swap3A_941, %swap3A_942], %swap3A_945 {strides = array<i32>} : memref<8x3x1024xf32, #tpu.memory_space<vmem>>, vector<1x1x16xf32>,
      %get3A_946 = arith.index_cast %scan3A_37 : i32 to index
      %get3A_947 = arith.constant 208 : index
      %get3A_948 = tpu.vector_load %arg9[%get3A_946, %get3A_947] {strides = array<i32>} : memref<8x1024xf32, #tpu.memory_space<vmem>>, vector<1x16xf32>,
      %get3A_949 = vector.shape_cast %get3A_948 : vector<1x16xf32> to vector<16xf32>
      %get3A_950 = arith.constant 0 : i32
      %get3A_951 = arith.index_cast %scan3A_37 : i32 to index
      %get3A_952 = arith.index_cast %get3A_950 : i32 to index
      %get3A_953 = arith.constant 208 : index
      %get3A_954 = tpu.vector_load %arg7[%get3A_951, %get3A_952, %get3A_953] {strides = array<i32>} : memref<8x3x1024xf32, #tpu.memory_space<vmem>>, vector<1x1x16xf32>,
      %get3A_955 = vector.shape_cast %get3A_954 : vector<1x1x16xf32> to vector<16xf32>
      %get3A_956 = arith.constant 0 : i32
      %get3A_957 = arith.index_cast %scan3A_37 : i32 to index
      %get3A_958 = arith.index_cast %get3A_956 : i32 to index
      %get3A_959 = arith.constant 208 : index
      %get3A_960 = tpu.vector_load %arg8[%get3A_957, %get3A_958, %get3A_959] {strides = array<i32>} : memref<8x3x1024xf32, #tpu.memory_space<vmem>>, vector<1x1x16xf32>,
      %get3A_961 = vector.shape_cast %get3A_960 : vector<1x1x16xf32> to vector<16xf32>
      %sub3A_962 = arith.subf %get3A_961, %get3A_955 : vector<16xf32>
      %mul3A_963 = arith.mulf %get3A_949, %sub3A_962 : vector<16xf32>
      %add3A_964 = arith.addf %get3A_955, %mul3A_963 : vector<16xf32>
      %swap3A_965 = arith.constant 0 : i32
      %swap3A_966 = arith.index_cast %scan3A_37 : i32 to index
      %swap3A_967 = arith.index_cast %swap3A_965 : i32 to index
      %swap3A_968 = arith.constant 208 : index
      %swap3A_969 = tpu.vector_load %arg7[%swap3A_966, %swap3A_967, %swap3A_968] {strides = array<i32>} : memref<8x3x1024xf32, #tpu.memory_space<vmem>>, vector<1x1x16xf32>,
      %swap3A_970 = vector.shape_cast %swap3A_969 : vector<1x1x16xf32> to vector<16xf32>
      %swap3A_971 = vector.shape_cast %add3A_964 : vector<16xf32> to vector<1x1x16xf32>
      tpu.vector_store %arg7[%swap3A_966, %swap3A_967, %swap3A_968], %swap3A_971 {strides = array<i32>} : memref<8x3x1024xf32, #tpu.memory_space<vmem>>, vector<1x1x16xf32>,
      %get3A_972 = arith.constant 1 : i32
      %get3A_973 = arith.index_cast %scan3A_37 : i32 to index
      %get3A_974 = arith.index_cast %get3A_972 : i32 to index
      %get3A_975 = arith.constant 208 : index
      %get3A_976 = tpu.vector_load %arg7[%get3A_973, %get3A_974, %get3A_975] {strides = array<i32>} : memref<8x3x1024xf32, #tpu.memory_space<vmem>>, vector<1x1x16xf32>,
      %get3A_977 = vector.shape_cast %get3A_976 : vector<1x1x16xf32> to vector<16xf32>
      %get3A_978 = arith.constant 1 : i32
      %get3A_979 = arith.index_cast %scan3A_37 : i32 to index
      %get3A_980 = arith.index_cast %get3A_978 : i32 to index
      %get3A_981 = arith.constant 208 : index
      %get3A_982 = tpu.vector_load %arg8[%get3A_979, %get3A_980, %get3A_981] {strides = array<i32>} : memref<8x3x1024xf32, #tpu.memory_space<vmem>>, vector<1x1x16xf32>,
      %get3A_983 = vector.shape_cast %get3A_982 : vector<1x1x16xf32> to vector<16xf32>
      %sub3A_984 = arith.subf %get3A_983, %get3A_977 : vector<16xf32>
      %mul3A_985 = arith.mulf %get3A_949, %sub3A_984 : vector<16xf32>
      %add3A_986 = arith.addf %get3A_977, %mul3A_985 : vector<16xf32>
      %swap3A_987 = arith.constant 1 : i32
      %swap3A_988 = arith.index_cast %scan3A_37 : i32 to index
      %swap3A_989 = arith.index_cast %swap3A_987 : i32 to index
      %swap3A_990 = arith.constant 208 : index
      %swap3A_991 = tpu.vector_load %arg7[%swap3A_988, %swap3A_989, %swap3A_990] {strides = array<i32>} : memref<8x3x1024xf32, #tpu.memory_space<vmem>>, vector<1x1x16xf32>,
      %swap3A_992 = vector.shape_cast %swap3A_991 : vector<1x1x16xf32> to vector<16xf32>
      %swap3A_993 = vector.shape_cast %add3A_986 : vector<16xf32> to vector<1x1x16xf32>
      tpu.vector_store %arg7[%swap3A_988, %swap3A_989, %swap3A_990], %swap3A_993 {strides = array<i32>} : memref<8x3x1024xf32, #tpu.memory_space<vmem>>, vector<1x1x16xf32>,
      %get3A_994 = arith.constant 2 : i32
      %get3A_995 = arith.index_cast %scan3A_37 : i32 to index
      %get3A_996 = arith.index_cast %get3A_994 : i32 to index
      %get3A_997 = arith.constant 208 : index
      %get3A_998 = tpu.vector_load %arg7[%get3A_995, %get3A_996, %get3A_997] {strides = array<i32>} : memref<8x3x1024xf32, #tpu.memory_space<vmem>>, vector<1x1x16xf32>,
      %get3A_999 = vector.shape_cast %get3A_998 : vector<1x1x16xf32> to vector<16xf32>
      %get3A_1000 = arith.constant 2 : i32
      %get3A_1001 = arith.index_cast %scan3A_37 : i32 to index
      %get3A_1002 = arith.index_cast %get3A_1000 : i32 to index
      %get3A_1003 = arith.constant 208 : index
      %get3A_1004 = tpu.vector_load %arg8[%get3A_1001, %get3A_1002, %get3A_1003] {strides = array<i32>} : memref<8x3x1024xf32, #tpu.memory_space<vmem>>, vector<1x1x16xf32>,
      %get3A_1005 = vector.shape_cast %get3A_1004 : vector<1x1x16xf32> to vector<16xf32>
      %sub3A_1006 = arith.subf %get3A_1005, %get3A_999 : vector<16xf32>
      %mul3A_1007 = arith.mulf %get3A_949, %sub3A_1006 : vector<16xf32>
      %add3A_1008 = arith.addf %get3A_999, %mul3A_1007 : vector<16xf32>
      %swap3A_1009 = arith.constant 2 : i32
      %swap3A_1010 = arith.index_cast %scan3A_37 : i32 to index
      %swap3A_1011 = arith.index_cast %swap3A_1009 : i32 to index
      %swap3A_1012 = arith.constant 208 : index
      %swap3A_1013 = tpu.vector_load %arg7[%swap3A_1010, %swap3A_1011, %swap3A_1012] {strides = array<i32>} : memref<8x3x1024xf32, #tpu.memory_space<vmem>>, vector<1x1x16xf32>,
      %swap3A_1014 = vector.shape_cast %swap3A_1013 : vector<1x1x16xf32> to vector<16xf32>
      %swap3A_1015 = vector.shape_cast %add3A_1008 : vector<16xf32> to vector<1x1x16xf32>
      tpu.vector_store %arg7[%swap3A_1010, %swap3A_1011, %swap3A_1012], %swap3A_1015 {strides = array<i32>} : memref<8x3x1024xf32, #tpu.memory_space<vmem>>, vector<1x1x16xf32>,
      %get3A_1016 = arith.index_cast %scan3A_37 : i32 to index
      %get3A_1017 = arith.constant 224 : index
      %get3A_1018 = tpu.vector_load %arg9[%get3A_1016, %get3A_1017] {strides = array<i32>} : memref<8x1024xf32, #tpu.memory_space<vmem>>, vector<1x16xf32>,
      %get3A_1019 = vector.shape_cast %get3A_1018 : vector<1x16xf32> to vector<16xf32>
      %get3A_1020 = arith.constant 0 : i32
      %get3A_1021 = arith.index_cast %scan3A_37 : i32 to index
      %get3A_1022 = arith.index_cast %get3A_1020 : i32 to index
      %get3A_1023 = arith.constant 224 : index
      %get3A_1024 = tpu.vector_load %arg7[%get3A_1021, %get3A_1022, %get3A_1023] {strides = array<i32>} : memref<8x3x1024xf32, #tpu.memory_space<vmem>>, vector<1x1x16xf32>,
      %get3A_1025 = vector.shape_cast %get3A_1024 : vector<1x1x16xf32> to vector<16xf32>
      %get3A_1026 = arith.constant 0 : i32
      %get3A_1027 = arith.index_cast %scan3A_37 : i32 to index
      %get3A_1028 = arith.index_cast %get3A_1026 : i32 to index
      %get3A_1029 = arith.constant 224 : index
      %get3A_1030 = tpu.vector_load %arg8[%get3A_1027, %get3A_1028, %get3A_1029] {strides = array<i32>} : memref<8x3x1024xf32, #tpu.memory_space<vmem>>, vector<1x1x16xf32>,
      %get3A_1031 = vector.shape_cast %get3A_1030 : vector<1x1x16xf32> to vector<16xf32>
      %sub3A_1032 = arith.subf %get3A_1031, %get3A_1025 : vector<16xf32>
      %mul3A_1033 = arith.mulf %get3A_1019, %sub3A_1032 : vector<16xf32>
      %add3A_1034 = arith.addf %get3A_1025, %mul3A_1033 : vector<16xf32>
      %swap3A_1035 = arith.constant 0 : i32
      %swap3A_1036 = arith.index_cast %scan3A_37 : i32 to index
      %swap3A_1037 = arith.index_cast %swap3A_1035 : i32 to index
      %swap3A_1038 = arith.constant 224 : index
      %swap3A_1039 = tpu.vector_load %arg7[%swap3A_1036, %swap3A_1037, %swap3A_1038] {strides = array<i32>} : memref<8x3x1024xf32, #tpu.memory_space<vmem>>, vector<1x1x16xf32>,
      %swap3A_1040 = vector.shape_cast %swap3A_1039 : vector<1x1x16xf32> to vector<16xf32>
      %swap3A_1041 = vector.shape_cast %add3A_1034 : vector<16xf32> to vector<1x1x16xf32>
      tpu.vector_store %arg7[%swap3A_1036, %swap3A_1037, %swap3A_1038], %swap3A_1041 {strides = array<i32>} : memref<8x3x1024xf32, #tpu.memory_space<vmem>>, vector<1x1x16xf32>,
      %get3A_1042 = arith.constant 1 : i32
      %get3A_1043 = arith.index_cast %scan3A_37 : i32 to index
      %get3A_1044 = arith.index_cast %get3A_1042 : i32 to index
      %get3A_1045 = arith.constant 224 : index
      %get3A_1046 = tpu.vector_load %arg7[%get3A_1043, %get3A_1044, %get3A_1045] {strides = array<i32>} : memref<8x3x1024xf32, #tpu.memory_space<vmem>>, vector<1x1x16xf32>,
      %get3A_1047 = vector.shape_cast %get3A_1046 : vector<1x1x16xf32> to vector<16xf32>
      %get3A_1048 = arith.constant 1 : i32
      %get3A_1049 = arith.index_cast %scan3A_37 : i32 to index
      %get3A_1050 = arith.index_cast %get3A_1048 : i32 to index
      %get3A_1051 = arith.constant 224 : index
      %get3A_1052 = tpu.vector_load %arg8[%get3A_1049, %get3A_1050, %get3A_1051] {strides = array<i32>} : memref<8x3x1024xf32, #tpu.memory_space<vmem>>, vector<1x1x16xf32>,
      %get3A_1053 = vector.shape_cast %get3A_1052 : vector<1x1x16xf32> to vector<16xf32>
      %sub3A_1054 = arith.subf %get3A_1053, %get3A_1047 : vector<16xf32>
      %mul3A_1055 = arith.mulf %get3A_1019, %sub3A_1054 : vector<16xf32>
      %add3A_1056 = arith.addf %get3A_1047, %mul3A_1055 : vector<16xf32>
      %swap3A_1057 = arith.constant 1 : i32
      %swap3A_1058 = arith.index_cast %scan3A_37 : i32 to index
      %swap3A_1059 = arith.index_cast %swap3A_1057 : i32 to index
      %swap3A_1060 = arith.constant 224 : index
      %swap3A_1061 = tpu.vector_load %arg7[%swap3A_1058, %swap3A_1059, %swap3A_1060] {strides = array<i32>} : memref<8x3x1024xf32, #tpu.memory_space<vmem>>, vector<1x1x16xf32>,
      %swap3A_1062 = vector.shape_cast %swap3A_1061 : vector<1x1x16xf32> to vector<16xf32>
      %swap3A_1063 = vector.shape_cast %add3A_1056 : vector<16xf32> to vector<1x1x16xf32>
      tpu.vector_store %arg7[%swap3A_1058, %swap3A_1059, %swap3A_1060], %swap3A_1063 {strides = array<i32>} : memref<8x3x1024xf32, #tpu.memory_space<vmem>>, vector<1x1x16xf32>,
      %get3A_1064 = arith.constant 2 : i32
      %get3A_1065 = arith.index_cast %scan3A_37 : i32 to index
      %get3A_1066 = arith.index_cast %get3A_1064 : i32 to index
      %get3A_1067 = arith.constant 224 : index
      %get3A_1068 = tpu.vector_load %arg7[%get3A_1065, %get3A_1066, %get3A_1067] {strides = array<i32>} : memref<8x3x1024xf32, #tpu.memory_space<vmem>>, vector<1x1x16xf32>,
      %get3A_1069 = vector.shape_cast %get3A_1068 : vector<1x1x16xf32> to vector<16xf32>
      %get3A_1070 = arith.constant 2 : i32
      %get3A_1071 = arith.index_cast %scan3A_37 : i32 to index
      %get3A_1072 = arith.index_cast %get3A_1070 : i32 to index
      %get3A_1073 = arith.constant 224 : index
      %get3A_1074 = tpu.vector_load %arg8[%get3A_1071, %get3A_1072, %get3A_1073] {strides = array<i32>} : memref<8x3x1024xf32, #tpu.memory_space<vmem>>, vector<1x1x16xf32>,
      %get3A_1075 = vector.shape_cast %get3A_1074 : vector<1x1x16xf32> to vector<16xf32>
      %sub3A_1076 = arith.subf %get3A_1075, %get3A_1069 : vector<16xf32>
      %mul3A_1077 = arith.mulf %get3A_1019, %sub3A_1076 : vector<16xf32>
      %add3A_1078 = arith.addf %get3A_1069, %mul3A_1077 : vector<16xf32>
      %swap3A_1079 = arith.constant 2 : i32
      %swap3A_1080 = arith.index_cast %scan3A_37 : i32 to index
      %swap3A_1081 = arith.index_cast %swap3A_1079 : i32 to index
      %swap3A_1082 = arith.constant 224 : index
      %swap3A_1083 = tpu.vector_load %arg7[%swap3A_1080, %swap3A_1081, %swap3A_1082] {strides = array<i32>} : memref<8x3x1024xf32, #tpu.memory_space<vmem>>, vector<1x1x16xf32>,
      %swap3A_1084 = vector.shape_cast %swap3A_1083 : vector<1x1x16xf32> to vector<16xf32>
      %swap3A_1085 = vector.shape_cast %add3A_1078 : vector<16xf32> to vector<1x1x16xf32>
      tpu.vector_store %arg7[%swap3A_1080, %swap3A_1081, %swap3A_1082], %swap3A_1085 {strides = array<i32>} : memref<8x3x1024xf32, #tpu.memory_space<vmem>>, vector<1x1x16xf32>,
      %get3A_1086 = arith.index_cast %scan3A_37 : i32 to index
      %get3A_1087 = arith.constant 240 : index
      %get3A_1088 = tpu.vector_load %arg9[%get3A_1086, %get3A_1087] {strides = array<i32>} : memref<8x1024xf32, #tpu.memory_space<vmem>>, vector<1x16xf32>,
      %get3A_1089 = vector.shape_cast %get3A_1088 : vector<1x16xf32> to vector<16xf32>
      %get3A_1090 = arith.constant 0 : i32
      %get3A_1091 = arith.index_cast %scan3A_37 : i32 to index
      %get3A_1092 = arith.index_cast %get3A_1090 : i32 to index
      %get3A_1093 = arith.constant 240 : index
      %get3A_1094 = tpu.vector_load %arg7[%get3A_1091, %get3A_1092, %get3A_1093] {strides = array<i32>} : memref<8x3x1024xf32, #tpu.memory_space<vmem>>, vector<1x1x16xf32>,
      %get3A_1095 = vector.shape_cast %get3A_1094 : vector<1x1x16xf32> to vector<16xf32>
      %get3A_1096 = arith.constant 0 : i32
      %get3A_1097 = arith.index_cast %scan3A_37 : i32 to index
      %get3A_1098 = arith.index_cast %get3A_1096 : i32 to index
      %get3A_1099 = arith.constant 240 : index
      %get3A_1100 = tpu.vector_load %arg8[%get3A_1097, %get3A_1098, %get3A_1099] {strides = array<i32>} : memref<8x3x1024xf32, #tpu.memory_space<vmem>>, vector<1x1x16xf32>,
      %get3A_1101 = vector.shape_cast %get3A_1100 : vector<1x1x16xf32> to vector<16xf32>
      %sub3A_1102 = arith.subf %get3A_1101, %get3A_1095 : vector<16xf32>
      %mul3A_1103 = arith.mulf %get3A_1089, %sub3A_1102 : vector<16xf32>
      %add3A_1104 = arith.addf %get3A_1095, %mul3A_1103 : vector<16xf32>
      %swap3A_1105 = arith.constant 0 : i32
      %swap3A_1106 = arith.index_cast %scan3A_37 : i32 to index
      %swap3A_1107 = arith.index_cast %swap3A_1105 : i32 to index
      %swap3A_1108 = arith.constant 240 : index
      %swap3A_1109 = tpu.vector_load %arg7[%swap3A_1106, %swap3A_1107, %swap3A_1108] {strides = array<i32>} : memref<8x3x1024xf32, #tpu.memory_space<vmem>>, vector<1x1x16xf32>,
      %swap3A_1110 = vector.shape_cast %swap3A_1109 : vector<1x1x16xf32> to vector<16xf32>
      %swap3A_1111 = vector.shape_cast %add3A_1104 : vector<16xf32> to vector<1x1x16xf32>
      tpu.vector_store %arg7[%swap3A_1106, %swap3A_1107, %swap3A_1108], %swap3A_1111 {strides = array<i32>} : memref<8x3x1024xf32, #tpu.memory_space<vmem>>, vector<1x1x16xf32>,
      %get3A_1112 = arith.constant 1 : i32
      %get3A_1113 = arith.index_cast %scan3A_37 : i32 to index
      %get3A_1114 = arith.index_cast %get3A_1112 : i32 to index
      %get3A_1115 = arith.constant 240 : index
      %get3A_1116 = tpu.vector_load %arg7[%get3A_1113, %get3A_1114, %get3A_1115] {strides = array<i32>} : memref<8x3x1024xf32, #tpu.memory_space<vmem>>, vector<1x1x16xf32>,
      %get3A_1117 = vector.shape_cast %get3A_1116 : vector<1x1x16xf32> to vector<16xf32>
      %get3A_1118 = arith.constant 1 : i32
      %get3A_1119 = arith.index_cast %scan3A_37 : i32 to index
      %get3A_1120 = arith.index_cast %get3A_1118 : i32 to index
      %get3A_1121 = arith.constant 240 : index
      %get3A_1122 = tpu.vector_load %arg8[%get3A_1119, %get3A_1120, %get3A_1121] {strides = array<i32>} : memref<8x3x1024xf32, #tpu.memory_space<vmem>>, vector<1x1x16xf32>,
      %get3A_1123 = vector.shape_cast %get3A_1122 : vector<1x1x16xf32> to vector<16xf32>
      %sub3A_1124 = arith.subf %get3A_1123, %get3A_1117 : vector<16xf32>
      %mul3A_1125 = arith.mulf %get3A_1089, %sub3A_1124 : vector<16xf32>
      %add3A_1126 = arith.addf %get3A_1117, %mul3A_1125 : vector<16xf32>
      %swap3A_1127 = arith.constant 1 : i32
      %swap3A_1128 = arith.index_cast %scan3A_37 : i32 to index
      %swap3A_1129 = arith.index_cast %swap3A_1127 : i32 to index
      %swap3A_1130 = arith.constant 240 : index
      %swap3A_1131 = tpu.vector_load %arg7[%swap3A_1128, %swap3A_1129, %swap3A_1130] {strides = array<i32>} : memref<8x3x1024xf32, #tpu.memory_space<vmem>>, vector<1x1x16xf32>,
      %swap3A_1132 = vector.shape_cast %swap3A_1131 : vector<1x1x16xf32> to vector<16xf32>
      %swap3A_1133 = vector.shape_cast %add3A_1126 : vector<16xf32> to vector<1x1x16xf32>
      tpu.vector_store %arg7[%swap3A_1128, %swap3A_1129, %swap3A_1130], %swap3A_1133 {strides = array<i32>} : memref<8x3x1024xf32, #tpu.memory_space<vmem>>, vector<1x1x16xf32>,
      %get3A_1134 = arith.constant 2 : i32
      %get3A_1135 = arith.index_cast %scan3A_37 : i32 to index
      %get3A_1136 = arith.index_cast %get3A_1134 : i32 to index
      %get3A_1137 = arith.constant 240 : index
      %get3A_1138 = tpu.vector_load %arg7[%get3A_1135, %get3A_1136, %get3A_1137] {strides = array<i32>} : memref<8x3x1024xf32, #tpu.memory_space<vmem>>, vector<1x1x16xf32>,
      %get3A_1139 = vector.shape_cast %get3A_1138 : vector<1x1x16xf32> to vector<16xf32>
      %get3A_1140 = arith.constant 2 : i32
      %get3A_1141 = arith.index_cast %scan3A_37 : i32 to index
      %get3A_1142 = arith.index_cast %get3A_1140 : i32 to index
      %get3A_1143 = arith.constant 240 : index
      %get3A_1144 = tpu.vector_load %arg8[%get3A_1141, %get3A_1142, %get3A_1143] {strides = array<i32>} : memref<8x3x1024xf32, #tpu.memory_space<vmem>>, vector<1x1x16xf32>,
      %get3A_1145 = vector.shape_cast %get3A_1144 : vector<1x1x16xf32> to vector<16xf32>
      %sub3A_1146 = arith.subf %get3A_1145, %get3A_1139 : vector<16xf32>
      %mul3A_1147 = arith.mulf %get3A_1089, %sub3A_1146 : vector<16xf32>
      %add3A_1148 = arith.addf %get3A_1139, %mul3A_1147 : vector<16xf32>
      %swap3A_1149 = arith.constant 2 : i32
      %swap3A_1150 = arith.index_cast %scan3A_37 : i32 to index
      %swap3A_1151 = arith.index_cast %swap3A_1149 : i32 to index
      %swap3A_1152 = arith.constant 240 : index
      %swap3A_1153 = tpu.vector_load %arg7[%swap3A_1150, %swap3A_1151, %swap3A_1152] {strides = array<i32>} : memref<8x3x1024xf32, #tpu.memory_space<vmem>>, vector<1x1x16xf32>,
      %swap3A_1154 = vector.shape_cast %swap3A_1153 : vector<1x1x16xf32> to vector<16xf32>
      %swap3A_1155 = vector.shape_cast %add3A_1148 : vector<16xf32> to vector<1x1x16xf32>
      tpu.vector_store %arg7[%swap3A_1150, %swap3A_1151, %swap3A_1152], %swap3A_1155 {strides = array<i32>} : memref<8x3x1024xf32, #tpu.memory_space<vmem>>, vector<1x1x16xf32>,
      %get3A_1156 = arith.index_cast %scan3A_37 : i32 to index
      %get3A_1157 = arith.constant 256 : index
      %get3A_1158 = tpu.vector_load %arg9[%get3A_1156, %get3A_1157] {strides = array<i32>} : memref<8x1024xf32, #tpu.memory_space<vmem>>, vector<1x16xf32>,
      %get3A_1159 = vector.shape_cast %get3A_1158 : vector<1x16xf32> to vector<16xf32>
      %get3A_1160 = arith.constant 0 : i32
      %get3A_1161 = arith.index_cast %scan3A_37 : i32 to index
      %get3A_1162 = arith.index_cast %get3A_1160 : i32 to index
      %get3A_1163 = arith.constant 256 : index
      %get3A_1164 = tpu.vector_load %arg7[%get3A_1161, %get3A_1162, %get3A_1163] {strides = array<i32>} : memref<8x3x1024xf32, #tpu.memory_space<vmem>>, vector<1x1x16xf32>,
      %get3A_1165 = vector.shape_cast %get3A_1164 : vector<1x1x16xf32> to vector<16xf32>
      %get3A_1166 = arith.constant 0 : i32
      %get3A_1167 = arith.index_cast %scan3A_37 : i32 to index
      %get3A_1168 = arith.index_cast %get3A_1166 : i32 to index
      %get3A_1169 = arith.constant 256 : index
      %get3A_1170 = tpu.vector_load %arg8[%get3A_1167, %get3A_1168, %get3A_1169] {strides = array<i32>} : memref<8x3x1024xf32, #tpu.memory_space<vmem>>, vector<1x1x16xf32>,
      %get3A_1171 = vector.shape_cast %get3A_1170 : vector<1x1x16xf32> to vector<16xf32>
      %sub3A_1172 = arith.subf %get3A_1171, %get3A_1165 : vector<16xf32>
      %mul3A_1173 = arith.mulf %get3A_1159, %sub3A_1172 : vector<16xf32>
      %add3A_1174 = arith.addf %get3A_1165, %mul3A_1173 : vector<16xf32>
      %swap3A_1175 = arith.constant 0 : i32
      %swap3A_1176 = arith.index_cast %scan3A_37 : i32 to index
      %swap3A_1177 = arith.index_cast %swap3A_1175 : i32 to index
      %swap3A_1178 = arith.constant 256 : index
      %swap3A_1179 = tpu.vector_load %arg7[%swap3A_1176, %swap3A_1177, %swap3A_1178] {strides = array<i32>} : memref<8x3x1024xf32, #tpu.memory_space<vmem>>, vector<1x1x16xf32>,
      %swap3A_1180 = vector.shape_cast %swap3A_1179 : vector<1x1x16xf32> to vector<16xf32>
      %swap3A_1181 = vector.shape_cast %add3A_1174 : vector<16xf32> to vector<1x1x16xf32>
      tpu.vector_store %arg7[%swap3A_1176, %swap3A_1177, %swap3A_1178], %swap3A_1181 {strides = array<i32>} : memref<8x3x1024xf32, #tpu.memory_space<vmem>>, vector<1x1x16xf32>,
      %get3A_1182 = arith.constant 1 : i32
      %get3A_1183 = arith.index_cast %scan3A_37 : i32 to index
      %get3A_1184 = arith.index_cast %get3A_1182 : i32 to index
      %get3A_1185 = arith.constant 256 : index
      %get3A_1186 = tpu.vector_load %arg7[%get3A_1183, %get3A_1184, %get3A_1185] {strides = array<i32>} : memref<8x3x1024xf32, #tpu.memory_space<vmem>>, vector<1x1x16xf32>,
      %get3A_1187 = vector.shape_cast %get3A_1186 : vector<1x1x16xf32> to vector<16xf32>
      %get3A_1188 = arith.constant 1 : i32
      %get3A_1189 = arith.index_cast %scan3A_37 : i32 to index
      %get3A_1190 = arith.index_cast %get3A_1188 : i32 to index
      %get3A_1191 = arith.constant 256 : index
      %get3A_1192 = tpu.vector_load %arg8[%get3A_1189, %get3A_1190, %get3A_1191] {strides = array<i32>} : memref<8x3x1024xf32, #tpu.memory_space<vmem>>, vector<1x1x16xf32>,
      %get3A_1193 = vector.shape_cast %get3A_1192 : vector<1x1x16xf32> to vector<16xf32>
      %sub3A_1194 = arith.subf %get3A_1193, %get3A_1187 : vector<16xf32>
      %mul3A_1195 = arith.mulf %get3A_1159, %sub3A_1194 : vector<16xf32>
      %add3A_1196 = arith.addf %get3A_1187, %mul3A_1195 : vector<16xf32>
      %swap3A_1197 = arith.constant 1 : i32
      %swap3A_1198 = arith.index_cast %scan3A_37 : i32 to index
      %swap3A_1199 = arith.index_cast %swap3A_1197 : i32 to index
      %swap3A_1200 = arith.constant 256 : index
      %swap3A_1201 = tpu.vector_load %arg7[%swap3A_1198, %swap3A_1199, %swap3A_1200] {strides = array<i32>} : memref<8x3x1024xf32, #tpu.memory_space<vmem>>, vector<1x1x16xf32>,
      %swap3A_1202 = vector.shape_cast %swap3A_1201 : vector<1x1x16xf32> to vector<16xf32>
      %swap3A_1203 = vector.shape_cast %add3A_1196 : vector<16xf32> to vector<1x1x16xf32>
      tpu.vector_store %arg7[%swap3A_1198, %swap3A_1199, %swap3A_1200], %swap3A_1203 {strides = array<i32>} : memref<8x3x1024xf32, #tpu.memory_space<vmem>>, vector<1x1x16xf32>,
      %get3A_1204 = arith.constant 2 : i32
      %get3A_1205 = arith.index_cast %scan3A_37 : i32 to index
      %get3A_1206 = arith.index_cast %get3A_1204 : i32 to index
      %get3A_1207 = arith.constant 256 : index
      %get3A_1208 = tpu.vector_load %arg7[%get3A_1205, %get3A_1206, %get3A_1207] {strides = array<i32>} : memref<8x3x1024xf32, #tpu.memory_space<vmem>>, vector<1x1x16xf32>,
      %get3A_1209 = vector.shape_cast %get3A_1208 : vector<1x1x16xf32> to vector<16xf32>
      %get3A_1210 = arith.constant 2 : i32
      %get3A_1211 = arith.index_cast %scan3A_37 : i32 to index
      %get3A_1212 = arith.index_cast %get3A_1210 : i32 to index
      %get3A_1213 = arith.constant 256 : index
      %get3A_1214 = tpu.vector_load %arg8[%get3A_1211, %get3A_1212, %get3A_1213] {strides = array<i32>} : memref<8x3x1024xf32, #tpu.memory_space<vmem>>, vector<1x1x16xf32>,
      %get3A_1215 = vector.shape_cast %get3A_1214 : vector<1x1x16xf32> to vector<16xf32>
      %sub3A_1216 = arith.subf %get3A_1215, %get3A_1209 : vector<16xf32>
      %mul3A_1217 = arith.mulf %get3A_1159, %sub3A_1216 : vector<16xf32>
      %add3A_1218 = arith.addf %get3A_1209, %mul3A_1217 : vector<16xf32>
      %swap3A_1219 = arith.constant 2 : i32
      %swap3A_1220 = arith.index_cast %scan3A_37 : i32 to index
      %swap3A_1221 = arith.index_cast %swap3A_1219 : i32 to index
      %swap3A_1222 = arith.constant 256 : index
      %swap3A_1223 = tpu.vector_load %arg7[%swap3A_1220, %swap3A_1221, %swap3A_1222] {strides = array<i32>} : memref<8x3x1024xf32, #tpu.memory_space<vmem>>, vector<1x1x16xf32>,
      %swap3A_1224 = vector.shape_cast %swap3A_1223 : vector<1x1x16xf32> to vector<16xf32>
      %swap3A_1225 = vector.shape_cast %add3A_1218 : vector<16xf32> to vector<1x1x16xf32>
      tpu.vector_store %arg7[%swap3A_1220, %swap3A_1221, %swap3A_1222], %swap3A_1225 {strides = array<i32>} : memref<8x3x1024xf32, #tpu.memory_space<vmem>>, vector<1x1x16xf32>,
      %get3A_1226 = arith.index_cast %scan3A_37 : i32 to index
      %get3A_1227 = arith.constant 272 : index
      %get3A_1228 = tpu.vector_load %arg9[%get3A_1226, %get3A_1227] {strides = array<i32>} : memref<8x1024xf32, #tpu.memory_space<vmem>>, vector<1x16xf32>,
      %get3A_1229 = vector.shape_cast %get3A_1228 : vector<1x16xf32> to vector<16xf32>
      %get3A_1230 = arith.constant 0 : i32
      %get3A_1231 = arith.index_cast %scan3A_37 : i32 to index
      %get3A_1232 = arith.index_cast %get3A_1230 : i32 to index
      %get3A_1233 = arith.constant 272 : index
      %get3A_1234 = tpu.vector_load %arg7[%get3A_1231, %get3A_1232, %get3A_1233] {strides = array<i32>} : memref<8x3x1024xf32, #tpu.memory_space<vmem>>, vector<1x1x16xf32>,
      %get3A_1235 = vector.shape_cast %get3A_1234 : vector<1x1x16xf32> to vector<16xf32>
      %get3A_1236 = arith.constant 0 : i32
      %get3A_1237 = arith.index_cast %scan3A_37 : i32 to index
      %get3A_1238 = arith.index_cast %get3A_1236 : i32 to index
      %get3A_1239 = arith.constant 272 : index
      %get3A_1240 = tpu.vector_load %arg8[%get3A_1237, %get3A_1238, %get3A_1239] {strides = array<i32>} : memref<8x3x1024xf32, #tpu.memory_space<vmem>>, vector<1x1x16xf32>,
      %get3A_1241 = vector.shape_cast %get3A_1240 : vector<1x1x16xf32> to vector<16xf32>
      %sub3A_1242 = arith.subf %get3A_1241, %get3A_1235 : vector<16xf32>
      %mul3A_1243 = arith.mulf %get3A_1229, %sub3A_1242 : vector<16xf32>
      %add3A_1244 = arith.addf %get3A_1235, %mul3A_1243 : vector<16xf32>
      %swap3A_1245 = arith.constant 0 : i32
      %swap3A_1246 = arith.index_cast %scan3A_37 : i32 to index
      %swap3A_1247 = arith.index_cast %swap3A_1245 : i32 to index
      %swap3A_1248 = arith.constant 272 : index
      %swap3A_1249 = tpu.vector_load %arg7[%swap3A_1246, %swap3A_1247, %swap3A_1248] {strides = array<i32>} : memref<8x3x1024xf32, #tpu.memory_space<vmem>>, vector<1x1x16xf32>,
      %swap3A_1250 = vector.shape_cast %swap3A_1249 : vector<1x1x16xf32> to vector<16xf32>
      %swap3A_1251 = vector.shape_cast %add3A_1244 : vector<16xf32> to vector<1x1x16xf32>
      tpu.vector_store %arg7[%swap3A_1246, %swap3A_1247, %swap3A_1248], %swap3A_1251 {strides = array<i32>} : memref<8x3x1024xf32, #tpu.memory_space<vmem>>, vector<1x1x16xf32>,
      %get3A_1252 = arith.constant 1 : i32
      %get3A_1253 = arith.index_cast %scan3A_37 : i32 to index
      %get3A_1254 = arith.index_cast %get3A_1252 : i32 to index
      %get3A_1255 = arith.constant 272 : index
      %get3A_1256 = tpu.vector_load %arg7[%get3A_1253, %get3A_1254, %get3A_1255] {strides = array<i32>} : memref<8x3x1024xf32, #tpu.memory_space<vmem>>, vector<1x1x16xf32>,
      %get3A_1257 = vector.shape_cast %get3A_1256 : vector<1x1x16xf32> to vector<16xf32>
      %get3A_1258 = arith.constant 1 : i32
      %get3A_1259 = arith.index_cast %scan3A_37 : i32 to index
      %get3A_1260 = arith.index_cast %get3A_1258 : i32 to index
      %get3A_1261 = arith.constant 272 : index
      %get3A_1262 = tpu.vector_load %arg8[%get3A_1259, %get3A_1260, %get3A_1261] {strides = array<i32>} : memref<8x3x1024xf32, #tpu.memory_space<vmem>>, vector<1x1x16xf32>,
      %get3A_1263 = vector.shape_cast %get3A_1262 : vector<1x1x16xf32> to vector<16xf32>
      %sub3A_1264 = arith.subf %get3A_1263, %get3A_1257 : vector<16xf32>
      %mul3A_1265 = arith.mulf %get3A_1229, %sub3A_1264 : vector<16xf32>
      %add3A_1266 = arith.addf %get3A_1257, %mul3A_1265 : vector<16xf32>
      %swap3A_1267 = arith.constant 1 : i32
      %swap3A_1268 = arith.index_cast %scan3A_37 : i32 to index
      %swap3A_1269 = arith.index_cast %swap3A_1267 : i32 to index
      %swap3A_1270 = arith.constant 272 : index
      %swap3A_1271 = tpu.vector_load %arg7[%swap3A_1268, %swap3A_1269, %swap3A_1270] {strides = array<i32>} : memref<8x3x1024xf32, #tpu.memory_space<vmem>>, vector<1x1x16xf32>,
      %swap3A_1272 = vector.shape_cast %swap3A_1271 : vector<1x1x16xf32> to vector<16xf32>
      %swap3A_1273 = vector.shape_cast %add3A_1266 : vector<16xf32> to vector<1x1x16xf32>
      tpu.vector_store %arg7[%swap3A_1268, %swap3A_1269, %swap3A_1270], %swap3A_1273 {strides = array<i32>} : memref<8x3x1024xf32, #tpu.memory_space<vmem>>, vector<1x1x16xf32>,
      %get3A_1274 = arith.constant 2 : i32
      %get3A_1275 = arith.index_cast %scan3A_37 : i32 to index
      %get3A_1276 = arith.index_cast %get3A_1274 : i32 to index
      %get3A_1277 = arith.constant 272 : index
      %get3A_1278 = tpu.vector_load %arg7[%get3A_1275, %get3A_1276, %get3A_1277] {strides = array<i32>} : memref<8x3x1024xf32, #tpu.memory_space<vmem>>, vector<1x1x16xf32>,
      %get3A_1279 = vector.shape_cast %get3A_1278 : vector<1x1x16xf32> to vector<16xf32>
      %get3A_1280 = arith.constant 2 : i32
      %get3A_1281 = arith.index_cast %scan3A_37 : i32 to index
      %get3A_1282 = arith.index_cast %get3A_1280 : i32 to index
      %get3A_1283 = arith.constant 272 : index
      %get3A_1284 = tpu.vector_load %arg8[%get3A_1281, %get3A_1282, %get3A_1283] {strides = array<i32>} : memref<8x3x1024xf32, #tpu.memory_space<vmem>>, vector<1x1x16xf32>,
      %get3A_1285 = vector.shape_cast %get3A_1284 : vector<1x1x16xf32> to vector<16xf32>
      %sub3A_1286 = arith.subf %get3A_1285, %get3A_1279 : vector<16xf32>
      %mul3A_1287 = arith.mulf %get3A_1229, %sub3A_1286 : vector<16xf32>
      %add3A_1288 = arith.addf %get3A_1279, %mul3A_1287 : vector<16xf32>
      %swap3A_1289 = arith.constant 2 : i32
      %swap3A_1290 = arith.index_cast %scan3A_37 : i32 to index
      %swap3A_1291 = arith.index_cast %swap3A_1289 : i32 to index
      %swap3A_1292 = arith.constant 272 : index
      %swap3A_1293 = tpu.vector_load %arg7[%swap3A_1290, %swap3A_1291, %swap3A_1292] {strides = array<i32>} : memref<8x3x1024xf32, #tpu.memory_space<vmem>>, vector<1x1x16xf32>,
      %swap3A_1294 = vector.shape_cast %swap3A_1293 : vector<1x1x16xf32> to vector<16xf32>
      %swap3A_1295 = vector.shape_cast %add3A_1288 : vector<16xf32> to vector<1x1x16xf32>
      tpu.vector_store %arg7[%swap3A_1290, %swap3A_1291, %swap3A_1292], %swap3A_1295 {strides = array<i32>} : memref<8x3x1024xf32, #tpu.memory_space<vmem>>, vector<1x1x16xf32>,
      %get3A_1296 = arith.index_cast %scan3A_37 : i32 to index
      %get3A_1297 = arith.constant 288 : index
      %get3A_1298 = tpu.vector_load %arg9[%get3A_1296, %get3A_1297] {strides = array<i32>} : memref<8x1024xf32, #tpu.memory_space<vmem>>, vector<1x16xf32>,
      %get3A_1299 = vector.shape_cast %get3A_1298 : vector<1x16xf32> to vector<16xf32>
      %get3A_1300 = arith.constant 0 : i32
      %get3A_1301 = arith.index_cast %scan3A_37 : i32 to index
      %get3A_1302 = arith.index_cast %get3A_1300 : i32 to index
      %get3A_1303 = arith.constant 288 : index
      %get3A_1304 = tpu.vector_load %arg7[%get3A_1301, %get3A_1302, %get3A_1303] {strides = array<i32>} : memref<8x3x1024xf32, #tpu.memory_space<vmem>>, vector<1x1x16xf32>,
      %get3A_1305 = vector.shape_cast %get3A_1304 : vector<1x1x16xf32> to vector<16xf32>
      %get3A_1306 = arith.constant 0 : i32
      %get3A_1307 = arith.index_cast %scan3A_37 : i32 to index
      %get3A_1308 = arith.index_cast %get3A_1306 : i32 to index
      %get3A_1309 = arith.constant 288 : index
      %get3A_1310 = tpu.vector_load %arg8[%get3A_1307, %get3A_1308, %get3A_1309] {strides = array<i32>} : memref<8x3x1024xf32, #tpu.memory_space<vmem>>, vector<1x1x16xf32>,
      %get3A_1311 = vector.shape_cast %get3A_1310 : vector<1x1x16xf32> to vector<16xf32>
      %sub3A_1312 = arith.subf %get3A_1311, %get3A_1305 : vector<16xf32>
      %mul3A_1313 = arith.mulf %get3A_1299, %sub3A_1312 : vector<16xf32>
      %add3A_1314 = arith.addf %get3A_1305, %mul3A_1313 : vector<16xf32>
      %swap3A_1315 = arith.constant 0 : i32
      %swap3A_1316 = arith.index_cast %scan3A_37 : i32 to index
      %swap3A_1317 = arith.index_cast %swap3A_1315 : i32 to index
      %swap3A_1318 = arith.constant 288 : index
      %swap3A_1319 = tpu.vector_load %arg7[%swap3A_1316, %swap3A_1317, %swap3A_1318] {strides = array<i32>} : memref<8x3x1024xf32, #tpu.memory_space<vmem>>, vector<1x1x16xf32>,
      %swap3A_1320 = vector.shape_cast %swap3A_1319 : vector<1x1x16xf32> to vector<16xf32>
      %swap3A_1321 = vector.shape_cast %add3A_1314 : vector<16xf32> to vector<1x1x16xf32>
      tpu.vector_store %arg7[%swap3A_1316, %swap3A_1317, %swap3A_1318], %swap3A_1321 {strides = array<i32>} : memref<8x3x1024xf32, #tpu.memory_space<vmem>>, vector<1x1x16xf32>,
      %get3A_1322 = arith.constant 1 : i32
      %get3A_1323 = arith.index_cast %scan3A_37 : i32 to index
      %get3A_1324 = arith.index_cast %get3A_1322 : i32 to index
      %get3A_1325 = arith.constant 288 : index
      %get3A_1326 = tpu.vector_load %arg7[%get3A_1323, %get3A_1324, %get3A_1325] {strides = array<i32>} : memref<8x3x1024xf32, #tpu.memory_space<vmem>>, vector<1x1x16xf32>,
      %get3A_1327 = vector.shape_cast %get3A_1326 : vector<1x1x16xf32> to vector<16xf32>
      %get3A_1328 = arith.constant 1 : i32
      %get3A_1329 = arith.index_cast %scan3A_37 : i32 to index
      %get3A_1330 = arith.index_cast %get3A_1328 : i32 to index
      %get3A_1331 = arith.constant 288 : index
      %get3A_1332 = tpu.vector_load %arg8[%get3A_1329, %get3A_1330, %get3A_1331] {strides = array<i32>} : memref<8x3x1024xf32, #tpu.memory_space<vmem>>, vector<1x1x16xf32>,
      %get3A_1333 = vector.shape_cast %get3A_1332 : vector<1x1x16xf32> to vector<16xf32>
      %sub3A_1334 = arith.subf %get3A_1333, %get3A_1327 : vector<16xf32>
      %mul3A_1335 = arith.mulf %get3A_1299, %sub3A_1334 : vector<16xf32>
      %add3A_1336 = arith.addf %get3A_1327, %mul3A_1335 : vector<16xf32>
      %swap3A_1337 = arith.constant 1 : i32
      %swap3A_1338 = arith.index_cast %scan3A_37 : i32 to index
      %swap3A_1339 = arith.index_cast %swap3A_1337 : i32 to index
      %swap3A_1340 = arith.constant 288 : index
      %swap3A_1341 = tpu.vector_load %arg7[%swap3A_1338, %swap3A_1339, %swap3A_1340] {strides = array<i32>} : memref<8x3x1024xf32, #tpu.memory_space<vmem>>, vector<1x1x16xf32>,
      %swap3A_1342 = vector.shape_cast %swap3A_1341 : vector<1x1x16xf32> to vector<16xf32>
      %swap3A_1343 = vector.shape_cast %add3A_1336 : vector<16xf32> to vector<1x1x16xf32>
      tpu.vector_store %arg7[%swap3A_1338, %swap3A_1339, %swap3A_1340], %swap3A_1343 {strides = array<i32>} : memref<8x3x1024xf32, #tpu.memory_space<vmem>>, vector<1x1x16xf32>,
      %get3A_1344 = arith.constant 2 : i32
      %get3A_1345 = arith.index_cast %scan3A_37 : i32 to index
      %get3A_1346 = arith.index_cast %get3A_1344 : i32 to index
      %get3A_1347 = arith.constant 288 : index
      %get3A_1348 = tpu.vector_load %arg7[%get3A_1345, %get3A_1346, %get3A_1347] {strides = array<i32>} : memref<8x3x1024xf32, #tpu.memory_space<vmem>>, vector<1x1x16xf32>,
      %get3A_1349 = vector.shape_cast %get3A_1348 : vector<1x1x16xf32> to vector<16xf32>
      %get3A_1350 = arith.constant 2 : i32
      %get3A_1351 = arith.index_cast %scan3A_37 : i32 to index
      %get3A_1352 = arith.index_cast %get3A_1350 : i32 to index
      %get3A_1353 = arith.constant 288 : index
      %get3A_1354 = tpu.vector_load %arg8[%get3A_1351, %get3A_1352, %get3A_1353] {strides = array<i32>} : memref<8x3x1024xf32, #tpu.memory_space<vmem>>, vector<1x1x16xf32>,
      %get3A_1355 = vector.shape_cast %get3A_1354 : vector<1x1x16xf32> to vector<16xf32>
      %sub3A_1356 = arith.subf %get3A_1355, %get3A_1349 : vector<16xf32>
      %mul3A_1357 = arith.mulf %get3A_1299, %sub3A_1356 : vector<16xf32>
      %add3A_1358 = arith.addf %get3A_1349, %mul3A_1357 : vector<16xf32>
      %swap3A_1359 = arith.constant 2 : i32
      %swap3A_1360 = arith.index_cast %scan3A_37 : i32 to index
      %swap3A_1361 = arith.index_cast %swap3A_1359 : i32 to index
      %swap3A_1362 = arith.constant 288 : index
      %swap3A_1363 = tpu.vector_load %arg7[%swap3A_1360, %swap3A_1361, %swap3A_1362] {strides = array<i32>} : memref<8x3x1024xf32, #tpu.memory_space<vmem>>, vector<1x1x16xf32>,
      %swap3A_1364 = vector.shape_cast %swap3A_1363 : vector<1x1x16xf32> to vector<16xf32>
      %swap3A_1365 = vector.shape_cast %add3A_1358 : vector<16xf32> to vector<1x1x16xf32>
      tpu.vector_store %arg7[%swap3A_1360, %swap3A_1361, %swap3A_1362], %swap3A_1365 {strides = array<i32>} : memref<8x3x1024xf32, #tpu.memory_space<vmem>>, vector<1x1x16xf32>,
      %get3A_1366 = arith.index_cast %scan3A_37 : i32 to index
      %get3A_1367 = arith.constant 304 : index
      %get3A_1368 = tpu.vector_load %arg9[%get3A_1366, %get3A_1367] {strides = array<i32>} : memref<8x1024xf32, #tpu.memory_space<vmem>>, vector<1x16xf32>,
      %get3A_1369 = vector.shape_cast %get3A_1368 : vector<1x16xf32> to vector<16xf32>
      %get3A_1370 = arith.constant 0 : i32
      %get3A_1371 = arith.index_cast %scan3A_37 : i32 to index
      %get3A_1372 = arith.index_cast %get3A_1370 : i32 to index
      %get3A_1373 = arith.constant 304 : index
      %get3A_1374 = tpu.vector_load %arg7[%get3A_1371, %get3A_1372, %get3A_1373] {strides = array<i32>} : memref<8x3x1024xf32, #tpu.memory_space<vmem>>, vector<1x1x16xf32>,
      %get3A_1375 = vector.shape_cast %get3A_1374 : vector<1x1x16xf32> to vector<16xf32>
      %get3A_1376 = arith.constant 0 : i32
      %get3A_1377 = arith.index_cast %scan3A_37 : i32 to index
      %get3A_1378 = arith.index_cast %get3A_1376 : i32 to index
      %get3A_1379 = arith.constant 304 : index
      %get3A_1380 = tpu.vector_load %arg8[%get3A_1377, %get3A_1378, %get3A_1379] {strides = array<i32>} : memref<8x3x1024xf32, #tpu.memory_space<vmem>>, vector<1x1x16xf32>,
      %get3A_1381 = vector.shape_cast %get3A_1380 : vector<1x1x16xf32> to vector<16xf32>
      %sub3A_1382 = arith.subf %get3A_1381, %get3A_1375 : vector<16xf32>
      %mul3A_1383 = arith.mulf %get3A_1369, %sub3A_1382 : vector<16xf32>
      %add3A_1384 = arith.addf %get3A_1375, %mul3A_1383 : vector<16xf32>
      %swap3A_1385 = arith.constant 0 : i32
      %swap3A_1386 = arith.index_cast %scan3A_37 : i32 to index
      %swap3A_1387 = arith.index_cast %swap3A_1385 : i32 to index
      %swap3A_1388 = arith.constant 304 : index
      %swap3A_1389 = tpu.vector_load %arg7[%swap3A_1386, %swap3A_1387, %swap3A_1388] {strides = array<i32>} : memref<8x3x1024xf32, #tpu.memory_space<vmem>>, vector<1x1x16xf32>,
      %swap3A_1390 = vector.shape_cast %swap3A_1389 : vector<1x1x16xf32> to vector<16xf32>
      %swap3A_1391 = vector.shape_cast %add3A_1384 : vector<16xf32> to vector<1x1x16xf32>
      tpu.vector_store %arg7[%swap3A_1386, %swap3A_1387, %swap3A_1388], %swap3A_1391 {strides = array<i32>} : memref<8x3x1024xf32, #tpu.memory_space<vmem>>, vector<1x1x16xf32>,
      %get3A_1392 = arith.constant 1 : i32
      %get3A_1393 = arith.index_cast %scan3A_37 : i32 to index
      %get3A_1394 = arith.index_cast %get3A_1392 : i32 to index
      %get3A_1395 = arith.constant 304 : index
      %get3A_1396 = tpu.vector_load %arg7[%get3A_1393, %get3A_1394, %get3A_1395] {strides = array<i32>} : memref<8x3x1024xf32, #tpu.memory_space<vmem>>, vector<1x1x16xf32>,
      %get3A_1397 = vector.shape_cast %get3A_1396 : vector<1x1x16xf32> to vector<16xf32>
      %get3A_1398 = arith.constant 1 : i32
      %get3A_1399 = arith.index_cast %scan3A_37 : i32 to index
      %get3A_1400 = arith.index_cast %get3A_1398 : i32 to index
      %get3A_1401 = arith.constant 304 : index
      %get3A_1402 = tpu.vector_load %arg8[%get3A_1399, %get3A_1400, %get3A_1401] {strides = array<i32>} : memref<8x3x1024xf32, #tpu.memory_space<vmem>>, vector<1x1x16xf32>,
      %get3A_1403 = vector.shape_cast %get3A_1402 : vector<1x1x16xf32> to vector<16xf32>
      %sub3A_1404 = arith.subf %get3A_1403, %get3A_1397 : vector<16xf32>
      %mul3A_1405 = arith.mulf %get3A_1369, %sub3A_1404 : vector<16xf32>
      %add3A_1406 = arith.addf %get3A_1397, %mul3A_1405 : vector<16xf32>
      %swap3A_1407 = arith.constant 1 : i32
      %swap3A_1408 = arith.index_cast %scan3A_37 : i32 to index
      %swap3A_1409 = arith.index_cast %swap3A_1407 : i32 to index
      %swap3A_1410 = arith.constant 304 : index
      %swap3A_1411 = tpu.vector_load %arg7[%swap3A_1408, %swap3A_1409, %swap3A_1410] {strides = array<i32>} : memref<8x3x1024xf32, #tpu.memory_space<vmem>>, vector<1x1x16xf32>,
      %swap3A_1412 = vector.shape_cast %swap3A_1411 : vector<1x1x16xf32> to vector<16xf32>
      %swap3A_1413 = vector.shape_cast %add3A_1406 : vector<16xf32> to vector<1x1x16xf32>
      tpu.vector_store %arg7[%swap3A_1408, %swap3A_1409, %swap3A_1410], %swap3A_1413 {strides = array<i32>} : memref<8x3x1024xf32, #tpu.memory_space<vmem>>, vector<1x1x16xf32>,
      %get3A_1414 = arith.constant 2 : i32
      %get3A_1415 = arith.index_cast %scan3A_37 : i32 to index
      %get3A_1416 = arith.index_cast %get3A_1414 : i32 to index
      %get3A_1417 = arith.constant 304 : index
      %get3A_1418 = tpu.vector_load %arg7[%get3A_1415, %get3A_1416, %get3A_1417] {strides = array<i32>} : memref<8x3x1024xf32, #tpu.memory_space<vmem>>, vector<1x1x16xf32>,
      %get3A_1419 = vector.shape_cast %get3A_1418 : vector<1x1x16xf32> to vector<16xf32>
      %get3A_1420 = arith.constant 2 : i32
      %get3A_1421 = arith.index_cast %scan3A_37 : i32 to index
      %get3A_1422 = arith.index_cast %get3A_1420 : i32 to index
      %get3A_1423 = arith.constant 304 : index
      %get3A_1424 = tpu.vector_load %arg8[%get3A_1421, %get3A_1422, %get3A_1423] {strides = array<i32>} : memref<8x3x1024xf32, #tpu.memory_space<vmem>>, vector<1x1x16xf32>,
      %get3A_1425 = vector.shape_cast %get3A_1424 : vector<1x1x16xf32> to vector<16xf32>
      %sub3A_1426 = arith.subf %get3A_1425, %get3A_1419 : vector<16xf32>
      %mul3A_1427 = arith.mulf %get3A_1369, %sub3A_1426 : vector<16xf32>
      %add3A_1428 = arith.addf %get3A_1419, %mul3A_1427 : vector<16xf32>
      %swap3A_1429 = arith.constant 2 : i32
      %swap3A_1430 = arith.index_cast %scan3A_37 : i32 to index
      %swap3A_1431 = arith.index_cast %swap3A_1429 : i32 to index
      %swap3A_1432 = arith.constant 304 : index
      %swap3A_1433 = tpu.vector_load %arg7[%swap3A_1430, %swap3A_1431, %swap3A_1432] {strides = array<i32>} : memref<8x3x1024xf32, #tpu.memory_space<vmem>>, vector<1x1x16xf32>,
      %swap3A_1434 = vector.shape_cast %swap3A_1433 : vector<1x1x16xf32> to vector<16xf32>
      %swap3A_1435 = vector.shape_cast %add3A_1428 : vector<16xf32> to vector<1x1x16xf32>
      tpu.vector_store %arg7[%swap3A_1430, %swap3A_1431, %swap3A_1432], %swap3A_1435 {strides = array<i32>} : memref<8x3x1024xf32, #tpu.memory_space<vmem>>, vector<1x1x16xf32>,
      %get3A_1436 = arith.index_cast %scan3A_37 : i32 to index
      %get3A_1437 = arith.constant 320 : index
      %get3A_1438 = tpu.vector_load %arg9[%get3A_1436, %get3A_1437] {strides = array<i32>} : memref<8x1024xf32, #tpu.memory_space<vmem>>, vector<1x16xf32>,
      %get3A_1439 = vector.shape_cast %get3A_1438 : vector<1x16xf32> to vector<16xf32>
      %get3A_1440 = arith.constant 0 : i32
      %get3A_1441 = arith.index_cast %scan3A_37 : i32 to index
      %get3A_1442 = arith.index_cast %get3A_1440 : i32 to index
      %get3A_1443 = arith.constant 320 : index
      %get3A_1444 = tpu.vector_load %arg7[%get3A_1441, %get3A_1442, %get3A_1443] {strides = array<i32>} : memref<8x3x1024xf32, #tpu.memory_space<vmem>>, vector<1x1x16xf32>,
      %get3A_1445 = vector.shape_cast %get3A_1444 : vector<1x1x16xf32> to vector<16xf32>
      %get3A_1446 = arith.constant 0 : i32
      %get3A_1447 = arith.index_cast %scan3A_37 : i32 to index
      %get3A_1448 = arith.index_cast %get3A_1446 : i32 to index
      %get3A_1449 = arith.constant 320 : index
      %get3A_1450 = tpu.vector_load %arg8[%get3A_1447, %get3A_1448, %get3A_1449] {strides = array<i32>} : memref<8x3x1024xf32, #tpu.memory_space<vmem>>, vector<1x1x16xf32>,
      %get3A_1451 = vector.shape_cast %get3A_1450 : vector<1x1x16xf32> to vector<16xf32>
      %sub3A_1452 = arith.subf %get3A_1451, %get3A_1445 : vector<16xf32>
      %mul3A_1453 = arith.mulf %get3A_1439, %sub3A_1452 : vector<16xf32>
      %add3A_1454 = arith.addf %get3A_1445, %mul3A_1453 : vector<16xf32>
      %swap3A_1455 = arith.constant 0 : i32
      %swap3A_1456 = arith.index_cast %scan3A_37 : i32 to index
      %swap3A_1457 = arith.index_cast %swap3A_1455 : i32 to index
      %swap3A_1458 = arith.constant 320 : index
      %swap3A_1459 = tpu.vector_load %arg7[%swap3A_1456, %swap3A_1457, %swap3A_1458] {strides = array<i32>} : memref<8x3x1024xf32, #tpu.memory_space<vmem>>, vector<1x1x16xf32>,
      %swap3A_1460 = vector.shape_cast %swap3A_1459 : vector<1x1x16xf32> to vector<16xf32>
      %swap3A_1461 = vector.shape_cast %add3A_1454 : vector<16xf32> to vector<1x1x16xf32>
      tpu.vector_store %arg7[%swap3A_1456, %swap3A_1457, %swap3A_1458], %swap3A_1461 {strides = array<i32>} : memref<8x3x1024xf32, #tpu.memory_space<vmem>>, vector<1x1x16xf32>,
      %get3A_1462 = arith.constant 1 : i32
      %get3A_1463 = arith.index_cast %scan3A_37 : i32 to index
      %get3A_1464 = arith.index_cast %get3A_1462 : i32 to index
      %get3A_1465 = arith.constant 320 : index
      %get3A_1466 = tpu.vector_load %arg7[%get3A_1463, %get3A_1464, %get3A_1465] {strides = array<i32>} : memref<8x3x1024xf32, #tpu.memory_space<vmem>>, vector<1x1x16xf32>,
      %get3A_1467 = vector.shape_cast %get3A_1466 : vector<1x1x16xf32> to vector<16xf32>
      %get3A_1468 = arith.constant 1 : i32
      %get3A_1469 = arith.index_cast %scan3A_37 : i32 to index
      %get3A_1470 = arith.index_cast %get3A_1468 : i32 to index
      %get3A_1471 = arith.constant 320 : index
      %get3A_1472 = tpu.vector_load %arg8[%get3A_1469, %get3A_1470, %get3A_1471] {strides = array<i32>} : memref<8x3x1024xf32, #tpu.memory_space<vmem>>, vector<1x1x16xf32>,
      %get3A_1473 = vector.shape_cast %get3A_1472 : vector<1x1x16xf32> to vector<16xf32>
      %sub3A_1474 = arith.subf %get3A_1473, %get3A_1467 : vector<16xf32>
      %mul3A_1475 = arith.mulf %get3A_1439, %sub3A_1474 : vector<16xf32>
      %add3A_1476 = arith.addf %get3A_1467, %mul3A_1475 : vector<16xf32>
      %swap3A_1477 = arith.constant 1 : i32
      %swap3A_1478 = arith.index_cast %scan3A_37 : i32 to index
      %swap3A_1479 = arith.index_cast %swap3A_1477 : i32 to index
      %swap3A_1480 = arith.constant 320 : index
      %swap3A_1481 = tpu.vector_load %arg7[%swap3A_1478, %swap3A_1479, %swap3A_1480] {strides = array<i32>} : memref<8x3x1024xf32, #tpu.memory_space<vmem>>, vector<1x1x16xf32>,
      %swap3A_1482 = vector.shape_cast %swap3A_1481 : vector<1x1x16xf32> to vector<16xf32>
      %swap3A_1483 = vector.shape_cast %add3A_1476 : vector<16xf32> to vector<1x1x16xf32>
      tpu.vector_store %arg7[%swap3A_1478, %swap3A_1479, %swap3A_1480], %swap3A_1483 {strides = array<i32>} : memref<8x3x1024xf32, #tpu.memory_space<vmem>>, vector<1x1x16xf32>,
      %get3A_1484 = arith.constant 2 : i32
      %get3A_1485 = arith.index_cast %scan3A_37 : i32 to index
      %get3A_1486 = arith.index_cast %get3A_1484 : i32 to index
      %get3A_1487 = arith.constant 320 : index
      %get3A_1488 = tpu.vector_load %arg7[%get3A_1485, %get3A_1486, %get3A_1487] {strides = array<i32>} : memref<8x3x1024xf32, #tpu.memory_space<vmem>>, vector<1x1x16xf32>,
      %get3A_1489 = vector.shape_cast %get3A_1488 : vector<1x1x16xf32> to vector<16xf32>
      %get3A_1490 = arith.constant 2 : i32
      %get3A_1491 = arith.index_cast %scan3A_37 : i32 to index
      %get3A_1492 = arith.index_cast %get3A_1490 : i32 to index
      %get3A_1493 = arith.constant 320 : index
      %get3A_1494 = tpu.vector_load %arg8[%get3A_1491, %get3A_1492, %get3A_1493] {strides = array<i32>} : memref<8x3x1024xf32, #tpu.memory_space<vmem>>, vector<1x1x16xf32>,
      %get3A_1495 = vector.shape_cast %get3A_1494 : vector<1x1x16xf32> to vector<16xf32>
      %sub3A_1496 = arith.subf %get3A_1495, %get3A_1489 : vector<16xf32>
      %mul3A_1497 = arith.mulf %get3A_1439, %sub3A_1496 : vector<16xf32>
      %add3A_1498 = arith.addf %get3A_1489, %mul3A_1497 : vector<16xf32>
      %swap3A_1499 = arith.constant 2 : i32
      %swap3A_1500 = arith.index_cast %scan3A_37 : i32 to index
      %swap3A_1501 = arith.index_cast %swap3A_1499 : i32 to index
      %swap3A_1502 = arith.constant 320 : index
      %swap3A_1503 = tpu.vector_load %arg7[%swap3A_1500, %swap3A_1501, %swap3A_1502] {strides = array<i32>} : memref<8x3x1024xf32, #tpu.memory_space<vmem>>, vector<1x1x16xf32>,
      %swap3A_1504 = vector.shape_cast %swap3A_1503 : vector<1x1x16xf32> to vector<16xf32>
      %swap3A_1505 = vector.shape_cast %add3A_1498 : vector<16xf32> to vector<1x1x16xf32>
      tpu.vector_store %arg7[%swap3A_1500, %swap3A_1501, %swap3A_1502], %swap3A_1505 {strides = array<i32>} : memref<8x3x1024xf32, #tpu.memory_space<vmem>>, vector<1x1x16xf32>,
      %get3A_1506 = arith.index_cast %scan3A_37 : i32 to index
      %get3A_1507 = arith.constant 336 : index
      %get3A_1508 = tpu.vector_load %arg9[%get3A_1506, %get3A_1507] {strides = array<i32>} : memref<8x1024xf32, #tpu.memory_space<vmem>>, vector<1x16xf32>,
      %get3A_1509 = vector.shape_cast %get3A_1508 : vector<1x16xf32> to vector<16xf32>
      %get3A_1510 = arith.constant 0 : i32
      %get3A_1511 = arith.index_cast %scan3A_37 : i32 to index
      %get3A_1512 = arith.index_cast %get3A_1510 : i32 to index
      %get3A_1513 = arith.constant 336 : index
      %get3A_1514 = tpu.vector_load %arg7[%get3A_1511, %get3A_1512, %get3A_1513] {strides = array<i32>} : memref<8x3x1024xf32, #tpu.memory_space<vmem>>, vector<1x1x16xf32>,
      %get3A_1515 = vector.shape_cast %get3A_1514 : vector<1x1x16xf32> to vector<16xf32>
      %get3A_1516 = arith.constant 0 : i32
      %get3A_1517 = arith.index_cast %scan3A_37 : i32 to index
      %get3A_1518 = arith.index_cast %get3A_1516 : i32 to index
      %get3A_1519 = arith.constant 336 : index
      %get3A_1520 = tpu.vector_load %arg8[%get3A_1517, %get3A_1518, %get3A_1519] {strides = array<i32>} : memref<8x3x1024xf32, #tpu.memory_space<vmem>>, vector<1x1x16xf32>,
      %get3A_1521 = vector.shape_cast %get3A_1520 : vector<1x1x16xf32> to vector<16xf32>
      %sub3A_1522 = arith.subf %get3A_1521, %get3A_1515 : vector<16xf32>
      %mul3A_1523 = arith.mulf %get3A_1509, %sub3A_1522 : vector<16xf32>
      %add3A_1524 = arith.addf %get3A_1515, %mul3A_1523 : vector<16xf32>
      %swap3A_1525 = arith.constant 0 : i32
      %swap3A_1526 = arith.index_cast %scan3A_37 : i32 to index
      %swap3A_1527 = arith.index_cast %swap3A_1525 : i32 to index
      %swap3A_1528 = arith.constant 336 : index
      %swap3A_1529 = tpu.vector_load %arg7[%swap3A_1526, %swap3A_1527, %swap3A_1528] {strides = array<i32>} : memref<8x3x1024xf32, #tpu.memory_space<vmem>>, vector<1x1x16xf32>,
      %swap3A_1530 = vector.shape_cast %swap3A_1529 : vector<1x1x16xf32> to vector<16xf32>
      %swap3A_1531 = vector.shape_cast %add3A_1524 : vector<16xf32> to vector<1x1x16xf32>
      tpu.vector_store %arg7[%swap3A_1526, %swap3A_1527, %swap3A_1528], %swap3A_1531 {strides = array<i32>} : memref<8x3x1024xf32, #tpu.memory_space<vmem>>, vector<1x1x16xf32>,
      %get3A_1532 = arith.constant 1 : i32
      %get3A_1533 = arith.index_cast %scan3A_37 : i32 to index
      %get3A_1534 = arith.index_cast %get3A_1532 : i32 to index
      %get3A_1535 = arith.constant 336 : index
      %get3A_1536 = tpu.vector_load %arg7[%get3A_1533, %get3A_1534, %get3A_1535] {strides = array<i32>} : memref<8x3x1024xf32, #tpu.memory_space<vmem>>, vector<1x1x16xf32>,
      %get3A_1537 = vector.shape_cast %get3A_1536 : vector<1x1x16xf32> to vector<16xf32>
      %get3A_1538 = arith.constant 1 : i32
      %get3A_1539 = arith.index_cast %scan3A_37 : i32 to index
      %get3A_1540 = arith.index_cast %get3A_1538 : i32 to index
      %get3A_1541 = arith.constant 336 : index
      %get3A_1542 = tpu.vector_load %arg8[%get3A_1539, %get3A_1540, %get3A_1541] {strides = array<i32>} : memref<8x3x1024xf32, #tpu.memory_space<vmem>>, vector<1x1x16xf32>,
      %get3A_1543 = vector.shape_cast %get3A_1542 : vector<1x1x16xf32> to vector<16xf32>
      %sub3A_1544 = arith.subf %get3A_1543, %get3A_1537 : vector<16xf32>
      %mul3A_1545 = arith.mulf %get3A_1509, %sub3A_1544 : vector<16xf32>
      %add3A_1546 = arith.addf %get3A_1537, %mul3A_1545 : vector<16xf32>
      %swap3A_1547 = arith.constant 1 : i32
      %swap3A_1548 = arith.index_cast %scan3A_37 : i32 to index
      %swap3A_1549 = arith.index_cast %swap3A_1547 : i32 to index
      %swap3A_1550 = arith.constant 336 : index
      %swap3A_1551 = tpu.vector_load %arg7[%swap3A_1548, %swap3A_1549, %swap3A_1550] {strides = array<i32>} : memref<8x3x1024xf32, #tpu.memory_space<vmem>>, vector<1x1x16xf32>,
      %swap3A_1552 = vector.shape_cast %swap3A_1551 : vector<1x1x16xf32> to vector<16xf32>
      %swap3A_1553 = vector.shape_cast %add3A_1546 : vector<16xf32> to vector<1x1x16xf32>
      tpu.vector_store %arg7[%swap3A_1548, %swap3A_1549, %swap3A_1550], %swap3A_1553 {strides = array<i32>} : memref<8x3x1024xf32, #tpu.memory_space<vmem>>, vector<1x1x16xf32>,
      %get3A_1554 = arith.constant 2 : i32
      %get3A_1555 = arith.index_cast %scan3A_37 : i32 to index
      %get3A_1556 = arith.index_cast %get3A_1554 : i32 to index
      %get3A_1557 = arith.constant 336 : index
      %get3A_1558 = tpu.vector_load %arg7[%get3A_1555, %get3A_1556, %get3A_1557] {strides = array<i32>} : memref<8x3x1024xf32, #tpu.memory_space<vmem>>, vector<1x1x16xf32>,
      %get3A_1559 = vector.shape_cast %get3A_1558 : vector<1x1x16xf32> to vector<16xf32>
      %get3A_1560 = arith.constant 2 : i32
      %get3A_1561 = arith.index_cast %scan3A_37 : i32 to index
      %get3A_1562 = arith.index_cast %get3A_1560 : i32 to index
      %get3A_1563 = arith.constant 336 : index
      %get3A_1564 = tpu.vector_load %arg8[%get3A_1561, %get3A_1562, %get3A_1563] {strides = array<i32>} : memref<8x3x1024xf32, #tpu.memory_space<vmem>>, vector<1x1x16xf32>,
      %get3A_1565 = vector.shape_cast %get3A_1564 : vector<1x1x16xf32> to vector<16xf32>
      %sub3A_1566 = arith.subf %get3A_1565, %get3A_1559 : vector<16xf32>
      %mul3A_1567 = arith.mulf %get3A_1509, %sub3A_1566 : vector<16xf32>
      %add3A_1568 = arith.addf %get3A_1559, %mul3A_1567 : vector<16xf32>
      %swap3A_1569 = arith.constant 2 : i32
      %swap3A_1570 = arith.index_cast %scan3A_37 : i32 to index
      %swap3A_1571 = arith.index_cast %swap3A_1569 : i32 to index
      %swap3A_1572 = arith.constant 336 : index
      %swap3A_1573 = tpu.vector_load %arg7[%swap3A_1570, %swap3A_1571, %swap3A_1572] {strides = array<i32>} : memref<8x3x1024xf32, #tpu.memory_space<vmem>>, vector<1x1x16xf32>,
      %swap3A_1574 = vector.shape_cast %swap3A_1573 : vector<1x1x16xf32> to vector<16xf32>
      %swap3A_1575 = vector.shape_cast %add3A_1568 : vector<16xf32> to vector<1x1x16xf32>
      tpu.vector_store %arg7[%swap3A_1570, %swap3A_1571, %swap3A_1572], %swap3A_1575 {strides = array<i32>} : memref<8x3x1024xf32, #tpu.memory_space<vmem>>, vector<1x1x16xf32>,
      %get3A_1576 = arith.index_cast %scan3A_37 : i32 to index
      %get3A_1577 = arith.constant 352 : index
      %get3A_1578 = tpu.vector_load %arg9[%get3A_1576, %get3A_1577] {strides = array<i32>} : memref<8x1024xf32, #tpu.memory_space<vmem>>, vector<1x16xf32>,
      %get3A_1579 = vector.shape_cast %get3A_1578 : vector<1x16xf32> to vector<16xf32>
      %get3A_1580 = arith.constant 0 : i32
      %get3A_1581 = arith.index_cast %scan3A_37 : i32 to index
      %get3A_1582 = arith.index_cast %get3A_1580 : i32 to index
      %get3A_1583 = arith.constant 352 : index
      %get3A_1584 = tpu.vector_load %arg7[%get3A_1581, %get3A_1582, %get3A_1583] {strides = array<i32>} : memref<8x3x1024xf32, #tpu.memory_space<vmem>>, vector<1x1x16xf32>,
      %get3A_1585 = vector.shape_cast %get3A_1584 : vector<1x1x16xf32> to vector<16xf32>
      %get3A_1586 = arith.constant 0 : i32
      %get3A_1587 = arith.index_cast %scan3A_37 : i32 to index
      %get3A_1588 = arith.index_cast %get3A_1586 : i32 to index
      %get3A_1589 = arith.constant 352 : index
      %get3A_1590 = tpu.vector_load %arg8[%get3A_1587, %get3A_1588, %get3A_1589] {strides = array<i32>} : memref<8x3x1024xf32, #tpu.memory_space<vmem>>, vector<1x1x16xf32>,
      %get3A_1591 = vector.shape_cast %get3A_1590 : vector<1x1x16xf32> to vector<16xf32>
      %sub3A_1592 = arith.subf %get3A_1591, %get3A_1585 : vector<16xf32>
      %mul3A_1593 = arith.mulf %get3A_1579, %sub3A_1592 : vector<16xf32>
      %add3A_1594 = arith.addf %get3A_1585, %mul3A_1593 : vector<16xf32>
      %swap3A_1595 = arith.constant 0 : i32
      %swap3A_1596 = arith.index_cast %scan3A_37 : i32 to index
      %swap3A_1597 = arith.index_cast %swap3A_1595 : i32 to index
      %swap3A_1598 = arith.constant 352 : index
      %swap3A_1599 = tpu.vector_load %arg7[%swap3A_1596, %swap3A_1597, %swap3A_1598] {strides = array<i32>} : memref<8x3x1024xf32, #tpu.memory_space<vmem>>, vector<1x1x16xf32>,
      %swap3A_1600 = vector.shape_cast %swap3A_1599 : vector<1x1x16xf32> to vector<16xf32>
      %swap3A_1601 = vector.shape_cast %add3A_1594 : vector<16xf32> to vector<1x1x16xf32>
      tpu.vector_store %arg7[%swap3A_1596, %swap3A_1597, %swap3A_1598], %swap3A_1601 {strides = array<i32>} : memref<8x3x1024xf32, #tpu.memory_space<vmem>>, vector<1x1x16xf32>,
      %get3A_1602 = arith.constant 1 : i32
      %get3A_1603 = arith.index_cast %scan3A_37 : i32 to index
      %get3A_1604 = arith.index_cast %get3A_1602 : i32 to index
      %get3A_1605 = arith.constant 352 : index
      %get3A_1606 = tpu.vector_load %arg7[%get3A_1603, %get3A_1604, %get3A_1605] {strides = array<i32>} : memref<8x3x1024xf32, #tpu.memory_space<vmem>>, vector<1x1x16xf32>,
      %get3A_1607 = vector.shape_cast %get3A_1606 : vector<1x1x16xf32> to vector<16xf32>
      %get3A_1608 = arith.constant 1 : i32
      %get3A_1609 = arith.index_cast %scan3A_37 : i32 to index
      %get3A_1610 = arith.index_cast %get3A_1608 : i32 to index
      %get3A_1611 = arith.constant 352 : index
      %get3A_1612 = tpu.vector_load %arg8[%get3A_1609, %get3A_1610, %get3A_1611] {strides = array<i32>} : memref<8x3x1024xf32, #tpu.memory_space<vmem>>, vector<1x1x16xf32>,
      %get3A_1613 = vector.shape_cast %get3A_1612 : vector<1x1x16xf32> to vector<16xf32>
      %sub3A_1614 = arith.subf %get3A_1613, %get3A_1607 : vector<16xf32>
      %mul3A_1615 = arith.mulf %get3A_1579, %sub3A_1614 : vector<16xf32>
      %add3A_1616 = arith.addf %get3A_1607, %mul3A_1615 : vector<16xf32>
      %swap3A_1617 = arith.constant 1 : i32
      %swap3A_1618 = arith.index_cast %scan3A_37 : i32 to index
      %swap3A_1619 = arith.index_cast %swap3A_1617 : i32 to index
      %swap3A_1620 = arith.constant 352 : index
      %swap3A_1621 = tpu.vector_load %arg7[%swap3A_1618, %swap3A_1619, %swap3A_1620] {strides = array<i32>} : memref<8x3x1024xf32, #tpu.memory_space<vmem>>, vector<1x1x16xf32>,
      %swap3A_1622 = vector.shape_cast %swap3A_1621 : vector<1x1x16xf32> to vector<16xf32>
      %swap3A_1623 = vector.shape_cast %add3A_1616 : vector<16xf32> to vector<1x1x16xf32>
      tpu.vector_store %arg7[%swap3A_1618, %swap3A_1619, %swap3A_1620], %swap3A_1623 {strides = array<i32>} : memref<8x3x1024xf32, #tpu.memory_space<vmem>>, vector<1x1x16xf32>,
      %get3A_1624 = arith.constant 2 : i32
      %get3A_1625 = arith.index_cast %scan3A_37 : i32 to index
      %get3A_1626 = arith.index_cast %get3A_1624 : i32 to index
      %get3A_1627 = arith.constant 352 : index
      %get3A_1628 = tpu.vector_load %arg7[%get3A_1625, %get3A_1626, %get3A_1627] {strides = array<i32>} : memref<8x3x1024xf32, #tpu.memory_space<vmem>>, vector<1x1x16xf32>,
      %get3A_1629 = vector.shape_cast %get3A_1628 : vector<1x1x16xf32> to vector<16xf32>
      %get3A_1630 = arith.constant 2 : i32
      %get3A_1631 = arith.index_cast %scan3A_37 : i32 to index
      %get3A_1632 = arith.index_cast %get3A_1630 : i32 to index
      %get3A_1633 = arith.constant 352 : index
      %get3A_1634 = tpu.vector_load %arg8[%get3A_1631, %get3A_1632, %get3A_1633] {strides = array<i32>} : memref<8x3x1024xf32, #tpu.memory_space<vmem>>, vector<1x1x16xf32>,
      %get3A_1635 = vector.shape_cast %get3A_1634 : vector<1x1x16xf32> to vector<16xf32>
      %sub3A_1636 = arith.subf %get3A_1635, %get3A_1629 : vector<16xf32>
      %mul3A_1637 = arith.mulf %get3A_1579, %sub3A_1636 : vector<16xf32>
      %add3A_1638 = arith.addf %get3A_1629, %mul3A_1637 : vector<16xf32>
      %swap3A_1639 = arith.constant 2 : i32
      %swap3A_1640 = arith.index_cast %scan3A_37 : i32 to index
      %swap3A_1641 = arith.index_cast %swap3A_1639 : i32 to index
      %swap3A_1642 = arith.constant 352 : index
      %swap3A_1643 = tpu.vector_load %arg7[%swap3A_1640, %swap3A_1641, %swap3A_1642] {strides = array<i32>} : memref<8x3x1024xf32, #tpu.memory_space<vmem>>, vector<1x1x16xf32>,
      %swap3A_1644 = vector.shape_cast %swap3A_1643 : vector<1x1x16xf32> to vector<16xf32>
      %swap3A_1645 = vector.shape_cast %add3A_1638 : vector<16xf32> to vector<1x1x16xf32>
      tpu.vector_store %arg7[%swap3A_1640, %swap3A_1641, %swap3A_1642], %swap3A_1645 {strides = array<i32>} : memref<8x3x1024xf32, #tpu.memory_space<vmem>>, vector<1x1x16xf32>,
      %get3A_1646 = arith.index_cast %scan3A_37 : i32 to index
      %get3A_1647 = arith.constant 368 : index
      %get3A_1648 = tpu.vector_load %arg9[%get3A_1646, %get3A_1647] {strides = array<i32>} : memref<8x1024xf32, #tpu.memory_space<vmem>>, vector<1x16xf32>,
      %get3A_1649 = vector.shape_cast %get3A_1648 : vector<1x16xf32> to vector<16xf32>
      %get3A_1650 = arith.constant 0 : i32
      %get3A_1651 = arith.index_cast %scan3A_37 : i32 to index
      %get3A_1652 = arith.index_cast %get3A_1650 : i32 to index
      %get3A_1653 = arith.constant 368 : index
      %get3A_1654 = tpu.vector_load %arg7[%get3A_1651, %get3A_1652, %get3A_1653] {strides = array<i32>} : memref<8x3x1024xf32, #tpu.memory_space<vmem>>, vector<1x1x16xf32>,
      %get3A_1655 = vector.shape_cast %get3A_1654 : vector<1x1x16xf32> to vector<16xf32>
      %get3A_1656 = arith.constant 0 : i32
      %get3A_1657 = arith.index_cast %scan3A_37 : i32 to index
      %get3A_1658 = arith.index_cast %get3A_1656 : i32 to index
      %get3A_1659 = arith.constant 368 : index
      %get3A_1660 = tpu.vector_load %arg8[%get3A_1657, %get3A_1658, %get3A_1659] {strides = array<i32>} : memref<8x3x1024xf32, #tpu.memory_space<vmem>>, vector<1x1x16xf32>,
      %get3A_1661 = vector.shape_cast %get3A_1660 : vector<1x1x16xf32> to vector<16xf32>
      %sub3A_1662 = arith.subf %get3A_1661, %get3A_1655 : vector<16xf32>
      %mul3A_1663 = arith.mulf %get3A_1649, %sub3A_1662 : vector<16xf32>
      %add3A_1664 = arith.addf %get3A_1655, %mul3A_1663 : vector<16xf32>
      %swap3A_1665 = arith.constant 0 : i32
      %swap3A_1666 = arith.index_cast %scan3A_37 : i32 to index
      %swap3A_1667 = arith.index_cast %swap3A_1665 : i32 to index
      %swap3A_1668 = arith.constant 368 : index
      %swap3A_1669 = tpu.vector_load %arg7[%swap3A_1666, %swap3A_1667, %swap3A_1668] {strides = array<i32>} : memref<8x3x1024xf32, #tpu.memory_space<vmem>>, vector<1x1x16xf32>,
      %swap3A_1670 = vector.shape_cast %swap3A_1669 : vector<1x1x16xf32> to vector<16xf32>
      %swap3A_1671 = vector.shape_cast %add3A_1664 : vector<16xf32> to vector<1x1x16xf32>
      tpu.vector_store %arg7[%swap3A_1666, %swap3A_1667, %swap3A_1668], %swap3A_1671 {strides = array<i32>} : memref<8x3x1024xf32, #tpu.memory_space<vmem>>, vector<1x1x16xf32>,
      %get3A_1672 = arith.constant 1 : i32
      %get3A_1673 = arith.index_cast %scan3A_37 : i32 to index
      %get3A_1674 = arith.index_cast %get3A_1672 : i32 to index
      %get3A_1675 = arith.constant 368 : index
      %get3A_1676 = tpu.vector_load %arg7[%get3A_1673, %get3A_1674, %get3A_1675] {strides = array<i32>} : memref<8x3x1024xf32, #tpu.memory_space<vmem>>, vector<1x1x16xf32>,
      %get3A_1677 = vector.shape_cast %get3A_1676 : vector<1x1x16xf32> to vector<16xf32>
      %get3A_1678 = arith.constant 1 : i32
      %get3A_1679 = arith.index_cast %scan3A_37 : i32 to index
      %get3A_1680 = arith.index_cast %get3A_1678 : i32 to index
      %get3A_1681 = arith.constant 368 : index
      %get3A_1682 = tpu.vector_load %arg8[%get3A_1679, %get3A_1680, %get3A_1681] {strides = array<i32>} : memref<8x3x1024xf32, #tpu.memory_space<vmem>>, vector<1x1x16xf32>,
      %get3A_1683 = vector.shape_cast %get3A_1682 : vector<1x1x16xf32> to vector<16xf32>
      %sub3A_1684 = arith.subf %get3A_1683, %get3A_1677 : vector<16xf32>
      %mul3A_1685 = arith.mulf %get3A_1649, %sub3A_1684 : vector<16xf32>
      %add3A_1686 = arith.addf %get3A_1677, %mul3A_1685 : vector<16xf32>
      %swap3A_1687 = arith.constant 1 : i32
      %swap3A_1688 = arith.index_cast %scan3A_37 : i32 to index
      %swap3A_1689 = arith.index_cast %swap3A_1687 : i32 to index
      %swap3A_1690 = arith.constant 368 : index
      %swap3A_1691 = tpu.vector_load %arg7[%swap3A_1688, %swap3A_1689, %swap3A_1690] {strides = array<i32>} : memref<8x3x1024xf32, #tpu.memory_space<vmem>>, vector<1x1x16xf32>,
      %swap3A_1692 = vector.shape_cast %swap3A_1691 : vector<1x1x16xf32> to vector<16xf32>
      %swap3A_1693 = vector.shape_cast %add3A_1686 : vector<16xf32> to vector<1x1x16xf32>
      tpu.vector_store %arg7[%swap3A_1688, %swap3A_1689, %swap3A_1690], %swap3A_1693 {strides = array<i32>} : memref<8x3x1024xf32, #tpu.memory_space<vmem>>, vector<1x1x16xf32>,
      %get3A_1694 = arith.constant 2 : i32
      %get3A_1695 = arith.index_cast %scan3A_37 : i32 to index
      %get3A_1696 = arith.index_cast %get3A_1694 : i32 to index
      %get3A_1697 = arith.constant 368 : index
      %get3A_1698 = tpu.vector_load %arg7[%get3A_1695, %get3A_1696, %get3A_1697] {strides = array<i32>} : memref<8x3x1024xf32, #tpu.memory_space<vmem>>, vector<1x1x16xf32>,
      %get3A_1699 = vector.shape_cast %get3A_1698 : vector<1x1x16xf32> to vector<16xf32>
      %get3A_1700 = arith.constant 2 : i32
      %get3A_1701 = arith.index_cast %scan3A_37 : i32 to index
      %get3A_1702 = arith.index_cast %get3A_1700 : i32 to index
      %get3A_1703 = arith.constant 368 : index
      %get3A_1704 = tpu.vector_load %arg8[%get3A_1701, %get3A_1702, %get3A_1703] {strides = array<i32>} : memref<8x3x1024xf32, #tpu.memory_space<vmem>>, vector<1x1x16xf32>,
      %get3A_1705 = vector.shape_cast %get3A_1704 : vector<1x1x16xf32> to vector<16xf32>
      %sub3A_1706 = arith.subf %get3A_1705, %get3A_1699 : vector<16xf32>
      %mul3A_1707 = arith.mulf %get3A_1649, %sub3A_1706 : vector<16xf32>
      %add3A_1708 = arith.addf %get3A_1699, %mul3A_1707 : vector<16xf32>
      %swap3A_1709 = arith.constant 2 : i32
      %swap3A_1710 = arith.index_cast %scan3A_37 : i32 to index
      %swap3A_1711 = arith.index_cast %swap3A_1709 : i32 to index
      %swap3A_1712 = arith.constant 368 : index
      %swap3A_1713 = tpu.vector_load %arg7[%swap3A_1710, %swap3A_1711, %swap3A_1712] {strides = array<i32>} : memref<8x3x1024xf32, #tpu.memory_space<vmem>>, vector<1x1x16xf32>,
      %swap3A_1714 = vector.shape_cast %swap3A_1713 : vector<1x1x16xf32> to vector<16xf32>
      %swap3A_1715 = vector.shape_cast %add3A_1708 : vector<16xf32> to vector<1x1x16xf32>
      tpu.vector_store %arg7[%swap3A_1710, %swap3A_1711, %swap3A_1712], %swap3A_1715 {strides = array<i32>} : memref<8x3x1024xf32, #tpu.memory_space<vmem>>, vector<1x1x16xf32>,
      %get3A_1716 = arith.index_cast %scan3A_37 : i32 to index
      %get3A_1717 = arith.constant 384 : index
      %get3A_1718 = tpu.vector_load %arg9[%get3A_1716, %get3A_1717] {strides = array<i32>} : memref<8x1024xf32, #tpu.memory_space<vmem>>, vector<1x16xf32>,
      %get3A_1719 = vector.shape_cast %get3A_1718 : vector<1x16xf32> to vector<16xf32>
      %get3A_1720 = arith.constant 0 : i32
      %get3A_1721 = arith.index_cast %scan3A_37 : i32 to index
      %get3A_1722 = arith.index_cast %get3A_1720 : i32 to index
      %get3A_1723 = arith.constant 384 : index
      %get3A_1724 = tpu.vector_load %arg7[%get3A_1721, %get3A_1722, %get3A_1723] {strides = array<i32>} : memref<8x3x1024xf32, #tpu.memory_space<vmem>>, vector<1x1x16xf32>,
      %get3A_1725 = vector.shape_cast %get3A_1724 : vector<1x1x16xf32> to vector<16xf32>
      %get3A_1726 = arith.constant 0 : i32
      %get3A_1727 = arith.index_cast %scan3A_37 : i32 to index
      %get3A_1728 = arith.index_cast %get3A_1726 : i32 to index
      %get3A_1729 = arith.constant 384 : index
      %get3A_1730 = tpu.vector_load %arg8[%get3A_1727, %get3A_1728, %get3A_1729] {strides = array<i32>} : memref<8x3x1024xf32, #tpu.memory_space<vmem>>, vector<1x1x16xf32>,
      %get3A_1731 = vector.shape_cast %get3A_1730 : vector<1x1x16xf32> to vector<16xf32>
      %sub3A_1732 = arith.subf %get3A_1731, %get3A_1725 : vector<16xf32>
      %mul3A_1733 = arith.mulf %get3A_1719, %sub3A_1732 : vector<16xf32>
      %add3A_1734 = arith.addf %get3A_1725, %mul3A_1733 : vector<16xf32>
      %swap3A_1735 = arith.constant 0 : i32
      %swap3A_1736 = arith.index_cast %scan3A_37 : i32 to index
      %swap3A_1737 = arith.index_cast %swap3A_1735 : i32 to index
      %swap3A_1738 = arith.constant 384 : index
      %swap3A_1739 = tpu.vector_load %arg7[%swap3A_1736, %swap3A_1737, %swap3A_1738] {strides = array<i32>} : memref<8x3x1024xf32, #tpu.memory_space<vmem>>, vector<1x1x16xf32>,
      %swap3A_1740 = vector.shape_cast %swap3A_1739 : vector<1x1x16xf32> to vector<16xf32>
      %swap3A_1741 = vector.shape_cast %add3A_1734 : vector<16xf32> to vector<1x1x16xf32>
      tpu.vector_store %arg7[%swap3A_1736, %swap3A_1737, %swap3A_1738], %swap3A_1741 {strides = array<i32>} : memref<8x3x1024xf32, #tpu.memory_space<vmem>>, vector<1x1x16xf32>,
      %get3A_1742 = arith.constant 1 : i32
      %get3A_1743 = arith.index_cast %scan3A_37 : i32 to index
      %get3A_1744 = arith.index_cast %get3A_1742 : i32 to index
      %get3A_1745 = arith.constant 384 : index
      %get3A_1746 = tpu.vector_load %arg7[%get3A_1743, %get3A_1744, %get3A_1745] {strides = array<i32>} : memref<8x3x1024xf32, #tpu.memory_space<vmem>>, vector<1x1x16xf32>,
      %get3A_1747 = vector.shape_cast %get3A_1746 : vector<1x1x16xf32> to vector<16xf32>
      %get3A_1748 = arith.constant 1 : i32
      %get3A_1749 = arith.index_cast %scan3A_37 : i32 to index
      %get3A_1750 = arith.index_cast %get3A_1748 : i32 to index
      %get3A_1751 = arith.constant 384 : index
      %get3A_1752 = tpu.vector_load %arg8[%get3A_1749, %get3A_1750, %get3A_1751] {strides = array<i32>} : memref<8x3x1024xf32, #tpu.memory_space<vmem>>, vector<1x1x16xf32>,
      %get3A_1753 = vector.shape_cast %get3A_1752 : vector<1x1x16xf32> to vector<16xf32>
      %sub3A_1754 = arith.subf %get3A_1753, %get3A_1747 : vector<16xf32>
      %mul3A_1755 = arith.mulf %get3A_1719, %sub3A_1754 : vector<16xf32>
      %add3A_1756 = arith.addf %get3A_1747, %mul3A_1755 : vector<16xf32>
      %swap3A_1757 = arith.constant 1 : i32
      %swap3A_1758 = arith.index_cast %scan3A_37 : i32 to index
      %swap3A_1759 = arith.index_cast %swap3A_1757 : i32 to index
      %swap3A_1760 = arith.constant 384 : index
      %swap3A_1761 = tpu.vector_load %arg7[%swap3A_1758, %swap3A_1759, %swap3A_1760] {strides = array<i32>} : memref<8x3x1024xf32, #tpu.memory_space<vmem>>, vector<1x1x16xf32>,
      %swap3A_1762 = vector.shape_cast %swap3A_1761 : vector<1x1x16xf32> to vector<16xf32>
      %swap3A_1763 = vector.shape_cast %add3A_1756 : vector<16xf32> to vector<1x1x16xf32>
      tpu.vector_store %arg7[%swap3A_1758, %swap3A_1759, %swap3A_1760], %swap3A_1763 {strides = array<i32>} : memref<8x3x1024xf32, #tpu.memory_space<vmem>>, vector<1x1x16xf32>,
      %get3A_1764 = arith.constant 2 : i32
      %get3A_1765 = arith.index_cast %scan3A_37 : i32 to index
      %get3A_1766 = arith.index_cast %get3A_1764 : i32 to index
      %get3A_1767 = arith.constant 384 : index
      %get3A_1768 = tpu.vector_load %arg7[%get3A_1765, %get3A_1766, %get3A_1767] {strides = array<i32>} : memref<8x3x1024xf32, #tpu.memory_space<vmem>>, vector<1x1x16xf32>,
      %get3A_1769 = vector.shape_cast %get3A_1768 : vector<1x1x16xf32> to vector<16xf32>
      %get3A_1770 = arith.constant 2 : i32
      %get3A_1771 = arith.index_cast %scan3A_37 : i32 to index
      %get3A_1772 = arith.index_cast %get3A_1770 : i32 to index
      %get3A_1773 = arith.constant 384 : index
      %get3A_1774 = tpu.vector_load %arg8[%get3A_1771, %get3A_1772, %get3A_1773] {strides = array<i32>} : memref<8x3x1024xf32, #tpu.memory_space<vmem>>, vector<1x1x16xf32>,
      %get3A_1775 = vector.shape_cast %get3A_1774 : vector<1x1x16xf32> to vector<16xf32>
      %sub3A_1776 = arith.subf %get3A_1775, %get3A_1769 : vector<16xf32>
      %mul3A_1777 = arith.mulf %get3A_1719, %sub3A_1776 : vector<16xf32>
      %add3A_1778 = arith.addf %get3A_1769, %mul3A_1777 : vector<16xf32>
      %swap3A_1779 = arith.constant 2 : i32
      %swap3A_1780 = arith.index_cast %scan3A_37 : i32 to index
      %swap3A_1781 = arith.index_cast %swap3A_1779 : i32 to index
      %swap3A_1782 = arith.constant 384 : index
      %swap3A_1783 = tpu.vector_load %arg7[%swap3A_1780, %swap3A_1781, %swap3A_1782] {strides = array<i32>} : memref<8x3x1024xf32, #tpu.memory_space<vmem>>, vector<1x1x16xf32>,
      %swap3A_1784 = vector.shape_cast %swap3A_1783 : vector<1x1x16xf32> to vector<16xf32>
      %swap3A_1785 = vector.shape_cast %add3A_1778 : vector<16xf32> to vector<1x1x16xf32>
      tpu.vector_store %arg7[%swap3A_1780, %swap3A_1781, %swap3A_1782], %swap3A_1785 {strides = array<i32>} : memref<8x3x1024xf32, #tpu.memory_space<vmem>>, vector<1x1x16xf32>,
      %get3A_1786 = arith.index_cast %scan3A_37 : i32 to index
      %get3A_1787 = arith.constant 400 : index
      %get3A_1788 = tpu.vector_load %arg9[%get3A_1786, %get3A_1787] {strides = array<i32>} : memref<8x1024xf32, #tpu.memory_space<vmem>>, vector<1x16xf32>,
      %get3A_1789 = vector.shape_cast %get3A_1788 : vector<1x16xf32> to vector<16xf32>
      %get3A_1790 = arith.constant 0 : i32
      %get3A_1791 = arith.index_cast %scan3A_37 : i32 to index
      %get3A_1792 = arith.index_cast %get3A_1790 : i32 to index
      %get3A_1793 = arith.constant 400 : index
      %get3A_1794 = tpu.vector_load %arg7[%get3A_1791, %get3A_1792, %get3A_1793] {strides = array<i32>} : memref<8x3x1024xf32, #tpu.memory_space<vmem>>, vector<1x1x16xf32>,
      %get3A_1795 = vector.shape_cast %get3A_1794 : vector<1x1x16xf32> to vector<16xf32>
      %get3A_1796 = arith.constant 0 : i32
      %get3A_1797 = arith.index_cast %scan3A_37 : i32 to index
      %get3A_1798 = arith.index_cast %get3A_1796 : i32 to index
      %get3A_1799 = arith.constant 400 : index
      %get3A_1800 = tpu.vector_load %arg8[%get3A_1797, %get3A_1798, %get3A_1799] {strides = array<i32>} : memref<8x3x1024xf32, #tpu.memory_space<vmem>>, vector<1x1x16xf32>,
      %get3A_1801 = vector.shape_cast %get3A_1800 : vector<1x1x16xf32> to vector<16xf32>
      %sub3A_1802 = arith.subf %get3A_1801, %get3A_1795 : vector<16xf32>
      %mul3A_1803 = arith.mulf %get3A_1789, %sub3A_1802 : vector<16xf32>
      %add3A_1804 = arith.addf %get3A_1795, %mul3A_1803 : vector<16xf32>
      %swap3A_1805 = arith.constant 0 : i32
      %swap3A_1806 = arith.index_cast %scan3A_37 : i32 to index
      %swap3A_1807 = arith.index_cast %swap3A_1805 : i32 to index
      %swap3A_1808 = arith.constant 400 : index
      %swap3A_1809 = tpu.vector_load %arg7[%swap3A_1806, %swap3A_1807, %swap3A_1808] {strides = array<i32>} : memref<8x3x1024xf32, #tpu.memory_space<vmem>>, vector<1x1x16xf32>,
      %swap3A_1810 = vector.shape_cast %swap3A_1809 : vector<1x1x16xf32> to vector<16xf32>
      %swap3A_1811 = vector.shape_cast %add3A_1804 : vector<16xf32> to vector<1x1x16xf32>
      tpu.vector_store %arg7[%swap3A_1806, %swap3A_1807, %swap3A_1808], %swap3A_1811 {strides = array<i32>} : memref<8x3x1024xf32, #tpu.memory_space<vmem>>, vector<1x1x16xf32>,
      %get3A_1812 = arith.constant 1 : i32
      %get3A_1813 = arith.index_cast %scan3A_37 : i32 to index
      %get3A_1814 = arith.index_cast %get3A_1812 : i32 to index
      %get3A_1815 = arith.constant 400 : index
      %get3A_1816 = tpu.vector_load %arg7[%get3A_1813, %get3A_1814, %get3A_1815] {strides = array<i32>} : memref<8x3x1024xf32, #tpu.memory_space<vmem>>, vector<1x1x16xf32>,
      %get3A_1817 = vector.shape_cast %get3A_1816 : vector<1x1x16xf32> to vector<16xf32>
      %get3A_1818 = arith.constant 1 : i32
      %get3A_1819 = arith.index_cast %scan3A_37 : i32 to index
      %get3A_1820 = arith.index_cast %get3A_1818 : i32 to index
      %get3A_1821 = arith.constant 400 : index
      %get3A_1822 = tpu.vector_load %arg8[%get3A_1819, %get3A_1820, %get3A_1821] {strides = array<i32>} : memref<8x3x1024xf32, #tpu.memory_space<vmem>>, vector<1x1x16xf32>,
      %get3A_1823 = vector.shape_cast %get3A_1822 : vector<1x1x16xf32> to vector<16xf32>
      %sub3A_1824 = arith.subf %get3A_1823, %get3A_1817 : vector<16xf32>
      %mul3A_1825 = arith.mulf %get3A_1789, %sub3A_1824 : vector<16xf32>
      %add3A_1826 = arith.addf %get3A_1817, %mul3A_1825 : vector<16xf32>
      %swap3A_1827 = arith.constant 1 : i32
      %swap3A_1828 = arith.index_cast %scan3A_37 : i32 to index
      %swap3A_1829 = arith.index_cast %swap3A_1827 : i32 to index
      %swap3A_1830 = arith.constant 400 : index
      %swap3A_1831 = tpu.vector_load %arg7[%swap3A_1828, %swap3A_1829, %swap3A_1830] {strides = array<i32>} : memref<8x3x1024xf32, #tpu.memory_space<vmem>>, vector<1x1x16xf32>,
      %swap3A_1832 = vector.shape_cast %swap3A_1831 : vector<1x1x16xf32> to vector<16xf32>
      %swap3A_1833 = vector.shape_cast %add3A_1826 : vector<16xf32> to vector<1x1x16xf32>
      tpu.vector_store %arg7[%swap3A_1828, %swap3A_1829, %swap3A_1830], %swap3A_1833 {strides = array<i32>} : memref<8x3x1024xf32, #tpu.memory_space<vmem>>, vector<1x1x16xf32>,
      %get3A_1834 = arith.constant 2 : i32
      %get3A_1835 = arith.index_cast %scan3A_37 : i32 to index
      %get3A_1836 = arith.index_cast %get3A_1834 : i32 to index
      %get3A_1837 = arith.constant 400 : index
      %get3A_1838 = tpu.vector_load %arg7[%get3A_1835, %get3A_1836, %get3A_1837] {strides = array<i32>} : memref<8x3x1024xf32, #tpu.memory_space<vmem>>, vector<1x1x16xf32>,
      %get3A_1839 = vector.shape_cast %get3A_1838 : vector<1x1x16xf32> to vector<16xf32>
      %get3A_1840 = arith.constant 2 : i32
      %get3A_1841 = arith.index_cast %scan3A_37 : i32 to index
      %get3A_1842 = arith.index_cast %get3A_1840 : i32 to index
      %get3A_1843 = arith.constant 400 : index
      %get3A_1844 = tpu.vector_load %arg8[%get3A_1841, %get3A_1842, %get3A_1843] {strides = array<i32>} : memref<8x3x1024xf32, #tpu.memory_space<vmem>>, vector<1x1x16xf32>,
      %get3A_1845 = vector.shape_cast %get3A_1844 : vector<1x1x16xf32> to vector<16xf32>
      %sub3A_1846 = arith.subf %get3A_1845, %get3A_1839 : vector<16xf32>
      %mul3A_1847 = arith.mulf %get3A_1789, %sub3A_1846 : vector<16xf32>
      %add3A_1848 = arith.addf %get3A_1839, %mul3A_1847 : vector<16xf32>
      %swap3A_1849 = arith.constant 2 : i32
      %swap3A_1850 = arith.index_cast %scan3A_37 : i32 to index
      %swap3A_1851 = arith.index_cast %swap3A_1849 : i32 to index
      %swap3A_1852 = arith.constant 400 : index
      %swap3A_1853 = tpu.vector_load %arg7[%swap3A_1850, %swap3A_1851, %swap3A_1852] {strides = array<i32>} : memref<8x3x1024xf32, #tpu.memory_space<vmem>>, vector<1x1x16xf32>,
      %swap3A_1854 = vector.shape_cast %swap3A_1853 : vector<1x1x16xf32> to vector<16xf32>
      %swap3A_1855 = vector.shape_cast %add3A_1848 : vector<16xf32> to vector<1x1x16xf32>
      tpu.vector_store %arg7[%swap3A_1850, %swap3A_1851, %swap3A_1852], %swap3A_1855 {strides = array<i32>} : memref<8x3x1024xf32, #tpu.memory_space<vmem>>, vector<1x1x16xf32>,
      %get3A_1856 = arith.index_cast %scan3A_37 : i32 to index
      %get3A_1857 = arith.constant 416 : index
      %get3A_1858 = tpu.vector_load %arg9[%get3A_1856, %get3A_1857] {strides = array<i32>} : memref<8x1024xf32, #tpu.memory_space<vmem>>, vector<1x16xf32>,
      %get3A_1859 = vector.shape_cast %get3A_1858 : vector<1x16xf32> to vector<16xf32>
      %get3A_1860 = arith.constant 0 : i32
      %get3A_1861 = arith.index_cast %scan3A_37 : i32 to index
      %get3A_1862 = arith.index_cast %get3A_1860 : i32 to index
      %get3A_1863 = arith.constant 416 : index
      %get3A_1864 = tpu.vector_load %arg7[%get3A_1861, %get3A_1862, %get3A_1863] {strides = array<i32>} : memref<8x3x1024xf32, #tpu.memory_space<vmem>>, vector<1x1x16xf32>,
      %get3A_1865 = vector.shape_cast %get3A_1864 : vector<1x1x16xf32> to vector<16xf32>
      %get3A_1866 = arith.constant 0 : i32
      %get3A_1867 = arith.index_cast %scan3A_37 : i32 to index
      %get3A_1868 = arith.index_cast %get3A_1866 : i32 to index
      %get3A_1869 = arith.constant 416 : index
      %get3A_1870 = tpu.vector_load %arg8[%get3A_1867, %get3A_1868, %get3A_1869] {strides = array<i32>} : memref<8x3x1024xf32, #tpu.memory_space<vmem>>, vector<1x1x16xf32>,
      %get3A_1871 = vector.shape_cast %get3A_1870 : vector<1x1x16xf32> to vector<16xf32>
      %sub3A_1872 = arith.subf %get3A_1871, %get3A_1865 : vector<16xf32>
      %mul3A_1873 = arith.mulf %get3A_1859, %sub3A_1872 : vector<16xf32>
      %add3A_1874 = arith.addf %get3A_1865, %mul3A_1873 : vector<16xf32>
      %swap3A_1875 = arith.constant 0 : i32
      %swap3A_1876 = arith.index_cast %scan3A_37 : i32 to index
      %swap3A_1877 = arith.index_cast %swap3A_1875 : i32 to index
      %swap3A_1878 = arith.constant 416 : index
      %swap3A_1879 = tpu.vector_load %arg7[%swap3A_1876, %swap3A_1877, %swap3A_1878] {strides = array<i32>} : memref<8x3x1024xf32, #tpu.memory_space<vmem>>, vector<1x1x16xf32>,
      %swap3A_1880 = vector.shape_cast %swap3A_1879 : vector<1x1x16xf32> to vector<16xf32>
      %swap3A_1881 = vector.shape_cast %add3A_1874 : vector<16xf32> to vector<1x1x16xf32>
      tpu.vector_store %arg7[%swap3A_1876, %swap3A_1877, %swap3A_1878], %swap3A_1881 {strides = array<i32>} : memref<8x3x1024xf32, #tpu.memory_space<vmem>>, vector<1x1x16xf32>,
      %get3A_1882 = arith.constant 1 : i32
      %get3A_1883 = arith.index_cast %scan3A_37 : i32 to index
      %get3A_1884 = arith.index_cast %get3A_1882 : i32 to index
      %get3A_1885 = arith.constant 416 : index
      %get3A_1886 = tpu.vector_load %arg7[%get3A_1883, %get3A_1884, %get3A_1885] {strides = array<i32>} : memref<8x3x1024xf32, #tpu.memory_space<vmem>>, vector<1x1x16xf32>,
      %get3A_1887 = vector.shape_cast %get3A_1886 : vector<1x1x16xf32> to vector<16xf32>
      %get3A_1888 = arith.constant 1 : i32
      %get3A_1889 = arith.index_cast %scan3A_37 : i32 to index
      %get3A_1890 = arith.index_cast %get3A_1888 : i32 to index
      %get3A_1891 = arith.constant 416 : index
      %get3A_1892 = tpu.vector_load %arg8[%get3A_1889, %get3A_1890, %get3A_1891] {strides = array<i32>} : memref<8x3x1024xf32, #tpu.memory_space<vmem>>, vector<1x1x16xf32>,
      %get3A_1893 = vector.shape_cast %get3A_1892 : vector<1x1x16xf32> to vector<16xf32>
      %sub3A_1894 = arith.subf %get3A_1893, %get3A_1887 : vector<16xf32>
      %mul3A_1895 = arith.mulf %get3A_1859, %sub3A_1894 : vector<16xf32>
      %add3A_1896 = arith.addf %get3A_1887, %mul3A_1895 : vector<16xf32>
      %swap3A_1897 = arith.constant 1 : i32
      %swap3A_1898 = arith.index_cast %scan3A_37 : i32 to index
      %swap3A_1899 = arith.index_cast %swap3A_1897 : i32 to index
      %swap3A_1900 = arith.constant 416 : index
      %swap3A_1901 = tpu.vector_load %arg7[%swap3A_1898, %swap3A_1899, %swap3A_1900] {strides = array<i32>} : memref<8x3x1024xf32, #tpu.memory_space<vmem>>, vector<1x1x16xf32>,
      %swap3A_1902 = vector.shape_cast %swap3A_1901 : vector<1x1x16xf32> to vector<16xf32>
      %swap3A_1903 = vector.shape_cast %add3A_1896 : vector<16xf32> to vector<1x1x16xf32>
      tpu.vector_store %arg7[%swap3A_1898, %swap3A_1899, %swap3A_1900], %swap3A_1903 {strides = array<i32>} : memref<8x3x1024xf32, #tpu.memory_space<vmem>>, vector<1x1x16xf32>,
      %get3A_1904 = arith.constant 2 : i32
      %get3A_1905 = arith.index_cast %scan3A_37 : i32 to index
      %get3A_1906 = arith.index_cast %get3A_1904 : i32 to index
      %get3A_1907 = arith.constant 416 : index
      %get3A_1908 = tpu.vector_load %arg7[%get3A_1905, %get3A_1906, %get3A_1907] {strides = array<i32>} : memref<8x3x1024xf32, #tpu.memory_space<vmem>>, vector<1x1x16xf32>,
      %get3A_1909 = vector.shape_cast %get3A_1908 : vector<1x1x16xf32> to vector<16xf32>
      %get3A_1910 = arith.constant 2 : i32
      %get3A_1911 = arith.index_cast %scan3A_37 : i32 to index
      %get3A_1912 = arith.index_cast %get3A_1910 : i32 to index
      %get3A_1913 = arith.constant 416 : index
      %get3A_1914 = tpu.vector_load %arg8[%get3A_1911, %get3A_1912, %get3A_1913] {strides = array<i32>} : memref<8x3x1024xf32, #tpu.memory_space<vmem>>, vector<1x1x16xf32>,
      %get3A_1915 = vector.shape_cast %get3A_1914 : vector<1x1x16xf32> to vector<16xf32>
      %sub3A_1916 = arith.subf %get3A_1915, %get3A_1909 : vector<16xf32>
      %mul3A_1917 = arith.mulf %get3A_1859, %sub3A_1916 : vector<16xf32>
      %add3A_1918 = arith.addf %get3A_1909, %mul3A_1917 : vector<16xf32>
      %swap3A_1919 = arith.constant 2 : i32
      %swap3A_1920 = arith.index_cast %scan3A_37 : i32 to index
      %swap3A_1921 = arith.index_cast %swap3A_1919 : i32 to index
      %swap3A_1922 = arith.constant 416 : index
      %swap3A_1923 = tpu.vector_load %arg7[%swap3A_1920, %swap3A_1921, %swap3A_1922] {strides = array<i32>} : memref<8x3x1024xf32, #tpu.memory_space<vmem>>, vector<1x1x16xf32>,
      %swap3A_1924 = vector.shape_cast %swap3A_1923 : vector<1x1x16xf32> to vector<16xf32>
      %swap3A_1925 = vector.shape_cast %add3A_1918 : vector<16xf32> to vector<1x1x16xf32>
      tpu.vector_store %arg7[%swap3A_1920, %swap3A_1921, %swap3A_1922], %swap3A_1925 {strides = array<i32>} : memref<8x3x1024xf32, #tpu.memory_space<vmem>>, vector<1x1x16xf32>,
      %get3A_1926 = arith.index_cast %scan3A_37 : i32 to index
      %get3A_1927 = arith.constant 432 : index
      %get3A_1928 = tpu.vector_load %arg9[%get3A_1926, %get3A_1927] {strides = array<i32>} : memref<8x1024xf32, #tpu.memory_space<vmem>>, vector<1x16xf32>,
      %get3A_1929 = vector.shape_cast %get3A_1928 : vector<1x16xf32> to vector<16xf32>
      %get3A_1930 = arith.constant 0 : i32
      %get3A_1931 = arith.index_cast %scan3A_37 : i32 to index
      %get3A_1932 = arith.index_cast %get3A_1930 : i32 to index
      %get3A_1933 = arith.constant 432 : index
      %get3A_1934 = tpu.vector_load %arg7[%get3A_1931, %get3A_1932, %get3A_1933] {strides = array<i32>} : memref<8x3x1024xf32, #tpu.memory_space<vmem>>, vector<1x1x16xf32>,
      %get3A_1935 = vector.shape_cast %get3A_1934 : vector<1x1x16xf32> to vector<16xf32>
      %get3A_1936 = arith.constant 0 : i32
      %get3A_1937 = arith.index_cast %scan3A_37 : i32 to index
      %get3A_1938 = arith.index_cast %get3A_1936 : i32 to index
      %get3A_1939 = arith.constant 432 : index
      %get3A_1940 = tpu.vector_load %arg8[%get3A_1937, %get3A_1938, %get3A_1939] {strides = array<i32>} : memref<8x3x1024xf32, #tpu.memory_space<vmem>>, vector<1x1x16xf32>,
      %get3A_1941 = vector.shape_cast %get3A_1940 : vector<1x1x16xf32> to vector<16xf32>
      %sub3A_1942 = arith.subf %get3A_1941, %get3A_1935 : vector<16xf32>
      %mul3A_1943 = arith.mulf %get3A_1929, %sub3A_1942 : vector<16xf32>
      %add3A_1944 = arith.addf %get3A_1935, %mul3A_1943 : vector<16xf32>
      %swap3A_1945 = arith.constant 0 : i32
      %swap3A_1946 = arith.index_cast %scan3A_37 : i32 to index
      %swap3A_1947 = arith.index_cast %swap3A_1945 : i32 to index
      %swap3A_1948 = arith.constant 432 : index
      %swap3A_1949 = tpu.vector_load %arg7[%swap3A_1946, %swap3A_1947, %swap3A_1948] {strides = array<i32>} : memref<8x3x1024xf32, #tpu.memory_space<vmem>>, vector<1x1x16xf32>,
      %swap3A_1950 = vector.shape_cast %swap3A_1949 : vector<1x1x16xf32> to vector<16xf32>
      %swap3A_1951 = vector.shape_cast %add3A_1944 : vector<16xf32> to vector<1x1x16xf32>
      tpu.vector_store %arg7[%swap3A_1946, %swap3A_1947, %swap3A_1948], %swap3A_1951 {strides = array<i32>} : memref<8x3x1024xf32, #tpu.memory_space<vmem>>, vector<1x1x16xf32>,
      %get3A_1952 = arith.constant 1 : i32
      %get3A_1953 = arith.index_cast %scan3A_37 : i32 to index
      %get3A_1954 = arith.index_cast %get3A_1952 : i32 to index
      %get3A_1955 = arith.constant 432 : index
      %get3A_1956 = tpu.vector_load %arg7[%get3A_1953, %get3A_1954, %get3A_1955] {strides = array<i32>} : memref<8x3x1024xf32, #tpu.memory_space<vmem>>, vector<1x1x16xf32>,
      %get3A_1957 = vector.shape_cast %get3A_1956 : vector<1x1x16xf32> to vector<16xf32>
      %get3A_1958 = arith.constant 1 : i32
      %get3A_1959 = arith.index_cast %scan3A_37 : i32 to index
      %get3A_1960 = arith.index_cast %get3A_1958 : i32 to index
      %get3A_1961 = arith.constant 432 : index
      %get3A_1962 = tpu.vector_load %arg8[%get3A_1959, %get3A_1960, %get3A_1961] {strides = array<i32>} : memref<8x3x1024xf32, #tpu.memory_space<vmem>>, vector<1x1x16xf32>,
      %get3A_1963 = vector.shape_cast %get3A_1962 : vector<1x1x16xf32> to vector<16xf32>
      %sub3A_1964 = arith.subf %get3A_1963, %get3A_1957 : vector<16xf32>
      %mul3A_1965 = arith.mulf %get3A_1929, %sub3A_1964 : vector<16xf32>
      %add3A_1966 = arith.addf %get3A_1957, %mul3A_1965 : vector<16xf32>
      %swap3A_1967 = arith.constant 1 : i32
      %swap3A_1968 = arith.index_cast %scan3A_37 : i32 to index
      %swap3A_1969 = arith.index_cast %swap3A_1967 : i32 to index
      %swap3A_1970 = arith.constant 432 : index
      %swap3A_1971 = tpu.vector_load %arg7[%swap3A_1968, %swap3A_1969, %swap3A_1970] {strides = array<i32>} : memref<8x3x1024xf32, #tpu.memory_space<vmem>>, vector<1x1x16xf32>,
      %swap3A_1972 = vector.shape_cast %swap3A_1971 : vector<1x1x16xf32> to vector<16xf32>
      %swap3A_1973 = vector.shape_cast %add3A_1966 : vector<16xf32> to vector<1x1x16xf32>
      tpu.vector_store %arg7[%swap3A_1968, %swap3A_1969, %swap3A_1970], %swap3A_1973 {strides = array<i32>} : memref<8x3x1024xf32, #tpu.memory_space<vmem>>, vector<1x1x16xf32>,
      %get3A_1974 = arith.constant 2 : i32
      %get3A_1975 = arith.index_cast %scan3A_37 : i32 to index
      %get3A_1976 = arith.index_cast %get3A_1974 : i32 to index
      %get3A_1977 = arith.constant 432 : index
      %get3A_1978 = tpu.vector_load %arg7[%get3A_1975, %get3A_1976, %get3A_1977] {strides = array<i32>} : memref<8x3x1024xf32, #tpu.memory_space<vmem>>, vector<1x1x16xf32>,
      %get3A_1979 = vector.shape_cast %get3A_1978 : vector<1x1x16xf32> to vector<16xf32>
      %get3A_1980 = arith.constant 2 : i32
      %get3A_1981 = arith.index_cast %scan3A_37 : i32 to index
      %get3A_1982 = arith.index_cast %get3A_1980 : i32 to index
      %get3A_1983 = arith.constant 432 : index
      %get3A_1984 = tpu.vector_load %arg8[%get3A_1981, %get3A_1982, %get3A_1983] {strides = array<i32>} : memref<8x3x1024xf32, #tpu.memory_space<vmem>>, vector<1x1x16xf32>,
      %get3A_1985 = vector.shape_cast %get3A_1984 : vector<1x1x16xf32> to vector<16xf32>
      %sub3A_1986 = arith.subf %get3A_1985, %get3A_1979 : vector<16xf32>
      %mul3A_1987 = arith.mulf %get3A_1929, %sub3A_1986 : vector<16xf32>
      %add3A_1988 = arith.addf %get3A_1979, %mul3A_1987 : vector<16xf32>
      %swap3A_1989 = arith.constant 2 : i32
      %swap3A_1990 = arith.index_cast %scan3A_37 : i32 to index
      %swap3A_1991 = arith.index_cast %swap3A_1989 : i32 to index
      %swap3A_1992 = arith.constant 432 : index
      %swap3A_1993 = tpu.vector_load %arg7[%swap3A_1990, %swap3A_1991, %swap3A_1992] {strides = array<i32>} : memref<8x3x1024xf32, #tpu.memory_space<vmem>>, vector<1x1x16xf32>,
      %swap3A_1994 = vector.shape_cast %swap3A_1993 : vector<1x1x16xf32> to vector<16xf32>
      %swap3A_1995 = vector.shape_cast %add3A_1988 : vector<16xf32> to vector<1x1x16xf32>
      tpu.vector_store %arg7[%swap3A_1990, %swap3A_1991, %swap3A_1992], %swap3A_1995 {strides = array<i32>} : memref<8x3x1024xf32, #tpu.memory_space<vmem>>, vector<1x1x16xf32>,
      %get3A_1996 = arith.index_cast %scan3A_37 : i32 to index
      %get3A_1997 = arith.constant 448 : index
      %get3A_1998 = tpu.vector_load %arg9[%get3A_1996, %get3A_1997] {strides = array<i32>} : memref<8x1024xf32, #tpu.memory_space<vmem>>, vector<1x16xf32>,
      %get3A_1999 = vector.shape_cast %get3A_1998 : vector<1x16xf32> to vector<16xf32>
      %get3A_2000 = arith.constant 0 : i32
      %get3A_2001 = arith.index_cast %scan3A_37 : i32 to index
      %get3A_2002 = arith.index_cast %get3A_2000 : i32 to index
      %get3A_2003 = arith.constant 448 : index
      %get3A_2004 = tpu.vector_load %arg7[%get3A_2001, %get3A_2002, %get3A_2003] {strides = array<i32>} : memref<8x3x1024xf32, #tpu.memory_space<vmem>>, vector<1x1x16xf32>,
      %get3A_2005 = vector.shape_cast %get3A_2004 : vector<1x1x16xf32> to vector<16xf32>
      %get3A_2006 = arith.constant 0 : i32
      %get3A_2007 = arith.index_cast %scan3A_37 : i32 to index
      %get3A_2008 = arith.index_cast %get3A_2006 : i32 to index
      %get3A_2009 = arith.constant 448 : index
      %get3A_2010 = tpu.vector_load %arg8[%get3A_2007, %get3A_2008, %get3A_2009] {strides = array<i32>} : memref<8x3x1024xf32, #tpu.memory_space<vmem>>, vector<1x1x16xf32>,
      %get3A_2011 = vector.shape_cast %get3A_2010 : vector<1x1x16xf32> to vector<16xf32>
      %sub3A_2012 = arith.subf %get3A_2011, %get3A_2005 : vector<16xf32>
      %mul3A_2013 = arith.mulf %get3A_1999, %sub3A_2012 : vector<16xf32>
      %add3A_2014 = arith.addf %get3A_2005, %mul3A_2013 : vector<16xf32>
      %swap3A_2015 = arith.constant 0 : i32
      %swap3A_2016 = arith.index_cast %scan3A_37 : i32 to index
      %swap3A_2017 = arith.index_cast %swap3A_2015 : i32 to index
      %swap3A_2018 = arith.constant 448 : index
      %swap3A_2019 = tpu.vector_load %arg7[%swap3A_2016, %swap3A_2017, %swap3A_2018] {strides = array<i32>} : memref<8x3x1024xf32, #tpu.memory_space<vmem>>, vector<1x1x16xf32>,
      %swap3A_2020 = vector.shape_cast %swap3A_2019 : vector<1x1x16xf32> to vector<16xf32>
      %swap3A_2021 = vector.shape_cast %add3A_2014 : vector<16xf32> to vector<1x1x16xf32>
      tpu.vector_store %arg7[%swap3A_2016, %swap3A_2017, %swap3A_2018], %swap3A_2021 {strides = array<i32>} : memref<8x3x1024xf32, #tpu.memory_space<vmem>>, vector<1x1x16xf32>,
      %get3A_2022 = arith.constant 1 : i32
      %get3A_2023 = arith.index_cast %scan3A_37 : i32 to index
      %get3A_2024 = arith.index_cast %get3A_2022 : i32 to index
      %get3A_2025 = arith.constant 448 : index
      %get3A_2026 = tpu.vector_load %arg7[%get3A_2023, %get3A_2024, %get3A_2025] {strides = array<i32>} : memref<8x3x1024xf32, #tpu.memory_space<vmem>>, vector<1x1x16xf32>,
      %get3A_2027 = vector.shape_cast %get3A_2026 : vector<1x1x16xf32> to vector<16xf32>
      %get3A_2028 = arith.constant 1 : i32
      %get3A_2029 = arith.index_cast %scan3A_37 : i32 to index
      %get3A_2030 = arith.index_cast %get3A_2028 : i32 to index
      %get3A_2031 = arith.constant 448 : index
      %get3A_2032 = tpu.vector_load %arg8[%get3A_2029, %get3A_2030, %get3A_2031] {strides = array<i32>} : memref<8x3x1024xf32, #tpu.memory_space<vmem>>, vector<1x1x16xf32>,
      %get3A_2033 = vector.shape_cast %get3A_2032 : vector<1x1x16xf32> to vector<16xf32>
      %sub3A_2034 = arith.subf %get3A_2033, %get3A_2027 : vector<16xf32>
      %mul3A_2035 = arith.mulf %get3A_1999, %sub3A_2034 : vector<16xf32>
      %add3A_2036 = arith.addf %get3A_2027, %mul3A_2035 : vector<16xf32>
      %swap3A_2037 = arith.constant 1 : i32
      %swap3A_2038 = arith.index_cast %scan3A_37 : i32 to index
      %swap3A_2039 = arith.index_cast %swap3A_2037 : i32 to index
      %swap3A_2040 = arith.constant 448 : index
      %swap3A_2041 = tpu.vector_load %arg7[%swap3A_2038, %swap3A_2039, %swap3A_2040] {strides = array<i32>} : memref<8x3x1024xf32, #tpu.memory_space<vmem>>, vector<1x1x16xf32>,
      %swap3A_2042 = vector.shape_cast %swap3A_2041 : vector<1x1x16xf32> to vector<16xf32>
      %swap3A_2043 = vector.shape_cast %add3A_2036 : vector<16xf32> to vector<1x1x16xf32>
      tpu.vector_store %arg7[%swap3A_2038, %swap3A_2039, %swap3A_2040], %swap3A_2043 {strides = array<i32>} : memref<8x3x1024xf32, #tpu.memory_space<vmem>>, vector<1x1x16xf32>,
      %get3A_2044 = arith.constant 2 : i32
      %get3A_2045 = arith.index_cast %scan3A_37 : i32 to index
      %get3A_2046 = arith.index_cast %get3A_2044 : i32 to index
      %get3A_2047 = arith.constant 448 : index
      %get3A_2048 = tpu.vector_load %arg7[%get3A_2045, %get3A_2046, %get3A_2047] {strides = array<i32>} : memref<8x3x1024xf32, #tpu.memory_space<vmem>>, vector<1x1x16xf32>,
      %get3A_2049 = vector.shape_cast %get3A_2048 : vector<1x1x16xf32> to vector<16xf32>
      %get3A_2050 = arith.constant 2 : i32
      %get3A_2051 = arith.index_cast %scan3A_37 : i32 to index
      %get3A_2052 = arith.index_cast %get3A_2050 : i32 to index
      %get3A_2053 = arith.constant 448 : index
      %get3A_2054 = tpu.vector_load %arg8[%get3A_2051, %get3A_2052, %get3A_2053] {strides = array<i32>} : memref<8x3x1024xf32, #tpu.memory_space<vmem>>, vector<1x1x16xf32>,
      %get3A_2055 = vector.shape_cast %get3A_2054 : vector<1x1x16xf32> to vector<16xf32>
      %sub3A_2056 = arith.subf %get3A_2055, %get3A_2049 : vector<16xf32>
      %mul3A_2057 = arith.mulf %get3A_1999, %sub3A_2056 : vector<16xf32>
      %add3A_2058 = arith.addf %get3A_2049, %mul3A_2057 : vector<16xf32>
      %swap3A_2059 = arith.constant 2 : i32
      %swap3A_2060 = arith.index_cast %scan3A_37 : i32 to index
      %swap3A_2061 = arith.index_cast %swap3A_2059 : i32 to index
      %swap3A_2062 = arith.constant 448 : index
      %swap3A_2063 = tpu.vector_load %arg7[%swap3A_2060, %swap3A_2061, %swap3A_2062] {strides = array<i32>} : memref<8x3x1024xf32, #tpu.memory_space<vmem>>, vector<1x1x16xf32>,
      %swap3A_2064 = vector.shape_cast %swap3A_2063 : vector<1x1x16xf32> to vector<16xf32>
      %swap3A_2065 = vector.shape_cast %add3A_2058 : vector<16xf32> to vector<1x1x16xf32>
      tpu.vector_store %arg7[%swap3A_2060, %swap3A_2061, %swap3A_2062], %swap3A_2065 {strides = array<i32>} : memref<8x3x1024xf32, #tpu.memory_space<vmem>>, vector<1x1x16xf32>,
      %get3A_2066 = arith.index_cast %scan3A_37 : i32 to index
      %get3A_2067 = arith.constant 464 : index
      %get3A_2068 = tpu.vector_load %arg9[%get3A_2066, %get3A_2067] {strides = array<i32>} : memref<8x1024xf32, #tpu.memory_space<vmem>>, vector<1x16xf32>,
      %get3A_2069 = vector.shape_cast %get3A_2068 : vector<1x16xf32> to vector<16xf32>
      %get3A_2070 = arith.constant 0 : i32
      %get3A_2071 = arith.index_cast %scan3A_37 : i32 to index
      %get3A_2072 = arith.index_cast %get3A_2070 : i32 to index
      %get3A_2073 = arith.constant 464 : index
      %get3A_2074 = tpu.vector_load %arg7[%get3A_2071, %get3A_2072, %get3A_2073] {strides = array<i32>} : memref<8x3x1024xf32, #tpu.memory_space<vmem>>, vector<1x1x16xf32>,
      %get3A_2075 = vector.shape_cast %get3A_2074 : vector<1x1x16xf32> to vector<16xf32>
      %get3A_2076 = arith.constant 0 : i32
      %get3A_2077 = arith.index_cast %scan3A_37 : i32 to index
      %get3A_2078 = arith.index_cast %get3A_2076 : i32 to index
      %get3A_2079 = arith.constant 464 : index
      %get3A_2080 = tpu.vector_load %arg8[%get3A_2077, %get3A_2078, %get3A_2079] {strides = array<i32>} : memref<8x3x1024xf32, #tpu.memory_space<vmem>>, vector<1x1x16xf32>,
      %get3A_2081 = vector.shape_cast %get3A_2080 : vector<1x1x16xf32> to vector<16xf32>
      %sub3A_2082 = arith.subf %get3A_2081, %get3A_2075 : vector<16xf32>
      %mul3A_2083 = arith.mulf %get3A_2069, %sub3A_2082 : vector<16xf32>
      %add3A_2084 = arith.addf %get3A_2075, %mul3A_2083 : vector<16xf32>
      %swap3A_2085 = arith.constant 0 : i32
      %swap3A_2086 = arith.index_cast %scan3A_37 : i32 to index
      %swap3A_2087 = arith.index_cast %swap3A_2085 : i32 to index
      %swap3A_2088 = arith.constant 464 : index
      %swap3A_2089 = tpu.vector_load %arg7[%swap3A_2086, %swap3A_2087, %swap3A_2088] {strides = array<i32>} : memref<8x3x1024xf32, #tpu.memory_space<vmem>>, vector<1x1x16xf32>,
      %swap3A_2090 = vector.shape_cast %swap3A_2089 : vector<1x1x16xf32> to vector<16xf32>
      %swap3A_2091 = vector.shape_cast %add3A_2084 : vector<16xf32> to vector<1x1x16xf32>
      tpu.vector_store %arg7[%swap3A_2086, %swap3A_2087, %swap3A_2088], %swap3A_2091 {strides = array<i32>} : memref<8x3x1024xf32, #tpu.memory_space<vmem>>, vector<1x1x16xf32>,
      %get3A_2092 = arith.constant 1 : i32
      %get3A_2093 = arith.index_cast %scan3A_37 : i32 to index
      %get3A_2094 = arith.index_cast %get3A_2092 : i32 to index
      %get3A_2095 = arith.constant 464 : index
      %get3A_2096 = tpu.vector_load %arg7[%get3A_2093, %get3A_2094, %get3A_2095] {strides = array<i32>} : memref<8x3x1024xf32, #tpu.memory_space<vmem>>, vector<1x1x16xf32>,
      %get3A_2097 = vector.shape_cast %get3A_2096 : vector<1x1x16xf32> to vector<16xf32>
      %get3A_2098 = arith.constant 1 : i32
      %get3A_2099 = arith.index_cast %scan3A_37 : i32 to index
      %get3A_2100 = arith.index_cast %get3A_2098 : i32 to index
      %get3A_2101 = arith.constant 464 : index
      %get3A_2102 = tpu.vector_load %arg8[%get3A_2099, %get3A_2100, %get3A_2101] {strides = array<i32>} : memref<8x3x1024xf32, #tpu.memory_space<vmem>>, vector<1x1x16xf32>,
      %get3A_2103 = vector.shape_cast %get3A_2102 : vector<1x1x16xf32> to vector<16xf32>
      %sub3A_2104 = arith.subf %get3A_2103, %get3A_2097 : vector<16xf32>
      %mul3A_2105 = arith.mulf %get3A_2069, %sub3A_2104 : vector<16xf32>
      %add3A_2106 = arith.addf %get3A_2097, %mul3A_2105 : vector<16xf32>
      %swap3A_2107 = arith.constant 1 : i32
      %swap3A_2108 = arith.index_cast %scan3A_37 : i32 to index
      %swap3A_2109 = arith.index_cast %swap3A_2107 : i32 to index
      %swap3A_2110 = arith.constant 464 : index
      %swap3A_2111 = tpu.vector_load %arg7[%swap3A_2108, %swap3A_2109, %swap3A_2110] {strides = array<i32>} : memref<8x3x1024xf32, #tpu.memory_space<vmem>>, vector<1x1x16xf32>,
      %swap3A_2112 = vector.shape_cast %swap3A_2111 : vector<1x1x16xf32> to vector<16xf32>
      %swap3A_2113 = vector.shape_cast %add3A_2106 : vector<16xf32> to vector<1x1x16xf32>
      tpu.vector_store %arg7[%swap3A_2108, %swap3A_2109, %swap3A_2110], %swap3A_2113 {strides = array<i32>} : memref<8x3x1024xf32, #tpu.memory_space<vmem>>, vector<1x1x16xf32>,
      %get3A_2114 = arith.constant 2 : i32
      %get3A_2115 = arith.index_cast %scan3A_37 : i32 to index
      %get3A_2116 = arith.index_cast %get3A_2114 : i32 to index
      %get3A_2117 = arith.constant 464 : index
      %get3A_2118 = tpu.vector_load %arg7[%get3A_2115, %get3A_2116, %get3A_2117] {strides = array<i32>} : memref<8x3x1024xf32, #tpu.memory_space<vmem>>, vector<1x1x16xf32>,
      %get3A_2119 = vector.shape_cast %get3A_2118 : vector<1x1x16xf32> to vector<16xf32>
      %get3A_2120 = arith.constant 2 : i32
      %get3A_2121 = arith.index_cast %scan3A_37 : i32 to index
      %get3A_2122 = arith.index_cast %get3A_2120 : i32 to index
      %get3A_2123 = arith.constant 464 : index
      %get3A_2124 = tpu.vector_load %arg8[%get3A_2121, %get3A_2122, %get3A_2123] {strides = array<i32>} : memref<8x3x1024xf32, #tpu.memory_space<vmem>>, vector<1x1x16xf32>,
      %get3A_2125 = vector.shape_cast %get3A_2124 : vector<1x1x16xf32> to vector<16xf32>
      %sub3A_2126 = arith.subf %get3A_2125, %get3A_2119 : vector<16xf32>
      %mul3A_2127 = arith.mulf %get3A_2069, %sub3A_2126 : vector<16xf32>
      %add3A_2128 = arith.addf %get3A_2119, %mul3A_2127 : vector<16xf32>
      %swap3A_2129 = arith.constant 2 : i32
      %swap3A_2130 = arith.index_cast %scan3A_37 : i32 to index
      %swap3A_2131 = arith.index_cast %swap3A_2129 : i32 to index
      %swap3A_2132 = arith.constant 464 : index
      %swap3A_2133 = tpu.vector_load %arg7[%swap3A_2130, %swap3A_2131, %swap3A_2132] {strides = array<i32>} : memref<8x3x1024xf32, #tpu.memory_space<vmem>>, vector<1x1x16xf32>,
      %swap3A_2134 = vector.shape_cast %swap3A_2133 : vector<1x1x16xf32> to vector<16xf32>
      %swap3A_2135 = vector.shape_cast %add3A_2128 : vector<16xf32> to vector<1x1x16xf32>
      tpu.vector_store %arg7[%swap3A_2130, %swap3A_2131, %swap3A_2132], %swap3A_2135 {strides = array<i32>} : memref<8x3x1024xf32, #tpu.memory_space<vmem>>, vector<1x1x16xf32>,
      %get3A_2136 = arith.index_cast %scan3A_37 : i32 to index
      %get3A_2137 = arith.constant 480 : index
      %get3A_2138 = tpu.vector_load %arg9[%get3A_2136, %get3A_2137] {strides = array<i32>} : memref<8x1024xf32, #tpu.memory_space<vmem>>, vector<1x16xf32>,
      %get3A_2139 = vector.shape_cast %get3A_2138 : vector<1x16xf32> to vector<16xf32>
      %get3A_2140 = arith.constant 0 : i32
      %get3A_2141 = arith.index_cast %scan3A_37 : i32 to index
      %get3A_2142 = arith.index_cast %get3A_2140 : i32 to index
      %get3A_2143 = arith.constant 480 : index
      %get3A_2144 = tpu.vector_load %arg7[%get3A_2141, %get3A_2142, %get3A_2143] {strides = array<i32>} : memref<8x3x1024xf32, #tpu.memory_space<vmem>>, vector<1x1x16xf32>,
      %get3A_2145 = vector.shape_cast %get3A_2144 : vector<1x1x16xf32> to vector<16xf32>
      %get3A_2146 = arith.constant 0 : i32
      %get3A_2147 = arith.index_cast %scan3A_37 : i32 to index
      %get3A_2148 = arith.index_cast %get3A_2146 : i32 to index
      %get3A_2149 = arith.constant 480 : index
      %get3A_2150 = tpu.vector_load %arg8[%get3A_2147, %get3A_2148, %get3A_2149] {strides = array<i32>} : memref<8x3x1024xf32, #tpu.memory_space<vmem>>, vector<1x1x16xf32>,
      %get3A_2151 = vector.shape_cast %get3A_2150 : vector<1x1x16xf32> to vector<16xf32>
      %sub3A_2152 = arith.subf %get3A_2151, %get3A_2145 : vector<16xf32>
      %mul3A_2153 = arith.mulf %get3A_2139, %sub3A_2152 : vector<16xf32>
      %add3A_2154 = arith.addf %get3A_2145, %mul3A_2153 : vector<16xf32>
      %swap3A_2155 = arith.constant 0 : i32
      %swap3A_2156 = arith.index_cast %scan3A_37 : i32 to index
      %swap3A_2157 = arith.index_cast %swap3A_2155 : i32 to index
      %swap3A_2158 = arith.constant 480 : index
      %swap3A_2159 = tpu.vector_load %arg7[%swap3A_2156, %swap3A_2157, %swap3A_2158] {strides = array<i32>} : memref<8x3x1024xf32, #tpu.memory_space<vmem>>, vector<1x1x16xf32>,
      %swap3A_2160 = vector.shape_cast %swap3A_2159 : vector<1x1x16xf32> to vector<16xf32>
      %swap3A_2161 = vector.shape_cast %add3A_2154 : vector<16xf32> to vector<1x1x16xf32>
      tpu.vector_store %arg7[%swap3A_2156, %swap3A_2157, %swap3A_2158], %swap3A_2161 {strides = array<i32>} : memref<8x3x1024xf32, #tpu.memory_space<vmem>>, vector<1x1x16xf32>,
      %get3A_2162 = arith.constant 1 : i32
      %get3A_2163 = arith.index_cast %scan3A_37 : i32 to index
      %get3A_2164 = arith.index_cast %get3A_2162 : i32 to index
      %get3A_2165 = arith.constant 480 : index
      %get3A_2166 = tpu.vector_load %arg7[%get3A_2163, %get3A_2164, %get3A_2165] {strides = array<i32>} : memref<8x3x1024xf32, #tpu.memory_space<vmem>>, vector<1x1x16xf32>,
      %get3A_2167 = vector.shape_cast %get3A_2166 : vector<1x1x16xf32> to vector<16xf32>
      %get3A_2168 = arith.constant 1 : i32
      %get3A_2169 = arith.index_cast %scan3A_37 : i32 to index
      %get3A_2170 = arith.index_cast %get3A_2168 : i32 to index
      %get3A_2171 = arith.constant 480 : index
      %get3A_2172 = tpu.vector_load %arg8[%get3A_2169, %get3A_2170, %get3A_2171] {strides = array<i32>} : memref<8x3x1024xf32, #tpu.memory_space<vmem>>, vector<1x1x16xf32>,
      %get3A_2173 = vector.shape_cast %get3A_2172 : vector<1x1x16xf32> to vector<16xf32>
      %sub3A_2174 = arith.subf %get3A_2173, %get3A_2167 : vector<16xf32>
      %mul3A_2175 = arith.mulf %get3A_2139, %sub3A_2174 : vector<16xf32>
      %add3A_2176 = arith.addf %get3A_2167, %mul3A_2175 : vector<16xf32>
      %swap3A_2177 = arith.constant 1 : i32
      %swap3A_2178 = arith.index_cast %scan3A_37 : i32 to index
      %swap3A_2179 = arith.index_cast %swap3A_2177 : i32 to index
      %swap3A_2180 = arith.constant 480 : index
      %swap3A_2181 = tpu.vector_load %arg7[%swap3A_2178, %swap3A_2179, %swap3A_2180] {strides = array<i32>} : memref<8x3x1024xf32, #tpu.memory_space<vmem>>, vector<1x1x16xf32>,
      %swap3A_2182 = vector.shape_cast %swap3A_2181 : vector<1x1x16xf32> to vector<16xf32>
      %swap3A_2183 = vector.shape_cast %add3A_2176 : vector<16xf32> to vector<1x1x16xf32>
      tpu.vector_store %arg7[%swap3A_2178, %swap3A_2179, %swap3A_2180], %swap3A_2183 {strides = array<i32>} : memref<8x3x1024xf32, #tpu.memory_space<vmem>>, vector<1x1x16xf32>,
      %get3A_2184 = arith.constant 2 : i32
      %get3A_2185 = arith.index_cast %scan3A_37 : i32 to index
      %get3A_2186 = arith.index_cast %get3A_2184 : i32 to index
      %get3A_2187 = arith.constant 480 : index
      %get3A_2188 = tpu.vector_load %arg7[%get3A_2185, %get3A_2186, %get3A_2187] {strides = array<i32>} : memref<8x3x1024xf32, #tpu.memory_space<vmem>>, vector<1x1x16xf32>,
      %get3A_2189 = vector.shape_cast %get3A_2188 : vector<1x1x16xf32> to vector<16xf32>
      %get3A_2190 = arith.constant 2 : i32
      %get3A_2191 = arith.index_cast %scan3A_37 : i32 to index
      %get3A_2192 = arith.index_cast %get3A_2190 : i32 to index
      %get3A_2193 = arith.constant 480 : index
      %get3A_2194 = tpu.vector_load %arg8[%get3A_2191, %get3A_2192, %get3A_2193] {strides = array<i32>} : memref<8x3x1024xf32, #tpu.memory_space<vmem>>, vector<1x1x16xf32>,
      %get3A_2195 = vector.shape_cast %get3A_2194 : vector<1x1x16xf32> to vector<16xf32>
      %sub3A_2196 = arith.subf %get3A_2195, %get3A_2189 : vector<16xf32>
      %mul3A_2197 = arith.mulf %get3A_2139, %sub3A_2196 : vector<16xf32>
      %add3A_2198 = arith.addf %get3A_2189, %mul3A_2197 : vector<16xf32>
      %swap3A_2199 = arith.constant 2 : i32
      %swap3A_2200 = arith.index_cast %scan3A_37 : i32 to index
      %swap3A_2201 = arith.index_cast %swap3A_2199 : i32 to index
      %swap3A_2202 = arith.constant 480 : index
      %swap3A_2203 = tpu.vector_load %arg7[%swap3A_2200, %swap3A_2201, %swap3A_2202] {strides = array<i32>} : memref<8x3x1024xf32, #tpu.memory_space<vmem>>, vector<1x1x16xf32>,
      %swap3A_2204 = vector.shape_cast %swap3A_2203 : vector<1x1x16xf32> to vector<16xf32>
      %swap3A_2205 = vector.shape_cast %add3A_2198 : vector<16xf32> to vector<1x1x16xf32>
      tpu.vector_store %arg7[%swap3A_2200, %swap3A_2201, %swap3A_2202], %swap3A_2205 {strides = array<i32>} : memref<8x3x1024xf32, #tpu.memory_space<vmem>>, vector<1x1x16xf32>,
      %get3A_2206 = arith.index_cast %scan3A_37 : i32 to index
      %get3A_2207 = arith.constant 496 : index
      %get3A_2208 = tpu.vector_load %arg9[%get3A_2206, %get3A_2207] {strides = array<i32>} : memref<8x1024xf32, #tpu.memory_space<vmem>>, vector<1x16xf32>,
      %get3A_2209 = vector.shape_cast %get3A_2208 : vector<1x16xf32> to vector<16xf32>
      %get3A_2210 = arith.constant 0 : i32
      %get3A_2211 = arith.index_cast %scan3A_37 : i32 to index
      %get3A_2212 = arith.index_cast %get3A_2210 : i32 to index
      %get3A_2213 = arith.constant 496 : index
      %get3A_2214 = tpu.vector_load %arg7[%get3A_2211, %get3A_2212, %get3A_2213] {strides = array<i32>} : memref<8x3x1024xf32, #tpu.memory_space<vmem>>, vector<1x1x16xf32>,
      %get3A_2215 = vector.shape_cast %get3A_2214 : vector<1x1x16xf32> to vector<16xf32>
      %get3A_2216 = arith.constant 0 : i32
      %get3A_2217 = arith.index_cast %scan3A_37 : i32 to index
      %get3A_2218 = arith.index_cast %get3A_2216 : i32 to index
      %get3A_2219 = arith.constant 496 : index
      %get3A_2220 = tpu.vector_load %arg8[%get3A_2217, %get3A_2218, %get3A_2219] {strides = array<i32>} : memref<8x3x1024xf32, #tpu.memory_space<vmem>>, vector<1x1x16xf32>,
      %get3A_2221 = vector.shape_cast %get3A_2220 : vector<1x1x16xf32> to vector<16xf32>
      %sub3A_2222 = arith.subf %get3A_2221, %get3A_2215 : vector<16xf32>
      %mul3A_2223 = arith.mulf %get3A_2209, %sub3A_2222 : vector<16xf32>
      %add3A_2224 = arith.addf %get3A_2215, %mul3A_2223 : vector<16xf32>
      %swap3A_2225 = arith.constant 0 : i32
      %swap3A_2226 = arith.index_cast %scan3A_37 : i32 to index
      %swap3A_2227 = arith.index_cast %swap3A_2225 : i32 to index
      %swap3A_2228 = arith.constant 496 : index
      %swap3A_2229 = tpu.vector_load %arg7[%swap3A_2226, %swap3A_2227, %swap3A_2228] {strides = array<i32>} : memref<8x3x1024xf32, #tpu.memory_space<vmem>>, vector<1x1x16xf32>,
      %swap3A_2230 = vector.shape_cast %swap3A_2229 : vector<1x1x16xf32> to vector<16xf32>
      %swap3A_2231 = vector.shape_cast %add3A_2224 : vector<16xf32> to vector<1x1x16xf32>
      tpu.vector_store %arg7[%swap3A_2226, %swap3A_2227, %swap3A_2228], %swap3A_2231 {strides = array<i32>} : memref<8x3x1024xf32, #tpu.memory_space<vmem>>, vector<1x1x16xf32>,
      %get3A_2232 = arith.constant 1 : i32
      %get3A_2233 = arith.index_cast %scan3A_37 : i32 to index
      %get3A_2234 = arith.index_cast %get3A_2232 : i32 to index
      %get3A_2235 = arith.constant 496 : index
      %get3A_2236 = tpu.vector_load %arg7[%get3A_2233, %get3A_2234, %get3A_2235] {strides = array<i32>} : memref<8x3x1024xf32, #tpu.memory_space<vmem>>, vector<1x1x16xf32>,
      %get3A_2237 = vector.shape_cast %get3A_2236 : vector<1x1x16xf32> to vector<16xf32>
      %get3A_2238 = arith.constant 1 : i32
      %get3A_2239 = arith.index_cast %scan3A_37 : i32 to index
      %get3A_2240 = arith.index_cast %get3A_2238 : i32 to index
      %get3A_2241 = arith.constant 496 : index
      %get3A_2242 = tpu.vector_load %arg8[%get3A_2239, %get3A_2240, %get3A_2241] {strides = array<i32>} : memref<8x3x1024xf32, #tpu.memory_space<vmem>>, vector<1x1x16xf32>,
      %get3A_2243 = vector.shape_cast %get3A_2242 : vector<1x1x16xf32> to vector<16xf32>
      %sub3A_2244 = arith.subf %get3A_2243, %get3A_2237 : vector<16xf32>
      %mul3A_2245 = arith.mulf %get3A_2209, %sub3A_2244 : vector<16xf32>
      %add3A_2246 = arith.addf %get3A_2237, %mul3A_2245 : vector<16xf32>
      %swap3A_2247 = arith.constant 1 : i32
      %swap3A_2248 = arith.index_cast %scan3A_37 : i32 to index
      %swap3A_2249 = arith.index_cast %swap3A_2247 : i32 to index
      %swap3A_2250 = arith.constant 496 : index
      %swap3A_2251 = tpu.vector_load %arg7[%swap3A_2248, %swap3A_2249, %swap3A_2250] {strides = array<i32>} : memref<8x3x1024xf32, #tpu.memory_space<vmem>>, vector<1x1x16xf32>,
      %swap3A_2252 = vector.shape_cast %swap3A_2251 : vector<1x1x16xf32> to vector<16xf32>
      %swap3A_2253 = vector.shape_cast %add3A_2246 : vector<16xf32> to vector<1x1x16xf32>
      tpu.vector_store %arg7[%swap3A_2248, %swap3A_2249, %swap3A_2250], %swap3A_2253 {strides = array<i32>} : memref<8x3x1024xf32, #tpu.memory_space<vmem>>, vector<1x1x16xf32>,
      %get3A_2254 = arith.constant 2 : i32
      %get3A_2255 = arith.index_cast %scan3A_37 : i32 to index
      %get3A_2256 = arith.index_cast %get3A_2254 : i32 to index
      %get3A_2257 = arith.constant 496 : index
      %get3A_2258 = tpu.vector_load %arg7[%get3A_2255, %get3A_2256, %get3A_2257] {strides = array<i32>} : memref<8x3x1024xf32, #tpu.memory_space<vmem>>, vector<1x1x16xf32>,
      %get3A_2259 = vector.shape_cast %get3A_2258 : vector<1x1x16xf32> to vector<16xf32>
      %get3A_2260 = arith.constant 2 : i32
      %get3A_2261 = arith.index_cast %scan3A_37 : i32 to index
      %get3A_2262 = arith.index_cast %get3A_2260 : i32 to index
      %get3A_2263 = arith.constant 496 : index
      %get3A_2264 = tpu.vector_load %arg8[%get3A_2261, %get3A_2262, %get3A_2263] {strides = array<i32>} : memref<8x3x1024xf32, #tpu.memory_space<vmem>>, vector<1x1x16xf32>,
      %get3A_2265 = vector.shape_cast %get3A_2264 : vector<1x1x16xf32> to vector<16xf32>
      %sub3A_2266 = arith.subf %get3A_2265, %get3A_2259 : vector<16xf32>
      %mul3A_2267 = arith.mulf %get3A_2209, %sub3A_2266 : vector<16xf32>
      %add3A_2268 = arith.addf %get3A_2259, %mul3A_2267 : vector<16xf32>
      %swap3A_2269 = arith.constant 2 : i32
      %swap3A_2270 = arith.index_cast %scan3A_37 : i32 to index
      %swap3A_2271 = arith.index_cast %swap3A_2269 : i32 to index
      %swap3A_2272 = arith.constant 496 : index
      %swap3A_2273 = tpu.vector_load %arg7[%swap3A_2270, %swap3A_2271, %swap3A_2272] {strides = array<i32>} : memref<8x3x1024xf32, #tpu.memory_space<vmem>>, vector<1x1x16xf32>,
      %swap3A_2274 = vector.shape_cast %swap3A_2273 : vector<1x1x16xf32> to vector<16xf32>
      %swap3A_2275 = vector.shape_cast %add3A_2268 : vector<16xf32> to vector<1x1x16xf32>
      tpu.vector_store %arg7[%swap3A_2270, %swap3A_2271, %swap3A_2272], %swap3A_2275 {strides = array<i32>} : memref<8x3x1024xf32, #tpu.memory_space<vmem>>, vector<1x1x16xf32>,
      %get3A_2276 = arith.index_cast %scan3A_37 : i32 to index
      %get3A_2277 = arith.constant 512 : index
      %get3A_2278 = tpu.vector_load %arg9[%get3A_2276, %get3A_2277] {strides = array<i32>} : memref<8x1024xf32, #tpu.memory_space<vmem>>, vector<1x16xf32>,
      %get3A_2279 = vector.shape_cast %get3A_2278 : vector<1x16xf32> to vector<16xf32>
      %get3A_2280 = arith.constant 0 : i32
      %get3A_2281 = arith.index_cast %scan3A_37 : i32 to index
      %get3A_2282 = arith.index_cast %get3A_2280 : i32 to index
      %get3A_2283 = arith.constant 512 : index
      %get3A_2284 = tpu.vector_load %arg7[%get3A_2281, %get3A_2282, %get3A_2283] {strides = array<i32>} : memref<8x3x1024xf32, #tpu.memory_space<vmem>>, vector<1x1x16xf32>,
      %get3A_2285 = vector.shape_cast %get3A_2284 : vector<1x1x16xf32> to vector<16xf32>
      %get3A_2286 = arith.constant 0 : i32
      %get3A_2287 = arith.index_cast %scan3A_37 : i32 to index
      %get3A_2288 = arith.index_cast %get3A_2286 : i32 to index
      %get3A_2289 = arith.constant 512 : index
      %get3A_2290 = tpu.vector_load %arg8[%get3A_2287, %get3A_2288, %get3A_2289] {strides = array<i32>} : memref<8x3x1024xf32, #tpu.memory_space<vmem>>, vector<1x1x16xf32>,
      %get3A_2291 = vector.shape_cast %get3A_2290 : vector<1x1x16xf32> to vector<16xf32>
      %sub3A_2292 = arith.subf %get3A_2291, %get3A_2285 : vector<16xf32>
      %mul3A_2293 = arith.mulf %get3A_2279, %sub3A_2292 : vector<16xf32>
      %add3A_2294 = arith.addf %get3A_2285, %mul3A_2293 : vector<16xf32>
      %swap3A_2295 = arith.constant 0 : i32
      %swap3A_2296 = arith.index_cast %scan3A_37 : i32 to index
      %swap3A_2297 = arith.index_cast %swap3A_2295 : i32 to index
      %swap3A_2298 = arith.constant 512 : index
      %swap3A_2299 = tpu.vector_load %arg7[%swap3A_2296, %swap3A_2297, %swap3A_2298] {strides = array<i32>} : memref<8x3x1024xf32, #tpu.memory_space<vmem>>, vector<1x1x16xf32>,
      %swap3A_2300 = vector.shape_cast %swap3A_2299 : vector<1x1x16xf32> to vector<16xf32>
      %swap3A_2301 = vector.shape_cast %add3A_2294 : vector<16xf32> to vector<1x1x16xf32>
      tpu.vector_store %arg7[%swap3A_2296, %swap3A_2297, %swap3A_2298], %swap3A_2301 {strides = array<i32>} : memref<8x3x1024xf32, #tpu.memory_space<vmem>>, vector<1x1x16xf32>,
      %get3A_2302 = arith.constant 1 : i32
      %get3A_2303 = arith.index_cast %scan3A_37 : i32 to index
      %get3A_2304 = arith.index_cast %get3A_2302 : i32 to index
      %get3A_2305 = arith.constant 512 : index
      %get3A_2306 = tpu.vector_load %arg7[%get3A_2303, %get3A_2304, %get3A_2305] {strides = array<i32>} : memref<8x3x1024xf32, #tpu.memory_space<vmem>>, vector<1x1x16xf32>,
      %get3A_2307 = vector.shape_cast %get3A_2306 : vector<1x1x16xf32> to vector<16xf32>
      %get3A_2308 = arith.constant 1 : i32
      %get3A_2309 = arith.index_cast %scan3A_37 : i32 to index
      %get3A_2310 = arith.index_cast %get3A_2308 : i32 to index
      %get3A_2311 = arith.constant 512 : index
      %get3A_2312 = tpu.vector_load %arg8[%get3A_2309, %get3A_2310, %get3A_2311] {strides = array<i32>} : memref<8x3x1024xf32, #tpu.memory_space<vmem>>, vector<1x1x16xf32>,
      %get3A_2313 = vector.shape_cast %get3A_2312 : vector<1x1x16xf32> to vector<16xf32>
      %sub3A_2314 = arith.subf %get3A_2313, %get3A_2307 : vector<16xf32>
      %mul3A_2315 = arith.mulf %get3A_2279, %sub3A_2314 : vector<16xf32>
      %add3A_2316 = arith.addf %get3A_2307, %mul3A_2315 : vector<16xf32>
      %swap3A_2317 = arith.constant 1 : i32
      %swap3A_2318 = arith.index_cast %scan3A_37 : i32 to index
      %swap3A_2319 = arith.index_cast %swap3A_2317 : i32 to index
      %swap3A_2320 = arith.constant 512 : index
      %swap3A_2321 = tpu.vector_load %arg7[%swap3A_2318, %swap3A_2319, %swap3A_2320] {strides = array<i32>} : memref<8x3x1024xf32, #tpu.memory_space<vmem>>, vector<1x1x16xf32>,
      %swap3A_2322 = vector.shape_cast %swap3A_2321 : vector<1x1x16xf32> to vector<16xf32>
      %swap3A_2323 = vector.shape_cast %add3A_2316 : vector<16xf32> to vector<1x1x16xf32>
      tpu.vector_store %arg7[%swap3A_2318, %swap3A_2319, %swap3A_2320], %swap3A_2323 {strides = array<i32>} : memref<8x3x1024xf32, #tpu.memory_space<vmem>>, vector<1x1x16xf32>,
      %get3A_2324 = arith.constant 2 : i32
      %get3A_2325 = arith.index_cast %scan3A_37 : i32 to index
      %get3A_2326 = arith.index_cast %get3A_2324 : i32 to index
      %get3A_2327 = arith.constant 512 : index
      %get3A_2328 = tpu.vector_load %arg7[%get3A_2325, %get3A_2326, %get3A_2327] {strides = array<i32>} : memref<8x3x1024xf32, #tpu.memory_space<vmem>>, vector<1x1x16xf32>,
      %get3A_2329 = vector.shape_cast %get3A_2328 : vector<1x1x16xf32> to vector<16xf32>
      %get3A_2330 = arith.constant 2 : i32
      %get3A_2331 = arith.index_cast %scan3A_37 : i32 to index
      %get3A_2332 = arith.index_cast %get3A_2330 : i32 to index
      %get3A_2333 = arith.constant 512 : index
      %get3A_2334 = tpu.vector_load %arg8[%get3A_2331, %get3A_2332, %get3A_2333] {strides = array<i32>} : memref<8x3x1024xf32, #tpu.memory_space<vmem>>, vector<1x1x16xf32>,
      %get3A_2335 = vector.shape_cast %get3A_2334 : vector<1x1x16xf32> to vector<16xf32>
      %sub3A_2336 = arith.subf %get3A_2335, %get3A_2329 : vector<16xf32>
      %mul3A_2337 = arith.mulf %get3A_2279, %sub3A_2336 : vector<16xf32>
      %add3A_2338 = arith.addf %get3A_2329, %mul3A_2337 : vector<16xf32>
      %swap3A_2339 = arith.constant 2 : i32
      %swap3A_2340 = arith.index_cast %scan3A_37 : i32 to index
      %swap3A_2341 = arith.index_cast %swap3A_2339 : i32 to index
      %swap3A_2342 = arith.constant 512 : index
      %swap3A_2343 = tpu.vector_load %arg7[%swap3A_2340, %swap3A_2341, %swap3A_2342] {strides = array<i32>} : memref<8x3x1024xf32, #tpu.memory_space<vmem>>, vector<1x1x16xf32>,
      %swap3A_2344 = vector.shape_cast %swap3A_2343 : vector<1x1x16xf32> to vector<16xf32>
      %swap3A_2345 = vector.shape_cast %add3A_2338 : vector<16xf32> to vector<1x1x16xf32>
      tpu.vector_store %arg7[%swap3A_2340, %swap3A_2341, %swap3A_2342], %swap3A_2345 {strides = array<i32>} : memref<8x3x1024xf32, #tpu.memory_space<vmem>>, vector<1x1x16xf32>,
      %get3A_2346 = arith.index_cast %scan3A_37 : i32 to index
      %get3A_2347 = arith.constant 528 : index
      %get3A_2348 = tpu.vector_load %arg9[%get3A_2346, %get3A_2347] {strides = array<i32>} : memref<8x1024xf32, #tpu.memory_space<vmem>>, vector<1x16xf32>,
      %get3A_2349 = vector.shape_cast %get3A_2348 : vector<1x16xf32> to vector<16xf32>
      %get3A_2350 = arith.constant 0 : i32
      %get3A_2351 = arith.index_cast %scan3A_37 : i32 to index
      %get3A_2352 = arith.index_cast %get3A_2350 : i32 to index
      %get3A_2353 = arith.constant 528 : index
      %get3A_2354 = tpu.vector_load %arg7[%get3A_2351, %get3A_2352, %get3A_2353] {strides = array<i32>} : memref<8x3x1024xf32, #tpu.memory_space<vmem>>, vector<1x1x16xf32>,
      %get3A_2355 = vector.shape_cast %get3A_2354 : vector<1x1x16xf32> to vector<16xf32>
      %get3A_2356 = arith.constant 0 : i32
      %get3A_2357 = arith.index_cast %scan3A_37 : i32 to index
      %get3A_2358 = arith.index_cast %get3A_2356 : i32 to index
      %get3A_2359 = arith.constant 528 : index
      %get3A_2360 = tpu.vector_load %arg8[%get3A_2357, %get3A_2358, %get3A_2359] {strides = array<i32>} : memref<8x3x1024xf32, #tpu.memory_space<vmem>>, vector<1x1x16xf32>,
      %get3A_2361 = vector.shape_cast %get3A_2360 : vector<1x1x16xf32> to vector<16xf32>
      %sub3A_2362 = arith.subf %get3A_2361, %get3A_2355 : vector<16xf32>
      %mul3A_2363 = arith.mulf %get3A_2349, %sub3A_2362 : vector<16xf32>
      %add3A_2364 = arith.addf %get3A_2355, %mul3A_2363 : vector<16xf32>
      %swap3A_2365 = arith.constant 0 : i32
      %swap3A_2366 = arith.index_cast %scan3A_37 : i32 to index
      %swap3A_2367 = arith.index_cast %swap3A_2365 : i32 to index
      %swap3A_2368 = arith.constant 528 : index
      %swap3A_2369 = tpu.vector_load %arg7[%swap3A_2366, %swap3A_2367, %swap3A_2368] {strides = array<i32>} : memref<8x3x1024xf32, #tpu.memory_space<vmem>>, vector<1x1x16xf32>,
      %swap3A_2370 = vector.shape_cast %swap3A_2369 : vector<1x1x16xf32> to vector<16xf32>
      %swap3A_2371 = vector.shape_cast %add3A_2364 : vector<16xf32> to vector<1x1x16xf32>
      tpu.vector_store %arg7[%swap3A_2366, %swap3A_2367, %swap3A_2368], %swap3A_2371 {strides = array<i32>} : memref<8x3x1024xf32, #tpu.memory_space<vmem>>, vector<1x1x16xf32>,
      %get3A_2372 = arith.constant 1 : i32
      %get3A_2373 = arith.index_cast %scan3A_37 : i32 to index
      %get3A_2374 = arith.index_cast %get3A_2372 : i32 to index
      %get3A_2375 = arith.constant 528 : index
      %get3A_2376 = tpu.vector_load %arg7[%get3A_2373, %get3A_2374, %get3A_2375] {strides = array<i32>} : memref<8x3x1024xf32, #tpu.memory_space<vmem>>, vector<1x1x16xf32>,
      %get3A_2377 = vector.shape_cast %get3A_2376 : vector<1x1x16xf32> to vector<16xf32>
      %get3A_2378 = arith.constant 1 : i32
      %get3A_2379 = arith.index_cast %scan3A_37 : i32 to index
      %get3A_2380 = arith.index_cast %get3A_2378 : i32 to index
      %get3A_2381 = arith.constant 528 : index
      %get3A_2382 = tpu.vector_load %arg8[%get3A_2379, %get3A_2380, %get3A_2381] {strides = array<i32>} : memref<8x3x1024xf32, #tpu.memory_space<vmem>>, vector<1x1x16xf32>,
      %get3A_2383 = vector.shape_cast %get3A_2382 : vector<1x1x16xf32> to vector<16xf32>
      %sub3A_2384 = arith.subf %get3A_2383, %get3A_2377 : vector<16xf32>
      %mul3A_2385 = arith.mulf %get3A_2349, %sub3A_2384 : vector<16xf32>
      %add3A_2386 = arith.addf %get3A_2377, %mul3A_2385 : vector<16xf32>
      %swap3A_2387 = arith.constant 1 : i32
      %swap3A_2388 = arith.index_cast %scan3A_37 : i32 to index
      %swap3A_2389 = arith.index_cast %swap3A_2387 : i32 to index
      %swap3A_2390 = arith.constant 528 : index
      %swap3A_2391 = tpu.vector_load %arg7[%swap3A_2388, %swap3A_2389, %swap3A_2390] {strides = array<i32>} : memref<8x3x1024xf32, #tpu.memory_space<vmem>>, vector<1x1x16xf32>,
      %swap3A_2392 = vector.shape_cast %swap3A_2391 : vector<1x1x16xf32> to vector<16xf32>
      %swap3A_2393 = vector.shape_cast %add3A_2386 : vector<16xf32> to vector<1x1x16xf32>
      tpu.vector_store %arg7[%swap3A_2388, %swap3A_2389, %swap3A_2390], %swap3A_2393 {strides = array<i32>} : memref<8x3x1024xf32, #tpu.memory_space<vmem>>, vector<1x1x16xf32>,
      %get3A_2394 = arith.constant 2 : i32
      %get3A_2395 = arith.index_cast %scan3A_37 : i32 to index
      %get3A_2396 = arith.index_cast %get3A_2394 : i32 to index
      %get3A_2397 = arith.constant 528 : index
      %get3A_2398 = tpu.vector_load %arg7[%get3A_2395, %get3A_2396, %get3A_2397] {strides = array<i32>} : memref<8x3x1024xf32, #tpu.memory_space<vmem>>, vector<1x1x16xf32>,
      %get3A_2399 = vector.shape_cast %get3A_2398 : vector<1x1x16xf32> to vector<16xf32>
      %get3A_2400 = arith.constant 2 : i32
      %get3A_2401 = arith.index_cast %scan3A_37 : i32 to index
      %get3A_2402 = arith.index_cast %get3A_2400 : i32 to index
      %get3A_2403 = arith.constant 528 : index
      %get3A_2404 = tpu.vector_load %arg8[%get3A_2401, %get3A_2402, %get3A_2403] {strides = array<i32>} : memref<8x3x1024xf32, #tpu.memory_space<vmem>>, vector<1x1x16xf32>,
      %get3A_2405 = vector.shape_cast %get3A_2404 : vector<1x1x16xf32> to vector<16xf32>
      %sub3A_2406 = arith.subf %get3A_2405, %get3A_2399 : vector<16xf32>
      %mul3A_2407 = arith.mulf %get3A_2349, %sub3A_2406 : vector<16xf32>
      %add3A_2408 = arith.addf %get3A_2399, %mul3A_2407 : vector<16xf32>
      %swap3A_2409 = arith.constant 2 : i32
      %swap3A_2410 = arith.index_cast %scan3A_37 : i32 to index
      %swap3A_2411 = arith.index_cast %swap3A_2409 : i32 to index
      %swap3A_2412 = arith.constant 528 : index
      %swap3A_2413 = tpu.vector_load %arg7[%swap3A_2410, %swap3A_2411, %swap3A_2412] {strides = array<i32>} : memref<8x3x1024xf32, #tpu.memory_space<vmem>>, vector<1x1x16xf32>,
      %swap3A_2414 = vector.shape_cast %swap3A_2413 : vector<1x1x16xf32> to vector<16xf32>
      %swap3A_2415 = vector.shape_cast %add3A_2408 : vector<16xf32> to vector<1x1x16xf32>
      tpu.vector_store %arg7[%swap3A_2410, %swap3A_2411, %swap3A_2412], %swap3A_2415 {strides = array<i32>} : memref<8x3x1024xf32, #tpu.memory_space<vmem>>, vector<1x1x16xf32>,
      %get3A_2416 = arith.index_cast %scan3A_37 : i32 to index
      %get3A_2417 = arith.constant 544 : index
      %get3A_2418 = tpu.vector_load %arg9[%get3A_2416, %get3A_2417] {strides = array<i32>} : memref<8x1024xf32, #tpu.memory_space<vmem>>, vector<1x16xf32>,
      %get3A_2419 = vector.shape_cast %get3A_2418 : vector<1x16xf32> to vector<16xf32>
      %get3A_2420 = arith.constant 0 : i32
      %get3A_2421 = arith.index_cast %scan3A_37 : i32 to index
      %get3A_2422 = arith.index_cast %get3A_2420 : i32 to index
      %get3A_2423 = arith.constant 544 : index
      %get3A_2424 = tpu.vector_load %arg7[%get3A_2421, %get3A_2422, %get3A_2423] {strides = array<i32>} : memref<8x3x1024xf32, #tpu.memory_space<vmem>>, vector<1x1x16xf32>,
      %get3A_2425 = vector.shape_cast %get3A_2424 : vector<1x1x16xf32> to vector<16xf32>
      %get3A_2426 = arith.constant 0 : i32
      %get3A_2427 = arith.index_cast %scan3A_37 : i32 to index
      %get3A_2428 = arith.index_cast %get3A_2426 : i32 to index
      %get3A_2429 = arith.constant 544 : index
      %get3A_2430 = tpu.vector_load %arg8[%get3A_2427, %get3A_2428, %get3A_2429] {strides = array<i32>} : memref<8x3x1024xf32, #tpu.memory_space<vmem>>, vector<1x1x16xf32>,
      %get3A_2431 = vector.shape_cast %get3A_2430 : vector<1x1x16xf32> to vector<16xf32>
      %sub3A_2432 = arith.subf %get3A_2431, %get3A_2425 : vector<16xf32>
      %mul3A_2433 = arith.mulf %get3A_2419, %sub3A_2432 : vector<16xf32>
      %add3A_2434 = arith.addf %get3A_2425, %mul3A_2433 : vector<16xf32>
      %swap3A_2435 = arith.constant 0 : i32
      %swap3A_2436 = arith.index_cast %scan3A_37 : i32 to index
      %swap3A_2437 = arith.index_cast %swap3A_2435 : i32 to index
      %swap3A_2438 = arith.constant 544 : index
      %swap3A_2439 = tpu.vector_load %arg7[%swap3A_2436, %swap3A_2437, %swap3A_2438] {strides = array<i32>} : memref<8x3x1024xf32, #tpu.memory_space<vmem>>, vector<1x1x16xf32>,
      %swap3A_2440 = vector.shape_cast %swap3A_2439 : vector<1x1x16xf32> to vector<16xf32>
      %swap3A_2441 = vector.shape_cast %add3A_2434 : vector<16xf32> to vector<1x1x16xf32>
      tpu.vector_store %arg7[%swap3A_2436, %swap3A_2437, %swap3A_2438], %swap3A_2441 {strides = array<i32>} : memref<8x3x1024xf32, #tpu.memory_space<vmem>>, vector<1x1x16xf32>,
      %get3A_2442 = arith.constant 1 : i32
      %get3A_2443 = arith.index_cast %scan3A_37 : i32 to index
      %get3A_2444 = arith.index_cast %get3A_2442 : i32 to index
      %get3A_2445 = arith.constant 544 : index
      %get3A_2446 = tpu.vector_load %arg7[%get3A_2443, %get3A_2444, %get3A_2445] {strides = array<i32>} : memref<8x3x1024xf32, #tpu.memory_space<vmem>>, vector<1x1x16xf32>,
      %get3A_2447 = vector.shape_cast %get3A_2446 : vector<1x1x16xf32> to vector<16xf32>
      %get3A_2448 = arith.constant 1 : i32
      %get3A_2449 = arith.index_cast %scan3A_37 : i32 to index
      %get3A_2450 = arith.index_cast %get3A_2448 : i32 to index
      %get3A_2451 = arith.constant 544 : index
      %get3A_2452 = tpu.vector_load %arg8[%get3A_2449, %get3A_2450, %get3A_2451] {strides = array<i32>} : memref<8x3x1024xf32, #tpu.memory_space<vmem>>, vector<1x1x16xf32>,
      %get3A_2453 = vector.shape_cast %get3A_2452 : vector<1x1x16xf32> to vector<16xf32>
      %sub3A_2454 = arith.subf %get3A_2453, %get3A_2447 : vector<16xf32>
      %mul3A_2455 = arith.mulf %get3A_2419, %sub3A_2454 : vector<16xf32>
      %add3A_2456 = arith.addf %get3A_2447, %mul3A_2455 : vector<16xf32>
      %swap3A_2457 = arith.constant 1 : i32
      %swap3A_2458 = arith.index_cast %scan3A_37 : i32 to index
      %swap3A_2459 = arith.index_cast %swap3A_2457 : i32 to index
      %swap3A_2460 = arith.constant 544 : index
      %swap3A_2461 = tpu.vector_load %arg7[%swap3A_2458, %swap3A_2459, %swap3A_2460] {strides = array<i32>} : memref<8x3x1024xf32, #tpu.memory_space<vmem>>, vector<1x1x16xf32>,
      %swap3A_2462 = vector.shape_cast %swap3A_2461 : vector<1x1x16xf32> to vector<16xf32>
      %swap3A_2463 = vector.shape_cast %add3A_2456 : vector<16xf32> to vector<1x1x16xf32>
      tpu.vector_store %arg7[%swap3A_2458, %swap3A_2459, %swap3A_2460], %swap3A_2463 {strides = array<i32>} : memref<8x3x1024xf32, #tpu.memory_space<vmem>>, vector<1x1x16xf32>,
      %get3A_2464 = arith.constant 2 : i32
      %get3A_2465 = arith.index_cast %scan3A_37 : i32 to index
      %get3A_2466 = arith.index_cast %get3A_2464 : i32 to index
      %get3A_2467 = arith.constant 544 : index
      %get3A_2468 = tpu.vector_load %arg7[%get3A_2465, %get3A_2466, %get3A_2467] {strides = array<i32>} : memref<8x3x1024xf32, #tpu.memory_space<vmem>>, vector<1x1x16xf32>,
      %get3A_2469 = vector.shape_cast %get3A_2468 : vector<1x1x16xf32> to vector<16xf32>
      %get3A_2470 = arith.constant 2 : i32
      %get3A_2471 = arith.index_cast %scan3A_37 : i32 to index
      %get3A_2472 = arith.index_cast %get3A_2470 : i32 to index
      %get3A_2473 = arith.constant 544 : index
      %get3A_2474 = tpu.vector_load %arg8[%get3A_2471, %get3A_2472, %get3A_2473] {strides = array<i32>} : memref<8x3x1024xf32, #tpu.memory_space<vmem>>, vector<1x1x16xf32>,
      %get3A_2475 = vector.shape_cast %get3A_2474 : vector<1x1x16xf32> to vector<16xf32>
      %sub3A_2476 = arith.subf %get3A_2475, %get3A_2469 : vector<16xf32>
      %mul3A_2477 = arith.mulf %get3A_2419, %sub3A_2476 : vector<16xf32>
      %add3A_2478 = arith.addf %get3A_2469, %mul3A_2477 : vector<16xf32>
      %swap3A_2479 = arith.constant 2 : i32
      %swap3A_2480 = arith.index_cast %scan3A_37 : i32 to index
      %swap3A_2481 = arith.index_cast %swap3A_2479 : i32 to index
      %swap3A_2482 = arith.constant 544 : index
      %swap3A_2483 = tpu.vector_load %arg7[%swap3A_2480, %swap3A_2481, %swap3A_2482] {strides = array<i32>} : memref<8x3x1024xf32, #tpu.memory_space<vmem>>, vector<1x1x16xf32>,
      %swap3A_2484 = vector.shape_cast %swap3A_2483 : vector<1x1x16xf32> to vector<16xf32>
      %swap3A_2485 = vector.shape_cast %add3A_2478 : vector<16xf32> to vector<1x1x16xf32>
      tpu.vector_store %arg7[%swap3A_2480, %swap3A_2481, %swap3A_2482], %swap3A_2485 {strides = array<i32>} : memref<8x3x1024xf32, #tpu.memory_space<vmem>>, vector<1x1x16xf32>,
      %get3A_2486 = arith.index_cast %scan3A_37 : i32 to index
      %get3A_2487 = arith.constant 560 : index
      %get3A_2488 = tpu.vector_load %arg9[%get3A_2486, %get3A_2487] {strides = array<i32>} : memref<8x1024xf32, #tpu.memory_space<vmem>>, vector<1x16xf32>,
      %get3A_2489 = vector.shape_cast %get3A_2488 : vector<1x16xf32> to vector<16xf32>
      %get3A_2490 = arith.constant 0 : i32
      %get3A_2491 = arith.index_cast %scan3A_37 : i32 to index
      %get3A_2492 = arith.index_cast %get3A_2490 : i32 to index
      %get3A_2493 = arith.constant 560 : index
      %get3A_2494 = tpu.vector_load %arg7[%get3A_2491, %get3A_2492, %get3A_2493] {strides = array<i32>} : memref<8x3x1024xf32, #tpu.memory_space<vmem>>, vector<1x1x16xf32>,
      %get3A_2495 = vector.shape_cast %get3A_2494 : vector<1x1x16xf32> to vector<16xf32>
      %get3A_2496 = arith.constant 0 : i32
      %get3A_2497 = arith.index_cast %scan3A_37 : i32 to index
      %get3A_2498 = arith.index_cast %get3A_2496 : i32 to index
      %get3A_2499 = arith.constant 560 : index
      %get3A_2500 = tpu.vector_load %arg8[%get3A_2497, %get3A_2498, %get3A_2499] {strides = array<i32>} : memref<8x3x1024xf32, #tpu.memory_space<vmem>>, vector<1x1x16xf32>,
      %get3A_2501 = vector.shape_cast %get3A_2500 : vector<1x1x16xf32> to vector<16xf32>
      %sub3A_2502 = arith.subf %get3A_2501, %get3A_2495 : vector<16xf32>
      %mul3A_2503 = arith.mulf %get3A_2489, %sub3A_2502 : vector<16xf32>
      %add3A_2504 = arith.addf %get3A_2495, %mul3A_2503 : vector<16xf32>
      %swap3A_2505 = arith.constant 0 : i32
      %swap3A_2506 = arith.index_cast %scan3A_37 : i32 to index
      %swap3A_2507 = arith.index_cast %swap3A_2505 : i32 to index
      %swap3A_2508 = arith.constant 560 : index
      %swap3A_2509 = tpu.vector_load %arg7[%swap3A_2506, %swap3A_2507, %swap3A_2508] {strides = array<i32>} : memref<8x3x1024xf32, #tpu.memory_space<vmem>>, vector<1x1x16xf32>,
      %swap3A_2510 = vector.shape_cast %swap3A_2509 : vector<1x1x16xf32> to vector<16xf32>
      %swap3A_2511 = vector.shape_cast %add3A_2504 : vector<16xf32> to vector<1x1x16xf32>
      tpu.vector_store %arg7[%swap3A_2506, %swap3A_2507, %swap3A_2508], %swap3A_2511 {strides = array<i32>} : memref<8x3x1024xf32, #tpu.memory_space<vmem>>, vector<1x1x16xf32>,
      %get3A_2512 = arith.constant 1 : i32
      %get3A_2513 = arith.index_cast %scan3A_37 : i32 to index
      %get3A_2514 = arith.index_cast %get3A_2512 : i32 to index
      %get3A_2515 = arith.constant 560 : index
      %get3A_2516 = tpu.vector_load %arg7[%get3A_2513, %get3A_2514, %get3A_2515] {strides = array<i32>} : memref<8x3x1024xf32, #tpu.memory_space<vmem>>, vector<1x1x16xf32>,
      %get3A_2517 = vector.shape_cast %get3A_2516 : vector<1x1x16xf32> to vector<16xf32>
      %get3A_2518 = arith.constant 1 : i32
      %get3A_2519 = arith.index_cast %scan3A_37 : i32 to index
      %get3A_2520 = arith.index_cast %get3A_2518 : i32 to index
      %get3A_2521 = arith.constant 560 : index
      %get3A_2522 = tpu.vector_load %arg8[%get3A_2519, %get3A_2520, %get3A_2521] {strides = array<i32>} : memref<8x3x1024xf32, #tpu.memory_space<vmem>>, vector<1x1x16xf32>,
      %get3A_2523 = vector.shape_cast %get3A_2522 : vector<1x1x16xf32> to vector<16xf32>
      %sub3A_2524 = arith.subf %get3A_2523, %get3A_2517 : vector<16xf32>
      %mul3A_2525 = arith.mulf %get3A_2489, %sub3A_2524 : vector<16xf32>
      %add3A_2526 = arith.addf %get3A_2517, %mul3A_2525 : vector<16xf32>
      %swap3A_2527 = arith.constant 1 : i32
      %swap3A_2528 = arith.index_cast %scan3A_37 : i32 to index
      %swap3A_2529 = arith.index_cast %swap3A_2527 : i32 to index
      %swap3A_2530 = arith.constant 560 : index
      %swap3A_2531 = tpu.vector_load %arg7[%swap3A_2528, %swap3A_2529, %swap3A_2530] {strides = array<i32>} : memref<8x3x1024xf32, #tpu.memory_space<vmem>>, vector<1x1x16xf32>,
      %swap3A_2532 = vector.shape_cast %swap3A_2531 : vector<1x1x16xf32> to vector<16xf32>
      %swap3A_2533 = vector.shape_cast %add3A_2526 : vector<16xf32> to vector<1x1x16xf32>
      tpu.vector_store %arg7[%swap3A_2528, %swap3A_2529, %swap3A_2530], %swap3A_2533 {strides = array<i32>} : memref<8x3x1024xf32, #tpu.memory_space<vmem>>, vector<1x1x16xf32>,
      %get3A_2534 = arith.constant 2 : i32
      %get3A_2535 = arith.index_cast %scan3A_37 : i32 to index
      %get3A_2536 = arith.index_cast %get3A_2534 : i32 to index
      %get3A_2537 = arith.constant 560 : index
      %get3A_2538 = tpu.vector_load %arg7[%get3A_2535, %get3A_2536, %get3A_2537] {strides = array<i32>} : memref<8x3x1024xf32, #tpu.memory_space<vmem>>, vector<1x1x16xf32>,
      %get3A_2539 = vector.shape_cast %get3A_2538 : vector<1x1x16xf32> to vector<16xf32>
      %get3A_2540 = arith.constant 2 : i32
      %get3A_2541 = arith.index_cast %scan3A_37 : i32 to index
      %get3A_2542 = arith.index_cast %get3A_2540 : i32 to index
      %get3A_2543 = arith.constant 560 : index
      %get3A_2544 = tpu.vector_load %arg8[%get3A_2541, %get3A_2542, %get3A_2543] {strides = array<i32>} : memref<8x3x1024xf32, #tpu.memory_space<vmem>>, vector<1x1x16xf32>,
      %get3A_2545 = vector.shape_cast %get3A_2544 : vector<1x1x16xf32> to vector<16xf32>
      %sub3A_2546 = arith.subf %get3A_2545, %get3A_2539 : vector<16xf32>
      %mul3A_2547 = arith.mulf %get3A_2489, %sub3A_2546 : vector<16xf32>
      %add3A_2548 = arith.addf %get3A_2539, %mul3A_2547 : vector<16xf32>
      %swap3A_2549 = arith.constant 2 : i32
      %swap3A_2550 = arith.index_cast %scan3A_37 : i32 to index
      %swap3A_2551 = arith.index_cast %swap3A_2549 : i32 to index
      %swap3A_2552 = arith.constant 560 : index
      %swap3A_2553 = tpu.vector_load %arg7[%swap3A_2550, %swap3A_2551, %swap3A_2552] {strides = array<i32>} : memref<8x3x1024xf32, #tpu.memory_space<vmem>>, vector<1x1x16xf32>,
      %swap3A_2554 = vector.shape_cast %swap3A_2553 : vector<1x1x16xf32> to vector<16xf32>
      %swap3A_2555 = vector.shape_cast %add3A_2548 : vector<16xf32> to vector<1x1x16xf32>
      tpu.vector_store %arg7[%swap3A_2550, %swap3A_2551, %swap3A_2552], %swap3A_2555 {strides = array<i32>} : memref<8x3x1024xf32, #tpu.memory_space<vmem>>, vector<1x1x16xf32>,
      %get3A_2556 = arith.index_cast %scan3A_37 : i32 to index
      %get3A_2557 = arith.constant 576 : index
      %get3A_2558 = tpu.vector_load %arg9[%get3A_2556, %get3A_2557] {strides = array<i32>} : memref<8x1024xf32, #tpu.memory_space<vmem>>, vector<1x16xf32>,
      %get3A_2559 = vector.shape_cast %get3A_2558 : vector<1x16xf32> to vector<16xf32>
      %get3A_2560 = arith.constant 0 : i32
      %get3A_2561 = arith.index_cast %scan3A_37 : i32 to index
      %get3A_2562 = arith.index_cast %get3A_2560 : i32 to index
      %get3A_2563 = arith.constant 576 : index
      %get3A_2564 = tpu.vector_load %arg7[%get3A_2561, %get3A_2562, %get3A_2563] {strides = array<i32>} : memref<8x3x1024xf32, #tpu.memory_space<vmem>>, vector<1x1x16xf32>,
      %get3A_2565 = vector.shape_cast %get3A_2564 : vector<1x1x16xf32> to vector<16xf32>
      %get3A_2566 = arith.constant 0 : i32
      %get3A_2567 = arith.index_cast %scan3A_37 : i32 to index
      %get3A_2568 = arith.index_cast %get3A_2566 : i32 to index
      %get3A_2569 = arith.constant 576 : index
      %get3A_2570 = tpu.vector_load %arg8[%get3A_2567, %get3A_2568, %get3A_2569] {strides = array<i32>} : memref<8x3x1024xf32, #tpu.memory_space<vmem>>, vector<1x1x16xf32>,
      %get3A_2571 = vector.shape_cast %get3A_2570 : vector<1x1x16xf32> to vector<16xf32>
      %sub3A_2572 = arith.subf %get3A_2571, %get3A_2565 : vector<16xf32>
      %mul3A_2573 = arith.mulf %get3A_2559, %sub3A_2572 : vector<16xf32>
      %add3A_2574 = arith.addf %get3A_2565, %mul3A_2573 : vector<16xf32>
      %swap3A_2575 = arith.constant 0 : i32
      %swap3A_2576 = arith.index_cast %scan3A_37 : i32 to index
      %swap3A_2577 = arith.index_cast %swap3A_2575 : i32 to index
      %swap3A_2578 = arith.constant 576 : index
      %swap3A_2579 = tpu.vector_load %arg7[%swap3A_2576, %swap3A_2577, %swap3A_2578] {strides = array<i32>} : memref<8x3x1024xf32, #tpu.memory_space<vmem>>, vector<1x1x16xf32>,
      %swap3A_2580 = vector.shape_cast %swap3A_2579 : vector<1x1x16xf32> to vector<16xf32>
      %swap3A_2581 = vector.shape_cast %add3A_2574 : vector<16xf32> to vector<1x1x16xf32>
      tpu.vector_store %arg7[%swap3A_2576, %swap3A_2577, %swap3A_2578], %swap3A_2581 {strides = array<i32>} : memref<8x3x1024xf32, #tpu.memory_space<vmem>>, vector<1x1x16xf32>,
      %get3A_2582 = arith.constant 1 : i32
      %get3A_2583 = arith.index_cast %scan3A_37 : i32 to index
      %get3A_2584 = arith.index_cast %get3A_2582 : i32 to index
      %get3A_2585 = arith.constant 576 : index
      %get3A_2586 = tpu.vector_load %arg7[%get3A_2583, %get3A_2584, %get3A_2585] {strides = array<i32>} : memref<8x3x1024xf32, #tpu.memory_space<vmem>>, vector<1x1x16xf32>,
      %get3A_2587 = vector.shape_cast %get3A_2586 : vector<1x1x16xf32> to vector<16xf32>
      %get3A_2588 = arith.constant 1 : i32
      %get3A_2589 = arith.index_cast %scan3A_37 : i32 to index
      %get3A_2590 = arith.index_cast %get3A_2588 : i32 to index
      %get3A_2591 = arith.constant 576 : index
      %get3A_2592 = tpu.vector_load %arg8[%get3A_2589, %get3A_2590, %get3A_2591] {strides = array<i32>} : memref<8x3x1024xf32, #tpu.memory_space<vmem>>, vector<1x1x16xf32>,
      %get3A_2593 = vector.shape_cast %get3A_2592 : vector<1x1x16xf32> to vector<16xf32>
      %sub3A_2594 = arith.subf %get3A_2593, %get3A_2587 : vector<16xf32>
      %mul3A_2595 = arith.mulf %get3A_2559, %sub3A_2594 : vector<16xf32>
      %add3A_2596 = arith.addf %get3A_2587, %mul3A_2595 : vector<16xf32>
      %swap3A_2597 = arith.constant 1 : i32
      %swap3A_2598 = arith.index_cast %scan3A_37 : i32 to index
      %swap3A_2599 = arith.index_cast %swap3A_2597 : i32 to index
      %swap3A_2600 = arith.constant 576 : index
      %swap3A_2601 = tpu.vector_load %arg7[%swap3A_2598, %swap3A_2599, %swap3A_2600] {strides = array<i32>} : memref<8x3x1024xf32, #tpu.memory_space<vmem>>, vector<1x1x16xf32>,
      %swap3A_2602 = vector.shape_cast %swap3A_2601 : vector<1x1x16xf32> to vector<16xf32>
      %swap3A_2603 = vector.shape_cast %add3A_2596 : vector<16xf32> to vector<1x1x16xf32>
      tpu.vector_store %arg7[%swap3A_2598, %swap3A_2599, %swap3A_2600], %swap3A_2603 {strides = array<i32>} : memref<8x3x1024xf32, #tpu.memory_space<vmem>>, vector<1x1x16xf32>,
      %get3A_2604 = arith.constant 2 : i32
      %get3A_2605 = arith.index_cast %scan3A_37 : i32 to index
      %get3A_2606 = arith.index_cast %get3A_2604 : i32 to index
      %get3A_2607 = arith.constant 576 : index
      %get3A_2608 = tpu.vector_load %arg7[%get3A_2605, %get3A_2606, %get3A_2607] {strides = array<i32>} : memref<8x3x1024xf32, #tpu.memory_space<vmem>>, vector<1x1x16xf32>,
      %get3A_2609 = vector.shape_cast %get3A_2608 : vector<1x1x16xf32> to vector<16xf32>
      %get3A_2610 = arith.constant 2 : i32
      %get3A_2611 = arith.index_cast %scan3A_37 : i32 to index
      %get3A_2612 = arith.index_cast %get3A_2610 : i32 to index
      %get3A_2613 = arith.constant 576 : index
      %get3A_2614 = tpu.vector_load %arg8[%get3A_2611, %get3A_2612, %get3A_2613] {strides = array<i32>} : memref<8x3x1024xf32, #tpu.memory_space<vmem>>, vector<1x1x16xf32>,
      %get3A_2615 = vector.shape_cast %get3A_2614 : vector<1x1x16xf32> to vector<16xf32>
      %sub3A_2616 = arith.subf %get3A_2615, %get3A_2609 : vector<16xf32>
      %mul3A_2617 = arith.mulf %get3A_2559, %sub3A_2616 : vector<16xf32>
      %add3A_2618 = arith.addf %get3A_2609, %mul3A_2617 : vector<16xf32>
      %swap3A_2619 = arith.constant 2 : i32
      %swap3A_2620 = arith.index_cast %scan3A_37 : i32 to index
      %swap3A_2621 = arith.index_cast %swap3A_2619 : i32 to index
      %swap3A_2622 = arith.constant 576 : index
      %swap3A_2623 = tpu.vector_load %arg7[%swap3A_2620, %swap3A_2621, %swap3A_2622] {strides = array<i32>} : memref<8x3x1024xf32, #tpu.memory_space<vmem>>, vector<1x1x16xf32>,
      %swap3A_2624 = vector.shape_cast %swap3A_2623 : vector<1x1x16xf32> to vector<16xf32>
      %swap3A_2625 = vector.shape_cast %add3A_2618 : vector<16xf32> to vector<1x1x16xf32>
      tpu.vector_store %arg7[%swap3A_2620, %swap3A_2621, %swap3A_2622], %swap3A_2625 {strides = array<i32>} : memref<8x3x1024xf32, #tpu.memory_space<vmem>>, vector<1x1x16xf32>,
      %get3A_2626 = arith.index_cast %scan3A_37 : i32 to index
      %get3A_2627 = arith.constant 592 : index
      %get3A_2628 = tpu.vector_load %arg9[%get3A_2626, %get3A_2627] {strides = array<i32>} : memref<8x1024xf32, #tpu.memory_space<vmem>>, vector<1x16xf32>,
      %get3A_2629 = vector.shape_cast %get3A_2628 : vector<1x16xf32> to vector<16xf32>
      %get3A_2630 = arith.constant 0 : i32
      %get3A_2631 = arith.index_cast %scan3A_37 : i32 to index
      %get3A_2632 = arith.index_cast %get3A_2630 : i32 to index
      %get3A_2633 = arith.constant 592 : index
      %get3A_2634 = tpu.vector_load %arg7[%get3A_2631, %get3A_2632, %get3A_2633] {strides = array<i32>} : memref<8x3x1024xf32, #tpu.memory_space<vmem>>, vector<1x1x16xf32>,
      %get3A_2635 = vector.shape_cast %get3A_2634 : vector<1x1x16xf32> to vector<16xf32>
      %get3A_2636 = arith.constant 0 : i32
      %get3A_2637 = arith.index_cast %scan3A_37 : i32 to index
      %get3A_2638 = arith.index_cast %get3A_2636 : i32 to index
      %get3A_2639 = arith.constant 592 : index
      %get3A_2640 = tpu.vector_load %arg8[%get3A_2637, %get3A_2638, %get3A_2639] {strides = array<i32>} : memref<8x3x1024xf32, #tpu.memory_space<vmem>>, vector<1x1x16xf32>,
      %get3A_2641 = vector.shape_cast %get3A_2640 : vector<1x1x16xf32> to vector<16xf32>
      %sub3A_2642 = arith.subf %get3A_2641, %get3A_2635 : vector<16xf32>
      %mul3A_2643 = arith.mulf %get3A_2629, %sub3A_2642 : vector<16xf32>
      %add3A_2644 = arith.addf %get3A_2635, %mul3A_2643 : vector<16xf32>
      %swap3A_2645 = arith.constant 0 : i32
      %swap3A_2646 = arith.index_cast %scan3A_37 : i32 to index
      %swap3A_2647 = arith.index_cast %swap3A_2645 : i32 to index
      %swap3A_2648 = arith.constant 592 : index
      %swap3A_2649 = tpu.vector_load %arg7[%swap3A_2646, %swap3A_2647, %swap3A_2648] {strides = array<i32>} : memref<8x3x1024xf32, #tpu.memory_space<vmem>>, vector<1x1x16xf32>,
      %swap3A_2650 = vector.shape_cast %swap3A_2649 : vector<1x1x16xf32> to vector<16xf32>
      %swap3A_2651 = vector.shape_cast %add3A_2644 : vector<16xf32> to vector<1x1x16xf32>
      tpu.vector_store %arg7[%swap3A_2646, %swap3A_2647, %swap3A_2648], %swap3A_2651 {strides = array<i32>} : memref<8x3x1024xf32, #tpu.memory_space<vmem>>, vector<1x1x16xf32>,
      %get3A_2652 = arith.constant 1 : i32
      %get3A_2653 = arith.index_cast %scan3A_37 : i32 to index
      %get3A_2654 = arith.index_cast %get3A_2652 : i32 to index
      %get3A_2655 = arith.constant 592 : index
      %get3A_2656 = tpu.vector_load %arg7[%get3A_2653, %get3A_2654, %get3A_2655] {strides = array<i32>} : memref<8x3x1024xf32, #tpu.memory_space<vmem>>, vector<1x1x16xf32>,
      %get3A_2657 = vector.shape_cast %get3A_2656 : vector<1x1x16xf32> to vector<16xf32>
      %get3A_2658 = arith.constant 1 : i32
      %get3A_2659 = arith.index_cast %scan3A_37 : i32 to index
      %get3A_2660 = arith.index_cast %get3A_2658 : i32 to index
      %get3A_2661 = arith.constant 592 : index
      %get3A_2662 = tpu.vector_load %arg8[%get3A_2659, %get3A_2660, %get3A_2661] {strides = array<i32>} : memref<8x3x1024xf32, #tpu.memory_space<vmem>>, vector<1x1x16xf32>,
      %get3A_2663 = vector.shape_cast %get3A_2662 : vector<1x1x16xf32> to vector<16xf32>
      %sub3A_2664 = arith.subf %get3A_2663, %get3A_2657 : vector<16xf32>
      %mul3A_2665 = arith.mulf %get3A_2629, %sub3A_2664 : vector<16xf32>
      %add3A_2666 = arith.addf %get3A_2657, %mul3A_2665 : vector<16xf32>
      %swap3A_2667 = arith.constant 1 : i32
      %swap3A_2668 = arith.index_cast %scan3A_37 : i32 to index
      %swap3A_2669 = arith.index_cast %swap3A_2667 : i32 to index
      %swap3A_2670 = arith.constant 592 : index
      %swap3A_2671 = tpu.vector_load %arg7[%swap3A_2668, %swap3A_2669, %swap3A_2670] {strides = array<i32>} : memref<8x3x1024xf32, #tpu.memory_space<vmem>>, vector<1x1x16xf32>,
      %swap3A_2672 = vector.shape_cast %swap3A_2671 : vector<1x1x16xf32> to vector<16xf32>
      %swap3A_2673 = vector.shape_cast %add3A_2666 : vector<16xf32> to vector<1x1x16xf32>
      tpu.vector_store %arg7[%swap3A_2668, %swap3A_2669, %swap3A_2670], %swap3A_2673 {strides = array<i32>} : memref<8x3x1024xf32, #tpu.memory_space<vmem>>, vector<1x1x16xf32>,
      %get3A_2674 = arith.constant 2 : i32
      %get3A_2675 = arith.index_cast %scan3A_37 : i32 to index
      %get3A_2676 = arith.index_cast %get3A_2674 : i32 to index
      %get3A_2677 = arith.constant 592 : index
      %get3A_2678 = tpu.vector_load %arg7[%get3A_2675, %get3A_2676, %get3A_2677] {strides = array<i32>} : memref<8x3x1024xf32, #tpu.memory_space<vmem>>, vector<1x1x16xf32>,
      %get3A_2679 = vector.shape_cast %get3A_2678 : vector<1x1x16xf32> to vector<16xf32>
      %get3A_2680 = arith.constant 2 : i32
      %get3A_2681 = arith.index_cast %scan3A_37 : i32 to index
      %get3A_2682 = arith.index_cast %get3A_2680 : i32 to index
      %get3A_2683 = arith.constant 592 : index
      %get3A_2684 = tpu.vector_load %arg8[%get3A_2681, %get3A_2682, %get3A_2683] {strides = array<i32>} : memref<8x3x1024xf32, #tpu.memory_space<vmem>>, vector<1x1x16xf32>,
      %get3A_2685 = vector.shape_cast %get3A_2684 : vector<1x1x16xf32> to vector<16xf32>
      %sub3A_2686 = arith.subf %get3A_2685, %get3A_2679 : vector<16xf32>
      %mul3A_2687 = arith.mulf %get3A_2629, %sub3A_2686 : vector<16xf32>
      %add3A_2688 = arith.addf %get3A_2679, %mul3A_2687 : vector<16xf32>
      %swap3A_2689 = arith.constant 2 : i32
      %swap3A_2690 = arith.index_cast %scan3A_37 : i32 to index
      %swap3A_2691 = arith.index_cast %swap3A_2689 : i32 to index
      %swap3A_2692 = arith.constant 592 : index
      %swap3A_2693 = tpu.vector_load %arg7[%swap3A_2690, %swap3A_2691, %swap3A_2692] {strides = array<i32>} : memref<8x3x1024xf32, #tpu.memory_space<vmem>>, vector<1x1x16xf32>,
      %swap3A_2694 = vector.shape_cast %swap3A_2693 : vector<1x1x16xf32> to vector<16xf32>
      %swap3A_2695 = vector.shape_cast %add3A_2688 : vector<16xf32> to vector<1x1x16xf32>
      tpu.vector_store %arg7[%swap3A_2690, %swap3A_2691, %swap3A_2692], %swap3A_2695 {strides = array<i32>} : memref<8x3x1024xf32, #tpu.memory_space<vmem>>, vector<1x1x16xf32>,
      %get3A_2696 = arith.index_cast %scan3A_37 : i32 to index
      %get3A_2697 = arith.constant 608 : index
      %get3A_2698 = tpu.vector_load %arg9[%get3A_2696, %get3A_2697] {strides = array<i32>} : memref<8x1024xf32, #tpu.memory_space<vmem>>, vector<1x16xf32>,
      %get3A_2699 = vector.shape_cast %get3A_2698 : vector<1x16xf32> to vector<16xf32>
      %get3A_2700 = arith.constant 0 : i32
      %get3A_2701 = arith.index_cast %scan3A_37 : i32 to index
      %get3A_2702 = arith.index_cast %get3A_2700 : i32 to index
      %get3A_2703 = arith.constant 608 : index
      %get3A_2704 = tpu.vector_load %arg7[%get3A_2701, %get3A_2702, %get3A_2703] {strides = array<i32>} : memref<8x3x1024xf32, #tpu.memory_space<vmem>>, vector<1x1x16xf32>,
      %get3A_2705 = vector.shape_cast %get3A_2704 : vector<1x1x16xf32> to vector<16xf32>
      %get3A_2706 = arith.constant 0 : i32
      %get3A_2707 = arith.index_cast %scan3A_37 : i32 to index
      %get3A_2708 = arith.index_cast %get3A_2706 : i32 to index
      %get3A_2709 = arith.constant 608 : index
      %get3A_2710 = tpu.vector_load %arg8[%get3A_2707, %get3A_2708, %get3A_2709] {strides = array<i32>} : memref<8x3x1024xf32, #tpu.memory_space<vmem>>, vector<1x1x16xf32>,
      %get3A_2711 = vector.shape_cast %get3A_2710 : vector<1x1x16xf32> to vector<16xf32>
      %sub3A_2712 = arith.subf %get3A_2711, %get3A_2705 : vector<16xf32>
      %mul3A_2713 = arith.mulf %get3A_2699, %sub3A_2712 : vector<16xf32>
      %add3A_2714 = arith.addf %get3A_2705, %mul3A_2713 : vector<16xf32>
      %swap3A_2715 = arith.constant 0 : i32
      %swap3A_2716 = arith.index_cast %scan3A_37 : i32 to index
      %swap3A_2717 = arith.index_cast %swap3A_2715 : i32 to index
      %swap3A_2718 = arith.constant 608 : index
      %swap3A_2719 = tpu.vector_load %arg7[%swap3A_2716, %swap3A_2717, %swap3A_2718] {strides = array<i32>} : memref<8x3x1024xf32, #tpu.memory_space<vmem>>, vector<1x1x16xf32>,
      %swap3A_2720 = vector.shape_cast %swap3A_2719 : vector<1x1x16xf32> to vector<16xf32>
      %swap3A_2721 = vector.shape_cast %add3A_2714 : vector<16xf32> to vector<1x1x16xf32>
      tpu.vector_store %arg7[%swap3A_2716, %swap3A_2717, %swap3A_2718], %swap3A_2721 {strides = array<i32>} : memref<8x3x1024xf32, #tpu.memory_space<vmem>>, vector<1x1x16xf32>,
      %get3A_2722 = arith.constant 1 : i32
      %get3A_2723 = arith.index_cast %scan3A_37 : i32 to index
      %get3A_2724 = arith.index_cast %get3A_2722 : i32 to index
      %get3A_2725 = arith.constant 608 : index
      %get3A_2726 = tpu.vector_load %arg7[%get3A_2723, %get3A_2724, %get3A_2725] {strides = array<i32>} : memref<8x3x1024xf32, #tpu.memory_space<vmem>>, vector<1x1x16xf32>,
      %get3A_2727 = vector.shape_cast %get3A_2726 : vector<1x1x16xf32> to vector<16xf32>
      %get3A_2728 = arith.constant 1 : i32
      %get3A_2729 = arith.index_cast %scan3A_37 : i32 to index
      %get3A_2730 = arith.index_cast %get3A_2728 : i32 to index
      %get3A_2731 = arith.constant 608 : index
      %get3A_2732 = tpu.vector_load %arg8[%get3A_2729, %get3A_2730, %get3A_2731] {strides = array<i32>} : memref<8x3x1024xf32, #tpu.memory_space<vmem>>, vector<1x1x16xf32>,
      %get3A_2733 = vector.shape_cast %get3A_2732 : vector<1x1x16xf32> to vector<16xf32>
      %sub3A_2734 = arith.subf %get3A_2733, %get3A_2727 : vector<16xf32>
      %mul3A_2735 = arith.mulf %get3A_2699, %sub3A_2734 : vector<16xf32>
      %add3A_2736 = arith.addf %get3A_2727, %mul3A_2735 : vector<16xf32>
      %swap3A_2737 = arith.constant 1 : i32
      %swap3A_2738 = arith.index_cast %scan3A_37 : i32 to index
      %swap3A_2739 = arith.index_cast %swap3A_2737 : i32 to index
      %swap3A_2740 = arith.constant 608 : index
      %swap3A_2741 = tpu.vector_load %arg7[%swap3A_2738, %swap3A_2739, %swap3A_2740] {strides = array<i32>} : memref<8x3x1024xf32, #tpu.memory_space<vmem>>, vector<1x1x16xf32>,
      %swap3A_2742 = vector.shape_cast %swap3A_2741 : vector<1x1x16xf32> to vector<16xf32>
      %swap3A_2743 = vector.shape_cast %add3A_2736 : vector<16xf32> to vector<1x1x16xf32>
      tpu.vector_store %arg7[%swap3A_2738, %swap3A_2739, %swap3A_2740], %swap3A_2743 {strides = array<i32>} : memref<8x3x1024xf32, #tpu.memory_space<vmem>>, vector<1x1x16xf32>,
      %get3A_2744 = arith.constant 2 : i32
      %get3A_2745 = arith.index_cast %scan3A_37 : i32 to index
      %get3A_2746 = arith.index_cast %get3A_2744 : i32 to index
      %get3A_2747 = arith.constant 608 : index
      %get3A_2748 = tpu.vector_load %arg7[%get3A_2745, %get3A_2746, %get3A_2747] {strides = array<i32>} : memref<8x3x1024xf32, #tpu.memory_space<vmem>>, vector<1x1x16xf32>,
      %get3A_2749 = vector.shape_cast %get3A_2748 : vector<1x1x16xf32> to vector<16xf32>
      %get3A_2750 = arith.constant 2 : i32
      %get3A_2751 = arith.index_cast %scan3A_37 : i32 to index
      %get3A_2752 = arith.index_cast %get3A_2750 : i32 to index
      %get3A_2753 = arith.constant 608 : index
      %get3A_2754 = tpu.vector_load %arg8[%get3A_2751, %get3A_2752, %get3A_2753] {strides = array<i32>} : memref<8x3x1024xf32, #tpu.memory_space<vmem>>, vector<1x1x16xf32>,
      %get3A_2755 = vector.shape_cast %get3A_2754 : vector<1x1x16xf32> to vector<16xf32>
      %sub3A_2756 = arith.subf %get3A_2755, %get3A_2749 : vector<16xf32>
      %mul3A_2757 = arith.mulf %get3A_2699, %sub3A_2756 : vector<16xf32>
      %add3A_2758 = arith.addf %get3A_2749, %mul3A_2757 : vector<16xf32>
      %swap3A_2759 = arith.constant 2 : i32
      %swap3A_2760 = arith.index_cast %scan3A_37 : i32 to index
      %swap3A_2761 = arith.index_cast %swap3A_2759 : i32 to index
      %swap3A_2762 = arith.constant 608 : index
      %swap3A_2763 = tpu.vector_load %arg7[%swap3A_2760, %swap3A_2761, %swap3A_2762] {strides = array<i32>} : memref<8x3x1024xf32, #tpu.memory_space<vmem>>, vector<1x1x16xf32>,
      %swap3A_2764 = vector.shape_cast %swap3A_2763 : vector<1x1x16xf32> to vector<16xf32>
      %swap3A_2765 = vector.shape_cast %add3A_2758 : vector<16xf32> to vector<1x1x16xf32>
      tpu.vector_store %arg7[%swap3A_2760, %swap3A_2761, %swap3A_2762], %swap3A_2765 {strides = array<i32>} : memref<8x3x1024xf32, #tpu.memory_space<vmem>>, vector<1x1x16xf32>,
      %get3A_2766 = arith.index_cast %scan3A_37 : i32 to index
      %get3A_2767 = arith.constant 624 : index
      %get3A_2768 = tpu.vector_load %arg9[%get3A_2766, %get3A_2767] {strides = array<i32>} : memref<8x1024xf32, #tpu.memory_space<vmem>>, vector<1x16xf32>,
      %get3A_2769 = vector.shape_cast %get3A_2768 : vector<1x16xf32> to vector<16xf32>
      %get3A_2770 = arith.constant 0 : i32
      %get3A_2771 = arith.index_cast %scan3A_37 : i32 to index
      %get3A_2772 = arith.index_cast %get3A_2770 : i32 to index
      %get3A_2773 = arith.constant 624 : index
      %get3A_2774 = tpu.vector_load %arg7[%get3A_2771, %get3A_2772, %get3A_2773] {strides = array<i32>} : memref<8x3x1024xf32, #tpu.memory_space<vmem>>, vector<1x1x16xf32>,
      %get3A_2775 = vector.shape_cast %get3A_2774 : vector<1x1x16xf32> to vector<16xf32>
      %get3A_2776 = arith.constant 0 : i32
      %get3A_2777 = arith.index_cast %scan3A_37 : i32 to index
      %get3A_2778 = arith.index_cast %get3A_2776 : i32 to index
      %get3A_2779 = arith.constant 624 : index
      %get3A_2780 = tpu.vector_load %arg8[%get3A_2777, %get3A_2778, %get3A_2779] {strides = array<i32>} : memref<8x3x1024xf32, #tpu.memory_space<vmem>>, vector<1x1x16xf32>,
      %get3A_2781 = vector.shape_cast %get3A_2780 : vector<1x1x16xf32> to vector<16xf32>
      %sub3A_2782 = arith.subf %get3A_2781, %get3A_2775 : vector<16xf32>
      %mul3A_2783 = arith.mulf %get3A_2769, %sub3A_2782 : vector<16xf32>
      %add3A_2784 = arith.addf %get3A_2775, %mul3A_2783 : vector<16xf32>
      %swap3A_2785 = arith.constant 0 : i32
      %swap3A_2786 = arith.index_cast %scan3A_37 : i32 to index
      %swap3A_2787 = arith.index_cast %swap3A_2785 : i32 to index
      %swap3A_2788 = arith.constant 624 : index
      %swap3A_2789 = tpu.vector_load %arg7[%swap3A_2786, %swap3A_2787, %swap3A_2788] {strides = array<i32>} : memref<8x3x1024xf32, #tpu.memory_space<vmem>>, vector<1x1x16xf32>,
      %swap3A_2790 = vector.shape_cast %swap3A_2789 : vector<1x1x16xf32> to vector<16xf32>
      %swap3A_2791 = vector.shape_cast %add3A_2784 : vector<16xf32> to vector<1x1x16xf32>
      tpu.vector_store %arg7[%swap3A_2786, %swap3A_2787, %swap3A_2788], %swap3A_2791 {strides = array<i32>} : memref<8x3x1024xf32, #tpu.memory_space<vmem>>, vector<1x1x16xf32>,
      %get3A_2792 = arith.constant 1 : i32
      %get3A_2793 = arith.index_cast %scan3A_37 : i32 to index
      %get3A_2794 = arith.index_cast %get3A_2792 : i32 to index
      %get3A_2795 = arith.constant 624 : index
      %get3A_2796 = tpu.vector_load %arg7[%get3A_2793, %get3A_2794, %get3A_2795] {strides = array<i32>} : memref<8x3x1024xf32, #tpu.memory_space<vmem>>, vector<1x1x16xf32>,
      %get3A_2797 = vector.shape_cast %get3A_2796 : vector<1x1x16xf32> to vector<16xf32>
      %get3A_2798 = arith.constant 1 : i32
      %get3A_2799 = arith.index_cast %scan3A_37 : i32 to index
      %get3A_2800 = arith.index_cast %get3A_2798 : i32 to index
      %get3A_2801 = arith.constant 624 : index
      %get3A_2802 = tpu.vector_load %arg8[%get3A_2799, %get3A_2800, %get3A_2801] {strides = array<i32>} : memref<8x3x1024xf32, #tpu.memory_space<vmem>>, vector<1x1x16xf32>,
      %get3A_2803 = vector.shape_cast %get3A_2802 : vector<1x1x16xf32> to vector<16xf32>
      %sub3A_2804 = arith.subf %get3A_2803, %get3A_2797 : vector<16xf32>
      %mul3A_2805 = arith.mulf %get3A_2769, %sub3A_2804 : vector<16xf32>
      %add3A_2806 = arith.addf %get3A_2797, %mul3A_2805 : vector<16xf32>
      %swap3A_2807 = arith.constant 1 : i32
      %swap3A_2808 = arith.index_cast %scan3A_37 : i32 to index
      %swap3A_2809 = arith.index_cast %swap3A_2807 : i32 to index
      %swap3A_2810 = arith.constant 624 : index
      %swap3A_2811 = tpu.vector_load %arg7[%swap3A_2808, %swap3A_2809, %swap3A_2810] {strides = array<i32>} : memref<8x3x1024xf32, #tpu.memory_space<vmem>>, vector<1x1x16xf32>,
      %swap3A_2812 = vector.shape_cast %swap3A_2811 : vector<1x1x16xf32> to vector<16xf32>
      %swap3A_2813 = vector.shape_cast %add3A_2806 : vector<16xf32> to vector<1x1x16xf32>
      tpu.vector_store %arg7[%swap3A_2808, %swap3A_2809, %swap3A_2810], %swap3A_2813 {strides = array<i32>} : memref<8x3x1024xf32, #tpu.memory_space<vmem>>, vector<1x1x16xf32>,
      %get3A_2814 = arith.constant 2 : i32
      %get3A_2815 = arith.index_cast %scan3A_37 : i32 to index
      %get3A_2816 = arith.index_cast %get3A_2814 : i32 to index
      %get3A_2817 = arith.constant 624 : index
      %get3A_2818 = tpu.vector_load %arg7[%get3A_2815, %get3A_2816, %get3A_2817] {strides = array<i32>} : memref<8x3x1024xf32, #tpu.memory_space<vmem>>, vector<1x1x16xf32>,
      %get3A_2819 = vector.shape_cast %get3A_2818 : vector<1x1x16xf32> to vector<16xf32>
      %get3A_2820 = arith.constant 2 : i32
      %get3A_2821 = arith.index_cast %scan3A_37 : i32 to index
      %get3A_2822 = arith.index_cast %get3A_2820 : i32 to index
      %get3A_2823 = arith.constant 624 : index
      %get3A_2824 = tpu.vector_load %arg8[%get3A_2821, %get3A_2822, %get3A_2823] {strides = array<i32>} : memref<8x3x1024xf32, #tpu.memory_space<vmem>>, vector<1x1x16xf32>,
      %get3A_2825 = vector.shape_cast %get3A_2824 : vector<1x1x16xf32> to vector<16xf32>
      %sub3A_2826 = arith.subf %get3A_2825, %get3A_2819 : vector<16xf32>
      %mul3A_2827 = arith.mulf %get3A_2769, %sub3A_2826 : vector<16xf32>
      %add3A_2828 = arith.addf %get3A_2819, %mul3A_2827 : vector<16xf32>
      %swap3A_2829 = arith.constant 2 : i32
      %swap3A_2830 = arith.index_cast %scan3A_37 : i32 to index
      %swap3A_2831 = arith.index_cast %swap3A_2829 : i32 to index
      %swap3A_2832 = arith.constant 624 : index
      %swap3A_2833 = tpu.vector_load %arg7[%swap3A_2830, %swap3A_2831, %swap3A_2832] {strides = array<i32>} : memref<8x3x1024xf32, #tpu.memory_space<vmem>>, vector<1x1x16xf32>,
      %swap3A_2834 = vector.shape_cast %swap3A_2833 : vector<1x1x16xf32> to vector<16xf32>
      %swap3A_2835 = vector.shape_cast %add3A_2828 : vector<16xf32> to vector<1x1x16xf32>
      tpu.vector_store %arg7[%swap3A_2830, %swap3A_2831, %swap3A_2832], %swap3A_2835 {strides = array<i32>} : memref<8x3x1024xf32, #tpu.memory_space<vmem>>, vector<1x1x16xf32>,
      %get3A_2836 = arith.index_cast %scan3A_37 : i32 to index
      %get3A_2837 = arith.constant 640 : index
      %get3A_2838 = tpu.vector_load %arg9[%get3A_2836, %get3A_2837] {strides = array<i32>} : memref<8x1024xf32, #tpu.memory_space<vmem>>, vector<1x16xf32>,
      %get3A_2839 = vector.shape_cast %get3A_2838 : vector<1x16xf32> to vector<16xf32>
      %get3A_2840 = arith.constant 0 : i32
      %get3A_2841 = arith.index_cast %scan3A_37 : i32 to index
      %get3A_2842 = arith.index_cast %get3A_2840 : i32 to index
      %get3A_2843 = arith.constant 640 : index
      %get3A_2844 = tpu.vector_load %arg7[%get3A_2841, %get3A_2842, %get3A_2843] {strides = array<i32>} : memref<8x3x1024xf32, #tpu.memory_space<vmem>>, vector<1x1x16xf32>,
      %get3A_2845 = vector.shape_cast %get3A_2844 : vector<1x1x16xf32> to vector<16xf32>
      %get3A_2846 = arith.constant 0 : i32
      %get3A_2847 = arith.index_cast %scan3A_37 : i32 to index
      %get3A_2848 = arith.index_cast %get3A_2846 : i32 to index
      %get3A_2849 = arith.constant 640 : index
      %get3A_2850 = tpu.vector_load %arg8[%get3A_2847, %get3A_2848, %get3A_2849] {strides = array<i32>} : memref<8x3x1024xf32, #tpu.memory_space<vmem>>, vector<1x1x16xf32>,
      %get3A_2851 = vector.shape_cast %get3A_2850 : vector<1x1x16xf32> to vector<16xf32>
      %sub3A_2852 = arith.subf %get3A_2851, %get3A_2845 : vector<16xf32>
      %mul3A_2853 = arith.mulf %get3A_2839, %sub3A_2852 : vector<16xf32>
      %add3A_2854 = arith.addf %get3A_2845, %mul3A_2853 : vector<16xf32>
      %swap3A_2855 = arith.constant 0 : i32
      %swap3A_2856 = arith.index_cast %scan3A_37 : i32 to index
      %swap3A_2857 = arith.index_cast %swap3A_2855 : i32 to index
      %swap3A_2858 = arith.constant 640 : index
      %swap3A_2859 = tpu.vector_load %arg7[%swap3A_2856, %swap3A_2857, %swap3A_2858] {strides = array<i32>} : memref<8x3x1024xf32, #tpu.memory_space<vmem>>, vector<1x1x16xf32>,
      %swap3A_2860 = vector.shape_cast %swap3A_2859 : vector<1x1x16xf32> to vector<16xf32>
      %swap3A_2861 = vector.shape_cast %add3A_2854 : vector<16xf32> to vector<1x1x16xf32>
      tpu.vector_store %arg7[%swap3A_2856, %swap3A_2857, %swap3A_2858], %swap3A_2861 {strides = array<i32>} : memref<8x3x1024xf32, #tpu.memory_space<vmem>>, vector<1x1x16xf32>,
      %get3A_2862 = arith.constant 1 : i32
      %get3A_2863 = arith.index_cast %scan3A_37 : i32 to index
      %get3A_2864 = arith.index_cast %get3A_2862 : i32 to index
      %get3A_2865 = arith.constant 640 : index
      %get3A_2866 = tpu.vector_load %arg7[%get3A_2863, %get3A_2864, %get3A_2865] {strides = array<i32>} : memref<8x3x1024xf32, #tpu.memory_space<vmem>>, vector<1x1x16xf32>,
      %get3A_2867 = vector.shape_cast %get3A_2866 : vector<1x1x16xf32> to vector<16xf32>
      %get3A_2868 = arith.constant 1 : i32
      %get3A_2869 = arith.index_cast %scan3A_37 : i32 to index
      %get3A_2870 = arith.index_cast %get3A_2868 : i32 to index
      %get3A_2871 = arith.constant 640 : index
      %get3A_2872 = tpu.vector_load %arg8[%get3A_2869, %get3A_2870, %get3A_2871] {strides = array<i32>} : memref<8x3x1024xf32, #tpu.memory_space<vmem>>, vector<1x1x16xf32>,
      %get3A_2873 = vector.shape_cast %get3A_2872 : vector<1x1x16xf32> to vector<16xf32>
      %sub3A_2874 = arith.subf %get3A_2873, %get3A_2867 : vector<16xf32>
      %mul3A_2875 = arith.mulf %get3A_2839, %sub3A_2874 : vector<16xf32>
      %add3A_2876 = arith.addf %get3A_2867, %mul3A_2875 : vector<16xf32>
      %swap3A_2877 = arith.constant 1 : i32
      %swap3A_2878 = arith.index_cast %scan3A_37 : i32 to index
      %swap3A_2879 = arith.index_cast %swap3A_2877 : i32 to index
      %swap3A_2880 = arith.constant 640 : index
      %swap3A_2881 = tpu.vector_load %arg7[%swap3A_2878, %swap3A_2879, %swap3A_2880] {strides = array<i32>} : memref<8x3x1024xf32, #tpu.memory_space<vmem>>, vector<1x1x16xf32>,
      %swap3A_2882 = vector.shape_cast %swap3A_2881 : vector<1x1x16xf32> to vector<16xf32>
      %swap3A_2883 = vector.shape_cast %add3A_2876 : vector<16xf32> to vector<1x1x16xf32>
      tpu.vector_store %arg7[%swap3A_2878, %swap3A_2879, %swap3A_2880], %swap3A_2883 {strides = array<i32>} : memref<8x3x1024xf32, #tpu.memory_space<vmem>>, vector<1x1x16xf32>,
      %get3A_2884 = arith.constant 2 : i32
      %get3A_2885 = arith.index_cast %scan3A_37 : i32 to index
      %get3A_2886 = arith.index_cast %get3A_2884 : i32 to index
      %get3A_2887 = arith.constant 640 : index
      %get3A_2888 = tpu.vector_load %arg7[%get3A_2885, %get3A_2886, %get3A_2887] {strides = array<i32>} : memref<8x3x1024xf32, #tpu.memory_space<vmem>>, vector<1x1x16xf32>,
      %get3A_2889 = vector.shape_cast %get3A_2888 : vector<1x1x16xf32> to vector<16xf32>
      %get3A_2890 = arith.constant 2 : i32
      %get3A_2891 = arith.index_cast %scan3A_37 : i32 to index
      %get3A_2892 = arith.index_cast %get3A_2890 : i32 to index
      %get3A_2893 = arith.constant 640 : index
      %get3A_2894 = tpu.vector_load %arg8[%get3A_2891, %get3A_2892, %get3A_2893] {strides = array<i32>} : memref<8x3x1024xf32, #tpu.memory_space<vmem>>, vector<1x1x16xf32>,
      %get3A_2895 = vector.shape_cast %get3A_2894 : vector<1x1x16xf32> to vector<16xf32>
      %sub3A_2896 = arith.subf %get3A_2895, %get3A_2889 : vector<16xf32>
      %mul3A_2897 = arith.mulf %get3A_2839, %sub3A_2896 : vector<16xf32>
      %add3A_2898 = arith.addf %get3A_2889, %mul3A_2897 : vector<16xf32>
      %swap3A_2899 = arith.constant 2 : i32
      %swap3A_2900 = arith.index_cast %scan3A_37 : i32 to index
      %swap3A_2901 = arith.index_cast %swap3A_2899 : i32 to index
      %swap3A_2902 = arith.constant 640 : index
      %swap3A_2903 = tpu.vector_load %arg7[%swap3A_2900, %swap3A_2901, %swap3A_2902] {strides = array<i32>} : memref<8x3x1024xf32, #tpu.memory_space<vmem>>, vector<1x1x16xf32>,
      %swap3A_2904 = vector.shape_cast %swap3A_2903 : vector<1x1x16xf32> to vector<16xf32>
      %swap3A_2905 = vector.shape_cast %add3A_2898 : vector<16xf32> to vector<1x1x16xf32>
      tpu.vector_store %arg7[%swap3A_2900, %swap3A_2901, %swap3A_2902], %swap3A_2905 {strides = array<i32>} : memref<8x3x1024xf32, #tpu.memory_space<vmem>>, vector<1x1x16xf32>,
      %get3A_2906 = arith.index_cast %scan3A_37 : i32 to index
      %get3A_2907 = arith.constant 656 : index
      %get3A_2908 = tpu.vector_load %arg9[%get3A_2906, %get3A_2907] {strides = array<i32>} : memref<8x1024xf32, #tpu.memory_space<vmem>>, vector<1x16xf32>,
      %get3A_2909 = vector.shape_cast %get3A_2908 : vector<1x16xf32> to vector<16xf32>
      %get3A_2910 = arith.constant 0 : i32
      %get3A_2911 = arith.index_cast %scan3A_37 : i32 to index
      %get3A_2912 = arith.index_cast %get3A_2910 : i32 to index
      %get3A_2913 = arith.constant 656 : index
      %get3A_2914 = tpu.vector_load %arg7[%get3A_2911, %get3A_2912, %get3A_2913] {strides = array<i32>} : memref<8x3x1024xf32, #tpu.memory_space<vmem>>, vector<1x1x16xf32>,
      %get3A_2915 = vector.shape_cast %get3A_2914 : vector<1x1x16xf32> to vector<16xf32>
      %get3A_2916 = arith.constant 0 : i32
      %get3A_2917 = arith.index_cast %scan3A_37 : i32 to index
      %get3A_2918 = arith.index_cast %get3A_2916 : i32 to index
      %get3A_2919 = arith.constant 656 : index
      %get3A_2920 = tpu.vector_load %arg8[%get3A_2917, %get3A_2918, %get3A_2919] {strides = array<i32>} : memref<8x3x1024xf32, #tpu.memory_space<vmem>>, vector<1x1x16xf32>,
      %get3A_2921 = vector.shape_cast %get3A_2920 : vector<1x1x16xf32> to vector<16xf32>
      %sub3A_2922 = arith.subf %get3A_2921, %get3A_2915 : vector<16xf32>
      %mul3A_2923 = arith.mulf %get3A_2909, %sub3A_2922 : vector<16xf32>
      %add3A_2924 = arith.addf %get3A_2915, %mul3A_2923 : vector<16xf32>
      %swap3A_2925 = arith.constant 0 : i32
      %swap3A_2926 = arith.index_cast %scan3A_37 : i32 to index
      %swap3A_2927 = arith.index_cast %swap3A_2925 : i32 to index
      %swap3A_2928 = arith.constant 656 : index
      %swap3A_2929 = tpu.vector_load %arg7[%swap3A_2926, %swap3A_2927, %swap3A_2928] {strides = array<i32>} : memref<8x3x1024xf32, #tpu.memory_space<vmem>>, vector<1x1x16xf32>,
      %swap3A_2930 = vector.shape_cast %swap3A_2929 : vector<1x1x16xf32> to vector<16xf32>
      %swap3A_2931 = vector.shape_cast %add3A_2924 : vector<16xf32> to vector<1x1x16xf32>
      tpu.vector_store %arg7[%swap3A_2926, %swap3A_2927, %swap3A_2928], %swap3A_2931 {strides = array<i32>} : memref<8x3x1024xf32, #tpu.memory_space<vmem>>, vector<1x1x16xf32>,
      %get3A_2932 = arith.constant 1 : i32
      %get3A_2933 = arith.index_cast %scan3A_37 : i32 to index
      %get3A_2934 = arith.index_cast %get3A_2932 : i32 to index
      %get3A_2935 = arith.constant 656 : index
      %get3A_2936 = tpu.vector_load %arg7[%get3A_2933, %get3A_2934, %get3A_2935] {strides = array<i32>} : memref<8x3x1024xf32, #tpu.memory_space<vmem>>, vector<1x1x16xf32>,
      %get3A_2937 = vector.shape_cast %get3A_2936 : vector<1x1x16xf32> to vector<16xf32>
      %get3A_2938 = arith.constant 1 : i32
      %get3A_2939 = arith.index_cast %scan3A_37 : i32 to index
      %get3A_2940 = arith.index_cast %get3A_2938 : i32 to index
      %get3A_2941 = arith.constant 656 : index
      %get3A_2942 = tpu.vector_load %arg8[%get3A_2939, %get3A_2940, %get3A_2941] {strides = array<i32>} : memref<8x3x1024xf32, #tpu.memory_space<vmem>>, vector<1x1x16xf32>,
      %get3A_2943 = vector.shape_cast %get3A_2942 : vector<1x1x16xf32> to vector<16xf32>
      %sub3A_2944 = arith.subf %get3A_2943, %get3A_2937 : vector<16xf32>
      %mul3A_2945 = arith.mulf %get3A_2909, %sub3A_2944 : vector<16xf32>
      %add3A_2946 = arith.addf %get3A_2937, %mul3A_2945 : vector<16xf32>
      %swap3A_2947 = arith.constant 1 : i32
      %swap3A_2948 = arith.index_cast %scan3A_37 : i32 to index
      %swap3A_2949 = arith.index_cast %swap3A_2947 : i32 to index
      %swap3A_2950 = arith.constant 656 : index
      %swap3A_2951 = tpu.vector_load %arg7[%swap3A_2948, %swap3A_2949, %swap3A_2950] {strides = array<i32>} : memref<8x3x1024xf32, #tpu.memory_space<vmem>>, vector<1x1x16xf32>,
      %swap3A_2952 = vector.shape_cast %swap3A_2951 : vector<1x1x16xf32> to vector<16xf32>
      %swap3A_2953 = vector.shape_cast %add3A_2946 : vector<16xf32> to vector<1x1x16xf32>
      tpu.vector_store %arg7[%swap3A_2948, %swap3A_2949, %swap3A_2950], %swap3A_2953 {strides = array<i32>} : memref<8x3x1024xf32, #tpu.memory_space<vmem>>, vector<1x1x16xf32>,
      %get3A_2954 = arith.constant 2 : i32
      %get3A_2955 = arith.index_cast %scan3A_37 : i32 to index
      %get3A_2956 = arith.index_cast %get3A_2954 : i32 to index
      %get3A_2957 = arith.constant 656 : index
      %get3A_2958 = tpu.vector_load %arg7[%get3A_2955, %get3A_2956, %get3A_2957] {strides = array<i32>} : memref<8x3x1024xf32, #tpu.memory_space<vmem>>, vector<1x1x16xf32>,
      %get3A_2959 = vector.shape_cast %get3A_2958 : vector<1x1x16xf32> to vector<16xf32>
      %get3A_2960 = arith.constant 2 : i32
      %get3A_2961 = arith.index_cast %scan3A_37 : i32 to index
      %get3A_2962 = arith.index_cast %get3A_2960 : i32 to index
      %get3A_2963 = arith.constant 656 : index
      %get3A_2964 = tpu.vector_load %arg8[%get3A_2961, %get3A_2962, %get3A_2963] {strides = array<i32>} : memref<8x3x1024xf32, #tpu.memory_space<vmem>>, vector<1x1x16xf32>,
      %get3A_2965 = vector.shape_cast %get3A_2964 : vector<1x1x16xf32> to vector<16xf32>
      %sub3A_2966 = arith.subf %get3A_2965, %get3A_2959 : vector<16xf32>
      %mul3A_2967 = arith.mulf %get3A_2909, %sub3A_2966 : vector<16xf32>
      %add3A_2968 = arith.addf %get3A_2959, %mul3A_2967 : vector<16xf32>
      %swap3A_2969 = arith.constant 2 : i32
      %swap3A_2970 = arith.index_cast %scan3A_37 : i32 to index
      %swap3A_2971 = arith.index_cast %swap3A_2969 : i32 to index
      %swap3A_2972 = arith.constant 656 : index
      %swap3A_2973 = tpu.vector_load %arg7[%swap3A_2970, %swap3A_2971, %swap3A_2972] {strides = array<i32>} : memref<8x3x1024xf32, #tpu.memory_space<vmem>>, vector<1x1x16xf32>,
      %swap3A_2974 = vector.shape_cast %swap3A_2973 : vector<1x1x16xf32> to vector<16xf32>
      %swap3A_2975 = vector.shape_cast %add3A_2968 : vector<16xf32> to vector<1x1x16xf32>
      tpu.vector_store %arg7[%swap3A_2970, %swap3A_2971, %swap3A_2972], %swap3A_2975 {strides = array<i32>} : memref<8x3x1024xf32, #tpu.memory_space<vmem>>, vector<1x1x16xf32>,
      %get3A_2976 = arith.index_cast %scan3A_37 : i32 to index
      %get3A_2977 = arith.constant 672 : index
      %get3A_2978 = tpu.vector_load %arg9[%get3A_2976, %get3A_2977] {strides = array<i32>} : memref<8x1024xf32, #tpu.memory_space<vmem>>, vector<1x16xf32>,
      %get3A_2979 = vector.shape_cast %get3A_2978 : vector<1x16xf32> to vector<16xf32>
      %get3A_2980 = arith.constant 0 : i32
      %get3A_2981 = arith.index_cast %scan3A_37 : i32 to index
      %get3A_2982 = arith.index_cast %get3A_2980 : i32 to index
      %get3A_2983 = arith.constant 672 : index
      %get3A_2984 = tpu.vector_load %arg7[%get3A_2981, %get3A_2982, %get3A_2983] {strides = array<i32>} : memref<8x3x1024xf32, #tpu.memory_space<vmem>>, vector<1x1x16xf32>,
      %get3A_2985 = vector.shape_cast %get3A_2984 : vector<1x1x16xf32> to vector<16xf32>
      %get3A_2986 = arith.constant 0 : i32
      %get3A_2987 = arith.index_cast %scan3A_37 : i32 to index
      %get3A_2988 = arith.index_cast %get3A_2986 : i32 to index
      %get3A_2989 = arith.constant 672 : index
      %get3A_2990 = tpu.vector_load %arg8[%get3A_2987, %get3A_2988, %get3A_2989] {strides = array<i32>} : memref<8x3x1024xf32, #tpu.memory_space<vmem>>, vector<1x1x16xf32>,
      %get3A_2991 = vector.shape_cast %get3A_2990 : vector<1x1x16xf32> to vector<16xf32>
      %sub3A_2992 = arith.subf %get3A_2991, %get3A_2985 : vector<16xf32>
      %mul3A_2993 = arith.mulf %get3A_2979, %sub3A_2992 : vector<16xf32>
      %add3A_2994 = arith.addf %get3A_2985, %mul3A_2993 : vector<16xf32>
      %swap3A_2995 = arith.constant 0 : i32
      %swap3A_2996 = arith.index_cast %scan3A_37 : i32 to index
      %swap3A_2997 = arith.index_cast %swap3A_2995 : i32 to index
      %swap3A_2998 = arith.constant 672 : index
      %swap3A_2999 = tpu.vector_load %arg7[%swap3A_2996, %swap3A_2997, %swap3A_2998] {strides = array<i32>} : memref<8x3x1024xf32, #tpu.memory_space<vmem>>, vector<1x1x16xf32>,
      %swap3A_3000 = vector.shape_cast %swap3A_2999 : vector<1x1x16xf32> to vector<16xf32>
      %swap3A_3001 = vector.shape_cast %add3A_2994 : vector<16xf32> to vector<1x1x16xf32>
      tpu.vector_store %arg7[%swap3A_2996, %swap3A_2997, %swap3A_2998], %swap3A_3001 {strides = array<i32>} : memref<8x3x1024xf32, #tpu.memory_space<vmem>>, vector<1x1x16xf32>,
      %get3A_3002 = arith.constant 1 : i32
      %get3A_3003 = arith.index_cast %scan3A_37 : i32 to index
      %get3A_3004 = arith.index_cast %get3A_3002 : i32 to index
      %get3A_3005 = arith.constant 672 : index
      %get3A_3006 = tpu.vector_load %arg7[%get3A_3003, %get3A_3004, %get3A_3005] {strides = array<i32>} : memref<8x3x1024xf32, #tpu.memory_space<vmem>>, vector<1x1x16xf32>,
      %get3A_3007 = vector.shape_cast %get3A_3006 : vector<1x1x16xf32> to vector<16xf32>
      %get3A_3008 = arith.constant 1 : i32
      %get3A_3009 = arith.index_cast %scan3A_37 : i32 to index
      %get3A_3010 = arith.index_cast %get3A_3008 : i32 to index
      %get3A_3011 = arith.constant 672 : index
      %get3A_3012 = tpu.vector_load %arg8[%get3A_3009, %get3A_3010, %get3A_3011] {strides = array<i32>} : memref<8x3x1024xf32, #tpu.memory_space<vmem>>, vector<1x1x16xf32>,
      %get3A_3013 = vector.shape_cast %get3A_3012 : vector<1x1x16xf32> to vector<16xf32>
      %sub3A_3014 = arith.subf %get3A_3013, %get3A_3007 : vector<16xf32>
      %mul3A_3015 = arith.mulf %get3A_2979, %sub3A_3014 : vector<16xf32>
      %add3A_3016 = arith.addf %get3A_3007, %mul3A_3015 : vector<16xf32>
      %swap3A_3017 = arith.constant 1 : i32
      %swap3A_3018 = arith.index_cast %scan3A_37 : i32 to index
      %swap3A_3019 = arith.index_cast %swap3A_3017 : i32 to index
      %swap3A_3020 = arith.constant 672 : index
      %swap3A_3021 = tpu.vector_load %arg7[%swap3A_3018, %swap3A_3019, %swap3A_3020] {strides = array<i32>} : memref<8x3x1024xf32, #tpu.memory_space<vmem>>, vector<1x1x16xf32>,
      %swap3A_3022 = vector.shape_cast %swap3A_3021 : vector<1x1x16xf32> to vector<16xf32>
      %swap3A_3023 = vector.shape_cast %add3A_3016 : vector<16xf32> to vector<1x1x16xf32>
      tpu.vector_store %arg7[%swap3A_3018, %swap3A_3019, %swap3A_3020], %swap3A_3023 {strides = array<i32>} : memref<8x3x1024xf32, #tpu.memory_space<vmem>>, vector<1x1x16xf32>,
      %get3A_3024 = arith.constant 2 : i32
      %get3A_3025 = arith.index_cast %scan3A_37 : i32 to index
      %get3A_3026 = arith.index_cast %get3A_3024 : i32 to index
      %get3A_3027 = arith.constant 672 : index
      %get3A_3028 = tpu.vector_load %arg7[%get3A_3025, %get3A_3026, %get3A_3027] {strides = array<i32>} : memref<8x3x1024xf32, #tpu.memory_space<vmem>>, vector<1x1x16xf32>,
      %get3A_3029 = vector.shape_cast %get3A_3028 : vector<1x1x16xf32> to vector<16xf32>
      %get3A_3030 = arith.constant 2 : i32
      %get3A_3031 = arith.index_cast %scan3A_37 : i32 to index
      %get3A_3032 = arith.index_cast %get3A_3030 : i32 to index
      %get3A_3033 = arith.constant 672 : index
      %get3A_3034 = tpu.vector_load %arg8[%get3A_3031, %get3A_3032, %get3A_3033] {strides = array<i32>} : memref<8x3x1024xf32, #tpu.memory_space<vmem>>, vector<1x1x16xf32>,
      %get3A_3035 = vector.shape_cast %get3A_3034 : vector<1x1x16xf32> to vector<16xf32>
      %sub3A_3036 = arith.subf %get3A_3035, %get3A_3029 : vector<16xf32>
      %mul3A_3037 = arith.mulf %get3A_2979, %sub3A_3036 : vector<16xf32>
      %add3A_3038 = arith.addf %get3A_3029, %mul3A_3037 : vector<16xf32>
      %swap3A_3039 = arith.constant 2 : i32
      %swap3A_3040 = arith.index_cast %scan3A_37 : i32 to index
      %swap3A_3041 = arith.index_cast %swap3A_3039 : i32 to index
      %swap3A_3042 = arith.constant 672 : index
      %swap3A_3043 = tpu.vector_load %arg7[%swap3A_3040, %swap3A_3041, %swap3A_3042] {strides = array<i32>} : memref<8x3x1024xf32, #tpu.memory_space<vmem>>, vector<1x1x16xf32>,
      %swap3A_3044 = vector.shape_cast %swap3A_3043 : vector<1x1x16xf32> to vector<16xf32>
      %swap3A_3045 = vector.shape_cast %add3A_3038 : vector<16xf32> to vector<1x1x16xf32>
      tpu.vector_store %arg7[%swap3A_3040, %swap3A_3041, %swap3A_3042], %swap3A_3045 {strides = array<i32>} : memref<8x3x1024xf32, #tpu.memory_space<vmem>>, vector<1x1x16xf32>,
      %get3A_3046 = arith.index_cast %scan3A_37 : i32 to index
      %get3A_3047 = arith.constant 688 : index
      %get3A_3048 = tpu.vector_load %arg9[%get3A_3046, %get3A_3047] {strides = array<i32>} : memref<8x1024xf32, #tpu.memory_space<vmem>>, vector<1x16xf32>,
      %get3A_3049 = vector.shape_cast %get3A_3048 : vector<1x16xf32> to vector<16xf32>
      %get3A_3050 = arith.constant 0 : i32
      %get3A_3051 = arith.index_cast %scan3A_37 : i32 to index
      %get3A_3052 = arith.index_cast %get3A_3050 : i32 to index
      %get3A_3053 = arith.constant 688 : index
      %get3A_3054 = tpu.vector_load %arg7[%get3A_3051, %get3A_3052, %get3A_3053] {strides = array<i32>} : memref<8x3x1024xf32, #tpu.memory_space<vmem>>, vector<1x1x16xf32>,
      %get3A_3055 = vector.shape_cast %get3A_3054 : vector<1x1x16xf32> to vector<16xf32>
      %get3A_3056 = arith.constant 0 : i32
      %get3A_3057 = arith.index_cast %scan3A_37 : i32 to index
      %get3A_3058 = arith.index_cast %get3A_3056 : i32 to index
      %get3A_3059 = arith.constant 688 : index
      %get3A_3060 = tpu.vector_load %arg8[%get3A_3057, %get3A_3058, %get3A_3059] {strides = array<i32>} : memref<8x3x1024xf32, #tpu.memory_space<vmem>>, vector<1x1x16xf32>,
      %get3A_3061 = vector.shape_cast %get3A_3060 : vector<1x1x16xf32> to vector<16xf32>
      %sub3A_3062 = arith.subf %get3A_3061, %get3A_3055 : vector<16xf32>
      %mul3A_3063 = arith.mulf %get3A_3049, %sub3A_3062 : vector<16xf32>
      %add3A_3064 = arith.addf %get3A_3055, %mul3A_3063 : vector<16xf32>
      %swap3A_3065 = arith.constant 0 : i32
      %swap3A_3066 = arith.index_cast %scan3A_37 : i32 to index
      %swap3A_3067 = arith.index_cast %swap3A_3065 : i32 to index
      %swap3A_3068 = arith.constant 688 : index
      %swap3A_3069 = tpu.vector_load %arg7[%swap3A_3066, %swap3A_3067, %swap3A_3068] {strides = array<i32>} : memref<8x3x1024xf32, #tpu.memory_space<vmem>>, vector<1x1x16xf32>,
      %swap3A_3070 = vector.shape_cast %swap3A_3069 : vector<1x1x16xf32> to vector<16xf32>
      %swap3A_3071 = vector.shape_cast %add3A_3064 : vector<16xf32> to vector<1x1x16xf32>
      tpu.vector_store %arg7[%swap3A_3066, %swap3A_3067, %swap3A_3068], %swap3A_3071 {strides = array<i32>} : memref<8x3x1024xf32, #tpu.memory_space<vmem>>, vector<1x1x16xf32>,
      %get3A_3072 = arith.constant 1 : i32
      %get3A_3073 = arith.index_cast %scan3A_37 : i32 to index
      %get3A_3074 = arith.index_cast %get3A_3072 : i32 to index
      %get3A_3075 = arith.constant 688 : index
      %get3A_3076 = tpu.vector_load %arg7[%get3A_3073, %get3A_3074, %get3A_3075] {strides = array<i32>} : memref<8x3x1024xf32, #tpu.memory_space<vmem>>, vector<1x1x16xf32>,
      %get3A_3077 = vector.shape_cast %get3A_3076 : vector<1x1x16xf32> to vector<16xf32>
      %get3A_3078 = arith.constant 1 : i32
      %get3A_3079 = arith.index_cast %scan3A_37 : i32 to index
      %get3A_3080 = arith.index_cast %get3A_3078 : i32 to index
      %get3A_3081 = arith.constant 688 : index
      %get3A_3082 = tpu.vector_load %arg8[%get3A_3079, %get3A_3080, %get3A_3081] {strides = array<i32>} : memref<8x3x1024xf32, #tpu.memory_space<vmem>>, vector<1x1x16xf32>,
      %get3A_3083 = vector.shape_cast %get3A_3082 : vector<1x1x16xf32> to vector<16xf32>
      %sub3A_3084 = arith.subf %get3A_3083, %get3A_3077 : vector<16xf32>
      %mul3A_3085 = arith.mulf %get3A_3049, %sub3A_3084 : vector<16xf32>
      %add3A_3086 = arith.addf %get3A_3077, %mul3A_3085 : vector<16xf32>
      %swap3A_3087 = arith.constant 1 : i32
      %swap3A_3088 = arith.index_cast %scan3A_37 : i32 to index
      %swap3A_3089 = arith.index_cast %swap3A_3087 : i32 to index
      %swap3A_3090 = arith.constant 688 : index
      %swap3A_3091 = tpu.vector_load %arg7[%swap3A_3088, %swap3A_3089, %swap3A_3090] {strides = array<i32>} : memref<8x3x1024xf32, #tpu.memory_space<vmem>>, vector<1x1x16xf32>,
      %swap3A_3092 = vector.shape_cast %swap3A_3091 : vector<1x1x16xf32> to vector<16xf32>
      %swap3A_3093 = vector.shape_cast %add3A_3086 : vector<16xf32> to vector<1x1x16xf32>
      tpu.vector_store %arg7[%swap3A_3088, %swap3A_3089, %swap3A_3090], %swap3A_3093 {strides = array<i32>} : memref<8x3x1024xf32, #tpu.memory_space<vmem>>, vector<1x1x16xf32>,
      %get3A_3094 = arith.constant 2 : i32
      %get3A_3095 = arith.index_cast %scan3A_37 : i32 to index
      %get3A_3096 = arith.index_cast %get3A_3094 : i32 to index
      %get3A_3097 = arith.constant 688 : index
      %get3A_3098 = tpu.vector_load %arg7[%get3A_3095, %get3A_3096, %get3A_3097] {strides = array<i32>} : memref<8x3x1024xf32, #tpu.memory_space<vmem>>, vector<1x1x16xf32>,
      %get3A_3099 = vector.shape_cast %get3A_3098 : vector<1x1x16xf32> to vector<16xf32>
      %get3A_3100 = arith.constant 2 : i32
      %get3A_3101 = arith.index_cast %scan3A_37 : i32 to index
      %get3A_3102 = arith.index_cast %get3A_3100 : i32 to index
      %get3A_3103 = arith.constant 688 : index
      %get3A_3104 = tpu.vector_load %arg8[%get3A_3101, %get3A_3102, %get3A_3103] {strides = array<i32>} : memref<8x3x1024xf32, #tpu.memory_space<vmem>>, vector<1x1x16xf32>,
      %get3A_3105 = vector.shape_cast %get3A_3104 : vector<1x1x16xf32> to vector<16xf32>
      %sub3A_3106 = arith.subf %get3A_3105, %get3A_3099 : vector<16xf32>
      %mul3A_3107 = arith.mulf %get3A_3049, %sub3A_3106 : vector<16xf32>
      %add3A_3108 = arith.addf %get3A_3099, %mul3A_3107 : vector<16xf32>
      %swap3A_3109 = arith.constant 2 : i32
      %swap3A_3110 = arith.index_cast %scan3A_37 : i32 to index
      %swap3A_3111 = arith.index_cast %swap3A_3109 : i32 to index
      %swap3A_3112 = arith.constant 688 : index
      %swap3A_3113 = tpu.vector_load %arg7[%swap3A_3110, %swap3A_3111, %swap3A_3112] {strides = array<i32>} : memref<8x3x1024xf32, #tpu.memory_space<vmem>>, vector<1x1x16xf32>,
      %swap3A_3114 = vector.shape_cast %swap3A_3113 : vector<1x1x16xf32> to vector<16xf32>
      %swap3A_3115 = vector.shape_cast %add3A_3108 : vector<16xf32> to vector<1x1x16xf32>
      tpu.vector_store %arg7[%swap3A_3110, %swap3A_3111, %swap3A_3112], %swap3A_3115 {strides = array<i32>} : memref<8x3x1024xf32, #tpu.memory_space<vmem>>, vector<1x1x16xf32>,
      %get3A_3116 = arith.index_cast %scan3A_37 : i32 to index
      %get3A_3117 = arith.constant 704 : index
      %get3A_3118 = tpu.vector_load %arg9[%get3A_3116, %get3A_3117] {strides = array<i32>} : memref<8x1024xf32, #tpu.memory_space<vmem>>, vector<1x16xf32>,
      %get3A_3119 = vector.shape_cast %get3A_3118 : vector<1x16xf32> to vector<16xf32>
      %get3A_3120 = arith.constant 0 : i32
      %get3A_3121 = arith.index_cast %scan3A_37 : i32 to index
      %get3A_3122 = arith.index_cast %get3A_3120 : i32 to index
      %get3A_3123 = arith.constant 704 : index
      %get3A_3124 = tpu.vector_load %arg7[%get3A_3121, %get3A_3122, %get3A_3123] {strides = array<i32>} : memref<8x3x1024xf32, #tpu.memory_space<vmem>>, vector<1x1x16xf32>,
      %get3A_3125 = vector.shape_cast %get3A_3124 : vector<1x1x16xf32> to vector<16xf32>
      %get3A_3126 = arith.constant 0 : i32
      %get3A_3127 = arith.index_cast %scan3A_37 : i32 to index
      %get3A_3128 = arith.index_cast %get3A_3126 : i32 to index
      %get3A_3129 = arith.constant 704 : index
      %get3A_3130 = tpu.vector_load %arg8[%get3A_3127, %get3A_3128, %get3A_3129] {strides = array<i32>} : memref<8x3x1024xf32, #tpu.memory_space<vmem>>, vector<1x1x16xf32>,
      %get3A_3131 = vector.shape_cast %get3A_3130 : vector<1x1x16xf32> to vector<16xf32>
      %sub3A_3132 = arith.subf %get3A_3131, %get3A_3125 : vector<16xf32>
      %mul3A_3133 = arith.mulf %get3A_3119, %sub3A_3132 : vector<16xf32>
      %add3A_3134 = arith.addf %get3A_3125, %mul3A_3133 : vector<16xf32>
      %swap3A_3135 = arith.constant 0 : i32
      %swap3A_3136 = arith.index_cast %scan3A_37 : i32 to index
      %swap3A_3137 = arith.index_cast %swap3A_3135 : i32 to index
      %swap3A_3138 = arith.constant 704 : index
      %swap3A_3139 = tpu.vector_load %arg7[%swap3A_3136, %swap3A_3137, %swap3A_3138] {strides = array<i32>} : memref<8x3x1024xf32, #tpu.memory_space<vmem>>, vector<1x1x16xf32>,
      %swap3A_3140 = vector.shape_cast %swap3A_3139 : vector<1x1x16xf32> to vector<16xf32>
      %swap3A_3141 = vector.shape_cast %add3A_3134 : vector<16xf32> to vector<1x1x16xf32>
      tpu.vector_store %arg7[%swap3A_3136, %swap3A_3137, %swap3A_3138], %swap3A_3141 {strides = array<i32>} : memref<8x3x1024xf32, #tpu.memory_space<vmem>>, vector<1x1x16xf32>,
      %get3A_3142 = arith.constant 1 : i32
      %get3A_3143 = arith.index_cast %scan3A_37 : i32 to index
      %get3A_3144 = arith.index_cast %get3A_3142 : i32 to index
      %get3A_3145 = arith.constant 704 : index
      %get3A_3146 = tpu.vector_load %arg7[%get3A_3143, %get3A_3144, %get3A_3145] {strides = array<i32>} : memref<8x3x1024xf32, #tpu.memory_space<vmem>>, vector<1x1x16xf32>,
      %get3A_3147 = vector.shape_cast %get3A_3146 : vector<1x1x16xf32> to vector<16xf32>
      %get3A_3148 = arith.constant 1 : i32
      %get3A_3149 = arith.index_cast %scan3A_37 : i32 to index
      %get3A_3150 = arith.index_cast %get3A_3148 : i32 to index
      %get3A_3151 = arith.constant 704 : index
      %get3A_3152 = tpu.vector_load %arg8[%get3A_3149, %get3A_3150, %get3A_3151] {strides = array<i32>} : memref<8x3x1024xf32, #tpu.memory_space<vmem>>, vector<1x1x16xf32>,
      %get3A_3153 = vector.shape_cast %get3A_3152 : vector<1x1x16xf32> to vector<16xf32>
      %sub3A_3154 = arith.subf %get3A_3153, %get3A_3147 : vector<16xf32>
      %mul3A_3155 = arith.mulf %get3A_3119, %sub3A_3154 : vector<16xf32>
      %add3A_3156 = arith.addf %get3A_3147, %mul3A_3155 : vector<16xf32>
      %swap3A_3157 = arith.constant 1 : i32
      %swap3A_3158 = arith.index_cast %scan3A_37 : i32 to index
      %swap3A_3159 = arith.index_cast %swap3A_3157 : i32 to index
      %swap3A_3160 = arith.constant 704 : index
      %swap3A_3161 = tpu.vector_load %arg7[%swap3A_3158, %swap3A_3159, %swap3A_3160] {strides = array<i32>} : memref<8x3x1024xf32, #tpu.memory_space<vmem>>, vector<1x1x16xf32>,
      %swap3A_3162 = vector.shape_cast %swap3A_3161 : vector<1x1x16xf32> to vector<16xf32>
      %swap3A_3163 = vector.shape_cast %add3A_3156 : vector<16xf32> to vector<1x1x16xf32>
      tpu.vector_store %arg7[%swap3A_3158, %swap3A_3159, %swap3A_3160], %swap3A_3163 {strides = array<i32>} : memref<8x3x1024xf32, #tpu.memory_space<vmem>>, vector<1x1x16xf32>,
      %get3A_3164 = arith.constant 2 : i32
      %get3A_3165 = arith.index_cast %scan3A_37 : i32 to index
      %get3A_3166 = arith.index_cast %get3A_3164 : i32 to index
      %get3A_3167 = arith.constant 704 : index
      %get3A_3168 = tpu.vector_load %arg7[%get3A_3165, %get3A_3166, %get3A_3167] {strides = array<i32>} : memref<8x3x1024xf32, #tpu.memory_space<vmem>>, vector<1x1x16xf32>,
      %get3A_3169 = vector.shape_cast %get3A_3168 : vector<1x1x16xf32> to vector<16xf32>
      %get3A_3170 = arith.constant 2 : i32
      %get3A_3171 = arith.index_cast %scan3A_37 : i32 to index
      %get3A_3172 = arith.index_cast %get3A_3170 : i32 to index
      %get3A_3173 = arith.constant 704 : index
      %get3A_3174 = tpu.vector_load %arg8[%get3A_3171, %get3A_3172, %get3A_3173] {strides = array<i32>} : memref<8x3x1024xf32, #tpu.memory_space<vmem>>, vector<1x1x16xf32>,
      %get3A_3175 = vector.shape_cast %get3A_3174 : vector<1x1x16xf32> to vector<16xf32>
      %sub3A_3176 = arith.subf %get3A_3175, %get3A_3169 : vector<16xf32>
      %mul3A_3177 = arith.mulf %get3A_3119, %sub3A_3176 : vector<16xf32>
      %add3A_3178 = arith.addf %get3A_3169, %mul3A_3177 : vector<16xf32>
      %swap3A_3179 = arith.constant 2 : i32
      %swap3A_3180 = arith.index_cast %scan3A_37 : i32 to index
      %swap3A_3181 = arith.index_cast %swap3A_3179 : i32 to index
      %swap3A_3182 = arith.constant 704 : index
      %swap3A_3183 = tpu.vector_load %arg7[%swap3A_3180, %swap3A_3181, %swap3A_3182] {strides = array<i32>} : memref<8x3x1024xf32, #tpu.memory_space<vmem>>, vector<1x1x16xf32>,
      %swap3A_3184 = vector.shape_cast %swap3A_3183 : vector<1x1x16xf32> to vector<16xf32>
      %swap3A_3185 = vector.shape_cast %add3A_3178 : vector<16xf32> to vector<1x1x16xf32>
      tpu.vector_store %arg7[%swap3A_3180, %swap3A_3181, %swap3A_3182], %swap3A_3185 {strides = array<i32>} : memref<8x3x1024xf32, #tpu.memory_space<vmem>>, vector<1x1x16xf32>,
      %get3A_3186 = arith.index_cast %scan3A_37 : i32 to index
      %get3A_3187 = arith.constant 720 : index
      %get3A_3188 = tpu.vector_load %arg9[%get3A_3186, %get3A_3187] {strides = array<i32>} : memref<8x1024xf32, #tpu.memory_space<vmem>>, vector<1x16xf32>,
      %get3A_3189 = vector.shape_cast %get3A_3188 : vector<1x16xf32> to vector<16xf32>
      %get3A_3190 = arith.constant 0 : i32
      %get3A_3191 = arith.index_cast %scan3A_37 : i32 to index
      %get3A_3192 = arith.index_cast %get3A_3190 : i32 to index
      %get3A_3193 = arith.constant 720 : index
      %get3A_3194 = tpu.vector_load %arg7[%get3A_3191, %get3A_3192, %get3A_3193] {strides = array<i32>} : memref<8x3x1024xf32, #tpu.memory_space<vmem>>, vector<1x1x16xf32>,
      %get3A_3195 = vector.shape_cast %get3A_3194 : vector<1x1x16xf32> to vector<16xf32>
      %get3A_3196 = arith.constant 0 : i32
      %get3A_3197 = arith.index_cast %scan3A_37 : i32 to index
      %get3A_3198 = arith.index_cast %get3A_3196 : i32 to index
      %get3A_3199 = arith.constant 720 : index
      %get3A_3200 = tpu.vector_load %arg8[%get3A_3197, %get3A_3198, %get3A_3199] {strides = array<i32>} : memref<8x3x1024xf32, #tpu.memory_space<vmem>>, vector<1x1x16xf32>,
      %get3A_3201 = vector.shape_cast %get3A_3200 : vector<1x1x16xf32> to vector<16xf32>
      %sub3A_3202 = arith.subf %get3A_3201, %get3A_3195 : vector<16xf32>
      %mul3A_3203 = arith.mulf %get3A_3189, %sub3A_3202 : vector<16xf32>
      %add3A_3204 = arith.addf %get3A_3195, %mul3A_3203 : vector<16xf32>
      %swap3A_3205 = arith.constant 0 : i32
      %swap3A_3206 = arith.index_cast %scan3A_37 : i32 to index
      %swap3A_3207 = arith.index_cast %swap3A_3205 : i32 to index
      %swap3A_3208 = arith.constant 720 : index
      %swap3A_3209 = tpu.vector_load %arg7[%swap3A_3206, %swap3A_3207, %swap3A_3208] {strides = array<i32>} : memref<8x3x1024xf32, #tpu.memory_space<vmem>>, vector<1x1x16xf32>,
      %swap3A_3210 = vector.shape_cast %swap3A_3209 : vector<1x1x16xf32> to vector<16xf32>
      %swap3A_3211 = vector.shape_cast %add3A_3204 : vector<16xf32> to vector<1x1x16xf32>
      tpu.vector_store %arg7[%swap3A_3206, %swap3A_3207, %swap3A_3208], %swap3A_3211 {strides = array<i32>} : memref<8x3x1024xf32, #tpu.memory_space<vmem>>, vector<1x1x16xf32>,
      %get3A_3212 = arith.constant 1 : i32
      %get3A_3213 = arith.index_cast %scan3A_37 : i32 to index
      %get3A_3214 = arith.index_cast %get3A_3212 : i32 to index
      %get3A_3215 = arith.constant 720 : index
      %get3A_3216 = tpu.vector_load %arg7[%get3A_3213, %get3A_3214, %get3A_3215] {strides = array<i32>} : memref<8x3x1024xf32, #tpu.memory_space<vmem>>, vector<1x1x16xf32>,
      %get3A_3217 = vector.shape_cast %get3A_3216 : vector<1x1x16xf32> to vector<16xf32>
      %get3A_3218 = arith.constant 1 : i32
      %get3A_3219 = arith.index_cast %scan3A_37 : i32 to index
      %get3A_3220 = arith.index_cast %get3A_3218 : i32 to index
      %get3A_3221 = arith.constant 720 : index
      %get3A_3222 = tpu.vector_load %arg8[%get3A_3219, %get3A_3220, %get3A_3221] {strides = array<i32>} : memref<8x3x1024xf32, #tpu.memory_space<vmem>>, vector<1x1x16xf32>,
      %get3A_3223 = vector.shape_cast %get3A_3222 : vector<1x1x16xf32> to vector<16xf32>
      %sub3A_3224 = arith.subf %get3A_3223, %get3A_3217 : vector<16xf32>
      %mul3A_3225 = arith.mulf %get3A_3189, %sub3A_3224 : vector<16xf32>
      %add3A_3226 = arith.addf %get3A_3217, %mul3A_3225 : vector<16xf32>
      %swap3A_3227 = arith.constant 1 : i32
      %swap3A_3228 = arith.index_cast %scan3A_37 : i32 to index
      %swap3A_3229 = arith.index_cast %swap3A_3227 : i32 to index
      %swap3A_3230 = arith.constant 720 : index
      %swap3A_3231 = tpu.vector_load %arg7[%swap3A_3228, %swap3A_3229, %swap3A_3230] {strides = array<i32>} : memref<8x3x1024xf32, #tpu.memory_space<vmem>>, vector<1x1x16xf32>,
      %swap3A_3232 = vector.shape_cast %swap3A_3231 : vector<1x1x16xf32> to vector<16xf32>
      %swap3A_3233 = vector.shape_cast %add3A_3226 : vector<16xf32> to vector<1x1x16xf32>
      tpu.vector_store %arg7[%swap3A_3228, %swap3A_3229, %swap3A_3230], %swap3A_3233 {strides = array<i32>} : memref<8x3x1024xf32, #tpu.memory_space<vmem>>, vector<1x1x16xf32>,
      %get3A_3234 = arith.constant 2 : i32
      %get3A_3235 = arith.index_cast %scan3A_37 : i32 to index
      %get3A_3236 = arith.index_cast %get3A_3234 : i32 to index
      %get3A_3237 = arith.constant 720 : index
      %get3A_3238 = tpu.vector_load %arg7[%get3A_3235, %get3A_3236, %get3A_3237] {strides = array<i32>} : memref<8x3x1024xf32, #tpu.memory_space<vmem>>, vector<1x1x16xf32>,
      %get3A_3239 = vector.shape_cast %get3A_3238 : vector<1x1x16xf32> to vector<16xf32>
      %get3A_3240 = arith.constant 2 : i32
      %get3A_3241 = arith.index_cast %scan3A_37 : i32 to index
      %get3A_3242 = arith.index_cast %get3A_3240 : i32 to index
      %get3A_3243 = arith.constant 720 : index
      %get3A_3244 = tpu.vector_load %arg8[%get3A_3241, %get3A_3242, %get3A_3243] {strides = array<i32>} : memref<8x3x1024xf32, #tpu.memory_space<vmem>>, vector<1x1x16xf32>,
      %get3A_3245 = vector.shape_cast %get3A_3244 : vector<1x1x16xf32> to vector<16xf32>
      %sub3A_3246 = arith.subf %get3A_3245, %get3A_3239 : vector<16xf32>
      %mul3A_3247 = arith.mulf %get3A_3189, %sub3A_3246 : vector<16xf32>
      %add3A_3248 = arith.addf %get3A_3239, %mul3A_3247 : vector<16xf32>
      %swap3A_3249 = arith.constant 2 : i32
      %swap3A_3250 = arith.index_cast %scan3A_37 : i32 to index
      %swap3A_3251 = arith.index_cast %swap3A_3249 : i32 to index
      %swap3A_3252 = arith.constant 720 : index
      %swap3A_3253 = tpu.vector_load %arg7[%swap3A_3250, %swap3A_3251, %swap3A_3252] {strides = array<i32>} : memref<8x3x1024xf32, #tpu.memory_space<vmem>>, vector<1x1x16xf32>,
      %swap3A_3254 = vector.shape_cast %swap3A_3253 : vector<1x1x16xf32> to vector<16xf32>
      %swap3A_3255 = vector.shape_cast %add3A_3248 : vector<16xf32> to vector<1x1x16xf32>
      tpu.vector_store %arg7[%swap3A_3250, %swap3A_3251, %swap3A_3252], %swap3A_3255 {strides = array<i32>} : memref<8x3x1024xf32, #tpu.memory_space<vmem>>, vector<1x1x16xf32>,
      %get3A_3256 = arith.index_cast %scan3A_37 : i32 to index
      %get3A_3257 = arith.constant 736 : index
      %get3A_3258 = tpu.vector_load %arg9[%get3A_3256, %get3A_3257] {strides = array<i32>} : memref<8x1024xf32, #tpu.memory_space<vmem>>, vector<1x16xf32>,
      %get3A_3259 = vector.shape_cast %get3A_3258 : vector<1x16xf32> to vector<16xf32>
      %get3A_3260 = arith.constant 0 : i32
      %get3A_3261 = arith.index_cast %scan3A_37 : i32 to index
      %get3A_3262 = arith.index_cast %get3A_3260 : i32 to index
      %get3A_3263 = arith.constant 736 : index
      %get3A_3264 = tpu.vector_load %arg7[%get3A_3261, %get3A_3262, %get3A_3263] {strides = array<i32>} : memref<8x3x1024xf32, #tpu.memory_space<vmem>>, vector<1x1x16xf32>,
      %get3A_3265 = vector.shape_cast %get3A_3264 : vector<1x1x16xf32> to vector<16xf32>
      %get3A_3266 = arith.constant 0 : i32
      %get3A_3267 = arith.index_cast %scan3A_37 : i32 to index
      %get3A_3268 = arith.index_cast %get3A_3266 : i32 to index
      %get3A_3269 = arith.constant 736 : index
      %get3A_3270 = tpu.vector_load %arg8[%get3A_3267, %get3A_3268, %get3A_3269] {strides = array<i32>} : memref<8x3x1024xf32, #tpu.memory_space<vmem>>, vector<1x1x16xf32>,
      %get3A_3271 = vector.shape_cast %get3A_3270 : vector<1x1x16xf32> to vector<16xf32>
      %sub3A_3272 = arith.subf %get3A_3271, %get3A_3265 : vector<16xf32>
      %mul3A_3273 = arith.mulf %get3A_3259, %sub3A_3272 : vector<16xf32>
      %add3A_3274 = arith.addf %get3A_3265, %mul3A_3273 : vector<16xf32>
      %swap3A_3275 = arith.constant 0 : i32
      %swap3A_3276 = arith.index_cast %scan3A_37 : i32 to index
      %swap3A_3277 = arith.index_cast %swap3A_3275 : i32 to index
      %swap3A_3278 = arith.constant 736 : index
      %swap3A_3279 = tpu.vector_load %arg7[%swap3A_3276, %swap3A_3277, %swap3A_3278] {strides = array<i32>} : memref<8x3x1024xf32, #tpu.memory_space<vmem>>, vector<1x1x16xf32>,
      %swap3A_3280 = vector.shape_cast %swap3A_3279 : vector<1x1x16xf32> to vector<16xf32>
      %swap3A_3281 = vector.shape_cast %add3A_3274 : vector<16xf32> to vector<1x1x16xf32>
      tpu.vector_store %arg7[%swap3A_3276, %swap3A_3277, %swap3A_3278], %swap3A_3281 {strides = array<i32>} : memref<8x3x1024xf32, #tpu.memory_space<vmem>>, vector<1x1x16xf32>,
      %get3A_3282 = arith.constant 1 : i32
      %get3A_3283 = arith.index_cast %scan3A_37 : i32 to index
      %get3A_3284 = arith.index_cast %get3A_3282 : i32 to index
      %get3A_3285 = arith.constant 736 : index
      %get3A_3286 = tpu.vector_load %arg7[%get3A_3283, %get3A_3284, %get3A_3285] {strides = array<i32>} : memref<8x3x1024xf32, #tpu.memory_space<vmem>>, vector<1x1x16xf32>,
      %get3A_3287 = vector.shape_cast %get3A_3286 : vector<1x1x16xf32> to vector<16xf32>
      %get3A_3288 = arith.constant 1 : i32
      %get3A_3289 = arith.index_cast %scan3A_37 : i32 to index
      %get3A_3290 = arith.index_cast %get3A_3288 : i32 to index
      %get3A_3291 = arith.constant 736 : index
      %get3A_3292 = tpu.vector_load %arg8[%get3A_3289, %get3A_3290, %get3A_3291] {strides = array<i32>} : memref<8x3x1024xf32, #tpu.memory_space<vmem>>, vector<1x1x16xf32>,
      %get3A_3293 = vector.shape_cast %get3A_3292 : vector<1x1x16xf32> to vector<16xf32>
      %sub3A_3294 = arith.subf %get3A_3293, %get3A_3287 : vector<16xf32>
      %mul3A_3295 = arith.mulf %get3A_3259, %sub3A_3294 : vector<16xf32>
      %add3A_3296 = arith.addf %get3A_3287, %mul3A_3295 : vector<16xf32>
      %swap3A_3297 = arith.constant 1 : i32
      %swap3A_3298 = arith.index_cast %scan3A_37 : i32 to index
      %swap3A_3299 = arith.index_cast %swap3A_3297 : i32 to index
      %swap3A_3300 = arith.constant 736 : index
      %swap3A_3301 = tpu.vector_load %arg7[%swap3A_3298, %swap3A_3299, %swap3A_3300] {strides = array<i32>} : memref<8x3x1024xf32, #tpu.memory_space<vmem>>, vector<1x1x16xf32>,
      %swap3A_3302 = vector.shape_cast %swap3A_3301 : vector<1x1x16xf32> to vector<16xf32>
      %swap3A_3303 = vector.shape_cast %add3A_3296 : vector<16xf32> to vector<1x1x16xf32>
      tpu.vector_store %arg7[%swap3A_3298, %swap3A_3299, %swap3A_3300], %swap3A_3303 {strides = array<i32>} : memref<8x3x1024xf32, #tpu.memory_space<vmem>>, vector<1x1x16xf32>,
      %get3A_3304 = arith.constant 2 : i32
      %get3A_3305 = arith.index_cast %scan3A_37 : i32 to index
      %get3A_3306 = arith.index_cast %get3A_3304 : i32 to index
      %get3A_3307 = arith.constant 736 : index
      %get3A_3308 = tpu.vector_load %arg7[%get3A_3305, %get3A_3306, %get3A_3307] {strides = array<i32>} : memref<8x3x1024xf32, #tpu.memory_space<vmem>>, vector<1x1x16xf32>,
      %get3A_3309 = vector.shape_cast %get3A_3308 : vector<1x1x16xf32> to vector<16xf32>
      %get3A_3310 = arith.constant 2 : i32
      %get3A_3311 = arith.index_cast %scan3A_37 : i32 to index
      %get3A_3312 = arith.index_cast %get3A_3310 : i32 to index
      %get3A_3313 = arith.constant 736 : index
      %get3A_3314 = tpu.vector_load %arg8[%get3A_3311, %get3A_3312, %get3A_3313] {strides = array<i32>} : memref<8x3x1024xf32, #tpu.memory_space<vmem>>, vector<1x1x16xf32>,
      %get3A_3315 = vector.shape_cast %get3A_3314 : vector<1x1x16xf32> to vector<16xf32>
      %sub3A_3316 = arith.subf %get3A_3315, %get3A_3309 : vector<16xf32>
      %mul3A_3317 = arith.mulf %get3A_3259, %sub3A_3316 : vector<16xf32>
      %add3A_3318 = arith.addf %get3A_3309, %mul3A_3317 : vector<16xf32>
      %swap3A_3319 = arith.constant 2 : i32
      %swap3A_3320 = arith.index_cast %scan3A_37 : i32 to index
      %swap3A_3321 = arith.index_cast %swap3A_3319 : i32 to index
      %swap3A_3322 = arith.constant 736 : index
      %swap3A_3323 = tpu.vector_load %arg7[%swap3A_3320, %swap3A_3321, %swap3A_3322] {strides = array<i32>} : memref<8x3x1024xf32, #tpu.memory_space<vmem>>, vector<1x1x16xf32>,
      %swap3A_3324 = vector.shape_cast %swap3A_3323 : vector<1x1x16xf32> to vector<16xf32>
      %swap3A_3325 = vector.shape_cast %add3A_3318 : vector<16xf32> to vector<1x1x16xf32>
      tpu.vector_store %arg7[%swap3A_3320, %swap3A_3321, %swap3A_3322], %swap3A_3325 {strides = array<i32>} : memref<8x3x1024xf32, #tpu.memory_space<vmem>>, vector<1x1x16xf32>,
      %get3A_3326 = arith.index_cast %scan3A_37 : i32 to index
      %get3A_3327 = arith.constant 752 : index
      %get3A_3328 = tpu.vector_load %arg9[%get3A_3326, %get3A_3327] {strides = array<i32>} : memref<8x1024xf32, #tpu.memory_space<vmem>>, vector<1x16xf32>,
      %get3A_3329 = vector.shape_cast %get3A_3328 : vector<1x16xf32> to vector<16xf32>
      %get3A_3330 = arith.constant 0 : i32
      %get3A_3331 = arith.index_cast %scan3A_37 : i32 to index
      %get3A_3332 = arith.index_cast %get3A_3330 : i32 to index
      %get3A_3333 = arith.constant 752 : index
      %get3A_3334 = tpu.vector_load %arg7[%get3A_3331, %get3A_3332, %get3A_3333] {strides = array<i32>} : memref<8x3x1024xf32, #tpu.memory_space<vmem>>, vector<1x1x16xf32>,
      %get3A_3335 = vector.shape_cast %get3A_3334 : vector<1x1x16xf32> to vector<16xf32>
      %get3A_3336 = arith.constant 0 : i32
      %get3A_3337 = arith.index_cast %scan3A_37 : i32 to index
      %get3A_3338 = arith.index_cast %get3A_3336 : i32 to index
      %get3A_3339 = arith.constant 752 : index
      %get3A_3340 = tpu.vector_load %arg8[%get3A_3337, %get3A_3338, %get3A_3339] {strides = array<i32>} : memref<8x3x1024xf32, #tpu.memory_space<vmem>>, vector<1x1x16xf32>,
      %get3A_3341 = vector.shape_cast %get3A_3340 : vector<1x1x16xf32> to vector<16xf32>
      %sub3A_3342 = arith.subf %get3A_3341, %get3A_3335 : vector<16xf32>
      %mul3A_3343 = arith.mulf %get3A_3329, %sub3A_3342 : vector<16xf32>
      %add3A_3344 = arith.addf %get3A_3335, %mul3A_3343 : vector<16xf32>
      %swap3A_3345 = arith.constant 0 : i32
      %swap3A_3346 = arith.index_cast %scan3A_37 : i32 to index
      %swap3A_3347 = arith.index_cast %swap3A_3345 : i32 to index
      %swap3A_3348 = arith.constant 752 : index
      %swap3A_3349 = tpu.vector_load %arg7[%swap3A_3346, %swap3A_3347, %swap3A_3348] {strides = array<i32>} : memref<8x3x1024xf32, #tpu.memory_space<vmem>>, vector<1x1x16xf32>,
      %swap3A_3350 = vector.shape_cast %swap3A_3349 : vector<1x1x16xf32> to vector<16xf32>
      %swap3A_3351 = vector.shape_cast %add3A_3344 : vector<16xf32> to vector<1x1x16xf32>
      tpu.vector_store %arg7[%swap3A_3346, %swap3A_3347, %swap3A_3348], %swap3A_3351 {strides = array<i32>} : memref<8x3x1024xf32, #tpu.memory_space<vmem>>, vector<1x1x16xf32>,
      %get3A_3352 = arith.constant 1 : i32
      %get3A_3353 = arith.index_cast %scan3A_37 : i32 to index
      %get3A_3354 = arith.index_cast %get3A_3352 : i32 to index
      %get3A_3355 = arith.constant 752 : index
      %get3A_3356 = tpu.vector_load %arg7[%get3A_3353, %get3A_3354, %get3A_3355] {strides = array<i32>} : memref<8x3x1024xf32, #tpu.memory_space<vmem>>, vector<1x1x16xf32>,
      %get3A_3357 = vector.shape_cast %get3A_3356 : vector<1x1x16xf32> to vector<16xf32>
      %get3A_3358 = arith.constant 1 : i32
      %get3A_3359 = arith.index_cast %scan3A_37 : i32 to index
      %get3A_3360 = arith.index_cast %get3A_3358 : i32 to index
      %get3A_3361 = arith.constant 752 : index
      %get3A_3362 = tpu.vector_load %arg8[%get3A_3359, %get3A_3360, %get3A_3361] {strides = array<i32>} : memref<8x3x1024xf32, #tpu.memory_space<vmem>>, vector<1x1x16xf32>,
      %get3A_3363 = vector.shape_cast %get3A_3362 : vector<1x1x16xf32> to vector<16xf32>
      %sub3A_3364 = arith.subf %get3A_3363, %get3A_3357 : vector<16xf32>
      %mul3A_3365 = arith.mulf %get3A_3329, %sub3A_3364 : vector<16xf32>
      %add3A_3366 = arith.addf %get3A_3357, %mul3A_3365 : vector<16xf32>
      %swap3A_3367 = arith.constant 1 : i32
      %swap3A_3368 = arith.index_cast %scan3A_37 : i32 to index
      %swap3A_3369 = arith.index_cast %swap3A_3367 : i32 to index
      %swap3A_3370 = arith.constant 752 : index
      %swap3A_3371 = tpu.vector_load %arg7[%swap3A_3368, %swap3A_3369, %swap3A_3370] {strides = array<i32>} : memref<8x3x1024xf32, #tpu.memory_space<vmem>>, vector<1x1x16xf32>,
      %swap3A_3372 = vector.shape_cast %swap3A_3371 : vector<1x1x16xf32> to vector<16xf32>
      %swap3A_3373 = vector.shape_cast %add3A_3366 : vector<16xf32> to vector<1x1x16xf32>
      tpu.vector_store %arg7[%swap3A_3368, %swap3A_3369, %swap3A_3370], %swap3A_3373 {strides = array<i32>} : memref<8x3x1024xf32, #tpu.memory_space<vmem>>, vector<1x1x16xf32>,
      %get3A_3374 = arith.constant 2 : i32
      %get3A_3375 = arith.index_cast %scan3A_37 : i32 to index
      %get3A_3376 = arith.index_cast %get3A_3374 : i32 to index
      %get3A_3377 = arith.constant 752 : index
      %get3A_3378 = tpu.vector_load %arg7[%get3A_3375, %get3A_3376, %get3A_3377] {strides = array<i32>} : memref<8x3x1024xf32, #tpu.memory_space<vmem>>, vector<1x1x16xf32>,
      %get3A_3379 = vector.shape_cast %get3A_3378 : vector<1x1x16xf32> to vector<16xf32>
      %get3A_3380 = arith.constant 2 : i32
      %get3A_3381 = arith.index_cast %scan3A_37 : i32 to index
      %get3A_3382 = arith.index_cast %get3A_3380 : i32 to index
      %get3A_3383 = arith.constant 752 : index
      %get3A_3384 = tpu.vector_load %arg8[%get3A_3381, %get3A_3382, %get3A_3383] {strides = array<i32>} : memref<8x3x1024xf32, #tpu.memory_space<vmem>>, vector<1x1x16xf32>,
      %get3A_3385 = vector.shape_cast %get3A_3384 : vector<1x1x16xf32> to vector<16xf32>
      %sub3A_3386 = arith.subf %get3A_3385, %get3A_3379 : vector<16xf32>
      %mul3A_3387 = arith.mulf %get3A_3329, %sub3A_3386 : vector<16xf32>
      %add3A_3388 = arith.addf %get3A_3379, %mul3A_3387 : vector<16xf32>
      %swap3A_3389 = arith.constant 2 : i32
      %swap3A_3390 = arith.index_cast %scan3A_37 : i32 to index
      %swap3A_3391 = arith.index_cast %swap3A_3389 : i32 to index
      %swap3A_3392 = arith.constant 752 : index
      %swap3A_3393 = tpu.vector_load %arg7[%swap3A_3390, %swap3A_3391, %swap3A_3392] {strides = array<i32>} : memref<8x3x1024xf32, #tpu.memory_space<vmem>>, vector<1x1x16xf32>,
      %swap3A_3394 = vector.shape_cast %swap3A_3393 : vector<1x1x16xf32> to vector<16xf32>
      %swap3A_3395 = vector.shape_cast %add3A_3388 : vector<16xf32> to vector<1x1x16xf32>
      tpu.vector_store %arg7[%swap3A_3390, %swap3A_3391, %swap3A_3392], %swap3A_3395 {strides = array<i32>} : memref<8x3x1024xf32, #tpu.memory_space<vmem>>, vector<1x1x16xf32>,
      %get3A_3396 = arith.index_cast %scan3A_37 : i32 to index
      %get3A_3397 = arith.constant 768 : index
      %get3A_3398 = tpu.vector_load %arg9[%get3A_3396, %get3A_3397] {strides = array<i32>} : memref<8x1024xf32, #tpu.memory_space<vmem>>, vector<1x16xf32>,
      %get3A_3399 = vector.shape_cast %get3A_3398 : vector<1x16xf32> to vector<16xf32>
      %get3A_3400 = arith.constant 0 : i32
      %get3A_3401 = arith.index_cast %scan3A_37 : i32 to index
      %get3A_3402 = arith.index_cast %get3A_3400 : i32 to index
      %get3A_3403 = arith.constant 768 : index
      %get3A_3404 = tpu.vector_load %arg7[%get3A_3401, %get3A_3402, %get3A_3403] {strides = array<i32>} : memref<8x3x1024xf32, #tpu.memory_space<vmem>>, vector<1x1x16xf32>,
      %get3A_3405 = vector.shape_cast %get3A_3404 : vector<1x1x16xf32> to vector<16xf32>
      %get3A_3406 = arith.constant 0 : i32
      %get3A_3407 = arith.index_cast %scan3A_37 : i32 to index
      %get3A_3408 = arith.index_cast %get3A_3406 : i32 to index
      %get3A_3409 = arith.constant 768 : index
      %get3A_3410 = tpu.vector_load %arg8[%get3A_3407, %get3A_3408, %get3A_3409] {strides = array<i32>} : memref<8x3x1024xf32, #tpu.memory_space<vmem>>, vector<1x1x16xf32>,
      %get3A_3411 = vector.shape_cast %get3A_3410 : vector<1x1x16xf32> to vector<16xf32>
      %sub3A_3412 = arith.subf %get3A_3411, %get3A_3405 : vector<16xf32>
      %mul3A_3413 = arith.mulf %get3A_3399, %sub3A_3412 : vector<16xf32>
      %add3A_3414 = arith.addf %get3A_3405, %mul3A_3413 : vector<16xf32>
      %swap3A_3415 = arith.constant 0 : i32
      %swap3A_3416 = arith.index_cast %scan3A_37 : i32 to index
      %swap3A_3417 = arith.index_cast %swap3A_3415 : i32 to index
      %swap3A_3418 = arith.constant 768 : index
      %swap3A_3419 = tpu.vector_load %arg7[%swap3A_3416, %swap3A_3417, %swap3A_3418] {strides = array<i32>} : memref<8x3x1024xf32, #tpu.memory_space<vmem>>, vector<1x1x16xf32>,
      %swap3A_3420 = vector.shape_cast %swap3A_3419 : vector<1x1x16xf32> to vector<16xf32>
      %swap3A_3421 = vector.shape_cast %add3A_3414 : vector<16xf32> to vector<1x1x16xf32>
      tpu.vector_store %arg7[%swap3A_3416, %swap3A_3417, %swap3A_3418], %swap3A_3421 {strides = array<i32>} : memref<8x3x1024xf32, #tpu.memory_space<vmem>>, vector<1x1x16xf32>,
      %get3A_3422 = arith.constant 1 : i32
      %get3A_3423 = arith.index_cast %scan3A_37 : i32 to index
      %get3A_3424 = arith.index_cast %get3A_3422 : i32 to index
      %get3A_3425 = arith.constant 768 : index
      %get3A_3426 = tpu.vector_load %arg7[%get3A_3423, %get3A_3424, %get3A_3425] {strides = array<i32>} : memref<8x3x1024xf32, #tpu.memory_space<vmem>>, vector<1x1x16xf32>,
      %get3A_3427 = vector.shape_cast %get3A_3426 : vector<1x1x16xf32> to vector<16xf32>
      %get3A_3428 = arith.constant 1 : i32
      %get3A_3429 = arith.index_cast %scan3A_37 : i32 to index
      %get3A_3430 = arith.index_cast %get3A_3428 : i32 to index
      %get3A_3431 = arith.constant 768 : index
      %get3A_3432 = tpu.vector_load %arg8[%get3A_3429, %get3A_3430, %get3A_3431] {strides = array<i32>} : memref<8x3x1024xf32, #tpu.memory_space<vmem>>, vector<1x1x16xf32>,
      %get3A_3433 = vector.shape_cast %get3A_3432 : vector<1x1x16xf32> to vector<16xf32>
      %sub3A_3434 = arith.subf %get3A_3433, %get3A_3427 : vector<16xf32>
      %mul3A_3435 = arith.mulf %get3A_3399, %sub3A_3434 : vector<16xf32>
      %add3A_3436 = arith.addf %get3A_3427, %mul3A_3435 : vector<16xf32>
      %swap3A_3437 = arith.constant 1 : i32
      %swap3A_3438 = arith.index_cast %scan3A_37 : i32 to index
      %swap3A_3439 = arith.index_cast %swap3A_3437 : i32 to index
      %swap3A_3440 = arith.constant 768 : index
      %swap3A_3441 = tpu.vector_load %arg7[%swap3A_3438, %swap3A_3439, %swap3A_3440] {strides = array<i32>} : memref<8x3x1024xf32, #tpu.memory_space<vmem>>, vector<1x1x16xf32>,
      %swap3A_3442 = vector.shape_cast %swap3A_3441 : vector<1x1x16xf32> to vector<16xf32>
      %swap3A_3443 = vector.shape_cast %add3A_3436 : vector<16xf32> to vector<1x1x16xf32>
      tpu.vector_store %arg7[%swap3A_3438, %swap3A_3439, %swap3A_3440], %swap3A_3443 {strides = array<i32>} : memref<8x3x1024xf32, #tpu.memory_space<vmem>>, vector<1x1x16xf32>,
      %get3A_3444 = arith.constant 2 : i32
      %get3A_3445 = arith.index_cast %scan3A_37 : i32 to index
      %get3A_3446 = arith.index_cast %get3A_3444 : i32 to index
      %get3A_3447 = arith.constant 768 : index
      %get3A_3448 = tpu.vector_load %arg7[%get3A_3445, %get3A_3446, %get3A_3447] {strides = array<i32>} : memref<8x3x1024xf32, #tpu.memory_space<vmem>>, vector<1x1x16xf32>,
      %get3A_3449 = vector.shape_cast %get3A_3448 : vector<1x1x16xf32> to vector<16xf32>
      %get3A_3450 = arith.constant 2 : i32
      %get3A_3451 = arith.index_cast %scan3A_37 : i32 to index
      %get3A_3452 = arith.index_cast %get3A_3450 : i32 to index
      %get3A_3453 = arith.constant 768 : index
      %get3A_3454 = tpu.vector_load %arg8[%get3A_3451, %get3A_3452, %get3A_3453] {strides = array<i32>} : memref<8x3x1024xf32, #tpu.memory_space<vmem>>, vector<1x1x16xf32>,
      %get3A_3455 = vector.shape_cast %get3A_3454 : vector<1x1x16xf32> to vector<16xf32>
      %sub3A_3456 = arith.subf %get3A_3455, %get3A_3449 : vector<16xf32>
      %mul3A_3457 = arith.mulf %get3A_3399, %sub3A_3456 : vector<16xf32>
      %add3A_3458 = arith.addf %get3A_3449, %mul3A_3457 : vector<16xf32>
      %swap3A_3459 = arith.constant 2 : i32
      %swap3A_3460 = arith.index_cast %scan3A_37 : i32 to index
      %swap3A_3461 = arith.index_cast %swap3A_3459 : i32 to index
      %swap3A_3462 = arith.constant 768 : index
      %swap3A_3463 = tpu.vector_load %arg7[%swap3A_3460, %swap3A_3461, %swap3A_3462] {strides = array<i32>} : memref<8x3x1024xf32, #tpu.memory_space<vmem>>, vector<1x1x16xf32>,
      %swap3A_3464 = vector.shape_cast %swap3A_3463 : vector<1x1x16xf32> to vector<16xf32>
      %swap3A_3465 = vector.shape_cast %add3A_3458 : vector<16xf32> to vector<1x1x16xf32>
      tpu.vector_store %arg7[%swap3A_3460, %swap3A_3461, %swap3A_3462], %swap3A_3465 {strides = array<i32>} : memref<8x3x1024xf32, #tpu.memory_space<vmem>>, vector<1x1x16xf32>,
      %get3A_3466 = arith.index_cast %scan3A_37 : i32 to index
      %get3A_3467 = arith.constant 784 : index
      %get3A_3468 = tpu.vector_load %arg9[%get3A_3466, %get3A_3467] {strides = array<i32>} : memref<8x1024xf32, #tpu.memory_space<vmem>>, vector<1x16xf32>,
      %get3A_3469 = vector.shape_cast %get3A_3468 : vector<1x16xf32> to vector<16xf32>
      %get3A_3470 = arith.constant 0 : i32
      %get3A_3471 = arith.index_cast %scan3A_37 : i32 to index
      %get3A_3472 = arith.index_cast %get3A_3470 : i32 to index
      %get3A_3473 = arith.constant 784 : index
      %get3A_3474 = tpu.vector_load %arg7[%get3A_3471, %get3A_3472, %get3A_3473] {strides = array<i32>} : memref<8x3x1024xf32, #tpu.memory_space<vmem>>, vector<1x1x16xf32>,
      %get3A_3475 = vector.shape_cast %get3A_3474 : vector<1x1x16xf32> to vector<16xf32>
      %get3A_3476 = arith.constant 0 : i32
      %get3A_3477 = arith.index_cast %scan3A_37 : i32 to index
      %get3A_3478 = arith.index_cast %get3A_3476 : i32 to index
      %get3A_3479 = arith.constant 784 : index
      %get3A_3480 = tpu.vector_load %arg8[%get3A_3477, %get3A_3478, %get3A_3479] {strides = array<i32>} : memref<8x3x1024xf32, #tpu.memory_space<vmem>>, vector<1x1x16xf32>,
      %get3A_3481 = vector.shape_cast %get3A_3480 : vector<1x1x16xf32> to vector<16xf32>
      %sub3A_3482 = arith.subf %get3A_3481, %get3A_3475 : vector<16xf32>
      %mul3A_3483 = arith.mulf %get3A_3469, %sub3A_3482 : vector<16xf32>
      %add3A_3484 = arith.addf %get3A_3475, %mul3A_3483 : vector<16xf32>
      %swap3A_3485 = arith.constant 0 : i32
      %swap3A_3486 = arith.index_cast %scan3A_37 : i32 to index
      %swap3A_3487 = arith.index_cast %swap3A_3485 : i32 to index
      %swap3A_3488 = arith.constant 784 : index
      %swap3A_3489 = tpu.vector_load %arg7[%swap3A_3486, %swap3A_3487, %swap3A_3488] {strides = array<i32>} : memref<8x3x1024xf32, #tpu.memory_space<vmem>>, vector<1x1x16xf32>,
      %swap3A_3490 = vector.shape_cast %swap3A_3489 : vector<1x1x16xf32> to vector<16xf32>
      %swap3A_3491 = vector.shape_cast %add3A_3484 : vector<16xf32> to vector<1x1x16xf32>
      tpu.vector_store %arg7[%swap3A_3486, %swap3A_3487, %swap3A_3488], %swap3A_3491 {strides = array<i32>} : memref<8x3x1024xf32, #tpu.memory_space<vmem>>, vector<1x1x16xf32>,
      %get3A_3492 = arith.constant 1 : i32
      %get3A_3493 = arith.index_cast %scan3A_37 : i32 to index
      %get3A_3494 = arith.index_cast %get3A_3492 : i32 to index
      %get3A_3495 = arith.constant 784 : index
      %get3A_3496 = tpu.vector_load %arg7[%get3A_3493, %get3A_3494, %get3A_3495] {strides = array<i32>} : memref<8x3x1024xf32, #tpu.memory_space<vmem>>, vector<1x1x16xf32>,
      %get3A_3497 = vector.shape_cast %get3A_3496 : vector<1x1x16xf32> to vector<16xf32>
      %get3A_3498 = arith.constant 1 : i32
      %get3A_3499 = arith.index_cast %scan3A_37 : i32 to index
      %get3A_3500 = arith.index_cast %get3A_3498 : i32 to index
      %get3A_3501 = arith.constant 784 : index
      %get3A_3502 = tpu.vector_load %arg8[%get3A_3499, %get3A_3500, %get3A_3501] {strides = array<i32>} : memref<8x3x1024xf32, #tpu.memory_space<vmem>>, vector<1x1x16xf32>,
      %get3A_3503 = vector.shape_cast %get3A_3502 : vector<1x1x16xf32> to vector<16xf32>
      %sub3A_3504 = arith.subf %get3A_3503, %get3A_3497 : vector<16xf32>
      %mul3A_3505 = arith.mulf %get3A_3469, %sub3A_3504 : vector<16xf32>
      %add3A_3506 = arith.addf %get3A_3497, %mul3A_3505 : vector<16xf32>
      %swap3A_3507 = arith.constant 1 : i32
      %swap3A_3508 = arith.index_cast %scan3A_37 : i32 to index
      %swap3A_3509 = arith.index_cast %swap3A_3507 : i32 to index
      %swap3A_3510 = arith.constant 784 : index
      %swap3A_3511 = tpu.vector_load %arg7[%swap3A_3508, %swap3A_3509, %swap3A_3510] {strides = array<i32>} : memref<8x3x1024xf32, #tpu.memory_space<vmem>>, vector<1x1x16xf32>,
      %swap3A_3512 = vector.shape_cast %swap3A_3511 : vector<1x1x16xf32> to vector<16xf32>
      %swap3A_3513 = vector.shape_cast %add3A_3506 : vector<16xf32> to vector<1x1x16xf32>
      tpu.vector_store %arg7[%swap3A_3508, %swap3A_3509, %swap3A_3510], %swap3A_3513 {strides = array<i32>} : memref<8x3x1024xf32, #tpu.memory_space<vmem>>, vector<1x1x16xf32>,
      %get3A_3514 = arith.constant 2 : i32
      %get3A_3515 = arith.index_cast %scan3A_37 : i32 to index
      %get3A_3516 = arith.index_cast %get3A_3514 : i32 to index
      %get3A_3517 = arith.constant 784 : index
      %get3A_3518 = tpu.vector_load %arg7[%get3A_3515, %get3A_3516, %get3A_3517] {strides = array<i32>} : memref<8x3x1024xf32, #tpu.memory_space<vmem>>, vector<1x1x16xf32>,
      %get3A_3519 = vector.shape_cast %get3A_3518 : vector<1x1x16xf32> to vector<16xf32>
      %get3A_3520 = arith.constant 2 : i32
      %get3A_3521 = arith.index_cast %scan3A_37 : i32 to index
      %get3A_3522 = arith.index_cast %get3A_3520 : i32 to index
      %get3A_3523 = arith.constant 784 : index
      %get3A_3524 = tpu.vector_load %arg8[%get3A_3521, %get3A_3522, %get3A_3523] {strides = array<i32>} : memref<8x3x1024xf32, #tpu.memory_space<vmem>>, vector<1x1x16xf32>,
      %get3A_3525 = vector.shape_cast %get3A_3524 : vector<1x1x16xf32> to vector<16xf32>
      %sub3A_3526 = arith.subf %get3A_3525, %get3A_3519 : vector<16xf32>
      %mul3A_3527 = arith.mulf %get3A_3469, %sub3A_3526 : vector<16xf32>
      %add3A_3528 = arith.addf %get3A_3519, %mul3A_3527 : vector<16xf32>
      %swap3A_3529 = arith.constant 2 : i32
      %swap3A_3530 = arith.index_cast %scan3A_37 : i32 to index
      %swap3A_3531 = arith.index_cast %swap3A_3529 : i32 to index
      %swap3A_3532 = arith.constant 784 : index
      %swap3A_3533 = tpu.vector_load %arg7[%swap3A_3530, %swap3A_3531, %swap3A_3532] {strides = array<i32>} : memref<8x3x1024xf32, #tpu.memory_space<vmem>>, vector<1x1x16xf32>,
      %swap3A_3534 = vector.shape_cast %swap3A_3533 : vector<1x1x16xf32> to vector<16xf32>
      %swap3A_3535 = vector.shape_cast %add3A_3528 : vector<16xf32> to vector<1x1x16xf32>
      tpu.vector_store %arg7[%swap3A_3530, %swap3A_3531, %swap3A_3532], %swap3A_3535 {strides = array<i32>} : memref<8x3x1024xf32, #tpu.memory_space<vmem>>, vector<1x1x16xf32>,
      %get3A_3536 = arith.index_cast %scan3A_37 : i32 to index
      %get3A_3537 = arith.constant 800 : index
      %get3A_3538 = tpu.vector_load %arg9[%get3A_3536, %get3A_3537] {strides = array<i32>} : memref<8x1024xf32, #tpu.memory_space<vmem>>, vector<1x16xf32>,
      %get3A_3539 = vector.shape_cast %get3A_3538 : vector<1x16xf32> to vector<16xf32>
      %get3A_3540 = arith.constant 0 : i32
      %get3A_3541 = arith.index_cast %scan3A_37 : i32 to index
      %get3A_3542 = arith.index_cast %get3A_3540 : i32 to index
      %get3A_3543 = arith.constant 800 : index
      %get3A_3544 = tpu.vector_load %arg7[%get3A_3541, %get3A_3542, %get3A_3543] {strides = array<i32>} : memref<8x3x1024xf32, #tpu.memory_space<vmem>>, vector<1x1x16xf32>,
      %get3A_3545 = vector.shape_cast %get3A_3544 : vector<1x1x16xf32> to vector<16xf32>
      %get3A_3546 = arith.constant 0 : i32
      %get3A_3547 = arith.index_cast %scan3A_37 : i32 to index
      %get3A_3548 = arith.index_cast %get3A_3546 : i32 to index
      %get3A_3549 = arith.constant 800 : index
      %get3A_3550 = tpu.vector_load %arg8[%get3A_3547, %get3A_3548, %get3A_3549] {strides = array<i32>} : memref<8x3x1024xf32, #tpu.memory_space<vmem>>, vector<1x1x16xf32>,
      %get3A_3551 = vector.shape_cast %get3A_3550 : vector<1x1x16xf32> to vector<16xf32>
      %sub3A_3552 = arith.subf %get3A_3551, %get3A_3545 : vector<16xf32>
      %mul3A_3553 = arith.mulf %get3A_3539, %sub3A_3552 : vector<16xf32>
      %add3A_3554 = arith.addf %get3A_3545, %mul3A_3553 : vector<16xf32>
      %swap3A_3555 = arith.constant 0 : i32
      %swap3A_3556 = arith.index_cast %scan3A_37 : i32 to index
      %swap3A_3557 = arith.index_cast %swap3A_3555 : i32 to index
      %swap3A_3558 = arith.constant 800 : index
      %swap3A_3559 = tpu.vector_load %arg7[%swap3A_3556, %swap3A_3557, %swap3A_3558] {strides = array<i32>} : memref<8x3x1024xf32, #tpu.memory_space<vmem>>, vector<1x1x16xf32>,
      %swap3A_3560 = vector.shape_cast %swap3A_3559 : vector<1x1x16xf32> to vector<16xf32>
      %swap3A_3561 = vector.shape_cast %add3A_3554 : vector<16xf32> to vector<1x1x16xf32>
      tpu.vector_store %arg7[%swap3A_3556, %swap3A_3557, %swap3A_3558], %swap3A_3561 {strides = array<i32>} : memref<8x3x1024xf32, #tpu.memory_space<vmem>>, vector<1x1x16xf32>,
      %get3A_3562 = arith.constant 1 : i32
      %get3A_3563 = arith.index_cast %scan3A_37 : i32 to index
      %get3A_3564 = arith.index_cast %get3A_3562 : i32 to index
      %get3A_3565 = arith.constant 800 : index
      %get3A_3566 = tpu.vector_load %arg7[%get3A_3563, %get3A_3564, %get3A_3565] {strides = array<i32>} : memref<8x3x1024xf32, #tpu.memory_space<vmem>>, vector<1x1x16xf32>,
      %get3A_3567 = vector.shape_cast %get3A_3566 : vector<1x1x16xf32> to vector<16xf32>
      %get3A_3568 = arith.constant 1 : i32
      %get3A_3569 = arith.index_cast %scan3A_37 : i32 to index
      %get3A_3570 = arith.index_cast %get3A_3568 : i32 to index
      %get3A_3571 = arith.constant 800 : index
      %get3A_3572 = tpu.vector_load %arg8[%get3A_3569, %get3A_3570, %get3A_3571] {strides = array<i32>} : memref<8x3x1024xf32, #tpu.memory_space<vmem>>, vector<1x1x16xf32>,
      %get3A_3573 = vector.shape_cast %get3A_3572 : vector<1x1x16xf32> to vector<16xf32>
      %sub3A_3574 = arith.subf %get3A_3573, %get3A_3567 : vector<16xf32>
      %mul3A_3575 = arith.mulf %get3A_3539, %sub3A_3574 : vector<16xf32>
      %add3A_3576 = arith.addf %get3A_3567, %mul3A_3575 : vector<16xf32>
      %swap3A_3577 = arith.constant 1 : i32
      %swap3A_3578 = arith.index_cast %scan3A_37 : i32 to index
      %swap3A_3579 = arith.index_cast %swap3A_3577 : i32 to index
      %swap3A_3580 = arith.constant 800 : index
      %swap3A_3581 = tpu.vector_load %arg7[%swap3A_3578, %swap3A_3579, %swap3A_3580] {strides = array<i32>} : memref<8x3x1024xf32, #tpu.memory_space<vmem>>, vector<1x1x16xf32>,
      %swap3A_3582 = vector.shape_cast %swap3A_3581 : vector<1x1x16xf32> to vector<16xf32>
      %swap3A_3583 = vector.shape_cast %add3A_3576 : vector<16xf32> to vector<1x1x16xf32>
      tpu.vector_store %arg7[%swap3A_3578, %swap3A_3579, %swap3A_3580], %swap3A_3583 {strides = array<i32>} : memref<8x3x1024xf32, #tpu.memory_space<vmem>>, vector<1x1x16xf32>,
      %get3A_3584 = arith.constant 2 : i32
      %get3A_3585 = arith.index_cast %scan3A_37 : i32 to index
      %get3A_3586 = arith.index_cast %get3A_3584 : i32 to index
      %get3A_3587 = arith.constant 800 : index
      %get3A_3588 = tpu.vector_load %arg7[%get3A_3585, %get3A_3586, %get3A_3587] {strides = array<i32>} : memref<8x3x1024xf32, #tpu.memory_space<vmem>>, vector<1x1x16xf32>,
      %get3A_3589 = vector.shape_cast %get3A_3588 : vector<1x1x16xf32> to vector<16xf32>
      %get3A_3590 = arith.constant 2 : i32
      %get3A_3591 = arith.index_cast %scan3A_37 : i32 to index
      %get3A_3592 = arith.index_cast %get3A_3590 : i32 to index
      %get3A_3593 = arith.constant 800 : index
      %get3A_3594 = tpu.vector_load %arg8[%get3A_3591, %get3A_3592, %get3A_3593] {strides = array<i32>} : memref<8x3x1024xf32, #tpu.memory_space<vmem>>, vector<1x1x16xf32>,
      %get3A_3595 = vector.shape_cast %get3A_3594 : vector<1x1x16xf32> to vector<16xf32>
      %sub3A_3596 = arith.subf %get3A_3595, %get3A_3589 : vector<16xf32>
      %mul3A_3597 = arith.mulf %get3A_3539, %sub3A_3596 : vector<16xf32>
      %add3A_3598 = arith.addf %get3A_3589, %mul3A_3597 : vector<16xf32>
      %swap3A_3599 = arith.constant 2 : i32
      %swap3A_3600 = arith.index_cast %scan3A_37 : i32 to index
      %swap3A_3601 = arith.index_cast %swap3A_3599 : i32 to index
      %swap3A_3602 = arith.constant 800 : index
      %swap3A_3603 = tpu.vector_load %arg7[%swap3A_3600, %swap3A_3601, %swap3A_3602] {strides = array<i32>} : memref<8x3x1024xf32, #tpu.memory_space<vmem>>, vector<1x1x16xf32>,
      %swap3A_3604 = vector.shape_cast %swap3A_3603 : vector<1x1x16xf32> to vector<16xf32>
      %swap3A_3605 = vector.shape_cast %add3A_3598 : vector<16xf32> to vector<1x1x16xf32>
      tpu.vector_store %arg7[%swap3A_3600, %swap3A_3601, %swap3A_3602], %swap3A_3605 {strides = array<i32>} : memref<8x3x1024xf32, #tpu.memory_space<vmem>>, vector<1x1x16xf32>,
      %get3A_3606 = arith.index_cast %scan3A_37 : i32 to index
      %get3A_3607 = arith.constant 816 : index
      %get3A_3608 = tpu.vector_load %arg9[%get3A_3606, %get3A_3607] {strides = array<i32>} : memref<8x1024xf32, #tpu.memory_space<vmem>>, vector<1x16xf32>,
      %get3A_3609 = vector.shape_cast %get3A_3608 : vector<1x16xf32> to vector<16xf32>
      %get3A_3610 = arith.constant 0 : i32
      %get3A_3611 = arith.index_cast %scan3A_37 : i32 to index
      %get3A_3612 = arith.index_cast %get3A_3610 : i32 to index
      %get3A_3613 = arith.constant 816 : index
      %get3A_3614 = tpu.vector_load %arg7[%get3A_3611, %get3A_3612, %get3A_3613] {strides = array<i32>} : memref<8x3x1024xf32, #tpu.memory_space<vmem>>, vector<1x1x16xf32>,
      %get3A_3615 = vector.shape_cast %get3A_3614 : vector<1x1x16xf32> to vector<16xf32>
      %get3A_3616 = arith.constant 0 : i32
      %get3A_3617 = arith.index_cast %scan3A_37 : i32 to index
      %get3A_3618 = arith.index_cast %get3A_3616 : i32 to index
      %get3A_3619 = arith.constant 816 : index
      %get3A_3620 = tpu.vector_load %arg8[%get3A_3617, %get3A_3618, %get3A_3619] {strides = array<i32>} : memref<8x3x1024xf32, #tpu.memory_space<vmem>>, vector<1x1x16xf32>,
      %get3A_3621 = vector.shape_cast %get3A_3620 : vector<1x1x16xf32> to vector<16xf32>
      %sub3A_3622 = arith.subf %get3A_3621, %get3A_3615 : vector<16xf32>
      %mul3A_3623 = arith.mulf %get3A_3609, %sub3A_3622 : vector<16xf32>
      %add3A_3624 = arith.addf %get3A_3615, %mul3A_3623 : vector<16xf32>
      %swap3A_3625 = arith.constant 0 : i32
      %swap3A_3626 = arith.index_cast %scan3A_37 : i32 to index
      %swap3A_3627 = arith.index_cast %swap3A_3625 : i32 to index
      %swap3A_3628 = arith.constant 816 : index
      %swap3A_3629 = tpu.vector_load %arg7[%swap3A_3626, %swap3A_3627, %swap3A_3628] {strides = array<i32>} : memref<8x3x1024xf32, #tpu.memory_space<vmem>>, vector<1x1x16xf32>,
      %swap3A_3630 = vector.shape_cast %swap3A_3629 : vector<1x1x16xf32> to vector<16xf32>
      %swap3A_3631 = vector.shape_cast %add3A_3624 : vector<16xf32> to vector<1x1x16xf32>
      tpu.vector_store %arg7[%swap3A_3626, %swap3A_3627, %swap3A_3628], %swap3A_3631 {strides = array<i32>} : memref<8x3x1024xf32, #tpu.memory_space<vmem>>, vector<1x1x16xf32>,
      %get3A_3632 = arith.constant 1 : i32
      %get3A_3633 = arith.index_cast %scan3A_37 : i32 to index
      %get3A_3634 = arith.index_cast %get3A_3632 : i32 to index
      %get3A_3635 = arith.constant 816 : index
      %get3A_3636 = tpu.vector_load %arg7[%get3A_3633, %get3A_3634, %get3A_3635] {strides = array<i32>} : memref<8x3x1024xf32, #tpu.memory_space<vmem>>, vector<1x1x16xf32>,
      %get3A_3637 = vector.shape_cast %get3A_3636 : vector<1x1x16xf32> to vector<16xf32>
      %get3A_3638 = arith.constant 1 : i32
      %get3A_3639 = arith.index_cast %scan3A_37 : i32 to index
      %get3A_3640 = arith.index_cast %get3A_3638 : i32 to index
      %get3A_3641 = arith.constant 816 : index
      %get3A_3642 = tpu.vector_load %arg8[%get3A_3639, %get3A_3640, %get3A_3641] {strides = array<i32>} : memref<8x3x1024xf32, #tpu.memory_space<vmem>>, vector<1x1x16xf32>,
      %get3A_3643 = vector.shape_cast %get3A_3642 : vector<1x1x16xf32> to vector<16xf32>
      %sub3A_3644 = arith.subf %get3A_3643, %get3A_3637 : vector<16xf32>
      %mul3A_3645 = arith.mulf %get3A_3609, %sub3A_3644 : vector<16xf32>
      %add3A_3646 = arith.addf %get3A_3637, %mul3A_3645 : vector<16xf32>
      %swap3A_3647 = arith.constant 1 : i32
      %swap3A_3648 = arith.index_cast %scan3A_37 : i32 to index
      %swap3A_3649 = arith.index_cast %swap3A_3647 : i32 to index
      %swap3A_3650 = arith.constant 816 : index
      %swap3A_3651 = tpu.vector_load %arg7[%swap3A_3648, %swap3A_3649, %swap3A_3650] {strides = array<i32>} : memref<8x3x1024xf32, #tpu.memory_space<vmem>>, vector<1x1x16xf32>,
      %swap3A_3652 = vector.shape_cast %swap3A_3651 : vector<1x1x16xf32> to vector<16xf32>
      %swap3A_3653 = vector.shape_cast %add3A_3646 : vector<16xf32> to vector<1x1x16xf32>
      tpu.vector_store %arg7[%swap3A_3648, %swap3A_3649, %swap3A_3650], %swap3A_3653 {strides = array<i32>} : memref<8x3x1024xf32, #tpu.memory_space<vmem>>, vector<1x1x16xf32>,
      %get3A_3654 = arith.constant 2 : i32
      %get3A_3655 = arith.index_cast %scan3A_37 : i32 to index
      %get3A_3656 = arith.index_cast %get3A_3654 : i32 to index
      %get3A_3657 = arith.constant 816 : index
      %get3A_3658 = tpu.vector_load %arg7[%get3A_3655, %get3A_3656, %get3A_3657] {strides = array<i32>} : memref<8x3x1024xf32, #tpu.memory_space<vmem>>, vector<1x1x16xf32>,
      %get3A_3659 = vector.shape_cast %get3A_3658 : vector<1x1x16xf32> to vector<16xf32>
      %get3A_3660 = arith.constant 2 : i32
      %get3A_3661 = arith.index_cast %scan3A_37 : i32 to index
      %get3A_3662 = arith.index_cast %get3A_3660 : i32 to index
      %get3A_3663 = arith.constant 816 : index
      %get3A_3664 = tpu.vector_load %arg8[%get3A_3661, %get3A_3662, %get3A_3663] {strides = array<i32>} : memref<8x3x1024xf32, #tpu.memory_space<vmem>>, vector<1x1x16xf32>,
      %get3A_3665 = vector.shape_cast %get3A_3664 : vector<1x1x16xf32> to vector<16xf32>
      %sub3A_3666 = arith.subf %get3A_3665, %get3A_3659 : vector<16xf32>
      %mul3A_3667 = arith.mulf %get3A_3609, %sub3A_3666 : vector<16xf32>
      %add3A_3668 = arith.addf %get3A_3659, %mul3A_3667 : vector<16xf32>
      %swap3A_3669 = arith.constant 2 : i32
      %swap3A_3670 = arith.index_cast %scan3A_37 : i32 to index
      %swap3A_3671 = arith.index_cast %swap3A_3669 : i32 to index
      %swap3A_3672 = arith.constant 816 : index
      %swap3A_3673 = tpu.vector_load %arg7[%swap3A_3670, %swap3A_3671, %swap3A_3672] {strides = array<i32>} : memref<8x3x1024xf32, #tpu.memory_space<vmem>>, vector<1x1x16xf32>,
      %swap3A_3674 = vector.shape_cast %swap3A_3673 : vector<1x1x16xf32> to vector<16xf32>
      %swap3A_3675 = vector.shape_cast %add3A_3668 : vector<16xf32> to vector<1x1x16xf32>
      tpu.vector_store %arg7[%swap3A_3670, %swap3A_3671, %swap3A_3672], %swap3A_3675 {strides = array<i32>} : memref<8x3x1024xf32, #tpu.memory_space<vmem>>, vector<1x1x16xf32>,
      %get3A_3676 = arith.index_cast %scan3A_37 : i32 to index
      %get3A_3677 = arith.constant 832 : index
      %get3A_3678 = tpu.vector_load %arg9[%get3A_3676, %get3A_3677] {strides = array<i32>} : memref<8x1024xf32, #tpu.memory_space<vmem>>, vector<1x16xf32>,
      %get3A_3679 = vector.shape_cast %get3A_3678 : vector<1x16xf32> to vector<16xf32>
      %get3A_3680 = arith.constant 0 : i32
      %get3A_3681 = arith.index_cast %scan3A_37 : i32 to index
      %get3A_3682 = arith.index_cast %get3A_3680 : i32 to index
      %get3A_3683 = arith.constant 832 : index
      %get3A_3684 = tpu.vector_load %arg7[%get3A_3681, %get3A_3682, %get3A_3683] {strides = array<i32>} : memref<8x3x1024xf32, #tpu.memory_space<vmem>>, vector<1x1x16xf32>,
      %get3A_3685 = vector.shape_cast %get3A_3684 : vector<1x1x16xf32> to vector<16xf32>
      %get3A_3686 = arith.constant 0 : i32
      %get3A_3687 = arith.index_cast %scan3A_37 : i32 to index
      %get3A_3688 = arith.index_cast %get3A_3686 : i32 to index
      %get3A_3689 = arith.constant 832 : index
      %get3A_3690 = tpu.vector_load %arg8[%get3A_3687, %get3A_3688, %get3A_3689] {strides = array<i32>} : memref<8x3x1024xf32, #tpu.memory_space<vmem>>, vector<1x1x16xf32>,
      %get3A_3691 = vector.shape_cast %get3A_3690 : vector<1x1x16xf32> to vector<16xf32>
      %sub3A_3692 = arith.subf %get3A_3691, %get3A_3685 : vector<16xf32>
      %mul3A_3693 = arith.mulf %get3A_3679, %sub3A_3692 : vector<16xf32>
      %add3A_3694 = arith.addf %get3A_3685, %mul3A_3693 : vector<16xf32>
      %swap3A_3695 = arith.constant 0 : i32
      %swap3A_3696 = arith.index_cast %scan3A_37 : i32 to index
      %swap3A_3697 = arith.index_cast %swap3A_3695 : i32 to index
      %swap3A_3698 = arith.constant 832 : index
      %swap3A_3699 = tpu.vector_load %arg7[%swap3A_3696, %swap3A_3697, %swap3A_3698] {strides = array<i32>} : memref<8x3x1024xf32, #tpu.memory_space<vmem>>, vector<1x1x16xf32>,
      %swap3A_3700 = vector.shape_cast %swap3A_3699 : vector<1x1x16xf32> to vector<16xf32>
      %swap3A_3701 = vector.shape_cast %add3A_3694 : vector<16xf32> to vector<1x1x16xf32>
      tpu.vector_store %arg7[%swap3A_3696, %swap3A_3697, %swap3A_3698], %swap3A_3701 {strides = array<i32>} : memref<8x3x1024xf32, #tpu.memory_space<vmem>>, vector<1x1x16xf32>,
      %get3A_3702 = arith.constant 1 : i32
      %get3A_3703 = arith.index_cast %scan3A_37 : i32 to index
      %get3A_3704 = arith.index_cast %get3A_3702 : i32 to index
      %get3A_3705 = arith.constant 832 : index
      %get3A_3706 = tpu.vector_load %arg7[%get3A_3703, %get3A_3704, %get3A_3705] {strides = array<i32>} : memref<8x3x1024xf32, #tpu.memory_space<vmem>>, vector<1x1x16xf32>,
      %get3A_3707 = vector.shape_cast %get3A_3706 : vector<1x1x16xf32> to vector<16xf32>
      %get3A_3708 = arith.constant 1 : i32
      %get3A_3709 = arith.index_cast %scan3A_37 : i32 to index
      %get3A_3710 = arith.index_cast %get3A_3708 : i32 to index
      %get3A_3711 = arith.constant 832 : index
      %get3A_3712 = tpu.vector_load %arg8[%get3A_3709, %get3A_3710, %get3A_3711] {strides = array<i32>} : memref<8x3x1024xf32, #tpu.memory_space<vmem>>, vector<1x1x16xf32>,
      %get3A_3713 = vector.shape_cast %get3A_3712 : vector<1x1x16xf32> to vector<16xf32>
      %sub3A_3714 = arith.subf %get3A_3713, %get3A_3707 : vector<16xf32>
      %mul3A_3715 = arith.mulf %get3A_3679, %sub3A_3714 : vector<16xf32>
      %add3A_3716 = arith.addf %get3A_3707, %mul3A_3715 : vector<16xf32>
      %swap3A_3717 = arith.constant 1 : i32
      %swap3A_3718 = arith.index_cast %scan3A_37 : i32 to index
      %swap3A_3719 = arith.index_cast %swap3A_3717 : i32 to index
      %swap3A_3720 = arith.constant 832 : index
      %swap3A_3721 = tpu.vector_load %arg7[%swap3A_3718, %swap3A_3719, %swap3A_3720] {strides = array<i32>} : memref<8x3x1024xf32, #tpu.memory_space<vmem>>, vector<1x1x16xf32>,
      %swap3A_3722 = vector.shape_cast %swap3A_3721 : vector<1x1x16xf32> to vector<16xf32>
      %swap3A_3723 = vector.shape_cast %add3A_3716 : vector<16xf32> to vector<1x1x16xf32>
      tpu.vector_store %arg7[%swap3A_3718, %swap3A_3719, %swap3A_3720], %swap3A_3723 {strides = array<i32>} : memref<8x3x1024xf32, #tpu.memory_space<vmem>>, vector<1x1x16xf32>,
      %get3A_3724 = arith.constant 2 : i32
      %get3A_3725 = arith.index_cast %scan3A_37 : i32 to index
      %get3A_3726 = arith.index_cast %get3A_3724 : i32 to index
      %get3A_3727 = arith.constant 832 : index
      %get3A_3728 = tpu.vector_load %arg7[%get3A_3725, %get3A_3726, %get3A_3727] {strides = array<i32>} : memref<8x3x1024xf32, #tpu.memory_space<vmem>>, vector<1x1x16xf32>,
      %get3A_3729 = vector.shape_cast %get3A_3728 : vector<1x1x16xf32> to vector<16xf32>
      %get3A_3730 = arith.constant 2 : i32
      %get3A_3731 = arith.index_cast %scan3A_37 : i32 to index
      %get3A_3732 = arith.index_cast %get3A_3730 : i32 to index
      %get3A_3733 = arith.constant 832 : index
      %get3A_3734 = tpu.vector_load %arg8[%get3A_3731, %get3A_3732, %get3A_3733] {strides = array<i32>} : memref<8x3x1024xf32, #tpu.memory_space<vmem>>, vector<1x1x16xf32>,
      %get3A_3735 = vector.shape_cast %get3A_3734 : vector<1x1x16xf32> to vector<16xf32>
      %sub3A_3736 = arith.subf %get3A_3735, %get3A_3729 : vector<16xf32>
      %mul3A_3737 = arith.mulf %get3A_3679, %sub3A_3736 : vector<16xf32>
      %add3A_3738 = arith.addf %get3A_3729, %mul3A_3737 : vector<16xf32>
      %swap3A_3739 = arith.constant 2 : i32
      %swap3A_3740 = arith.index_cast %scan3A_37 : i32 to index
      %swap3A_3741 = arith.index_cast %swap3A_3739 : i32 to index
      %swap3A_3742 = arith.constant 832 : index
      %swap3A_3743 = tpu.vector_load %arg7[%swap3A_3740, %swap3A_3741, %swap3A_3742] {strides = array<i32>} : memref<8x3x1024xf32, #tpu.memory_space<vmem>>, vector<1x1x16xf32>,
      %swap3A_3744 = vector.shape_cast %swap3A_3743 : vector<1x1x16xf32> to vector<16xf32>
      %swap3A_3745 = vector.shape_cast %add3A_3738 : vector<16xf32> to vector<1x1x16xf32>
      tpu.vector_store %arg7[%swap3A_3740, %swap3A_3741, %swap3A_3742], %swap3A_3745 {strides = array<i32>} : memref<8x3x1024xf32, #tpu.memory_space<vmem>>, vector<1x1x16xf32>,
      %get3A_3746 = arith.index_cast %scan3A_37 : i32 to index
      %get3A_3747 = arith.constant 848 : index
      %get3A_3748 = tpu.vector_load %arg9[%get3A_3746, %get3A_3747] {strides = array<i32>} : memref<8x1024xf32, #tpu.memory_space<vmem>>, vector<1x16xf32>,
      %get3A_3749 = vector.shape_cast %get3A_3748 : vector<1x16xf32> to vector<16xf32>
      %get3A_3750 = arith.constant 0 : i32
      %get3A_3751 = arith.index_cast %scan3A_37 : i32 to index
      %get3A_3752 = arith.index_cast %get3A_3750 : i32 to index
      %get3A_3753 = arith.constant 848 : index
      %get3A_3754 = tpu.vector_load %arg7[%get3A_3751, %get3A_3752, %get3A_3753] {strides = array<i32>} : memref<8x3x1024xf32, #tpu.memory_space<vmem>>, vector<1x1x16xf32>,
      %get3A_3755 = vector.shape_cast %get3A_3754 : vector<1x1x16xf32> to vector<16xf32>
      %get3A_3756 = arith.constant 0 : i32
      %get3A_3757 = arith.index_cast %scan3A_37 : i32 to index
      %get3A_3758 = arith.index_cast %get3A_3756 : i32 to index
      %get3A_3759 = arith.constant 848 : index
      %get3A_3760 = tpu.vector_load %arg8[%get3A_3757, %get3A_3758, %get3A_3759] {strides = array<i32>} : memref<8x3x1024xf32, #tpu.memory_space<vmem>>, vector<1x1x16xf32>,
      %get3A_3761 = vector.shape_cast %get3A_3760 : vector<1x1x16xf32> to vector<16xf32>
      %sub3A_3762 = arith.subf %get3A_3761, %get3A_3755 : vector<16xf32>
      %mul3A_3763 = arith.mulf %get3A_3749, %sub3A_3762 : vector<16xf32>
      %add3A_3764 = arith.addf %get3A_3755, %mul3A_3763 : vector<16xf32>
      %swap3A_3765 = arith.constant 0 : i32
      %swap3A_3766 = arith.index_cast %scan3A_37 : i32 to index
      %swap3A_3767 = arith.index_cast %swap3A_3765 : i32 to index
      %swap3A_3768 = arith.constant 848 : index
      %swap3A_3769 = tpu.vector_load %arg7[%swap3A_3766, %swap3A_3767, %swap3A_3768] {strides = array<i32>} : memref<8x3x1024xf32, #tpu.memory_space<vmem>>, vector<1x1x16xf32>,
      %swap3A_3770 = vector.shape_cast %swap3A_3769 : vector<1x1x16xf32> to vector<16xf32>
      %swap3A_3771 = vector.shape_cast %add3A_3764 : vector<16xf32> to vector<1x1x16xf32>
      tpu.vector_store %arg7[%swap3A_3766, %swap3A_3767, %swap3A_3768], %swap3A_3771 {strides = array<i32>} : memref<8x3x1024xf32, #tpu.memory_space<vmem>>, vector<1x1x16xf32>,
      %get3A_3772 = arith.constant 1 : i32
      %get3A_3773 = arith.index_cast %scan3A_37 : i32 to index
      %get3A_3774 = arith.index_cast %get3A_3772 : i32 to index
      %get3A_3775 = arith.constant 848 : index
      %get3A_3776 = tpu.vector_load %arg7[%get3A_3773, %get3A_3774, %get3A_3775] {strides = array<i32>} : memref<8x3x1024xf32, #tpu.memory_space<vmem>>, vector<1x1x16xf32>,
      %get3A_3777 = vector.shape_cast %get3A_3776 : vector<1x1x16xf32> to vector<16xf32>
      %get3A_3778 = arith.constant 1 : i32
      %get3A_3779 = arith.index_cast %scan3A_37 : i32 to index
      %get3A_3780 = arith.index_cast %get3A_3778 : i32 to index
      %get3A_3781 = arith.constant 848 : index
      %get3A_3782 = tpu.vector_load %arg8[%get3A_3779, %get3A_3780, %get3A_3781] {strides = array<i32>} : memref<8x3x1024xf32, #tpu.memory_space<vmem>>, vector<1x1x16xf32>,
      %get3A_3783 = vector.shape_cast %get3A_3782 : vector<1x1x16xf32> to vector<16xf32>
      %sub3A_3784 = arith.subf %get3A_3783, %get3A_3777 : vector<16xf32>
      %mul3A_3785 = arith.mulf %get3A_3749, %sub3A_3784 : vector<16xf32>
      %add3A_3786 = arith.addf %get3A_3777, %mul3A_3785 : vector<16xf32>
      %swap3A_3787 = arith.constant 1 : i32
      %swap3A_3788 = arith.index_cast %scan3A_37 : i32 to index
      %swap3A_3789 = arith.index_cast %swap3A_3787 : i32 to index
      %swap3A_3790 = arith.constant 848 : index
      %swap3A_3791 = tpu.vector_load %arg7[%swap3A_3788, %swap3A_3789, %swap3A_3790] {strides = array<i32>} : memref<8x3x1024xf32, #tpu.memory_space<vmem>>, vector<1x1x16xf32>,
      %swap3A_3792 = vector.shape_cast %swap3A_3791 : vector<1x1x16xf32> to vector<16xf32>
      %swap3A_3793 = vector.shape_cast %add3A_3786 : vector<16xf32> to vector<1x1x16xf32>
      tpu.vector_store %arg7[%swap3A_3788, %swap3A_3789, %swap3A_3790], %swap3A_3793 {strides = array<i32>} : memref<8x3x1024xf32, #tpu.memory_space<vmem>>, vector<1x1x16xf32>,
      %get3A_3794 = arith.constant 2 : i32
      %get3A_3795 = arith.index_cast %scan3A_37 : i32 to index
      %get3A_3796 = arith.index_cast %get3A_3794 : i32 to index
      %get3A_3797 = arith.constant 848 : index
      %get3A_3798 = tpu.vector_load %arg7[%get3A_3795, %get3A_3796, %get3A_3797] {strides = array<i32>} : memref<8x3x1024xf32, #tpu.memory_space<vmem>>, vector<1x1x16xf32>,
      %get3A_3799 = vector.shape_cast %get3A_3798 : vector<1x1x16xf32> to vector<16xf32>
      %get3A_3800 = arith.constant 2 : i32
      %get3A_3801 = arith.index_cast %scan3A_37 : i32 to index
      %get3A_3802 = arith.index_cast %get3A_3800 : i32 to index
      %get3A_3803 = arith.constant 848 : index
      %get3A_3804 = tpu.vector_load %arg8[%get3A_3801, %get3A_3802, %get3A_3803] {strides = array<i32>} : memref<8x3x1024xf32, #tpu.memory_space<vmem>>, vector<1x1x16xf32>,
      %get3A_3805 = vector.shape_cast %get3A_3804 : vector<1x1x16xf32> to vector<16xf32>
      %sub3A_3806 = arith.subf %get3A_3805, %get3A_3799 : vector<16xf32>
      %mul3A_3807 = arith.mulf %get3A_3749, %sub3A_3806 : vector<16xf32>
      %add3A_3808 = arith.addf %get3A_3799, %mul3A_3807 : vector<16xf32>
      %swap3A_3809 = arith.constant 2 : i32
      %swap3A_3810 = arith.index_cast %scan3A_37 : i32 to index
      %swap3A_3811 = arith.index_cast %swap3A_3809 : i32 to index
      %swap3A_3812 = arith.constant 848 : index
      %swap3A_3813 = tpu.vector_load %arg7[%swap3A_3810, %swap3A_3811, %swap3A_3812] {strides = array<i32>} : memref<8x3x1024xf32, #tpu.memory_space<vmem>>, vector<1x1x16xf32>,
      %swap3A_3814 = vector.shape_cast %swap3A_3813 : vector<1x1x16xf32> to vector<16xf32>
      %swap3A_3815 = vector.shape_cast %add3A_3808 : vector<16xf32> to vector<1x1x16xf32>
      tpu.vector_store %arg7[%swap3A_3810, %swap3A_3811, %swap3A_3812], %swap3A_3815 {strides = array<i32>} : memref<8x3x1024xf32, #tpu.memory_space<vmem>>, vector<1x1x16xf32>,
      %get3A_3816 = arith.index_cast %scan3A_37 : i32 to index
      %get3A_3817 = arith.constant 864 : index
      %get3A_3818 = tpu.vector_load %arg9[%get3A_3816, %get3A_3817] {strides = array<i32>} : memref<8x1024xf32, #tpu.memory_space<vmem>>, vector<1x16xf32>,
      %get3A_3819 = vector.shape_cast %get3A_3818 : vector<1x16xf32> to vector<16xf32>
      %get3A_3820 = arith.constant 0 : i32
      %get3A_3821 = arith.index_cast %scan3A_37 : i32 to index
      %get3A_3822 = arith.index_cast %get3A_3820 : i32 to index
      %get3A_3823 = arith.constant 864 : index
      %get3A_3824 = tpu.vector_load %arg7[%get3A_3821, %get3A_3822, %get3A_3823] {strides = array<i32>} : memref<8x3x1024xf32, #tpu.memory_space<vmem>>, vector<1x1x16xf32>,
      %get3A_3825 = vector.shape_cast %get3A_3824 : vector<1x1x16xf32> to vector<16xf32>
      %get3A_3826 = arith.constant 0 : i32
      %get3A_3827 = arith.index_cast %scan3A_37 : i32 to index
      %get3A_3828 = arith.index_cast %get3A_3826 : i32 to index
      %get3A_3829 = arith.constant 864 : index
      %get3A_3830 = tpu.vector_load %arg8[%get3A_3827, %get3A_3828, %get3A_3829] {strides = array<i32>} : memref<8x3x1024xf32, #tpu.memory_space<vmem>>, vector<1x1x16xf32>,
      %get3A_3831 = vector.shape_cast %get3A_3830 : vector<1x1x16xf32> to vector<16xf32>
      %sub3A_3832 = arith.subf %get3A_3831, %get3A_3825 : vector<16xf32>
      %mul3A_3833 = arith.mulf %get3A_3819, %sub3A_3832 : vector<16xf32>
      %add3A_3834 = arith.addf %get3A_3825, %mul3A_3833 : vector<16xf32>
      %swap3A_3835 = arith.constant 0 : i32
      %swap3A_3836 = arith.index_cast %scan3A_37 : i32 to index
      %swap3A_3837 = arith.index_cast %swap3A_3835 : i32 to index
      %swap3A_3838 = arith.constant 864 : index
      %swap3A_3839 = tpu.vector_load %arg7[%swap3A_3836, %swap3A_3837, %swap3A_3838] {strides = array<i32>} : memref<8x3x1024xf32, #tpu.memory_space<vmem>>, vector<1x1x16xf32>,
      %swap3A_3840 = vector.shape_cast %swap3A_3839 : vector<1x1x16xf32> to vector<16xf32>
      %swap3A_3841 = vector.shape_cast %add3A_3834 : vector<16xf32> to vector<1x1x16xf32>
      tpu.vector_store %arg7[%swap3A_3836, %swap3A_3837, %swap3A_3838], %swap3A_3841 {strides = array<i32>} : memref<8x3x1024xf32, #tpu.memory_space<vmem>>, vector<1x1x16xf32>,
      %get3A_3842 = arith.constant 1 : i32
      %get3A_3843 = arith.index_cast %scan3A_37 : i32 to index
      %get3A_3844 = arith.index_cast %get3A_3842 : i32 to index
      %get3A_3845 = arith.constant 864 : index
      %get3A_3846 = tpu.vector_load %arg7[%get3A_3843, %get3A_3844, %get3A_3845] {strides = array<i32>} : memref<8x3x1024xf32, #tpu.memory_space<vmem>>, vector<1x1x16xf32>,
      %get3A_3847 = vector.shape_cast %get3A_3846 : vector<1x1x16xf32> to vector<16xf32>
      %get3A_3848 = arith.constant 1 : i32
      %get3A_3849 = arith.index_cast %scan3A_37 : i32 to index
      %get3A_3850 = arith.index_cast %get3A_3848 : i32 to index
      %get3A_3851 = arith.constant 864 : index
      %get3A_3852 = tpu.vector_load %arg8[%get3A_3849, %get3A_3850, %get3A_3851] {strides = array<i32>} : memref<8x3x1024xf32, #tpu.memory_space<vmem>>, vector<1x1x16xf32>,
      %get3A_3853 = vector.shape_cast %get3A_3852 : vector<1x1x16xf32> to vector<16xf32>
      %sub3A_3854 = arith.subf %get3A_3853, %get3A_3847 : vector<16xf32>
      %mul3A_3855 = arith.mulf %get3A_3819, %sub3A_3854 : vector<16xf32>
      %add3A_3856 = arith.addf %get3A_3847, %mul3A_3855 : vector<16xf32>
      %swap3A_3857 = arith.constant 1 : i32
      %swap3A_3858 = arith.index_cast %scan3A_37 : i32 to index
      %swap3A_3859 = arith.index_cast %swap3A_3857 : i32 to index
      %swap3A_3860 = arith.constant 864 : index
      %swap3A_3861 = tpu.vector_load %arg7[%swap3A_3858, %swap3A_3859, %swap3A_3860] {strides = array<i32>} : memref<8x3x1024xf32, #tpu.memory_space<vmem>>, vector<1x1x16xf32>,
      %swap3A_3862 = vector.shape_cast %swap3A_3861 : vector<1x1x16xf32> to vector<16xf32>
      %swap3A_3863 = vector.shape_cast %add3A_3856 : vector<16xf32> to vector<1x1x16xf32>
      tpu.vector_store %arg7[%swap3A_3858, %swap3A_3859, %swap3A_3860], %swap3A_3863 {strides = array<i32>} : memref<8x3x1024xf32, #tpu.memory_space<vmem>>, vector<1x1x16xf32>,
      %get3A_3864 = arith.constant 2 : i32
      %get3A_3865 = arith.index_cast %scan3A_37 : i32 to index
      %get3A_3866 = arith.index_cast %get3A_3864 : i32 to index
      %get3A_3867 = arith.constant 864 : index
      %get3A_3868 = tpu.vector_load %arg7[%get3A_3865, %get3A_3866, %get3A_3867] {strides = array<i32>} : memref<8x3x1024xf32, #tpu.memory_space<vmem>>, vector<1x1x16xf32>,
      %get3A_3869 = vector.shape_cast %get3A_3868 : vector<1x1x16xf32> to vector<16xf32>
      %get3A_3870 = arith.constant 2 : i32
      %get3A_3871 = arith.index_cast %scan3A_37 : i32 to index
      %get3A_3872 = arith.index_cast %get3A_3870 : i32 to index
      %get3A_3873 = arith.constant 864 : index
      %get3A_3874 = tpu.vector_load %arg8[%get3A_3871, %get3A_3872, %get3A_3873] {strides = array<i32>} : memref<8x3x1024xf32, #tpu.memory_space<vmem>>, vector<1x1x16xf32>,
      %get3A_3875 = vector.shape_cast %get3A_3874 : vector<1x1x16xf32> to vector<16xf32>
      %sub3A_3876 = arith.subf %get3A_3875, %get3A_3869 : vector<16xf32>
      %mul3A_3877 = arith.mulf %get3A_3819, %sub3A_3876 : vector<16xf32>
      %add3A_3878 = arith.addf %get3A_3869, %mul3A_3877 : vector<16xf32>
      %swap3A_3879 = arith.constant 2 : i32
      %swap3A_3880 = arith.index_cast %scan3A_37 : i32 to index
      %swap3A_3881 = arith.index_cast %swap3A_3879 : i32 to index
      %swap3A_3882 = arith.constant 864 : index
      %swap3A_3883 = tpu.vector_load %arg7[%swap3A_3880, %swap3A_3881, %swap3A_3882] {strides = array<i32>} : memref<8x3x1024xf32, #tpu.memory_space<vmem>>, vector<1x1x16xf32>,
      %swap3A_3884 = vector.shape_cast %swap3A_3883 : vector<1x1x16xf32> to vector<16xf32>
      %swap3A_3885 = vector.shape_cast %add3A_3878 : vector<16xf32> to vector<1x1x16xf32>
      tpu.vector_store %arg7[%swap3A_3880, %swap3A_3881, %swap3A_3882], %swap3A_3885 {strides = array<i32>} : memref<8x3x1024xf32, #tpu.memory_space<vmem>>, vector<1x1x16xf32>,
      %get3A_3886 = arith.index_cast %scan3A_37 : i32 to index
      %get3A_3887 = arith.constant 880 : index
      %get3A_3888 = tpu.vector_load %arg9[%get3A_3886, %get3A_3887] {strides = array<i32>} : memref<8x1024xf32, #tpu.memory_space<vmem>>, vector<1x16xf32>,
      %get3A_3889 = vector.shape_cast %get3A_3888 : vector<1x16xf32> to vector<16xf32>
      %get3A_3890 = arith.constant 0 : i32
      %get3A_3891 = arith.index_cast %scan3A_37 : i32 to index
      %get3A_3892 = arith.index_cast %get3A_3890 : i32 to index
      %get3A_3893 = arith.constant 880 : index
      %get3A_3894 = tpu.vector_load %arg7[%get3A_3891, %get3A_3892, %get3A_3893] {strides = array<i32>} : memref<8x3x1024xf32, #tpu.memory_space<vmem>>, vector<1x1x16xf32>,
      %get3A_3895 = vector.shape_cast %get3A_3894 : vector<1x1x16xf32> to vector<16xf32>
      %get3A_3896 = arith.constant 0 : i32
      %get3A_3897 = arith.index_cast %scan3A_37 : i32 to index
      %get3A_3898 = arith.index_cast %get3A_3896 : i32 to index
      %get3A_3899 = arith.constant 880 : index
      %get3A_3900 = tpu.vector_load %arg8[%get3A_3897, %get3A_3898, %get3A_3899] {strides = array<i32>} : memref<8x3x1024xf32, #tpu.memory_space<vmem>>, vector<1x1x16xf32>,
      %get3A_3901 = vector.shape_cast %get3A_3900 : vector<1x1x16xf32> to vector<16xf32>
      %sub3A_3902 = arith.subf %get3A_3901, %get3A_3895 : vector<16xf32>
      %mul3A_3903 = arith.mulf %get3A_3889, %sub3A_3902 : vector<16xf32>
      %add3A_3904 = arith.addf %get3A_3895, %mul3A_3903 : vector<16xf32>
      %swap3A_3905 = arith.constant 0 : i32
      %swap3A_3906 = arith.index_cast %scan3A_37 : i32 to index
      %swap3A_3907 = arith.index_cast %swap3A_3905 : i32 to index
      %swap3A_3908 = arith.constant 880 : index
      %swap3A_3909 = tpu.vector_load %arg7[%swap3A_3906, %swap3A_3907, %swap3A_3908] {strides = array<i32>} : memref<8x3x1024xf32, #tpu.memory_space<vmem>>, vector<1x1x16xf32>,
      %swap3A_3910 = vector.shape_cast %swap3A_3909 : vector<1x1x16xf32> to vector<16xf32>
      %swap3A_3911 = vector.shape_cast %add3A_3904 : vector<16xf32> to vector<1x1x16xf32>
      tpu.vector_store %arg7[%swap3A_3906, %swap3A_3907, %swap3A_3908], %swap3A_3911 {strides = array<i32>} : memref<8x3x1024xf32, #tpu.memory_space<vmem>>, vector<1x1x16xf32>,
      %get3A_3912 = arith.constant 1 : i32
      %get3A_3913 = arith.index_cast %scan3A_37 : i32 to index
      %get3A_3914 = arith.index_cast %get3A_3912 : i32 to index
      %get3A_3915 = arith.constant 880 : index
      %get3A_3916 = tpu.vector_load %arg7[%get3A_3913, %get3A_3914, %get3A_3915] {strides = array<i32>} : memref<8x3x1024xf32, #tpu.memory_space<vmem>>, vector<1x1x16xf32>,
      %get3A_3917 = vector.shape_cast %get3A_3916 : vector<1x1x16xf32> to vector<16xf32>
      %get3A_3918 = arith.constant 1 : i32
      %get3A_3919 = arith.index_cast %scan3A_37 : i32 to index
      %get3A_3920 = arith.index_cast %get3A_3918 : i32 to index
      %get3A_3921 = arith.constant 880 : index
      %get3A_3922 = tpu.vector_load %arg8[%get3A_3919, %get3A_3920, %get3A_3921] {strides = array<i32>} : memref<8x3x1024xf32, #tpu.memory_space<vmem>>, vector<1x1x16xf32>,
      %get3A_3923 = vector.shape_cast %get3A_3922 : vector<1x1x16xf32> to vector<16xf32>
      %sub3A_3924 = arith.subf %get3A_3923, %get3A_3917 : vector<16xf32>
      %mul3A_3925 = arith.mulf %get3A_3889, %sub3A_3924 : vector<16xf32>
      %add3A_3926 = arith.addf %get3A_3917, %mul3A_3925 : vector<16xf32>
      %swap3A_3927 = arith.constant 1 : i32
      %swap3A_3928 = arith.index_cast %scan3A_37 : i32 to index
      %swap3A_3929 = arith.index_cast %swap3A_3927 : i32 to index
      %swap3A_3930 = arith.constant 880 : index
      %swap3A_3931 = tpu.vector_load %arg7[%swap3A_3928, %swap3A_3929, %swap3A_3930] {strides = array<i32>} : memref<8x3x1024xf32, #tpu.memory_space<vmem>>, vector<1x1x16xf32>,
      %swap3A_3932 = vector.shape_cast %swap3A_3931 : vector<1x1x16xf32> to vector<16xf32>
      %swap3A_3933 = vector.shape_cast %add3A_3926 : vector<16xf32> to vector<1x1x16xf32>
      tpu.vector_store %arg7[%swap3A_3928, %swap3A_3929, %swap3A_3930], %swap3A_3933 {strides = array<i32>} : memref<8x3x1024xf32, #tpu.memory_space<vmem>>, vector<1x1x16xf32>,
      %get3A_3934 = arith.constant 2 : i32
      %get3A_3935 = arith.index_cast %scan3A_37 : i32 to index
      %get3A_3936 = arith.index_cast %get3A_3934 : i32 to index
      %get3A_3937 = arith.constant 880 : index
      %get3A_3938 = tpu.vector_load %arg7[%get3A_3935, %get3A_3936, %get3A_3937] {strides = array<i32>} : memref<8x3x1024xf32, #tpu.memory_space<vmem>>, vector<1x1x16xf32>,
      %get3A_3939 = vector.shape_cast %get3A_3938 : vector<1x1x16xf32> to vector<16xf32>
      %get3A_3940 = arith.constant 2 : i32
      %get3A_3941 = arith.index_cast %scan3A_37 : i32 to index
      %get3A_3942 = arith.index_cast %get3A_3940 : i32 to index
      %get3A_3943 = arith.constant 880 : index
      %get3A_3944 = tpu.vector_load %arg8[%get3A_3941, %get3A_3942, %get3A_3943] {strides = array<i32>} : memref<8x3x1024xf32, #tpu.memory_space<vmem>>, vector<1x1x16xf32>,
      %get3A_3945 = vector.shape_cast %get3A_3944 : vector<1x1x16xf32> to vector<16xf32>
      %sub3A_3946 = arith.subf %get3A_3945, %get3A_3939 : vector<16xf32>
      %mul3A_3947 = arith.mulf %get3A_3889, %sub3A_3946 : vector<16xf32>
      %add3A_3948 = arith.addf %get3A_3939, %mul3A_3947 : vector<16xf32>
      %swap3A_3949 = arith.constant 2 : i32
      %swap3A_3950 = arith.index_cast %scan3A_37 : i32 to index
      %swap3A_3951 = arith.index_cast %swap3A_3949 : i32 to index
      %swap3A_3952 = arith.constant 880 : index
      %swap3A_3953 = tpu.vector_load %arg7[%swap3A_3950, %swap3A_3951, %swap3A_3952] {strides = array<i32>} : memref<8x3x1024xf32, #tpu.memory_space<vmem>>, vector<1x1x16xf32>,
      %swap3A_3954 = vector.shape_cast %swap3A_3953 : vector<1x1x16xf32> to vector<16xf32>
      %swap3A_3955 = vector.shape_cast %add3A_3948 : vector<16xf32> to vector<1x1x16xf32>
      tpu.vector_store %arg7[%swap3A_3950, %swap3A_3951, %swap3A_3952], %swap3A_3955 {strides = array<i32>} : memref<8x3x1024xf32, #tpu.memory_space<vmem>>, vector<1x1x16xf32>,
      %get3A_3956 = arith.index_cast %scan3A_37 : i32 to index
      %get3A_3957 = arith.constant 896 : index
      %get3A_3958 = tpu.vector_load %arg9[%get3A_3956, %get3A_3957] {strides = array<i32>} : memref<8x1024xf32, #tpu.memory_space<vmem>>, vector<1x16xf32>,
      %get3A_3959 = vector.shape_cast %get3A_3958 : vector<1x16xf32> to vector<16xf32>
      %get3A_3960 = arith.constant 0 : i32
      %get3A_3961 = arith.index_cast %scan3A_37 : i32 to index
      %get3A_3962 = arith.index_cast %get3A_3960 : i32 to index
      %get3A_3963 = arith.constant 896 : index
      %get3A_3964 = tpu.vector_load %arg7[%get3A_3961, %get3A_3962, %get3A_3963] {strides = array<i32>} : memref<8x3x1024xf32, #tpu.memory_space<vmem>>, vector<1x1x16xf32>,
      %get3A_3965 = vector.shape_cast %get3A_3964 : vector<1x1x16xf32> to vector<16xf32>
      %get3A_3966 = arith.constant 0 : i32
      %get3A_3967 = arith.index_cast %scan3A_37 : i32 to index
      %get3A_3968 = arith.index_cast %get3A_3966 : i32 to index
      %get3A_3969 = arith.constant 896 : index
      %get3A_3970 = tpu.vector_load %arg8[%get3A_3967, %get3A_3968, %get3A_3969] {strides = array<i32>} : memref<8x3x1024xf32, #tpu.memory_space<vmem>>, vector<1x1x16xf32>,
      %get3A_3971 = vector.shape_cast %get3A_3970 : vector<1x1x16xf32> to vector<16xf32>
      %sub3A_3972 = arith.subf %get3A_3971, %get3A_3965 : vector<16xf32>
      %mul3A_3973 = arith.mulf %get3A_3959, %sub3A_3972 : vector<16xf32>
      %add3A_3974 = arith.addf %get3A_3965, %mul3A_3973 : vector<16xf32>
      %swap3A_3975 = arith.constant 0 : i32
      %swap3A_3976 = arith.index_cast %scan3A_37 : i32 to index
      %swap3A_3977 = arith.index_cast %swap3A_3975 : i32 to index
      %swap3A_3978 = arith.constant 896 : index
      %swap3A_3979 = tpu.vector_load %arg7[%swap3A_3976, %swap3A_3977, %swap3A_3978] {strides = array<i32>} : memref<8x3x1024xf32, #tpu.memory_space<vmem>>, vector<1x1x16xf32>,
      %swap3A_3980 = vector.shape_cast %swap3A_3979 : vector<1x1x16xf32> to vector<16xf32>
      %swap3A_3981 = vector.shape_cast %add3A_3974 : vector<16xf32> to vector<1x1x16xf32>
      tpu.vector_store %arg7[%swap3A_3976, %swap3A_3977, %swap3A_3978], %swap3A_3981 {strides = array<i32>} : memref<8x3x1024xf32, #tpu.memory_space<vmem>>, vector<1x1x16xf32>,
      %get3A_3982 = arith.constant 1 : i32
      %get3A_3983 = arith.index_cast %scan3A_37 : i32 to index
      %get3A_3984 = arith.index_cast %get3A_3982 : i32 to index
      %get3A_3985 = arith.constant 896 : index
      %get3A_3986 = tpu.vector_load %arg7[%get3A_3983, %get3A_3984, %get3A_3985] {strides = array<i32>} : memref<8x3x1024xf32, #tpu.memory_space<vmem>>, vector<1x1x16xf32>,
      %get3A_3987 = vector.shape_cast %get3A_3986 : vector<1x1x16xf32> to vector<16xf32>
      %get3A_3988 = arith.constant 1 : i32
      %get3A_3989 = arith.index_cast %scan3A_37 : i32 to index
      %get3A_3990 = arith.index_cast %get3A_3988 : i32 to index
      %get3A_3991 = arith.constant 896 : index
      %get3A_3992 = tpu.vector_load %arg8[%get3A_3989, %get3A_3990, %get3A_3991] {strides = array<i32>} : memref<8x3x1024xf32, #tpu.memory_space<vmem>>, vector<1x1x16xf32>,
      %get3A_3993 = vector.shape_cast %get3A_3992 : vector<1x1x16xf32> to vector<16xf32>
      %sub3A_3994 = arith.subf %get3A_3993, %get3A_3987 : vector<16xf32>
      %mul3A_3995 = arith.mulf %get3A_3959, %sub3A_3994 : vector<16xf32>
      %add3A_3996 = arith.addf %get3A_3987, %mul3A_3995 : vector<16xf32>
      %swap3A_3997 = arith.constant 1 : i32
      %swap3A_3998 = arith.index_cast %scan3A_37 : i32 to index
      %swap3A_3999 = arith.index_cast %swap3A_3997 : i32 to index
      %swap3A_4000 = arith.constant 896 : index
      %swap3A_4001 = tpu.vector_load %arg7[%swap3A_3998, %swap3A_3999, %swap3A_4000] {strides = array<i32>} : memref<8x3x1024xf32, #tpu.memory_space<vmem>>, vector<1x1x16xf32>,
      %swap3A_4002 = vector.shape_cast %swap3A_4001 : vector<1x1x16xf32> to vector<16xf32>
      %swap3A_4003 = vector.shape_cast %add3A_3996 : vector<16xf32> to vector<1x1x16xf32>
      tpu.vector_store %arg7[%swap3A_3998, %swap3A_3999, %swap3A_4000], %swap3A_4003 {strides = array<i32>} : memref<8x3x1024xf32, #tpu.memory_space<vmem>>, vector<1x1x16xf32>,
      %get3A_4004 = arith.constant 2 : i32
      %get3A_4005 = arith.index_cast %scan3A_37 : i32 to index
      %get3A_4006 = arith.index_cast %get3A_4004 : i32 to index
      %get3A_4007 = arith.constant 896 : index
      %get3A_4008 = tpu.vector_load %arg7[%get3A_4005, %get3A_4006, %get3A_4007] {strides = array<i32>} : memref<8x3x1024xf32, #tpu.memory_space<vmem>>, vector<1x1x16xf32>,
      %get3A_4009 = vector.shape_cast %get3A_4008 : vector<1x1x16xf32> to vector<16xf32>
      %get3A_4010 = arith.constant 2 : i32
      %get3A_4011 = arith.index_cast %scan3A_37 : i32 to index
      %get3A_4012 = arith.index_cast %get3A_4010 : i32 to index
      %get3A_4013 = arith.constant 896 : index
      %get3A_4014 = tpu.vector_load %arg8[%get3A_4011, %get3A_4012, %get3A_4013] {strides = array<i32>} : memref<8x3x1024xf32, #tpu.memory_space<vmem>>, vector<1x1x16xf32>,
      %get3A_4015 = vector.shape_cast %get3A_4014 : vector<1x1x16xf32> to vector<16xf32>
      %sub3A_4016 = arith.subf %get3A_4015, %get3A_4009 : vector<16xf32>
      %mul3A_4017 = arith.mulf %get3A_3959, %sub3A_4016 : vector<16xf32>
      %add3A_4018 = arith.addf %get3A_4009, %mul3A_4017 : vector<16xf32>
      %swap3A_4019 = arith.constant 2 : i32
      %swap3A_4020 = arith.index_cast %scan3A_37 : i32 to index
      %swap3A_4021 = arith.index_cast %swap3A_4019 : i32 to index
      %swap3A_4022 = arith.constant 896 : index
      %swap3A_4023 = tpu.vector_load %arg7[%swap3A_4020, %swap3A_4021, %swap3A_4022] {strides = array<i32>} : memref<8x3x1024xf32, #tpu.memory_space<vmem>>, vector<1x1x16xf32>,
      %swap3A_4024 = vector.shape_cast %swap3A_4023 : vector<1x1x16xf32> to vector<16xf32>
      %swap3A_4025 = vector.shape_cast %add3A_4018 : vector<16xf32> to vector<1x1x16xf32>
      tpu.vector_store %arg7[%swap3A_4020, %swap3A_4021, %swap3A_4022], %swap3A_4025 {strides = array<i32>} : memref<8x3x1024xf32, #tpu.memory_space<vmem>>, vector<1x1x16xf32>,
      %get3A_4026 = arith.index_cast %scan3A_37 : i32 to index
      %get3A_4027 = arith.constant 912 : index
      %get3A_4028 = tpu.vector_load %arg9[%get3A_4026, %get3A_4027] {strides = array<i32>} : memref<8x1024xf32, #tpu.memory_space<vmem>>, vector<1x16xf32>,
      %get3A_4029 = vector.shape_cast %get3A_4028 : vector<1x16xf32> to vector<16xf32>
      %get3A_4030 = arith.constant 0 : i32
      %get3A_4031 = arith.index_cast %scan3A_37 : i32 to index
      %get3A_4032 = arith.index_cast %get3A_4030 : i32 to index
      %get3A_4033 = arith.constant 912 : index
      %get3A_4034 = tpu.vector_load %arg7[%get3A_4031, %get3A_4032, %get3A_4033] {strides = array<i32>} : memref<8x3x1024xf32, #tpu.memory_space<vmem>>, vector<1x1x16xf32>,
      %get3A_4035 = vector.shape_cast %get3A_4034 : vector<1x1x16xf32> to vector<16xf32>
      %get3A_4036 = arith.constant 0 : i32
      %get3A_4037 = arith.index_cast %scan3A_37 : i32 to index
      %get3A_4038 = arith.index_cast %get3A_4036 : i32 to index
      %get3A_4039 = arith.constant 912 : index
      %get3A_4040 = tpu.vector_load %arg8[%get3A_4037, %get3A_4038, %get3A_4039] {strides = array<i32>} : memref<8x3x1024xf32, #tpu.memory_space<vmem>>, vector<1x1x16xf32>,
      %get3A_4041 = vector.shape_cast %get3A_4040 : vector<1x1x16xf32> to vector<16xf32>
      %sub3A_4042 = arith.subf %get3A_4041, %get3A_4035 : vector<16xf32>
      %mul3A_4043 = arith.mulf %get3A_4029, %sub3A_4042 : vector<16xf32>
      %add3A_4044 = arith.addf %get3A_4035, %mul3A_4043 : vector<16xf32>
      %swap3A_4045 = arith.constant 0 : i32
      %swap3A_4046 = arith.index_cast %scan3A_37 : i32 to index
      %swap3A_4047 = arith.index_cast %swap3A_4045 : i32 to index
      %swap3A_4048 = arith.constant 912 : index
      %swap3A_4049 = tpu.vector_load %arg7[%swap3A_4046, %swap3A_4047, %swap3A_4048] {strides = array<i32>} : memref<8x3x1024xf32, #tpu.memory_space<vmem>>, vector<1x1x16xf32>,
      %swap3A_4050 = vector.shape_cast %swap3A_4049 : vector<1x1x16xf32> to vector<16xf32>
      %swap3A_4051 = vector.shape_cast %add3A_4044 : vector<16xf32> to vector<1x1x16xf32>
      tpu.vector_store %arg7[%swap3A_4046, %swap3A_4047, %swap3A_4048], %swap3A_4051 {strides = array<i32>} : memref<8x3x1024xf32, #tpu.memory_space<vmem>>, vector<1x1x16xf32>,
      %get3A_4052 = arith.constant 1 : i32
      %get3A_4053 = arith.index_cast %scan3A_37 : i32 to index
      %get3A_4054 = arith.index_cast %get3A_4052 : i32 to index
      %get3A_4055 = arith.constant 912 : index
      %get3A_4056 = tpu.vector_load %arg7[%get3A_4053, %get3A_4054, %get3A_4055] {strides = array<i32>} : memref<8x3x1024xf32, #tpu.memory_space<vmem>>, vector<1x1x16xf32>,
      %get3A_4057 = vector.shape_cast %get3A_4056 : vector<1x1x16xf32> to vector<16xf32>
      %get3A_4058 = arith.constant 1 : i32
      %get3A_4059 = arith.index_cast %scan3A_37 : i32 to index
      %get3A_4060 = arith.index_cast %get3A_4058 : i32 to index
      %get3A_4061 = arith.constant 912 : index
      %get3A_4062 = tpu.vector_load %arg8[%get3A_4059, %get3A_4060, %get3A_4061] {strides = array<i32>} : memref<8x3x1024xf32, #tpu.memory_space<vmem>>, vector<1x1x16xf32>,
      %get3A_4063 = vector.shape_cast %get3A_4062 : vector<1x1x16xf32> to vector<16xf32>
      %sub3A_4064 = arith.subf %get3A_4063, %get3A_4057 : vector<16xf32>
      %mul3A_4065 = arith.mulf %get3A_4029, %sub3A_4064 : vector<16xf32>
      %add3A_4066 = arith.addf %get3A_4057, %mul3A_4065 : vector<16xf32>
      %swap3A_4067 = arith.constant 1 : i32
      %swap3A_4068 = arith.index_cast %scan3A_37 : i32 to index
      %swap3A_4069 = arith.index_cast %swap3A_4067 : i32 to index
      %swap3A_4070 = arith.constant 912 : index
      %swap3A_4071 = tpu.vector_load %arg7[%swap3A_4068, %swap3A_4069, %swap3A_4070] {strides = array<i32>} : memref<8x3x1024xf32, #tpu.memory_space<vmem>>, vector<1x1x16xf32>,
      %swap3A_4072 = vector.shape_cast %swap3A_4071 : vector<1x1x16xf32> to vector<16xf32>
      %swap3A_4073 = vector.shape_cast %add3A_4066 : vector<16xf32> to vector<1x1x16xf32>
      tpu.vector_store %arg7[%swap3A_4068, %swap3A_4069, %swap3A_4070], %swap3A_4073 {strides = array<i32>} : memref<8x3x1024xf32, #tpu.memory_space<vmem>>, vector<1x1x16xf32>,
      %get3A_4074 = arith.constant 2 : i32
      %get3A_4075 = arith.index_cast %scan3A_37 : i32 to index
      %get3A_4076 = arith.index_cast %get3A_4074 : i32 to index
      %get3A_4077 = arith.constant 912 : index
      %get3A_4078 = tpu.vector_load %arg7[%get3A_4075, %get3A_4076, %get3A_4077] {strides = array<i32>} : memref<8x3x1024xf32, #tpu.memory_space<vmem>>, vector<1x1x16xf32>,
      %get3A_4079 = vector.shape_cast %get3A_4078 : vector<1x1x16xf32> to vector<16xf32>
      %get3A_4080 = arith.constant 2 : i32
      %get3A_4081 = arith.index_cast %scan3A_37 : i32 to index
      %get3A_4082 = arith.index_cast %get3A_4080 : i32 to index
      %get3A_4083 = arith.constant 912 : index
      %get3A_4084 = tpu.vector_load %arg8[%get3A_4081, %get3A_4082, %get3A_4083] {strides = array<i32>} : memref<8x3x1024xf32, #tpu.memory_space<vmem>>, vector<1x1x16xf32>,
      %get3A_4085 = vector.shape_cast %get3A_4084 : vector<1x1x16xf32> to vector<16xf32>
      %sub3A_4086 = arith.subf %get3A_4085, %get3A_4079 : vector<16xf32>
      %mul3A_4087 = arith.mulf %get3A_4029, %sub3A_4086 : vector<16xf32>
      %add3A_4088 = arith.addf %get3A_4079, %mul3A_4087 : vector<16xf32>
      %swap3A_4089 = arith.constant 2 : i32
      %swap3A_4090 = arith.index_cast %scan3A_37 : i32 to index
      %swap3A_4091 = arith.index_cast %swap3A_4089 : i32 to index
      %swap3A_4092 = arith.constant 912 : index
      %swap3A_4093 = tpu.vector_load %arg7[%swap3A_4090, %swap3A_4091, %swap3A_4092] {strides = array<i32>} : memref<8x3x1024xf32, #tpu.memory_space<vmem>>, vector<1x1x16xf32>,
      %swap3A_4094 = vector.shape_cast %swap3A_4093 : vector<1x1x16xf32> to vector<16xf32>
      %swap3A_4095 = vector.shape_cast %add3A_4088 : vector<16xf32> to vector<1x1x16xf32>
      tpu.vector_store %arg7[%swap3A_4090, %swap3A_4091, %swap3A_4092], %swap3A_4095 {strides = array<i32>} : memref<8x3x1024xf32, #tpu.memory_space<vmem>>, vector<1x1x16xf32>,
      %get3A_4096 = arith.index_cast %scan3A_37 : i32 to index
      %get3A_4097 = arith.constant 928 : index
      %get3A_4098 = tpu.vector_load %arg9[%get3A_4096, %get3A_4097] {strides = array<i32>} : memref<8x1024xf32, #tpu.memory_space<vmem>>, vector<1x16xf32>,
      %get3A_4099 = vector.shape_cast %get3A_4098 : vector<1x16xf32> to vector<16xf32>
      %get3A_4100 = arith.constant 0 : i32
      %get3A_4101 = arith.index_cast %scan3A_37 : i32 to index
      %get3A_4102 = arith.index_cast %get3A_4100 : i32 to index
      %get3A_4103 = arith.constant 928 : index
      %get3A_4104 = tpu.vector_load %arg7[%get3A_4101, %get3A_4102, %get3A_4103] {strides = array<i32>} : memref<8x3x1024xf32, #tpu.memory_space<vmem>>, vector<1x1x16xf32>,
      %get3A_4105 = vector.shape_cast %get3A_4104 : vector<1x1x16xf32> to vector<16xf32>
      %get3A_4106 = arith.constant 0 : i32
      %get3A_4107 = arith.index_cast %scan3A_37 : i32 to index
      %get3A_4108 = arith.index_cast %get3A_4106 : i32 to index
      %get3A_4109 = arith.constant 928 : index
      %get3A_4110 = tpu.vector_load %arg8[%get3A_4107, %get3A_4108, %get3A_4109] {strides = array<i32>} : memref<8x3x1024xf32, #tpu.memory_space<vmem>>, vector<1x1x16xf32>,
      %get3A_4111 = vector.shape_cast %get3A_4110 : vector<1x1x16xf32> to vector<16xf32>
      %sub3A_4112 = arith.subf %get3A_4111, %get3A_4105 : vector<16xf32>
      %mul3A_4113 = arith.mulf %get3A_4099, %sub3A_4112 : vector<16xf32>
      %add3A_4114 = arith.addf %get3A_4105, %mul3A_4113 : vector<16xf32>
      %swap3A_4115 = arith.constant 0 : i32
      %swap3A_4116 = arith.index_cast %scan3A_37 : i32 to index
      %swap3A_4117 = arith.index_cast %swap3A_4115 : i32 to index
      %swap3A_4118 = arith.constant 928 : index
      %swap3A_4119 = tpu.vector_load %arg7[%swap3A_4116, %swap3A_4117, %swap3A_4118] {strides = array<i32>} : memref<8x3x1024xf32, #tpu.memory_space<vmem>>, vector<1x1x16xf32>,
      %swap3A_4120 = vector.shape_cast %swap3A_4119 : vector<1x1x16xf32> to vector<16xf32>
      %swap3A_4121 = vector.shape_cast %add3A_4114 : vector<16xf32> to vector<1x1x16xf32>
      tpu.vector_store %arg7[%swap3A_4116, %swap3A_4117, %swap3A_4118], %swap3A_4121 {strides = array<i32>} : memref<8x3x1024xf32, #tpu.memory_space<vmem>>, vector<1x1x16xf32>,
      %get3A_4122 = arith.constant 1 : i32
      %get3A_4123 = arith.index_cast %scan3A_37 : i32 to index
      %get3A_4124 = arith.index_cast %get3A_4122 : i32 to index
      %get3A_4125 = arith.constant 928 : index
      %get3A_4126 = tpu.vector_load %arg7[%get3A_4123, %get3A_4124, %get3A_4125] {strides = array<i32>} : memref<8x3x1024xf32, #tpu.memory_space<vmem>>, vector<1x1x16xf32>,
      %get3A_4127 = vector.shape_cast %get3A_4126 : vector<1x1x16xf32> to vector<16xf32>
      %get3A_4128 = arith.constant 1 : i32
      %get3A_4129 = arith.index_cast %scan3A_37 : i32 to index
      %get3A_4130 = arith.index_cast %get3A_4128 : i32 to index
      %get3A_4131 = arith.constant 928 : index
      %get3A_4132 = tpu.vector_load %arg8[%get3A_4129, %get3A_4130, %get3A_4131] {strides = array<i32>} : memref<8x3x1024xf32, #tpu.memory_space<vmem>>, vector<1x1x16xf32>,
      %get3A_4133 = vector.shape_cast %get3A_4132 : vector<1x1x16xf32> to vector<16xf32>
      %sub3A_4134 = arith.subf %get3A_4133, %get3A_4127 : vector<16xf32>
      %mul3A_4135 = arith.mulf %get3A_4099, %sub3A_4134 : vector<16xf32>
      %add3A_4136 = arith.addf %get3A_4127, %mul3A_4135 : vector<16xf32>
      %swap3A_4137 = arith.constant 1 : i32
      %swap3A_4138 = arith.index_cast %scan3A_37 : i32 to index
      %swap3A_4139 = arith.index_cast %swap3A_4137 : i32 to index
      %swap3A_4140 = arith.constant 928 : index
      %swap3A_4141 = tpu.vector_load %arg7[%swap3A_4138, %swap3A_4139, %swap3A_4140] {strides = array<i32>} : memref<8x3x1024xf32, #tpu.memory_space<vmem>>, vector<1x1x16xf32>,
      %swap3A_4142 = vector.shape_cast %swap3A_4141 : vector<1x1x16xf32> to vector<16xf32>
      %swap3A_4143 = vector.shape_cast %add3A_4136 : vector<16xf32> to vector<1x1x16xf32>
      tpu.vector_store %arg7[%swap3A_4138, %swap3A_4139, %swap3A_4140], %swap3A_4143 {strides = array<i32>} : memref<8x3x1024xf32, #tpu.memory_space<vmem>>, vector<1x1x16xf32>,
      %get3A_4144 = arith.constant 2 : i32
      %get3A_4145 = arith.index_cast %scan3A_37 : i32 to index
      %get3A_4146 = arith.index_cast %get3A_4144 : i32 to index
      %get3A_4147 = arith.constant 928 : index
      %get3A_4148 = tpu.vector_load %arg7[%get3A_4145, %get3A_4146, %get3A_4147] {strides = array<i32>} : memref<8x3x1024xf32, #tpu.memory_space<vmem>>, vector<1x1x16xf32>,
      %get3A_4149 = vector.shape_cast %get3A_4148 : vector<1x1x16xf32> to vector<16xf32>
      %get3A_4150 = arith.constant 2 : i32
      %get3A_4151 = arith.index_cast %scan3A_37 : i32 to index
      %get3A_4152 = arith.index_cast %get3A_4150 : i32 to index
      %get3A_4153 = arith.constant 928 : index
      %get3A_4154 = tpu.vector_load %arg8[%get3A_4151, %get3A_4152, %get3A_4153] {strides = array<i32>} : memref<8x3x1024xf32, #tpu.memory_space<vmem>>, vector<1x1x16xf32>,
      %get3A_4155 = vector.shape_cast %get3A_4154 : vector<1x1x16xf32> to vector<16xf32>
      %sub3A_4156 = arith.subf %get3A_4155, %get3A_4149 : vector<16xf32>
      %mul3A_4157 = arith.mulf %get3A_4099, %sub3A_4156 : vector<16xf32>
      %add3A_4158 = arith.addf %get3A_4149, %mul3A_4157 : vector<16xf32>
      %swap3A_4159 = arith.constant 2 : i32
      %swap3A_4160 = arith.index_cast %scan3A_37 : i32 to index
      %swap3A_4161 = arith.index_cast %swap3A_4159 : i32 to index
      %swap3A_4162 = arith.constant 928 : index
      %swap3A_4163 = tpu.vector_load %arg7[%swap3A_4160, %swap3A_4161, %swap3A_4162] {strides = array<i32>} : memref<8x3x1024xf32, #tpu.memory_space<vmem>>, vector<1x1x16xf32>,
      %swap3A_4164 = vector.shape_cast %swap3A_4163 : vector<1x1x16xf32> to vector<16xf32>
      %swap3A_4165 = vector.shape_cast %add3A_4158 : vector<16xf32> to vector<1x1x16xf32>
      tpu.vector_store %arg7[%swap3A_4160, %swap3A_4161, %swap3A_4162], %swap3A_4165 {strides = array<i32>} : memref<8x3x1024xf32, #tpu.memory_space<vmem>>, vector<1x1x16xf32>,
      %get3A_4166 = arith.index_cast %scan3A_37 : i32 to index
      %get3A_4167 = arith.constant 944 : index
      %get3A_4168 = tpu.vector_load %arg9[%get3A_4166, %get3A_4167] {strides = array<i32>} : memref<8x1024xf32, #tpu.memory_space<vmem>>, vector<1x16xf32>,
      %get3A_4169 = vector.shape_cast %get3A_4168 : vector<1x16xf32> to vector<16xf32>
      %get3A_4170 = arith.constant 0 : i32
      %get3A_4171 = arith.index_cast %scan3A_37 : i32 to index
      %get3A_4172 = arith.index_cast %get3A_4170 : i32 to index
      %get3A_4173 = arith.constant 944 : index
      %get3A_4174 = tpu.vector_load %arg7[%get3A_4171, %get3A_4172, %get3A_4173] {strides = array<i32>} : memref<8x3x1024xf32, #tpu.memory_space<vmem>>, vector<1x1x16xf32>,
      %get3A_4175 = vector.shape_cast %get3A_4174 : vector<1x1x16xf32> to vector<16xf32>
      %get3A_4176 = arith.constant 0 : i32
      %get3A_4177 = arith.index_cast %scan3A_37 : i32 to index
      %get3A_4178 = arith.index_cast %get3A_4176 : i32 to index
      %get3A_4179 = arith.constant 944 : index
      %get3A_4180 = tpu.vector_load %arg8[%get3A_4177, %get3A_4178, %get3A_4179] {strides = array<i32>} : memref<8x3x1024xf32, #tpu.memory_space<vmem>>, vector<1x1x16xf32>,
      %get3A_4181 = vector.shape_cast %get3A_4180 : vector<1x1x16xf32> to vector<16xf32>
      %sub3A_4182 = arith.subf %get3A_4181, %get3A_4175 : vector<16xf32>
      %mul3A_4183 = arith.mulf %get3A_4169, %sub3A_4182 : vector<16xf32>
      %add3A_4184 = arith.addf %get3A_4175, %mul3A_4183 : vector<16xf32>
      %swap3A_4185 = arith.constant 0 : i32
      %swap3A_4186 = arith.index_cast %scan3A_37 : i32 to index
      %swap3A_4187 = arith.index_cast %swap3A_4185 : i32 to index
      %swap3A_4188 = arith.constant 944 : index
      %swap3A_4189 = tpu.vector_load %arg7[%swap3A_4186, %swap3A_4187, %swap3A_4188] {strides = array<i32>} : memref<8x3x1024xf32, #tpu.memory_space<vmem>>, vector<1x1x16xf32>,
      %swap3A_4190 = vector.shape_cast %swap3A_4189 : vector<1x1x16xf32> to vector<16xf32>
      %swap3A_4191 = vector.shape_cast %add3A_4184 : vector<16xf32> to vector<1x1x16xf32>
      tpu.vector_store %arg7[%swap3A_4186, %swap3A_4187, %swap3A_4188], %swap3A_4191 {strides = array<i32>} : memref<8x3x1024xf32, #tpu.memory_space<vmem>>, vector<1x1x16xf32>,
      %get3A_4192 = arith.constant 1 : i32
      %get3A_4193 = arith.index_cast %scan3A_37 : i32 to index
      %get3A_4194 = arith.index_cast %get3A_4192 : i32 to index
      %get3A_4195 = arith.constant 944 : index
      %get3A_4196 = tpu.vector_load %arg7[%get3A_4193, %get3A_4194, %get3A_4195] {strides = array<i32>} : memref<8x3x1024xf32, #tpu.memory_space<vmem>>, vector<1x1x16xf32>,
      %get3A_4197 = vector.shape_cast %get3A_4196 : vector<1x1x16xf32> to vector<16xf32>
      %get3A_4198 = arith.constant 1 : i32
      %get3A_4199 = arith.index_cast %scan3A_37 : i32 to index
      %get3A_4200 = arith.index_cast %get3A_4198 : i32 to index
      %get3A_4201 = arith.constant 944 : index
      %get3A_4202 = tpu.vector_load %arg8[%get3A_4199, %get3A_4200, %get3A_4201] {strides = array<i32>} : memref<8x3x1024xf32, #tpu.memory_space<vmem>>, vector<1x1x16xf32>,
      %get3A_4203 = vector.shape_cast %get3A_4202 : vector<1x1x16xf32> to vector<16xf32>
      %sub3A_4204 = arith.subf %get3A_4203, %get3A_4197 : vector<16xf32>
      %mul3A_4205 = arith.mulf %get3A_4169, %sub3A_4204 : vector<16xf32>
      %add3A_4206 = arith.addf %get3A_4197, %mul3A_4205 : vector<16xf32>
      %swap3A_4207 = arith.constant 1 : i32
      %swap3A_4208 = arith.index_cast %scan3A_37 : i32 to index
      %swap3A_4209 = arith.index_cast %swap3A_4207 : i32 to index
      %swap3A_4210 = arith.constant 944 : index
      %swap3A_4211 = tpu.vector_load %arg7[%swap3A_4208, %swap3A_4209, %swap3A_4210] {strides = array<i32>} : memref<8x3x1024xf32, #tpu.memory_space<vmem>>, vector<1x1x16xf32>,
      %swap3A_4212 = vector.shape_cast %swap3A_4211 : vector<1x1x16xf32> to vector<16xf32>
      %swap3A_4213 = vector.shape_cast %add3A_4206 : vector<16xf32> to vector<1x1x16xf32>
      tpu.vector_store %arg7[%swap3A_4208, %swap3A_4209, %swap3A_4210], %swap3A_4213 {strides = array<i32>} : memref<8x3x1024xf32, #tpu.memory_space<vmem>>, vector<1x1x16xf32>,
      %get3A_4214 = arith.constant 2 : i32
      %get3A_4215 = arith.index_cast %scan3A_37 : i32 to index
      %get3A_4216 = arith.index_cast %get3A_4214 : i32 to index
      %get3A_4217 = arith.constant 944 : index
      %get3A_4218 = tpu.vector_load %arg7[%get3A_4215, %get3A_4216, %get3A_4217] {strides = array<i32>} : memref<8x3x1024xf32, #tpu.memory_space<vmem>>, vector<1x1x16xf32>,
      %get3A_4219 = vector.shape_cast %get3A_4218 : vector<1x1x16xf32> to vector<16xf32>
      %get3A_4220 = arith.constant 2 : i32
      %get3A_4221 = arith.index_cast %scan3A_37 : i32 to index
      %get3A_4222 = arith.index_cast %get3A_4220 : i32 to index
      %get3A_4223 = arith.constant 944 : index
      %get3A_4224 = tpu.vector_load %arg8[%get3A_4221, %get3A_4222, %get3A_4223] {strides = array<i32>} : memref<8x3x1024xf32, #tpu.memory_space<vmem>>, vector<1x1x16xf32>,
      %get3A_4225 = vector.shape_cast %get3A_4224 : vector<1x1x16xf32> to vector<16xf32>
      %sub3A_4226 = arith.subf %get3A_4225, %get3A_4219 : vector<16xf32>
      %mul3A_4227 = arith.mulf %get3A_4169, %sub3A_4226 : vector<16xf32>
      %add3A_4228 = arith.addf %get3A_4219, %mul3A_4227 : vector<16xf32>
      %swap3A_4229 = arith.constant 2 : i32
      %swap3A_4230 = arith.index_cast %scan3A_37 : i32 to index
      %swap3A_4231 = arith.index_cast %swap3A_4229 : i32 to index
      %swap3A_4232 = arith.constant 944 : index
      %swap3A_4233 = tpu.vector_load %arg7[%swap3A_4230, %swap3A_4231, %swap3A_4232] {strides = array<i32>} : memref<8x3x1024xf32, #tpu.memory_space<vmem>>, vector<1x1x16xf32>,
      %swap3A_4234 = vector.shape_cast %swap3A_4233 : vector<1x1x16xf32> to vector<16xf32>
      %swap3A_4235 = vector.shape_cast %add3A_4228 : vector<16xf32> to vector<1x1x16xf32>
      tpu.vector_store %arg7[%swap3A_4230, %swap3A_4231, %swap3A_4232], %swap3A_4235 {strides = array<i32>} : memref<8x3x1024xf32, #tpu.memory_space<vmem>>, vector<1x1x16xf32>,
      %get3A_4236 = arith.index_cast %scan3A_37 : i32 to index
      %get3A_4237 = arith.constant 960 : index
      %get3A_4238 = tpu.vector_load %arg9[%get3A_4236, %get3A_4237] {strides = array<i32>} : memref<8x1024xf32, #tpu.memory_space<vmem>>, vector<1x16xf32>,
      %get3A_4239 = vector.shape_cast %get3A_4238 : vector<1x16xf32> to vector<16xf32>
      %get3A_4240 = arith.constant 0 : i32
      %get3A_4241 = arith.index_cast %scan3A_37 : i32 to index
      %get3A_4242 = arith.index_cast %get3A_4240 : i32 to index
      %get3A_4243 = arith.constant 960 : index
      %get3A_4244 = tpu.vector_load %arg7[%get3A_4241, %get3A_4242, %get3A_4243] {strides = array<i32>} : memref<8x3x1024xf32, #tpu.memory_space<vmem>>, vector<1x1x16xf32>,
      %get3A_4245 = vector.shape_cast %get3A_4244 : vector<1x1x16xf32> to vector<16xf32>
      %get3A_4246 = arith.constant 0 : i32
      %get3A_4247 = arith.index_cast %scan3A_37 : i32 to index
      %get3A_4248 = arith.index_cast %get3A_4246 : i32 to index
      %get3A_4249 = arith.constant 960 : index
      %get3A_4250 = tpu.vector_load %arg8[%get3A_4247, %get3A_4248, %get3A_4249] {strides = array<i32>} : memref<8x3x1024xf32, #tpu.memory_space<vmem>>, vector<1x1x16xf32>,
      %get3A_4251 = vector.shape_cast %get3A_4250 : vector<1x1x16xf32> to vector<16xf32>
      %sub3A_4252 = arith.subf %get3A_4251, %get3A_4245 : vector<16xf32>
      %mul3A_4253 = arith.mulf %get3A_4239, %sub3A_4252 : vector<16xf32>
      %add3A_4254 = arith.addf %get3A_4245, %mul3A_4253 : vector<16xf32>
      %swap3A_4255 = arith.constant 0 : i32
      %swap3A_4256 = arith.index_cast %scan3A_37 : i32 to index
      %swap3A_4257 = arith.index_cast %swap3A_4255 : i32 to index
      %swap3A_4258 = arith.constant 960 : index
      %swap3A_4259 = tpu.vector_load %arg7[%swap3A_4256, %swap3A_4257, %swap3A_4258] {strides = array<i32>} : memref<8x3x1024xf32, #tpu.memory_space<vmem>>, vector<1x1x16xf32>,
      %swap3A_4260 = vector.shape_cast %swap3A_4259 : vector<1x1x16xf32> to vector<16xf32>
      %swap3A_4261 = vector.shape_cast %add3A_4254 : vector<16xf32> to vector<1x1x16xf32>
      tpu.vector_store %arg7[%swap3A_4256, %swap3A_4257, %swap3A_4258], %swap3A_4261 {strides = array<i32>} : memref<8x3x1024xf32, #tpu.memory_space<vmem>>, vector<1x1x16xf32>,
      %get3A_4262 = arith.constant 1 : i32
      %get3A_4263 = arith.index_cast %scan3A_37 : i32 to index
      %get3A_4264 = arith.index_cast %get3A_4262 : i32 to index
      %get3A_4265 = arith.constant 960 : index
      %get3A_4266 = tpu.vector_load %arg7[%get3A_4263, %get3A_4264, %get3A_4265] {strides = array<i32>} : memref<8x3x1024xf32, #tpu.memory_space<vmem>>, vector<1x1x16xf32>,
      %get3A_4267 = vector.shape_cast %get3A_4266 : vector<1x1x16xf32> to vector<16xf32>
      %get3A_4268 = arith.constant 1 : i32
      %get3A_4269 = arith.index_cast %scan3A_37 : i32 to index
      %get3A_4270 = arith.index_cast %get3A_4268 : i32 to index
      %get3A_4271 = arith.constant 960 : index
      %get3A_4272 = tpu.vector_load %arg8[%get3A_4269, %get3A_4270, %get3A_4271] {strides = array<i32>} : memref<8x3x1024xf32, #tpu.memory_space<vmem>>, vector<1x1x16xf32>,
      %get3A_4273 = vector.shape_cast %get3A_4272 : vector<1x1x16xf32> to vector<16xf32>
      %sub3A_4274 = arith.subf %get3A_4273, %get3A_4267 : vector<16xf32>
      %mul3A_4275 = arith.mulf %get3A_4239, %sub3A_4274 : vector<16xf32>
      %add3A_4276 = arith.addf %get3A_4267, %mul3A_4275 : vector<16xf32>
      %swap3A_4277 = arith.constant 1 : i32
      %swap3A_4278 = arith.index_cast %scan3A_37 : i32 to index
      %swap3A_4279 = arith.index_cast %swap3A_4277 : i32 to index
      %swap3A_4280 = arith.constant 960 : index
      %swap3A_4281 = tpu.vector_load %arg7[%swap3A_4278, %swap3A_4279, %swap3A_4280] {strides = array<i32>} : memref<8x3x1024xf32, #tpu.memory_space<vmem>>, vector<1x1x16xf32>,
      %swap3A_4282 = vector.shape_cast %swap3A_4281 : vector<1x1x16xf32> to vector<16xf32>
      %swap3A_4283 = vector.shape_cast %add3A_4276 : vector<16xf32> to vector<1x1x16xf32>
      tpu.vector_store %arg7[%swap3A_4278, %swap3A_4279, %swap3A_4280], %swap3A_4283 {strides = array<i32>} : memref<8x3x1024xf32, #tpu.memory_space<vmem>>, vector<1x1x16xf32>,
      %get3A_4284 = arith.constant 2 : i32
      %get3A_4285 = arith.index_cast %scan3A_37 : i32 to index
      %get3A_4286 = arith.index_cast %get3A_4284 : i32 to index
      %get3A_4287 = arith.constant 960 : index
      %get3A_4288 = tpu.vector_load %arg7[%get3A_4285, %get3A_4286, %get3A_4287] {strides = array<i32>} : memref<8x3x1024xf32, #tpu.memory_space<vmem>>, vector<1x1x16xf32>,
      %get3A_4289 = vector.shape_cast %get3A_4288 : vector<1x1x16xf32> to vector<16xf32>
      %get3A_4290 = arith.constant 2 : i32
      %get3A_4291 = arith.index_cast %scan3A_37 : i32 to index
      %get3A_4292 = arith.index_cast %get3A_4290 : i32 to index
      %get3A_4293 = arith.constant 960 : index
      %get3A_4294 = tpu.vector_load %arg8[%get3A_4291, %get3A_4292, %get3A_4293] {strides = array<i32>} : memref<8x3x1024xf32, #tpu.memory_space<vmem>>, vector<1x1x16xf32>,
      %get3A_4295 = vector.shape_cast %get3A_4294 : vector<1x1x16xf32> to vector<16xf32>
      %sub3A_4296 = arith.subf %get3A_4295, %get3A_4289 : vector<16xf32>
      %mul3A_4297 = arith.mulf %get3A_4239, %sub3A_4296 : vector<16xf32>
      %add3A_4298 = arith.addf %get3A_4289, %mul3A_4297 : vector<16xf32>
      %swap3A_4299 = arith.constant 2 : i32
      %swap3A_4300 = arith.index_cast %scan3A_37 : i32 to index
      %swap3A_4301 = arith.index_cast %swap3A_4299 : i32 to index
      %swap3A_4302 = arith.constant 960 : index
      %swap3A_4303 = tpu.vector_load %arg7[%swap3A_4300, %swap3A_4301, %swap3A_4302] {strides = array<i32>} : memref<8x3x1024xf32, #tpu.memory_space<vmem>>, vector<1x1x16xf32>,
      %swap3A_4304 = vector.shape_cast %swap3A_4303 : vector<1x1x16xf32> to vector<16xf32>
      %swap3A_4305 = vector.shape_cast %add3A_4298 : vector<16xf32> to vector<1x1x16xf32>
      tpu.vector_store %arg7[%swap3A_4300, %swap3A_4301, %swap3A_4302], %swap3A_4305 {strides = array<i32>} : memref<8x3x1024xf32, #tpu.memory_space<vmem>>, vector<1x1x16xf32>,
      %get3A_4306 = arith.index_cast %scan3A_37 : i32 to index
      %get3A_4307 = arith.constant 976 : index
      %get3A_4308 = tpu.vector_load %arg9[%get3A_4306, %get3A_4307] {strides = array<i32>} : memref<8x1024xf32, #tpu.memory_space<vmem>>, vector<1x16xf32>,
      %get3A_4309 = vector.shape_cast %get3A_4308 : vector<1x16xf32> to vector<16xf32>
      %get3A_4310 = arith.constant 0 : i32
      %get3A_4311 = arith.index_cast %scan3A_37 : i32 to index
      %get3A_4312 = arith.index_cast %get3A_4310 : i32 to index
      %get3A_4313 = arith.constant 976 : index
      %get3A_4314 = tpu.vector_load %arg7[%get3A_4311, %get3A_4312, %get3A_4313] {strides = array<i32>} : memref<8x3x1024xf32, #tpu.memory_space<vmem>>, vector<1x1x16xf32>,
      %get3A_4315 = vector.shape_cast %get3A_4314 : vector<1x1x16xf32> to vector<16xf32>
      %get3A_4316 = arith.constant 0 : i32
      %get3A_4317 = arith.index_cast %scan3A_37 : i32 to index
      %get3A_4318 = arith.index_cast %get3A_4316 : i32 to index
      %get3A_4319 = arith.constant 976 : index
      %get3A_4320 = tpu.vector_load %arg8[%get3A_4317, %get3A_4318, %get3A_4319] {strides = array<i32>} : memref<8x3x1024xf32, #tpu.memory_space<vmem>>, vector<1x1x16xf32>,
      %get3A_4321 = vector.shape_cast %get3A_4320 : vector<1x1x16xf32> to vector<16xf32>
      %sub3A_4322 = arith.subf %get3A_4321, %get3A_4315 : vector<16xf32>
      %mul3A_4323 = arith.mulf %get3A_4309, %sub3A_4322 : vector<16xf32>
      %add3A_4324 = arith.addf %get3A_4315, %mul3A_4323 : vector<16xf32>
      %swap3A_4325 = arith.constant 0 : i32
      %swap3A_4326 = arith.index_cast %scan3A_37 : i32 to index
      %swap3A_4327 = arith.index_cast %swap3A_4325 : i32 to index
      %swap3A_4328 = arith.constant 976 : index
      %swap3A_4329 = tpu.vector_load %arg7[%swap3A_4326, %swap3A_4327, %swap3A_4328] {strides = array<i32>} : memref<8x3x1024xf32, #tpu.memory_space<vmem>>, vector<1x1x16xf32>,
      %swap3A_4330 = vector.shape_cast %swap3A_4329 : vector<1x1x16xf32> to vector<16xf32>
      %swap3A_4331 = vector.shape_cast %add3A_4324 : vector<16xf32> to vector<1x1x16xf32>
      tpu.vector_store %arg7[%swap3A_4326, %swap3A_4327, %swap3A_4328], %swap3A_4331 {strides = array<i32>} : memref<8x3x1024xf32, #tpu.memory_space<vmem>>, vector<1x1x16xf32>,
      %get3A_4332 = arith.constant 1 : i32
      %get3A_4333 = arith.index_cast %scan3A_37 : i32 to index
      %get3A_4334 = arith.index_cast %get3A_4332 : i32 to index
      %get3A_4335 = arith.constant 976 : index
      %get3A_4336 = tpu.vector_load %arg7[%get3A_4333, %get3A_4334, %get3A_4335] {strides = array<i32>} : memref<8x3x1024xf32, #tpu.memory_space<vmem>>, vector<1x1x16xf32>,
      %get3A_4337 = vector.shape_cast %get3A_4336 : vector<1x1x16xf32> to vector<16xf32>
      %get3A_4338 = arith.constant 1 : i32
      %get3A_4339 = arith.index_cast %scan3A_37 : i32 to index
      %get3A_4340 = arith.index_cast %get3A_4338 : i32 to index
      %get3A_4341 = arith.constant 976 : index
      %get3A_4342 = tpu.vector_load %arg8[%get3A_4339, %get3A_4340, %get3A_4341] {strides = array<i32>} : memref<8x3x1024xf32, #tpu.memory_space<vmem>>, vector<1x1x16xf32>,
      %get3A_4343 = vector.shape_cast %get3A_4342 : vector<1x1x16xf32> to vector<16xf32>
      %sub3A_4344 = arith.subf %get3A_4343, %get3A_4337 : vector<16xf32>
      %mul3A_4345 = arith.mulf %get3A_4309, %sub3A_4344 : vector<16xf32>
      %add3A_4346 = arith.addf %get3A_4337, %mul3A_4345 : vector<16xf32>
      %swap3A_4347 = arith.constant 1 : i32
      %swap3A_4348 = arith.index_cast %scan3A_37 : i32 to index
      %swap3A_4349 = arith.index_cast %swap3A_4347 : i32 to index
      %swap3A_4350 = arith.constant 976 : index
      %swap3A_4351 = tpu.vector_load %arg7[%swap3A_4348, %swap3A_4349, %swap3A_4350] {strides = array<i32>} : memref<8x3x1024xf32, #tpu.memory_space<vmem>>, vector<1x1x16xf32>,
      %swap3A_4352 = vector.shape_cast %swap3A_4351 : vector<1x1x16xf32> to vector<16xf32>
      %swap3A_4353 = vector.shape_cast %add3A_4346 : vector<16xf32> to vector<1x1x16xf32>
      tpu.vector_store %arg7[%swap3A_4348, %swap3A_4349, %swap3A_4350], %swap3A_4353 {strides = array<i32>} : memref<8x3x1024xf32, #tpu.memory_space<vmem>>, vector<1x1x16xf32>,
      %get3A_4354 = arith.constant 2 : i32
      %get3A_4355 = arith.index_cast %scan3A_37 : i32 to index
      %get3A_4356 = arith.index_cast %get3A_4354 : i32 to index
      %get3A_4357 = arith.constant 976 : index
      %get3A_4358 = tpu.vector_load %arg7[%get3A_4355, %get3A_4356, %get3A_4357] {strides = array<i32>} : memref<8x3x1024xf32, #tpu.memory_space<vmem>>, vector<1x1x16xf32>,
      %get3A_4359 = vector.shape_cast %get3A_4358 : vector<1x1x16xf32> to vector<16xf32>
      %get3A_4360 = arith.constant 2 : i32
      %get3A_4361 = arith.index_cast %scan3A_37 : i32 to index
      %get3A_4362 = arith.index_cast %get3A_4360 : i32 to index
      %get3A_4363 = arith.constant 976 : index
      %get3A_4364 = tpu.vector_load %arg8[%get3A_4361, %get3A_4362, %get3A_4363] {strides = array<i32>} : memref<8x3x1024xf32, #tpu.memory_space<vmem>>, vector<1x1x16xf32>,
      %get3A_4365 = vector.shape_cast %get3A_4364 : vector<1x1x16xf32> to vector<16xf32>
      %sub3A_4366 = arith.subf %get3A_4365, %get3A_4359 : vector<16xf32>
      %mul3A_4367 = arith.mulf %get3A_4309, %sub3A_4366 : vector<16xf32>
      %add3A_4368 = arith.addf %get3A_4359, %mul3A_4367 : vector<16xf32>
      %swap3A_4369 = arith.constant 2 : i32
      %swap3A_4370 = arith.index_cast %scan3A_37 : i32 to index
      %swap3A_4371 = arith.index_cast %swap3A_4369 : i32 to index
      %swap3A_4372 = arith.constant 976 : index
      %swap3A_4373 = tpu.vector_load %arg7[%swap3A_4370, %swap3A_4371, %swap3A_4372] {strides = array<i32>} : memref<8x3x1024xf32, #tpu.memory_space<vmem>>, vector<1x1x16xf32>,
      %swap3A_4374 = vector.shape_cast %swap3A_4373 : vector<1x1x16xf32> to vector<16xf32>
      %swap3A_4375 = vector.shape_cast %add3A_4368 : vector<16xf32> to vector<1x1x16xf32>
      tpu.vector_store %arg7[%swap3A_4370, %swap3A_4371, %swap3A_4372], %swap3A_4375 {strides = array<i32>} : memref<8x3x1024xf32, #tpu.memory_space<vmem>>, vector<1x1x16xf32>,
      %get3A_4376 = arith.index_cast %scan3A_37 : i32 to index
      %get3A_4377 = arith.constant 992 : index
      %get3A_4378 = tpu.vector_load %arg9[%get3A_4376, %get3A_4377] {strides = array<i32>} : memref<8x1024xf32, #tpu.memory_space<vmem>>, vector<1x16xf32>,
      %get3A_4379 = vector.shape_cast %get3A_4378 : vector<1x16xf32> to vector<16xf32>
      %get3A_4380 = arith.constant 0 : i32
      %get3A_4381 = arith.index_cast %scan3A_37 : i32 to index
      %get3A_4382 = arith.index_cast %get3A_4380 : i32 to index
      %get3A_4383 = arith.constant 992 : index
      %get3A_4384 = tpu.vector_load %arg7[%get3A_4381, %get3A_4382, %get3A_4383] {strides = array<i32>} : memref<8x3x1024xf32, #tpu.memory_space<vmem>>, vector<1x1x16xf32>,
      %get3A_4385 = vector.shape_cast %get3A_4384 : vector<1x1x16xf32> to vector<16xf32>
      %get3A_4386 = arith.constant 0 : i32
      %get3A_4387 = arith.index_cast %scan3A_37 : i32 to index
      %get3A_4388 = arith.index_cast %get3A_4386 : i32 to index
      %get3A_4389 = arith.constant 992 : index
      %get3A_4390 = tpu.vector_load %arg8[%get3A_4387, %get3A_4388, %get3A_4389] {strides = array<i32>} : memref<8x3x1024xf32, #tpu.memory_space<vmem>>, vector<1x1x16xf32>,
      %get3A_4391 = vector.shape_cast %get3A_4390 : vector<1x1x16xf32> to vector<16xf32>
      %sub3A_4392 = arith.subf %get3A_4391, %get3A_4385 : vector<16xf32>
      %mul3A_4393 = arith.mulf %get3A_4379, %sub3A_4392 : vector<16xf32>
      %add3A_4394 = arith.addf %get3A_4385, %mul3A_4393 : vector<16xf32>
      %swap3A_4395 = arith.constant 0 : i32
      %swap3A_4396 = arith.index_cast %scan3A_37 : i32 to index
      %swap3A_4397 = arith.index_cast %swap3A_4395 : i32 to index
      %swap3A_4398 = arith.constant 992 : index
      %swap3A_4399 = tpu.vector_load %arg7[%swap3A_4396, %swap3A_4397, %swap3A_4398] {strides = array<i32>} : memref<8x3x1024xf32, #tpu.memory_space<vmem>>, vector<1x1x16xf32>,
      %swap3A_4400 = vector.shape_cast %swap3A_4399 : vector<1x1x16xf32> to vector<16xf32>
      %swap3A_4401 = vector.shape_cast %add3A_4394 : vector<16xf32> to vector<1x1x16xf32>
      tpu.vector_store %arg7[%swap3A_4396, %swap3A_4397, %swap3A_4398], %swap3A_4401 {strides = array<i32>} : memref<8x3x1024xf32, #tpu.memory_space<vmem>>, vector<1x1x16xf32>,
      %get3A_4402 = arith.constant 1 : i32
      %get3A_4403 = arith.index_cast %scan3A_37 : i32 to index
      %get3A_4404 = arith.index_cast %get3A_4402 : i32 to index
      %get3A_4405 = arith.constant 992 : index
      %get3A_4406 = tpu.vector_load %arg7[%get3A_4403, %get3A_4404, %get3A_4405] {strides = array<i32>} : memref<8x3x1024xf32, #tpu.memory_space<vmem>>, vector<1x1x16xf32>,
      %get3A_4407 = vector.shape_cast %get3A_4406 : vector<1x1x16xf32> to vector<16xf32>
      %get3A_4408 = arith.constant 1 : i32
      %get3A_4409 = arith.index_cast %scan3A_37 : i32 to index
      %get3A_4410 = arith.index_cast %get3A_4408 : i32 to index
      %get3A_4411 = arith.constant 992 : index
      %get3A_4412 = tpu.vector_load %arg8[%get3A_4409, %get3A_4410, %get3A_4411] {strides = array<i32>} : memref<8x3x1024xf32, #tpu.memory_space<vmem>>, vector<1x1x16xf32>,
      %get3A_4413 = vector.shape_cast %get3A_4412 : vector<1x1x16xf32> to vector<16xf32>
      %sub3A_4414 = arith.subf %get3A_4413, %get3A_4407 : vector<16xf32>
      %mul3A_4415 = arith.mulf %get3A_4379, %sub3A_4414 : vector<16xf32>
      %add3A_4416 = arith.addf %get3A_4407, %mul3A_4415 : vector<16xf32>
      %swap3A_4417 = arith.constant 1 : i32
      %swap3A_4418 = arith.index_cast %scan3A_37 : i32 to index
      %swap3A_4419 = arith.index_cast %swap3A_4417 : i32 to index
      %swap3A_4420 = arith.constant 992 : index
      %swap3A_4421 = tpu.vector_load %arg7[%swap3A_4418, %swap3A_4419, %swap3A_4420] {strides = array<i32>} : memref<8x3x1024xf32, #tpu.memory_space<vmem>>, vector<1x1x16xf32>,
      %swap3A_4422 = vector.shape_cast %swap3A_4421 : vector<1x1x16xf32> to vector<16xf32>
      %swap3A_4423 = vector.shape_cast %add3A_4416 : vector<16xf32> to vector<1x1x16xf32>
      tpu.vector_store %arg7[%swap3A_4418, %swap3A_4419, %swap3A_4420], %swap3A_4423 {strides = array<i32>} : memref<8x3x1024xf32, #tpu.memory_space<vmem>>, vector<1x1x16xf32>,
      %get3A_4424 = arith.constant 2 : i32
      %get3A_4425 = arith.index_cast %scan3A_37 : i32 to index
      %get3A_4426 = arith.index_cast %get3A_4424 : i32 to index
      %get3A_4427 = arith.constant 992 : index
      %get3A_4428 = tpu.vector_load %arg7[%get3A_4425, %get3A_4426, %get3A_4427] {strides = array<i32>} : memref<8x3x1024xf32, #tpu.memory_space<vmem>>, vector<1x1x16xf32>,
      %get3A_4429 = vector.shape_cast %get3A_4428 : vector<1x1x16xf32> to vector<16xf32>
      %get3A_4430 = arith.constant 2 : i32
      %get3A_4431 = arith.index_cast %scan3A_37 : i32 to index
      %get3A_4432 = arith.index_cast %get3A_4430 : i32 to index
      %get3A_4433 = arith.constant 992 : index
      %get3A_4434 = tpu.vector_load %arg8[%get3A_4431, %get3A_4432, %get3A_4433] {strides = array<i32>} : memref<8x3x1024xf32, #tpu.memory_space<vmem>>, vector<1x1x16xf32>,
      %get3A_4435 = vector.shape_cast %get3A_4434 : vector<1x1x16xf32> to vector<16xf32>
      %sub3A_4436 = arith.subf %get3A_4435, %get3A_4429 : vector<16xf32>
      %mul3A_4437 = arith.mulf %get3A_4379, %sub3A_4436 : vector<16xf32>
      %add3A_4438 = arith.addf %get3A_4429, %mul3A_4437 : vector<16xf32>
      %swap3A_4439 = arith.constant 2 : i32
      %swap3A_4440 = arith.index_cast %scan3A_37 : i32 to index
      %swap3A_4441 = arith.index_cast %swap3A_4439 : i32 to index
      %swap3A_4442 = arith.constant 992 : index
      %swap3A_4443 = tpu.vector_load %arg7[%swap3A_4440, %swap3A_4441, %swap3A_4442] {strides = array<i32>} : memref<8x3x1024xf32, #tpu.memory_space<vmem>>, vector<1x1x16xf32>,
      %swap3A_4444 = vector.shape_cast %swap3A_4443 : vector<1x1x16xf32> to vector<16xf32>
      %swap3A_4445 = vector.shape_cast %add3A_4438 : vector<16xf32> to vector<1x1x16xf32>
      tpu.vector_store %arg7[%swap3A_4440, %swap3A_4441, %swap3A_4442], %swap3A_4445 {strides = array<i32>} : memref<8x3x1024xf32, #tpu.memory_space<vmem>>, vector<1x1x16xf32>,
      %get3A_4446 = arith.index_cast %scan3A_37 : i32 to index
      %get3A_4447 = arith.constant 1008 : index
      %get3A_4448 = tpu.vector_load %arg9[%get3A_4446, %get3A_4447] {strides = array<i32>} : memref<8x1024xf32, #tpu.memory_space<vmem>>, vector<1x16xf32>,
      %get3A_4449 = vector.shape_cast %get3A_4448 : vector<1x16xf32> to vector<16xf32>
      %get3A_4450 = arith.constant 0 : i32
      %get3A_4451 = arith.index_cast %scan3A_37 : i32 to index
      %get3A_4452 = arith.index_cast %get3A_4450 : i32 to index
      %get3A_4453 = arith.constant 1008 : index
      %get3A_4454 = tpu.vector_load %arg7[%get3A_4451, %get3A_4452, %get3A_4453] {strides = array<i32>} : memref<8x3x1024xf32, #tpu.memory_space<vmem>>, vector<1x1x16xf32>,
      %get3A_4455 = vector.shape_cast %get3A_4454 : vector<1x1x16xf32> to vector<16xf32>
      %get3A_4456 = arith.constant 0 : i32
      %get3A_4457 = arith.index_cast %scan3A_37 : i32 to index
      %get3A_4458 = arith.index_cast %get3A_4456 : i32 to index
      %get3A_4459 = arith.constant 1008 : index
      %get3A_4460 = tpu.vector_load %arg8[%get3A_4457, %get3A_4458, %get3A_4459] {strides = array<i32>} : memref<8x3x1024xf32, #tpu.memory_space<vmem>>, vector<1x1x16xf32>,
      %get3A_4461 = vector.shape_cast %get3A_4460 : vector<1x1x16xf32> to vector<16xf32>
      %sub3A_4462 = arith.subf %get3A_4461, %get3A_4455 : vector<16xf32>
      %mul3A_4463 = arith.mulf %get3A_4449, %sub3A_4462 : vector<16xf32>
      %add3A_4464 = arith.addf %get3A_4455, %mul3A_4463 : vector<16xf32>
      %swap3A_4465 = arith.constant 0 : i32
      %swap3A_4466 = arith.index_cast %scan3A_37 : i32 to index
      %swap3A_4467 = arith.index_cast %swap3A_4465 : i32 to index
      %swap3A_4468 = arith.constant 1008 : index
      %swap3A_4469 = tpu.vector_load %arg7[%swap3A_4466, %swap3A_4467, %swap3A_4468] {strides = array<i32>} : memref<8x3x1024xf32, #tpu.memory_space<vmem>>, vector<1x1x16xf32>,
      %swap3A_4470 = vector.shape_cast %swap3A_4469 : vector<1x1x16xf32> to vector<16xf32>
      %swap3A_4471 = vector.shape_cast %add3A_4464 : vector<16xf32> to vector<1x1x16xf32>
      tpu.vector_store %arg7[%swap3A_4466, %swap3A_4467, %swap3A_4468], %swap3A_4471 {strides = array<i32>} : memref<8x3x1024xf32, #tpu.memory_space<vmem>>, vector<1x1x16xf32>,
      %get3A_4472 = arith.constant 1 : i32
      %get3A_4473 = arith.index_cast %scan3A_37 : i32 to index
      %get3A_4474 = arith.index_cast %get3A_4472 : i32 to index
      %get3A_4475 = arith.constant 1008 : index
      %get3A_4476 = tpu.vector_load %arg7[%get3A_4473, %get3A_4474, %get3A_4475] {strides = array<i32>} : memref<8x3x1024xf32, #tpu.memory_space<vmem>>, vector<1x1x16xf32>,
      %get3A_4477 = vector.shape_cast %get3A_4476 : vector<1x1x16xf32> to vector<16xf32>
      %get3A_4478 = arith.constant 1 : i32
      %get3A_4479 = arith.index_cast %scan3A_37 : i32 to index
      %get3A_4480 = arith.index_cast %get3A_4478 : i32 to index
      %get3A_4481 = arith.constant 1008 : index
      %get3A_4482 = tpu.vector_load %arg8[%get3A_4479, %get3A_4480, %get3A_4481] {strides = array<i32>} : memref<8x3x1024xf32, #tpu.memory_space<vmem>>, vector<1x1x16xf32>,
      %get3A_4483 = vector.shape_cast %get3A_4482 : vector<1x1x16xf32> to vector<16xf32>
      %sub3A_4484 = arith.subf %get3A_4483, %get3A_4477 : vector<16xf32>
      %mul3A_4485 = arith.mulf %get3A_4449, %sub3A_4484 : vector<16xf32>
      %add3A_4486 = arith.addf %get3A_4477, %mul3A_4485 : vector<16xf32>
      %swap3A_4487 = arith.constant 1 : i32
      %swap3A_4488 = arith.index_cast %scan3A_37 : i32 to index
      %swap3A_4489 = arith.index_cast %swap3A_4487 : i32 to index
      %swap3A_4490 = arith.constant 1008 : index
      %swap3A_4491 = tpu.vector_load %arg7[%swap3A_4488, %swap3A_4489, %swap3A_4490] {strides = array<i32>} : memref<8x3x1024xf32, #tpu.memory_space<vmem>>, vector<1x1x16xf32>,
      %swap3A_4492 = vector.shape_cast %swap3A_4491 : vector<1x1x16xf32> to vector<16xf32>
      %swap3A_4493 = vector.shape_cast %add3A_4486 : vector<16xf32> to vector<1x1x16xf32>
      tpu.vector_store %arg7[%swap3A_4488, %swap3A_4489, %swap3A_4490], %swap3A_4493 {strides = array<i32>} : memref<8x3x1024xf32, #tpu.memory_space<vmem>>, vector<1x1x16xf32>,
      %get3A_4494 = arith.constant 2 : i32
      %get3A_4495 = arith.index_cast %scan3A_37 : i32 to index
      %get3A_4496 = arith.index_cast %get3A_4494 : i32 to index
      %get3A_4497 = arith.constant 1008 : index
      %get3A_4498 = tpu.vector_load %arg7[%get3A_4495, %get3A_4496, %get3A_4497] {strides = array<i32>} : memref<8x3x1024xf32, #tpu.memory_space<vmem>>, vector<1x1x16xf32>,
      %get3A_4499 = vector.shape_cast %get3A_4498 : vector<1x1x16xf32> to vector<16xf32>
      %get3A_4500 = arith.constant 2 : i32
      %get3A_4501 = arith.index_cast %scan3A_37 : i32 to index
      %get3A_4502 = arith.index_cast %get3A_4500 : i32 to index
      %get3A_4503 = arith.constant 1008 : index
      %get3A_4504 = tpu.vector_load %arg8[%get3A_4501, %get3A_4502, %get3A_4503] {strides = array<i32>} : memref<8x3x1024xf32, #tpu.memory_space<vmem>>, vector<1x1x16xf32>,
      %get3A_4505 = vector.shape_cast %get3A_4504 : vector<1x1x16xf32> to vector<16xf32>
      %sub3A_4506 = arith.subf %get3A_4505, %get3A_4499 : vector<16xf32>
      %mul3A_4507 = arith.mulf %get3A_4449, %sub3A_4506 : vector<16xf32>
      %add3A_4508 = arith.addf %get3A_4499, %mul3A_4507 : vector<16xf32>
      %swap3A_4509 = arith.constant 2 : i32
      %swap3A_4510 = arith.index_cast %scan3A_37 : i32 to index
      %swap3A_4511 = arith.index_cast %swap3A_4509 : i32 to index
      %swap3A_4512 = arith.constant 1008 : index
      %swap3A_4513 = tpu.vector_load %arg7[%swap3A_4510, %swap3A_4511, %swap3A_4512] {strides = array<i32>} : memref<8x3x1024xf32, #tpu.memory_space<vmem>>, vector<1x1x16xf32>,
      %swap3A_4514 = vector.shape_cast %swap3A_4513 : vector<1x1x16xf32> to vector<16xf32>
      %swap3A_4515 = vector.shape_cast %add3A_4508 : vector<16xf32> to vector<1x1x16xf32>
      tpu.vector_store %arg7[%swap3A_4510, %swap3A_4511, %swap3A_4512], %swap3A_4515 {strides = array<i32>} : memref<8x3x1024xf32, #tpu.memory_space<vmem>>, vector<1x1x16xf32>,
      %scan3A_4516 = arith.constant 0 : i32
      scf.yield %scan3A_4516 : i32
    }
    %scan3A_36 = arith.constant 8 : i32
    "tpu.region"() ({
      %run_scoped3A = tpu.sem_alloc : memref<!tpu.dma_semaphore, #tpu.memory_space<semaphore_mem>>
      %dma_start3A_37 = arith.constant 0 : i32
      %dma_start3A_38 = arith.constant 0 : i32
      %dma_start3A_39 = tpu.memref_slice %arg6[%mul3A_2, %dma_start3A_37, %dma_start3A_38] : memref<256x3x1024xf32, #tpu.memory_space<hbm>> -> memref<8x3x1024xf32, #tpu.memory_space<hbm>>
      %dma_start3A_40 = arith.constant 0 : i32
      %dma_start3A_41 = arith.constant 0 : i32
      %dma_start3A_42 = tpu.memref_slice %arg6[%mul3A_2, %dma_start3A_40, %dma_start3A_41] : memref<256x3x1024xf32, #tpu.memory_space<hbm>> -> memref<8x3x1024xf32, #tpu.memory_space<hbm>>
      tpu.enqueue_dma source(%arg7 : memref<8x3x1024xf32, #tpu.memory_space<vmem>>) target(%dma_start3A_42 : memref<8x3x1024xf32, #tpu.memory_space<hbm>>) target_semaphore(%run_scoped3A : memref<!tpu.dma_semaphore, #tpu.memory_space<semaphore_mem>>)
      %dma_wait3A_43 = arith.constant 0 : i32
      %dma_wait3A_44 = arith.constant 0 : i32
      %dma_wait3A_45 = tpu.memref_slice %arg6[%mul3A_2, %dma_wait3A_43, %dma_wait3A_44] : memref<256x3x1024xf32, #tpu.memory_space<hbm>> -> memref<8x3x1024xf32, #tpu.memory_space<hbm>>
      %dma_wait3A_46 = arith.constant 0 : i32
      %dma_wait3A_47 = arith.constant 0 : i32
      %dma_wait3A_48 = tpu.memref_slice %arg6[%mul3A_2, %dma_wait3A_46, %dma_wait3A_47] : memref<256x3x1024xf32, #tpu.memory_space<hbm>> -> memref<8x3x1024xf32, #tpu.memory_space<hbm>>
      tpu.wait_dma2 semaphore(%run_scoped3A : memref<!tpu.dma_semaphore, #tpu.memory_space<semaphore_mem>>) src(%arg7 : memref<8x3x1024xf32, #tpu.memory_space<vmem>>) dst(%dma_wait3A_48 : memref<8x3x1024xf32, #tpu.memory_space<hbm>>)
      tpu.yield
    }) : () -> ()
    return
  }
}

</mosaic_0001>

<sc_bundles>
// kernel: kernel.3.cloned.1.call-start
scs
__scs_entry_jumppad:
0x0: {  	(pc) =	sbr.rel $0x88, $3  }
0x1: {  	(tag) =	ssettag $0x0;
	lr =	simm.s32 $0x1  }
0x2: {  	[smem:$0x3F9C] =	sst lr;
	_ =	strace $0xD0000000  }
0x3: {  	_ = 	snop  }
0x4: {  	_ = 	snop  }
0x5: {  	_ = 	snop  }
0x6: {  	_ = 	snop  }
0x7: {  	_ = 	snop  }
__scs_overlays_trampoline_lowered:
0x8: {  	[smem:$0x3FAB] =	sst s0  }
0x9: {  	[smem:$0x3FAC] =	sst s1  }
0xa: {  	[smem:$0x3FAD] =	sst s2  }
0xb: {  	[smem:$0x3FAE] =	sst s3  }
0xc: {  	[smem:$0x3FAF] =	sst s4  }
0xd: {  	[smem:$0x3FB0] =	sst s5  }
0xe: {  	[smem:$0x3FB1] =	sst s6  }
0xf: {  	[smem:$0x3FB2] =	sst s7  }
0x10: {  	[smem:$0x3FB3] =	sst s8  }
0x11: {  	[smem:$0x3FB4] =	sst s9;
	s0 =	simm.s32 @!p0 $0x0  }
0x12: {  	s1 =	sld [smem:$0x3F9A];
	s0 =	simm.s32 @p0 $0x1  }
0x13: {  	[smem:$0x3FB5] =	sst s0;
	s0 =	simm.s32 @!p1 $0x0  }
0x14: {  	s2 =	sld [smem:$0x3F99];
	s0 =	simm.s32 @p1 $0x1  }
0x15: {  	[smem:$0x3FB6] =	sst s0;
	s0 =	simm.s32 @!p2 $0x0  }
0x16: {  	s3 =	sld [smem:$0x3FDB];
	s0 =	simm.s32 @p2 $0x1  }
0x17: {  	s4 =	simm.s32 $0x1BF5;
	[smem:$0x3FB8] =	sst s0  }
0x18: {  	s0 =	sld [smem:$0x3F9B];
	_ =	swait.ge [sflag:s4], $0x0  }
0x19: {  	s7 =	sld [smem:$0x3F9C]  }
0x1a: {  	s8 =	sadd.s32 $0xFFFFE003, lr  }
0x1b: {  	s9 =	sadd.s32 $0xFFFFFEF7, lr;
	s5 =	simm.s32 $0xFFFFFFFF;
	p2 =	slt.u32 s8, $0xFFFFF086  }
0x1c: {  	p1 =	slt.u32 s9, $0xF7A;
	s5 =	simm.s32 @!p2 $0x0  }
0x1d: {  	s5 =	simm.s32 @p1 $0x1;
	p0 =	seq.s32 s7, s2  }
0x1e: {  	s7 =	smul.u32 @!p0 $0xF7A, s2;
	p2 =	seq.s32 @!p0 s5, $0x0  }
0x1f: {  	s9 =	smul.u32 $0xF7A, s1;
	s8 =	simm.s32 @!p0 $0x1BF5;
	p2 =	por !p2, p0  }
0x20: {  	[sflag:s8] =	ssyncset.s32 @!p0 $0xFFFFF086;
	s6 =	sadd.s32 @!p0 s3, s7;
	s7 =	simm.s32 @!p0 $0x108  }
0x21: {  	s3 =	sadd.s32 s3, s9;
	s6 =	sadd.s32 @!p0 $0x88, s6;
	s7 =	simm.s32 @p2 $0x1082  }
0x22: {  	[simem:s7], [sflag:s8] =	dma.local @!p0 [hbm:s6], $0xF7A  }
0x23: {  	s9 =	sor.u32 $0xD0000000, s2;
	s6 =	simm.s32 $0x108;
	_ =	swait.ge @!p0 [sflag:s8], $0x0  }
0x24: {  	s3 =	sadd.s32 $0x88, s3;
	s6 =	simm.s32 @!p1 $0x1082;
	[sflag:s4] =	ssyncset.s32 $0xFFFFF086  }
0x25: {  	[simem:s6], [sflag:s4] =	dma.local [hbm:s3], $0xF7A  }
0x26: {  	[smem:$0x3F9C] =	sst s1;
	(tag) =	ssettag s2;
	_ =	strace s9  }
0x27: {  	s1 =	sld [smem:$0x3FAC]  }
0x28: {  	s2 =	sld [smem:$0x3FAD]  }
0x29: {  	s4 =	sld [smem:$0x3FAF]  }
0x2a: {  	p0 =	seq.s32 s5, $0x0;
	s5 =	sld [smem:$0x3FB0]  }
0x2b: {  	s6 =	sld [smem:$0x3FB1]  }
0x2c: {  	s7 =	sld [smem:$0x3FB2]  }
0x2d: {  	s3 =	simm.s32 $0x108;
	s8 =	sld [smem:$0x3FB3]  }
0x2e: {  	s3 =	simm.s32 @!p0 $0x1082;
	s9 =	sld [smem:$0x3FB4]  }
0x2f: {  	lr =	sadd.s32 s0, s3;
	s0 =	sld [smem:$0x3FAB]  }
0x30: {  	s3 =	sld [smem:$0x3FAE]  }
0x31: {  	[smem:$0x3FB7] =	sst s10  }
0x32: {  	s10 =	sld [smem:$0x3FB5];
	_ =	sdelay $0x3  }
0x33: {  	p0 =	seq.s32 s10, $0x1;
	s10 =	sld [smem:$0x3FB7];
	_ =	sdelay $0x3  }
0x34: {  	[smem:$0x3FB7] =	sst s10  }
0x35: {  	s10 =	sld [smem:$0x3FB6];
	_ =	sdelay $0x3  }
0x36: {  	p1 =	seq.s32 s10, $0x1;
	s10 =	sld [smem:$0x3FB7];
	_ =	sdelay $0x3  }
0x37: {  	[smem:$0x3FB7] =	sst s10  }
0x38: {  	s10 =	sld [smem:$0x3FB8]  }
0x39: {  	_ = 	snop;
	(pc) =	sbr.ind lr, $3  }
0x3a: {  	_ = 	snop  }
0x3b: {  	_ = 	snop  }
0x3c: {  	p2 =	seq.s32 s10, $0x1;
	s10 =	sld [smem:$0x3FB7]  }
0x3d: {  	_ =	shalt  }
0x3e: {  	_ =	shalt  }
0x3f: {  	_ =	shalt  }
0x40: {  	_ =	shalt  }
0x41: {  	_ =	shalt  }
0x42: {  	_ =	shalt  }
0x43: {  	_ =	shalt  }
0x44: {  	_ =	shalt  }
0x45: {  	_ =	shalt  }
0x46: {  	_ =	shalt  }
0x47: {  	_ =	shalt  }
0x48: {  	_ =	shalt  }
0x49: {  	_ =	shalt  }
0x4a: {  	_ =	shalt  }
0x4b: {  	_ =	shalt  }
0x4c: {  	_ =	shalt  }
0x4d: {  	_ =	shalt  }
0x4e: {  	_ =	shalt  }
0x4f: {  	_ =	shalt  }
0x50: {  	_ =	shalt  }
0x51: {  	_ =	shalt  }
0x52: {  	_ =	shalt  }
0x53: {  	_ =	shalt  }
0x54: {  	_ =	shalt  }
0x55: {  	_ =	shalt  }
0x56: {  	_ =	shalt  }
0x57: {  	_ =	shalt  }
0x58: {  	_ =	shalt  }
0x59: {  	_ =	shalt  }
0x5a: {  	_ =	shalt  }
0x5b: {  	_ =	shalt  }
0x5c: {  	_ =	shalt  }
0x5d: {  	_ =	shalt  }
0x5e: {  	_ =	shalt  }
0x5f: {  	_ =	shalt  }
0x60: {  	_ =	shalt  }
0x61: {  	_ =	shalt  }
0x62: {  	_ =	shalt  }
0x63: {  	_ =	shalt  }
0x64: {  	_ =	shalt  }
0x65: {  	_ =	shalt  }
0x66: {  	_ =	shalt  }
0x67: {  	_ =	shalt  }
0x68: {  	_ =	shalt  }
0x69: {  	_ =	shalt  }
0x6a: {  	_ =	shalt  }
0x6b: {  	_ =	shalt  }
0x6c: {  	_ =	shalt  }
0x6d: {  	_ =	shalt  }
0x6e: {  	_ =	shalt  }
0x6f: {  	_ =	shalt  }
0x70: {  	_ =	shalt  }
0x71: {  	_ =	shalt  }
0x72: {  	_ =	shalt  }
0x73: {  	_ =	shalt  }
0x74: {  	_ =	shalt  }
0x75: {  	_ =	shalt  }
0x76: {  	_ =	shalt  }
0x77: {  	_ =	shalt  }
0x78: {  	_ =	shalt  }
0x79: {  	_ =	shalt  }
0x7a: {  	_ =	shalt  }
0x7b: {  	_ =	shalt  }
0x7c: {  	_ =	shalt  }
0x7d: {  	_ =	shalt  }
0x7e: {  	_ =	shalt  }
0x7f: {  	_ =	shalt  }
0x80: {  	_ =	shalt  }
0x81: {  	_ =	shalt  }
0x82: {  	_ =	shalt  }
0x83: {  	_ =	shalt  }
0x84: {  	_ =	shalt  }
0x85: {  	_ =	shalt  }
0x86: {  	_ =	shalt  }
0x87: {  	_ =	shalt  }
.Lfunc_end0:
.L_simem_size_0:
called_computation_lowered:
.L_overlay_start_0:
0x88: {  	s2 =	sld [smem:$0x3FD9]  }
0x89: {  	s3 =	sld [smem:$0x3FFE];
	_ =	sdelay $0x1  }
0x8a: {  	s1 =	srdreg.scid  }
0x8b: {  	s0 =	sand.u32 $0x1, s1  }
0x8c: {  	s17 =	sshll.u32 s0, $0xA;
	s2 =	sadd.s32 s3, s2  }
0x8d: {  	s2 =	sadd.s32 s2, s17  }
0x8e: {  	[smem:$0x3FC3] =	sst s2  }
0x8f: {  	_ = 	snop  }
0x90: {  	s2 =	sld [smem:$0x3FC6]  }
0x91: {  	s18 =	sld [smem:$0x3FC5];
	(tm) =	ssettm $0x1  }
0x92: {  	s4 =	sld [smem:$0x3FFB];
	_ =	sdelay $0x3  }
0x93: {  	_ =	strace s4  }
0x94: {  	s4 =	sld [smem:$0x3FFC];
	_ =	sdelay $0x3  }
0x95: {  	_ =	strace s4  }
0x96: {  	s4 =	sld [smem:$0x3FFD];
	_ =	sdelay $0x3  }
0x97: {  	_ =	strace s4  }
0x98: {  	_ =	strace $0x8FFFFFFF  }
0x99: {  	s19 =	sld [smem:$0x3FDB];
	_ =	sdelay $0x1  }
0x9a: {  	s5 =	simm.s32 $_scs_section_size  }
0x9b: {  	s6 =	simm.s32 $_size__tile_overlayer_lowered;
	s7 =	simm.s32 $_tile_overlayer_lowered  }
0x9c: {  	s22 =	simm.s32 $0x1BFF;
	s21 =	sshll.u32 s7, $0x1;
	s4 =	sadd.s32 s5, s19  }
0x9d: {  	s8 =	simm.s32 $0x0;
	s20 =	sshll.u32 s6, $0x1;
	s6 =	sadd.s32 s21, s4  }
0x9e: {  	[timem:s8], [sflag:s22] =	dma.local [hbm:s6], s20  }
0x9f: {  	_ =	swait.ge [sflag:s22], s20  }
0xa0: {  	s5 =	ssub.s32 $0x0, s20;
	[sflag:s22] =	ssyncset.done $0x0  }
0xa1: {  	[sflag:s22] =	ssyncadd.s32 s5;
	_ =	sdelay $0x1  }
0xa2: {  	s23 =	simm.s32 $0x1B8B  }
0xa3: {  	_ =	swait.ge [sflag:s23], $0x1  }
0xa4: {  	[sflag:s23] =	ssyncset.done $0x0  }
0xa5: {  	s25 =	simm.s32 $0x1B8E;
	s24 =	sld [smem:$0x3FFE];
	[sflag:s23] =	ssyncadd.s32 $0xFFFFFFFF  }
0xa6: {  	s26 =	simm.s32 $execute0_lowered;
	[smem:$0x3FD2] =	sst s25  }
0xa7: {  	s6 =	sshll.u32 s26, $0x1;
	_ =	strace $0x80000046;
	[dreg:$0x1] =	wrdreg $0xFFFFFFFF  }
0xa8: {  	s28 =	simm.s32 $_size_execute0_lowered;
	s4 =	sadd.s32 s4, s6;
	[dreg:$0x0] =	wrdreg $0x0  }
0xa9: {  	s6 =	sshll.u32 s28, $0x1;
	[dreg:$0x2] =	wrdreg s4  }
0xaa: {  	[dreg:$0x3] =	wrdreg s6  }
0xab: {  	[dreg:$0x4] =	wrdreg $0xC0  }
0xac: {  	_ =	task [dreg:s8], $0x5FFFF  }
0xad: {  	[dreg:$0x1] =	wrdreg $0xFFFFFFFF  }
0xae: {  	[dreg:$0x0] =	wrdreg $0x60  }
0xaf: {  	[dreg:$0x2] =	wrdreg s24  }
0xb0: {  	[dreg:$0x3] =	wrdreg s2  }
0xb1: {  	[dreg:$0x4] =	wrdreg s18  }
0xb2: {  	[dreg:$0x5] =	wrdreg $0x9  }
0xb3: {  	_ =	task.clear_ibuf [dreg:s8], $0x6FFFF;
	_ =	strace $0x90000046  }
0xb4: {  	s29 =	simm.s32 $0x9;
	_ =	strace $0x80000048  }
0xb5: {  	_ =	swait.ge [sflag:s29], $0x1  }
0xb6: {  	[sflag:s29] =	ssyncadd.s32 $0xFFFFFFFF  }
0xb7: {  	_ =	strace $0x90000048  }
0xb8: {  	_ =	sfence  }
0xb9: {  	s30 =	sld [smem:$0x0];
	_ =	sdelay $0x2  }
0xba: {  	s31 =	sshll.u32 s1, $0xD;
	s1 =	sshrl.u32 s1, $0x2  }
0xbb: {  	s3 =	sand.u32 $0x4000, s31;
	s1 =	sadd.s32 s1, s30  }
0xbc: {  	s0 =	sor.u32 s3, s0;
	s1 =	sshll.u32 s1, $0x11  }
0xbd: {  	s0 =	sor.u32 s1, s0  }
0xbe: {  	s0 =	sadd.s32 $0x8F2B, s0  }
0xbf: {  	[sflag:s0] =	ssyncadd.remote.s32 $0x1  }
0xc0: {  	_ =	sfence.sel $0xFFFF  }
0xc1: {  	[dreg:$0x0] =	wrdreg $0xFFFFFFFF;
	(pc) =	sbr.abs _section_cstart, $3  }
0xc2: {  	[dreg:$0x1] =	wrdreg $0xFFFFFFFF  }
0xc3: {  	_ =	task.clear_ibuf [dreg:s8], $0x2FFFF;
	_ =	strace $0x9FFFFFFF  }
0xc4: {  	(tm) =	ssettm $0x7FFFFFFF  }
0xc5: {  	_ =	shalt  }
tec
execute0_lowered:
.L_overlay_start_1:
0x0: {  	(tag) =	ssettag $0x1  }
0x1: {  	s4 =	rddreg [dreg:$0x0]  }
0x2: {  	s6 =	rddreg [dreg:$0x1]  }
0x3: {  	s2 =	rddreg [dreg:$0x2];
	s3 =	srdreg.scid  }
0x4: {  	s0 =	rddreg [dreg:$0x3];
	s1 =	stileid.u32;
	s12 =	simm.s32 $0x8000  }
0x5: {  	s13 =	simm.s32 $0x12000;
	s14 =	simm.s32 $0x3;
	s15 =	simm.s32 $0x10000  }
0x6: {  	s16 =	simm.s32 $0x10800;
	s17 =	simm.s32 $0x11000;
	s18 =	simm.s32 $0x11800  }
0x7: {  	s19 =	simm.s32 $0x1;
	s20 =	simm.s32 $0x2;
	s21 =	simm.s32 $0x0  }
0x8: {  	s5 =	sand.u32 $0x1, s3;
	s3 =	simm.s32 $0x0;
	s7 =	sshll.u32 s1, $0x4  }
0x9: {  	s8 =	sshll.u32 s5, $0x3;
	[smem:$0x7FF] =	sst s3;
	s5 =	ssub.s32 $0x2, s5  }
0xa: {  	s7 =	sor.u32 s8, s7;
	_ =	strace $0x80000047;
	s9 =	sshrl.u32 s5, $0x1  }
0xb: {  	s8 =	sshll.u32 s7, $0x9;
	s11 =	ssub.s32 s5, s9;
	s7 =	sshrl.u32 s7, $0x3  }
0xc: {  	v0 =	vlaneseq.u32;
	s9 =	sadd.s32 $0x300, s2;
	s10 =	sadd.s32 s8, s4;
	s6 =	sadd.s32 s6, s7  }
0xd: {  	v1 =	vshrl.u32 v0, $0x3;
	s7 =	sadd.s32 $0x100, s2;
	s8 =	sadd.s32 $0x200, s2;
	s11 =	smax.u32 s11, $0x1  }
0xe: {  	vm0 =	vmmov $0xffff;
	v0 =	vand.u32 $0x7, v0;
	v1 =	vmul.u32 $0x8, v1;
	s4 =	sadd.s32 $0x20E00, s10;
	s5 =	sadd.s32 $0xE00, s10;
	s10 =	sadd.s32 $0x40E00, s10  }
.LBB2_1:
0xf: {  	[tilespmem:s3], [sflag:$0x2] =	stream.linear.gather [hbm4b:s4+s3], $0x8000, $0x38;
	[tilespmem:$0x12080] =	vst v63  }
0x10: {  	_ = 	snop  }
0x11: {  	[tilespmem:s12], [sflag:$0x2] =	stream.linear.gather [hbm4b:s5+s3], $0x8000, $0x38;
	[tilespmem:$0x12080] =	vst v63  }
0x12: {  	_ = 	snop  }
0x13: {  	[tilespmem:s13], [sflag:$0x3] =	stream.linear.gather [hbm4b:s6+s3], $0x8, $0x38;
	[tilespmem:$0x12080] =	vst v63  }
0x14: {  	_ =	swait.ge [sflag:s14], $0x8  }
0x15: {  	[sflag:s14] =	ssyncset.done $0x0  }
0x16: {  	[sflag:s14] =	ssyncadd.s32 $0xFFFFFFF8  }
0x17: {  	v2 =	vld.msk [tilespmem:$0x12000], $0xff;
	_ =	sdelay $0x4  }
0x18: {  	v3 =	vshll.u32 v2, $0x3  }
0x19: {  	v2 =	vand.u32 $0x7, v2;
	v3 =	vand.u32 $0xFFFFFFC0, v3  }
0x1a: {  	v2 =	vor.u32 v2, v3  }
0x1b: {  	v2 =	vperm.xlane v2, v0;
	_ =	sdelay $0x1  }
0x1c: {  	v2 =	vadd.s32 v1, v2;
	_ =	sdelay $0x4  }
0x1d: {  	[tilespmem:s15], [sflag:$0x1] =	stream.indirect_vreg.gather [hbm4b:s2+s3], $0x80, v2, vm0, $0xb8;
	[tilespmem:$0x12080] =	vst v63  }
0x1e: {  	_ = 	snop  }
0x1f: {  	[tilespmem:s16], [sflag:$0x1] =	stream.indirect_vreg.gather [hbm4b:s7+s3], $0x80, v2, vm0, $0xb8;
	[tilespmem:$0x12080] =	vst v63  }
0x20: {  	_ = 	snop  }
0x21: {  	[tilespmem:s17], [sflag:$0x1] =	stream.indirect_vreg.gather [hbm4b:s8+s3], $0x80, v2, vm0, $0xb8;
	[tilespmem:$0x12080] =	vst v63  }
0x22: {  	_ = 	snop  }
0x23: {  	[tilespmem:s18], [sflag:$0x1] =	stream.indirect_vreg.gather [hbm4b:s9+s3], $0x80, v2, vm0, $0xb8;
	[tilespmem:$0x12080] =	vst v63  }
0x24: {  	_ =	swait.ge [sflag:s19], $0x2000  }
0x25: {  	[sflag:s19] =	ssyncset.done $0x0  }
0x26: {  	[sflag:s19] =	ssyncadd.s32 $0xFFFFE000  }
0x27: {  	_ =	swait.ge [sflag:s20], $0x8000  }
0x28: {  	[sflag:s20] =	ssyncset.done $0x0  }
0x29: {  	[sflag:s20] =	ssyncadd.s32 $0xFFFF8000  }
0x2a: {  	_ =	swait.ge [sflag:s20], $0x8000  }
0x2b: {  	[sflag:s20] =	ssyncset.done $0x0  }
0x2c: {  	s22 =	simm.s32 $0x0;
	[sflag:s20] =	ssyncadd.s32 $0xFFFF8000  }
.LBB2_2:
0x2d: {  	s31 =	sshll.u32 s22, $0xC  }
0x2e: {  	v3 =	vld [tilespmem:s31+$0x0]  }
0x2f: {  	v4 =	vld [tilespmem:s31+$0x8000]  }
0x30: {  	v5 =	vld [tilespmem:s31+$0x80]  }
0x31: {  	v6 =	vld [tilespmem:s31+$0x8080]  }
0x32: {  	s23 =	sshll.u32 s22, $0x7;
	v7 =	vld [tilespmem:s31+$0x100]  }
0x33: {  	s24 =	sand.u32 $0x3FFFFF80, s23;
	v8 =	vld [tilespmem:s31+$0x8100]  }
0x34: {  	v2 =	vld [tilespmem:s24+$0x10000];
	_ =	sdelay $0x2  }
0x35: {  	v4 =	vsub.f32 v4, v3  }
0x36: {  	v6 =	vsub.f32 v6, v5  }
0x37: {  	v8 =	vsub.f32 v8, v7;
	v4 =	vmul.f32 v4, v2  }
0x38: {  	v51 =	vld [tilespmem:s31+$0x8010];
	v6 =	vmul.f32 v6, v2  }
0x39: {  	v52 =	vld [tilespmem:s31+$0x90];
	v2 =	vmul.f32 v8, v2;
	v3 =	vadd.f32 v4, v3  }
0x3a: {  	v53 =	vld [tilespmem:s31+$0x8090];
	v50 =	vadd.f32 v6, v5  }
0x3b: {  	v54 =	vld [tilespmem:s31+$0x110];
	v2 =	vadd.f32 v2, v7;
	[tilespmem:s31+$0x0] =	vst v3  }
0x3c: {  	v55 =	vld [tilespmem:s31+$0x8110];
	[tilespmem:s31+$0x80] =	vst v50  }
0x3d: {  	[tilespmem:s31+$0x100] =	vst v2;
	v3 =	vld [tilespmem:s31+$0x10]  }
0x3e: {  	v2 =	vld [tilespmem:s24+$0x10010];
	_ =	sdelay $0x2  }
0x3f: {  	v6 =	vsub.f32 v53, v52  }
0x40: {  	v4 =	vsub.f32 v51, v3  }
0x41: {  	v8 =	vsub.f32 v55, v54;
	v6 =	vmul.f32 v6, v2  }
0x42: {  	v57 =	vld [tilespmem:s31+$0x8020];
	v4 =	vmul.f32 v4, v2  }
0x43: {  	v58 =	vld [tilespmem:s31+$0xA0];
	v2 =	vmul.f32 v8, v2;
	v56 =	vadd.f32 v6, v52  }
0x44: {  	v59 =	vld [tilespmem:s31+$0x80A0];
	v3 =	vadd.f32 v4, v3  }
0x45: {  	v60 =	vld [tilespmem:s31+$0x120];
	v2 =	vadd.f32 v2, v54;
	[tilespmem:s31+$0x90] =	vst v56  }
0x46: {  	v61 =	vld [tilespmem:s31+$0x8120];
	[tilespmem:s31+$0x10] =	vst v3  }
0x47: {  	[tilespmem:s31+$0x110] =	vst v2;
	v3 =	vld [tilespmem:s31+$0x20]  }
0x48: {  	v2 =	vld [tilespmem:s24+$0x10020];
	_ =	sdelay $0x2  }
0x49: {  	v6 =	vsub.f32 v59, v58  }
0x4a: {  	v4 =	vsub.f32 v57, v3  }
0x4b: {  	v8 =	vsub.f32 v61, v60;
	v6 =	vmul.f32 v6, v2  }
0x4c: {  	v63 =	vld [tilespmem:s31+$0x8030];
	v4 =	vmul.f32 v4, v2  }
0x4d: {  	v12 =	vld [tilespmem:s31+$0xB0];
	v2 =	vmul.f32 v8, v2;
	v62 =	vadd.f32 v6, v58  }
0x4e: {  	v13 =	vld [tilespmem:s31+$0x80B0];
	v3 =	vadd.f32 v4, v3  }
0x4f: {  	v14 =	vld [tilespmem:s31+$0x130];
	v2 =	vadd.f32 v2, v60;
	[tilespmem:s31+$0xA0] =	vst v62  }
0x50: {  	v15 =	vld [tilespmem:s31+$0x8130];
	[tilespmem:s31+$0x20] =	vst v3  }
0x51: {  	[tilespmem:s31+$0x120] =	vst v2;
	v3 =	vld [tilespmem:s31+$0x30]  }
0x52: {  	v2 =	vld [tilespmem:s24+$0x10030];
	_ =	sdelay $0x2  }
0x53: {  	v6 =	vsub.f32 v13, v12  }
0x54: {  	v4 =	vsub.f32 v63, v3  }
0x55: {  	v8 =	vsub.f32 v15, v14;
	v6 =	vmul.f32 v6, v2  }
0x56: {  	v17 =	vld [tilespmem:s31+$0x8040];
	v4 =	vmul.f32 v4, v2  }
0x57: {  	v18 =	vld [tilespmem:s31+$0xC0];
	v2 =	vmul.f32 v8, v2;
	v16 =	vadd.f32 v6, v12  }
0x58: {  	v19 =	vld [tilespmem:s31+$0x80C0];
	v3 =	vadd.f32 v4, v3  }
0x59: {  	v20 =	vld [tilespmem:s31+$0x140];
	v2 =	vadd.f32 v2, v14;
	[tilespmem:s31+$0xB0] =	vst v16  }
0x5a: {  	v21 =	vld [tilespmem:s31+$0x8140];
	[tilespmem:s31+$0x30] =	vst v3  }
0x5b: {  	[tilespmem:s31+$0x130] =	vst v2;
	v3 =	vld [tilespmem:s31+$0x40]  }
0x5c: {  	v2 =	vld [tilespmem:s24+$0x10040];
	_ =	sdelay $0x2  }
0x5d: {  	v6 =	vsub.f32 v19, v18  }
0x5e: {  	v4 =	vsub.f32 v17, v3  }
0x5f: {  	v8 =	vsub.f32 v21, v20;
	v6 =	vmul.f32 v6, v2  }
0x60: {  	v23 =	vld [tilespmem:s31+$0x8050];
	v4 =	vmul.f32 v4, v2  }
0x61: {  	v24 =	vld [tilespmem:s31+$0xD0];
	v2 =	vmul.f32 v8, v2;
	v22 =	vadd.f32 v6, v18  }
0x62: {  	v25 =	vld [tilespmem:s31+$0x80D0];
	v3 =	vadd.f32 v4, v3  }
0x63: {  	v26 =	vld [tilespmem:s31+$0x150];
	v2 =	vadd.f32 v2, v20;
	[tilespmem:s31+$0xC0] =	vst v22  }
0x64: {  	v27 =	vld [tilespmem:s31+$0x8150];
	[tilespmem:s31+$0x40] =	vst v3  }
0x65: {  	[tilespmem:s31+$0x140] =	vst v2;
	v3 =	vld [tilespmem:s31+$0x50]  }
0x66: {  	v2 =	vld [tilespmem:s24+$0x10050];
	_ =	sdelay $0x2  }
0x67: {  	v6 =	vsub.f32 v25, v24  }
0x68: {  	v4 =	vsub.f32 v23, v3  }
0x69: {  	v8 =	vsub.f32 v27, v26;
	v6 =	vmul.f32 v6, v2  }
0x6a: {  	v29 =	vld [tilespmem:s31+$0x8060];
	v4 =	vmul.f32 v4, v2  }
0x6b: {  	v30 =	vld [tilespmem:s31+$0xE0];
	v2 =	vmul.f32 v8, v2;
	v28 =	vadd.f32 v6, v24  }
0x6c: {  	v31 =	vld [tilespmem:s31+$0x80E0];
	v3 =	vadd.f32 v4, v3  }
0x6d: {  	v32 =	vld [tilespmem:s31+$0x160];
	v2 =	vadd.f32 v2, v26;
	[tilespmem:s31+$0xD0] =	vst v28  }
0x6e: {  	v33 =	vld [tilespmem:s31+$0x8160];
	[tilespmem:s31+$0x50] =	vst v3  }
0x6f: {  	[tilespmem:s31+$0x150] =	vst v2;
	v3 =	vld [tilespmem:s31+$0x60]  }
0x70: {  	v2 =	vld [tilespmem:s24+$0x10060];
	_ =	sdelay $0x2  }
0x71: {  	v6 =	vsub.f32 v31, v30  }
0x72: {  	v4 =	vsub.f32 v29, v3  }
0x73: {  	v8 =	vsub.f32 v33, v32;
	v6 =	vmul.f32 v6, v2  }
0x74: {  	v35 =	vld [tilespmem:s31+$0x8070];
	v4 =	vmul.f32 v4, v2  }
0x75: {  	v36 =	vld [tilespmem:s31+$0xF0];
	v2 =	vmul.f32 v8, v2;
	v34 =	vadd.f32 v6, v30  }
0x76: {  	v37 =	vld [tilespmem:s31+$0x80F0];
	v3 =	vadd.f32 v4, v3  }
0x77: {  	v38 =	vld [tilespmem:s31+$0x170];
	v2 =	vadd.f32 v2, v32;
	[tilespmem:s31+$0xE0] =	vst v34  }
0x78: {  	v39 =	vld [tilespmem:s31+$0x8170];
	[tilespmem:s31+$0x60] =	vst v3  }
0x79: {  	[tilespmem:s31+$0x160] =	vst v2;
	v3 =	vld [tilespmem:s31+$0x70]  }
0x7a: {  	v2 =	vld [tilespmem:s24+$0x10070];
	_ =	sdelay $0x2  }
0x7b: {  	v6 =	vsub.f32 v37, v36  }
0x7c: {  	v4 =	vsub.f32 v35, v3  }
0x7d: {  	v8 =	vsub.f32 v39, v38;
	v6 =	vmul.f32 v6, v2  }
0x7e: {  	v41 =	vld [tilespmem:s31+$0x8200];
	v4 =	vmul.f32 v4, v2  }
0x7f: {  	v42 =	vld [tilespmem:s31+$0x280];
	v2 =	vmul.f32 v8, v2;
	v40 =	vadd.f32 v6, v36  }
0x80: {  	v43 =	vld [tilespmem:s31+$0x8280];
	v3 =	vadd.f32 v4, v3  }
0x81: {  	v44 =	vld [tilespmem:s31+$0x300];
	v2 =	vadd.f32 v2, v38;
	[tilespmem:s31+$0xF0] =	vst v40  }
0x82: {  	v45 =	vld [tilespmem:s31+$0x8300];
	[tilespmem:s31+$0x70] =	vst v3  }
0x83: {  	[tilespmem:s31+$0x170] =	vst v2;
	v3 =	vld [tilespmem:s31+$0x200]  }
0x84: {  	v2 =	vld [tilespmem:s24+$0x10400];
	_ =	sdelay $0x2  }
0x85: {  	v6 =	vsub.f32 v43, v42  }
0x86: {  	v4 =	vsub.f32 v41, v3  }
0x87: {  	v8 =	vsub.f32 v45, v44;
	v6 =	vmul.f32 v6, v2  }
0x88: {  	v47 =	vld [tilespmem:s31+$0x8210];
	v4 =	vmul.f32 v4, v2  }
0x89: {  	v48 =	vld [tilespmem:s31+$0x290];
	v2 =	vmul.f32 v8, v2;
	v46 =	vadd.f32 v6, v42  }
0x8a: {  	v49 =	vld [tilespmem:s31+$0x8290];
	v3 =	vadd.f32 v4, v3  }
0x8b: {  	v50 =	vld [tilespmem:s31+$0x310];
	v2 =	vadd.f32 v2, v44;
	[tilespmem:s31+$0x280] =	vst v46  }
0x8c: {  	v51 =	vld [tilespmem:s31+$0x8310];
	[tilespmem:s31+$0x200] =	vst v3  }
0x8d: {  	[tilespmem:s31+$0x300] =	vst v2;
	v3 =	vld [tilespmem:s31+$0x210]  }
0x8e: {  	v2 =	vld [tilespmem:s24+$0x10410];
	_ =	sdelay $0x2  }
0x8f: {  	v6 =	vsub.f32 v49, v48  }
0x90: {  	v4 =	vsub.f32 v47, v3  }
0x91: {  	v8 =	vsub.f32 v51, v50;
	v6 =	vmul.f32 v6, v2  }
0x92: {  	v55 =	vld [tilespmem:s31+$0x82A0];
	v4 =	vmul.f32 v4, v2  }
0x93: {  	v53 =	vld [tilespmem:s31+$0x8220];
	v2 =	vmul.f32 v8, v2;
	v52 =	vadd.f32 v6, v48  }
0x94: {  	v54 =	vld [tilespmem:s31+$0x2A0];
	v3 =	vadd.f32 v4, v3  }
0x95: {  	v56 =	vld [tilespmem:s31+$0x320];
	v2 =	vadd.f32 v2, v50;
	[tilespmem:s31+$0x290] =	vst v52  }
0x96: {  	v57 =	vld [tilespmem:s31+$0x8320];
	[tilespmem:s31+$0x210] =	vst v3  }
0x97: {  	[tilespmem:s31+$0x310] =	vst v2;
	v3 =	vld [tilespmem:s31+$0x220]  }
0x98: {  	v2 =	vld [tilespmem:s24+$0x10420];
	_ =	sdelay $0x2  }
0x99: {  	v6 =	vsub.f32 v55, v54  }
0x9a: {  	v4 =	vsub.f32 v53, v3  }
0x9b: {  	v8 =	vsub.f32 v57, v56;
	v6 =	vmul.f32 v6, v2  }
0x9c: {  	v61 =	vld [tilespmem:s31+$0x82B0];
	v4 =	vmul.f32 v4, v2  }
0x9d: {  	v59 =	vld [tilespmem:s31+$0x8230];
	v2 =	vmul.f32 v8, v2;
	v58 =	vadd.f32 v6, v54  }
0x9e: {  	v60 =	vld [tilespmem:s31+$0x2B0];
	v3 =	vadd.f32 v4, v3  }
0x9f: {  	v62 =	vld [tilespmem:s31+$0x330];
	v2 =	vadd.f32 v2, v56;
	[tilespmem:s31+$0x2A0] =	vst v58  }
0xa0: {  	v63 =	vld [tilespmem:s31+$0x8330];
	[tilespmem:s31+$0x220] =	vst v3  }
0xa1: {  	[tilespmem:s31+$0x320] =	vst v2;
	v3 =	vld [tilespmem:s31+$0x230]  }
0xa2: {  	v2 =	vld [tilespmem:s24+$0x10430];
	_ =	sdelay $0x2  }
0xa3: {  	v6 =	vsub.f32 v61, v60  }
0xa4: {  	v4 =	vsub.f32 v59, v3  }
0xa5: {  	v8 =	vsub.f32 v63, v62;
	v6 =	vmul.f32 v6, v2  }
0xa6: {  	v15 =	vld [tilespmem:s31+$0x82C0];
	v4 =	vmul.f32 v4, v2  }
0xa7: {  	v13 =	vld [tilespmem:s31+$0x8240];
	v2 =	vmul.f32 v8, v2;
	v12 =	vadd.f32 v6, v60  }
0xa8: {  	v14 =	vld [tilespmem:s31+$0x2C0];
	v3 =	vadd.f32 v4, v3  }
0xa9: {  	v16 =	vld [tilespmem:s31+$0x340];
	v2 =	vadd.f32 v2, v62;
	[tilespmem:s31+$0x2B0] =	vst v12  }
0xaa: {  	v17 =	vld [tilespmem:s31+$0x8340];
	[tilespmem:s31+$0x230] =	vst v3  }
0xab: {  	[tilespmem:s31+$0x330] =	vst v2;
	v3 =	vld [tilespmem:s31+$0x240]  }
0xac: {  	v2 =	vld [tilespmem:s24+$0x10440];
	_ =	sdelay $0x2  }
0xad: {  	v6 =	vsub.f32 v15, v14  }
0xae: {  	v4 =	vsub.f32 v13, v3  }
0xaf: {  	v8 =	vsub.f32 v17, v16;
	v6 =	vmul.f32 v6, v2  }
0xb0: {  	v21 =	vld [tilespmem:s31+$0x82D0];
	v4 =	vmul.f32 v4, v2  }
0xb1: {  	v19 =	vld [tilespmem:s31+$0x8250];
	v2 =	vmul.f32 v8, v2;
	v18 =	vadd.f32 v6, v14  }
0xb2: {  	v20 =	vld [tilespmem:s31+$0x2D0];
	v3 =	vadd.f32 v4, v3  }
0xb3: {  	v22 =	vld [tilespmem:s31+$0x350];
	v2 =	vadd.f32 v2, v16;
	[tilespmem:s31+$0x2C0] =	vst v18  }
0xb4: {  	v23 =	vld [tilespmem:s31+$0x8350];
	[tilespmem:s31+$0x240] =	vst v3  }
0xb5: {  	[tilespmem:s31+$0x340] =	vst v2;
	v3 =	vld [tilespmem:s31+$0x250]  }
0xb6: {  	v2 =	vld [tilespmem:s24+$0x10450];
	_ =	sdelay $0x2  }
0xb7: {  	v6 =	vsub.f32 v21, v20  }
0xb8: {  	v4 =	vsub.f32 v19, v3  }
0xb9: {  	v8 =	vsub.f32 v23, v22;
	v6 =	vmul.f32 v6, v2  }
0xba: {  	v4 =	vmul.f32 v4, v2  }
0xbb: {  	v2 =	vmul.f32 v8, v2;
	v24 =	vadd.f32 v6, v20  }
0xbc: {  	v3 =	vadd.f32 v4, v3  }
0xbd: {  	v2 =	vadd.f32 v2, v22;
	[tilespmem:s31+$0x2D0] =	vst v24  }
0xbe: {  	[tilespmem:s31+$0x250] =	vst v3  }
0xbf: {  	[tilespmem:s31+$0x350] =	vst v2  }
0xc0: {  	v2 =	vld [tilespmem:s24+$0x10460]  }
0xc1: {  	v3 =	vld [tilespmem:s31+$0x260]  }
0xc2: {  	v25 =	vld [tilespmem:s31+$0x8260]  }
0xc3: {  	v26 =	vld [tilespmem:s31+$0x2E0]  }
0xc4: {  	v27 =	vld [tilespmem:s31+$0x82E0]  }
0xc5: {  	v28 =	vld [tilespmem:s31+$0x360]  }
0xc6: {  	v29 =	vld [tilespmem:s31+$0x8360];
	_ =	sdelay $0x2  }
0xc7: {  	v4 =	vsub.f32 v25, v3  }
0xc8: {  	v6 =	vsub.f32 v27, v26  }
0xc9: {  	v8 =	vsub.f32 v29, v28;
	v4 =	vmul.f32 v4, v2  }
0xca: {  	v31 =	vld [tilespmem:s31+$0x8270];
	v6 =	vmul.f32 v6, v2  }
0xcb: {  	v32 =	vld [tilespmem:s31+$0x2F0];
	v2 =	vmul.f32 v8, v2;
	v3 =	vadd.f32 v4, v3  }
0xcc: {  	v33 =	vld [tilespmem:s31+$0x82F0];
	v30 =	vadd.f32 v6, v26  }
0xcd: {  	v34 =	vld [tilespmem:s31+$0x370];
	v2 =	vadd.f32 v2, v28;
	[tilespmem:s31+$0x260] =	vst v3  }
0xce: {  	v35 =	vld [tilespmem:s31+$0x8370];
	[tilespmem:s31+$0x2E0] =	vst v30  }
0xcf: {  	[tilespmem:s31+$0x360] =	vst v2;
	v3 =	vld [tilespmem:s31+$0x270]  }
0xd0: {  	v2 =	vld [tilespmem:s24+$0x10470];
	_ =	sdelay $0x2  }
0xd1: {  	v6 =	vsub.f32 v33, v32  }
0xd2: {  	v4 =	vsub.f32 v31, v3  }
0xd3: {  	v8 =	vsub.f32 v35, v34;
	v6 =	vmul.f32 v6, v2  }
0xd4: {  	v37 =	vld [tilespmem:s31+$0x8400];
	v4 =	vmul.f32 v4, v2  }
0xd5: {  	v38 =	vld [tilespmem:s31+$0x480];
	v2 =	vmul.f32 v8, v2;
	v36 =	vadd.f32 v6, v32  }
0xd6: {  	v39 =	vld [tilespmem:s31+$0x8480];
	v3 =	vadd.f32 v4, v3  }
0xd7: {  	v40 =	vld [tilespmem:s31+$0x500];
	v2 =	vadd.f32 v2, v34;
	[tilespmem:s31+$0x2F0] =	vst v36  }
0xd8: {  	v41 =	vld [tilespmem:s31+$0x8500];
	[tilespmem:s31+$0x270] =	vst v3  }
0xd9: {  	[tilespmem:s31+$0x370] =	vst v2;
	v3 =	vld [tilespmem:s31+$0x400]  }
0xda: {  	v2 =	vld [tilespmem:s24+$0x10800];
	_ =	sdelay $0x2  }
0xdb: {  	v6 =	vsub.f32 v39, v38  }
0xdc: {  	v4 =	vsub.f32 v37, v3  }
0xdd: {  	v8 =	vsub.f32 v41, v40;
	v6 =	vmul.f32 v6, v2  }
0xde: {  	v43 =	vld [tilespmem:s31+$0x8410];
	v4 =	vmul.f32 v4, v2  }
0xdf: {  	v44 =	vld [tilespmem:s31+$0x490];
	v2 =	vmul.f32 v8, v2;
	v42 =	vadd.f32 v6, v38  }
0xe0: {  	v45 =	vld [tilespmem:s31+$0x8490];
	v3 =	vadd.f32 v4, v3  }
0xe1: {  	v46 =	vld [tilespmem:s31+$0x510];
	v2 =	vadd.f32 v2, v40;
	[tilespmem:s31+$0x480] =	vst v42  }
0xe2: {  	v47 =	vld [tilespmem:s31+$0x8510];
	[tilespmem:s31+$0x400] =	vst v3  }
0xe3: {  	[tilespmem:s31+$0x500] =	vst v2;
	v3 =	vld [tilespmem:s31+$0x410]  }
0xe4: {  	v2 =	vld [tilespmem:s24+$0x10810];
	_ =	sdelay $0x2  }
0xe5: {  	v6 =	vsub.f32 v45, v44  }
0xe6: {  	v4 =	vsub.f32 v43, v3  }
0xe7: {  	v8 =	vsub.f32 v47, v46;
	v6 =	vmul.f32 v6, v2  }
0xe8: {  	v49 =	vld [tilespmem:s31+$0x8420];
	v4 =	vmul.f32 v4, v2  }
0xe9: {  	v50 =	vld [tilespmem:s31+$0x4A0];
	v2 =	vmul.f32 v8, v2;
	v48 =	vadd.f32 v6, v44  }
0xea: {  	v51 =	vld [tilespmem:s31+$0x84A0];
	v3 =	vadd.f32 v4, v3  }
0xeb: {  	v52 =	vld [tilespmem:s31+$0x520];
	v2 =	vadd.f32 v2, v46;
	[tilespmem:s31+$0x490] =	vst v48  }
0xec: {  	v53 =	vld [tilespmem:s31+$0x8520];
	[tilespmem:s31+$0x410] =	vst v3  }
0xed: {  	[tilespmem:s31+$0x510] =	vst v2;
	v3 =	vld [tilespmem:s31+$0x420]  }
0xee: {  	v2 =	vld [tilespmem:s24+$0x10820];
	_ =	sdelay $0x2  }
0xef: {  	v6 =	vsub.f32 v51, v50  }
0xf0: {  	v4 =	vsub.f32 v49, v3  }
0xf1: {  	v8 =	vsub.f32 v53, v52;
	v6 =	vmul.f32 v6, v2  }
0xf2: {  	v55 =	vld [tilespmem:s31+$0x8430];
	v4 =	vmul.f32 v4, v2  }
0xf3: {  	v56 =	vld [tilespmem:s31+$0x4B0];
	v2 =	vmul.f32 v8, v2;
	v54 =	vadd.f32 v6, v50  }
0xf4: {  	v57 =	vld [tilespmem:s31+$0x84B0];
	v3 =	vadd.f32 v4, v3  }
0xf5: {  	v58 =	vld [tilespmem:s31+$0x530];
	v2 =	vadd.f32 v2, v52;
	[tilespmem:s31+$0x4A0] =	vst v54  }
0xf6: {  	v59 =	vld [tilespmem:s31+$0x8530];
	[tilespmem:s31+$0x420] =	vst v3  }
0xf7: {  	[tilespmem:s31+$0x520] =	vst v2;
	v3 =	vld [tilespmem:s31+$0x430]  }
0xf8: {  	v2 =	vld [tilespmem:s24+$0x10830];
	_ =	sdelay $0x2  }
0xf9: {  	v6 =	vsub.f32 v57, v56  }
0xfa: {  	v4 =	vsub.f32 v55, v3  }
0xfb: {  	v8 =	vsub.f32 v59, v58;
	v6 =	vmul.f32 v6, v2  }
0xfc: {  	v61 =	vld [tilespmem:s31+$0x8440];
	v4 =	vmul.f32 v4, v2  }
0xfd: {  	v62 =	vld [tilespmem:s31+$0x4C0];
	v2 =	vmul.f32 v8, v2;
	v60 =	vadd.f32 v6, v56  }
0xfe: {  	v63 =	vld [tilespmem:s31+$0x84C0];
	v3 =	vadd.f32 v4, v3  }
0xff: {  	v12 =	vld [tilespmem:s31+$0x540];
	v2 =	vadd.f32 v2, v58;
	[tilespmem:s31+$0x4B0] =	vst v60  }
0x100: {  	v13 =	vld [tilespmem:s31+$0x8540];
	[tilespmem:s31+$0x430] =	vst v3  }
0x101: {  	[tilespmem:s31+$0x530] =	vst v2;
	v3 =	vld [tilespmem:s31+$0x440]  }
0x102: {  	v2 =	vld [tilespmem:s24+$0x10840];
	_ =	sdelay $0x2  }
0x103: {  	v6 =	vsub.f32 v63, v62  }
0x104: {  	v4 =	vsub.f32 v61, v3  }
0x105: {  	v8 =	vsub.f32 v13, v12;
	v6 =	vmul.f32 v6, v2  }
0x106: {  	v15 =	vld [tilespmem:s31+$0x8450];
	v4 =	vmul.f32 v4, v2  }
0x107: {  	v16 =	vld [tilespmem:s31+$0x4D0];
	v2 =	vmul.f32 v8, v2;
	v14 =	vadd.f32 v6, v62  }
0x108: {  	v17 =	vld [tilespmem:s31+$0x84D0];
	v3 =	vadd.f32 v4, v3  }
0x109: {  	v18 =	vld [tilespmem:s31+$0x550];
	v2 =	vadd.f32 v2, v12;
	[tilespmem:s31+$0x4C0] =	vst v14  }
0x10a: {  	v19 =	vld [tilespmem:s31+$0x8550];
	[tilespmem:s31+$0x440] =	vst v3  }
0x10b: {  	[tilespmem:s31+$0x540] =	vst v2;
	v3 =	vld [tilespmem:s31+$0x450]  }
0x10c: {  	v2 =	vld [tilespmem:s24+$0x10850];
	_ =	sdelay $0x2  }
0x10d: {  	v6 =	vsub.f32 v17, v16  }
0x10e: {  	v4 =	vsub.f32 v15, v3  }
0x10f: {  	v8 =	vsub.f32 v19, v18;
	v6 =	vmul.f32 v6, v2  }
0x110: {  	v21 =	vld [tilespmem:s31+$0x8460];
	v4 =	vmul.f32 v4, v2  }
0x111: {  	v22 =	vld [tilespmem:s31+$0x4E0];
	v2 =	vmul.f32 v8, v2;
	v20 =	vadd.f32 v6, v16  }
0x112: {  	v23 =	vld [tilespmem:s31+$0x84E0];
	v3 =	vadd.f32 v4, v3  }
0x113: {  	v24 =	vld [tilespmem:s31+$0x560];
	v2 =	vadd.f32 v2, v18;
	[tilespmem:s31+$0x4D0] =	vst v20  }
0x114: {  	v25 =	vld [tilespmem:s31+$0x8560];
	[tilespmem:s31+$0x450] =	vst v3  }
0x115: {  	[tilespmem:s31+$0x550] =	vst v2;
	v3 =	vld [tilespmem:s31+$0x460]  }
0x116: {  	v2 =	vld [tilespmem:s24+$0x10860];
	_ =	sdelay $0x2  }
0x117: {  	v6 =	vsub.f32 v23, v22  }
0x118: {  	v4 =	vsub.f32 v21, v3  }
0x119: {  	v8 =	vsub.f32 v25, v24;
	v6 =	vmul.f32 v6, v2  }
0x11a: {  	v27 =	vld [tilespmem:s31+$0x8470];
	v4 =	vmul.f32 v4, v2  }
0x11b: {  	v29 =	vld [tilespmem:s31+$0x84F0];
	v2 =	vmul.f32 v8, v2;
	v26 =	vadd.f32 v6, v22  }
0x11c: {  	v28 =	vld [tilespmem:s31+$0x4F0];
	v3 =	vadd.f32 v4, v3  }
0x11d: {  	v30 =	vld [tilespmem:s31+$0x570];
	v2 =	vadd.f32 v2, v24;
	[tilespmem:s31+$0x4E0] =	vst v26  }
0x11e: {  	v31 =	vld [tilespmem:s31+$0x8570];
	[tilespmem:s31+$0x460] =	vst v3  }
0x11f: {  	[tilespmem:s31+$0x560] =	vst v2;
	v3 =	vld [tilespmem:s31+$0x470]  }
0x120: {  	v2 =	vld [tilespmem:s24+$0x10870];
	_ =	sdelay $0x2  }
0x121: {  	v6 =	vsub.f32 v29, v28  }
0x122: {  	v4 =	vsub.f32 v27, v3  }
0x123: {  	v8 =	vsub.f32 v31, v30;
	v6 =	vmul.f32 v6, v2  }
0x124: {  	v35 =	vld [tilespmem:s31+$0x8680];
	v4 =	vmul.f32 v4, v2  }
0x125: {  	v33 =	vld [tilespmem:s31+$0x8600];
	v2 =	vmul.f32 v8, v2;
	v32 =	vadd.f32 v6, v28  }
0x126: {  	v34 =	vld [tilespmem:s31+$0x680];
	v3 =	vadd.f32 v4, v3  }
0x127: {  	v36 =	vld [tilespmem:s31+$0x700];
	v2 =	vadd.f32 v2, v30;
	[tilespmem:s31+$0x4F0] =	vst v32  }
0x128: {  	v37 =	vld [tilespmem:s31+$0x8700];
	[tilespmem:s31+$0x470] =	vst v3  }
0x129: {  	[tilespmem:s31+$0x570] =	vst v2;
	v3 =	vld [tilespmem:s31+$0x600]  }
0x12a: {  	v2 =	vld [tilespmem:s24+$0x10C00];
	_ =	sdelay $0x2  }
0x12b: {  	v6 =	vsub.f32 v35, v34  }
0x12c: {  	v4 =	vsub.f32 v33, v3  }
0x12d: {  	v8 =	vsub.f32 v37, v36;
	v6 =	vmul.f32 v6, v2  }
0x12e: {  	v41 =	vld [tilespmem:s31+$0x8690];
	v4 =	vmul.f32 v4, v2  }
0x12f: {  	v39 =	vld [tilespmem:s31+$0x8610];
	v2 =	vmul.f32 v8, v2;
	v38 =	vadd.f32 v6, v34  }
0x130: {  	v40 =	vld [tilespmem:s31+$0x690];
	v3 =	vadd.f32 v4, v3  }
0x131: {  	v42 =	vld [tilespmem:s31+$0x710];
	v2 =	vadd.f32 v2, v36;
	[tilespmem:s31+$0x680] =	vst v38  }
0x132: {  	v43 =	vld [tilespmem:s31+$0x8710];
	[tilespmem:s31+$0x600] =	vst v3  }
0x133: {  	[tilespmem:s31+$0x700] =	vst v2;
	v3 =	vld [tilespmem:s31+$0x610]  }
0x134: {  	v2 =	vld [tilespmem:s24+$0x10C10];
	_ =	sdelay $0x2  }
0x135: {  	v6 =	vsub.f32 v41, v40  }
0x136: {  	v4 =	vsub.f32 v39, v3  }
0x137: {  	v8 =	vsub.f32 v43, v42;
	v6 =	vmul.f32 v6, v2  }
0x138: {  	v47 =	vld [tilespmem:s31+$0x86A0];
	v4 =	vmul.f32 v4, v2  }
0x139: {  	v45 =	vld [tilespmem:s31+$0x8620];
	v2 =	vmul.f32 v8, v2;
	v44 =	vadd.f32 v6, v40  }
0x13a: {  	v46 =	vld [tilespmem:s31+$0x6A0];
	v3 =	vadd.f32 v4, v3  }
0x13b: {  	v48 =	vld [tilespmem:s31+$0x720];
	v2 =	vadd.f32 v2, v42;
	[tilespmem:s31+$0x690] =	vst v44  }
0x13c: {  	v49 =	vld [tilespmem:s31+$0x8720];
	[tilespmem:s31+$0x610] =	vst v3  }
0x13d: {  	[tilespmem:s31+$0x710] =	vst v2;
	v3 =	vld [tilespmem:s31+$0x620]  }
0x13e: {  	v2 =	vld [tilespmem:s24+$0x10C20];
	_ =	sdelay $0x2  }
0x13f: {  	v6 =	vsub.f32 v47, v46  }
0x140: {  	v4 =	vsub.f32 v45, v3  }
0x141: {  	v8 =	vsub.f32 v49, v48;
	v6 =	vmul.f32 v6, v2  }
0x142: {  	v53 =	vld [tilespmem:s31+$0x86B0];
	v4 =	vmul.f32 v4, v2  }
0x143: {  	v51 =	vld [tilespmem:s31+$0x8630];
	v2 =	vmul.f32 v8, v2;
	v50 =	vadd.f32 v6, v46  }
0x144: {  	v52 =	vld [tilespmem:s31+$0x6B0];
	v3 =	vadd.f32 v4, v3  }
0x145: {  	v54 =	vld [tilespmem:s31+$0x730];
	v2 =	vadd.f32 v2, v48;
	[tilespmem:s31+$0x6A0] =	vst v50  }
0x146: {  	v55 =	vld [tilespmem:s31+$0x8730];
	[tilespmem:s31+$0x620] =	vst v3  }
0x147: {  	[tilespmem:s31+$0x720] =	vst v2;
	v3 =	vld [tilespmem:s31+$0x630]  }
0x148: {  	v2 =	vld [tilespmem:s24+$0x10C30];
	_ =	sdelay $0x2  }
0x149: {  	v6 =	vsub.f32 v53, v52  }
0x14a: {  	v4 =	vsub.f32 v51, v3  }
0x14b: {  	v8 =	vsub.f32 v55, v54;
	v6 =	vmul.f32 v6, v2  }
0x14c: {  	v59 =	vld [tilespmem:s31+$0x86C0];
	v4 =	vmul.f32 v4, v2  }
0x14d: {  	v57 =	vld [tilespmem:s31+$0x8640];
	v2 =	vmul.f32 v8, v2;
	v56 =	vadd.f32 v6, v52  }
0x14e: {  	v58 =	vld [tilespmem:s31+$0x6C0];
	v3 =	vadd.f32 v4, v3  }
0x14f: {  	v60 =	vld [tilespmem:s31+$0x740];
	v2 =	vadd.f32 v2, v54;
	[tilespmem:s31+$0x6B0] =	vst v56  }
0x150: {  	v61 =	vld [tilespmem:s31+$0x8740];
	[tilespmem:s31+$0x630] =	vst v3  }
0x151: {  	[tilespmem:s31+$0x730] =	vst v2;
	v3 =	vld [tilespmem:s31+$0x640]  }
0x152: {  	v2 =	vld [tilespmem:s24+$0x10C40];
	_ =	sdelay $0x2  }
0x153: {  	v6 =	vsub.f32 v59, v58  }
0x154: {  	v4 =	vsub.f32 v57, v3  }
0x155: {  	v8 =	vsub.f32 v61, v60;
	v6 =	vmul.f32 v6, v2  }
0x156: {  	v13 =	vld [tilespmem:s31+$0x86D0];
	v4 =	vmul.f32 v4, v2  }
0x157: {  	v63 =	vld [tilespmem:s31+$0x8650];
	v2 =	vmul.f32 v8, v2;
	v62 =	vadd.f32 v6, v58  }
0x158: {  	v12 =	vld [tilespmem:s31+$0x6D0];
	v3 =	vadd.f32 v4, v3  }
0x159: {  	v14 =	vld [tilespmem:s31+$0x750];
	v2 =	vadd.f32 v2, v60;
	[tilespmem:s31+$0x6C0] =	vst v62  }
0x15a: {  	v15 =	vld [tilespmem:s31+$0x8750];
	[tilespmem:s31+$0x640] =	vst v3  }
0x15b: {  	[tilespmem:s31+$0x740] =	vst v2;
	v3 =	vld [tilespmem:s31+$0x650]  }
0x15c: {  	v2 =	vld [tilespmem:s24+$0x10C50];
	_ =	sdelay $0x2  }
0x15d: {  	v6 =	vsub.f32 v13, v12  }
0x15e: {  	v4 =	vsub.f32 v63, v3  }
0x15f: {  	v8 =	vsub.f32 v15, v14;
	v6 =	vmul.f32 v6, v2  }
0x160: {  	v19 =	vld [tilespmem:s31+$0x86E0];
	v4 =	vmul.f32 v4, v2  }
0x161: {  	v17 =	vld [tilespmem:s31+$0x8660];
	v2 =	vmul.f32 v8, v2;
	v16 =	vadd.f32 v6, v12  }
0x162: {  	v18 =	vld [tilespmem:s31+$0x6E0];
	v3 =	vadd.f32 v4, v3  }
0x163: {  	v20 =	vld [tilespmem:s31+$0x760];
	v2 =	vadd.f32 v2, v14;
	[tilespmem:s31+$0x6D0] =	vst v16  }
0x164: {  	v21 =	vld [tilespmem:s31+$0x8760];
	[tilespmem:s31+$0x650] =	vst v3  }
0x165: {  	[tilespmem:s31+$0x750] =	vst v2;
	v3 =	vld [tilespmem:s31+$0x660]  }
0x166: {  	v2 =	vld [tilespmem:s24+$0x10C60];
	_ =	sdelay $0x2  }
0x167: {  	v6 =	vsub.f32 v19, v18  }
0x168: {  	v4 =	vsub.f32 v17, v3  }
0x169: {  	v8 =	vsub.f32 v21, v20;
	v6 =	vmul.f32 v6, v2  }
0x16a: {  	v25 =	vld [tilespmem:s31+$0x86F0];
	v4 =	vmul.f32 v4, v2  }
0x16b: {  	v23 =	vld [tilespmem:s31+$0x8670];
	v2 =	vmul.f32 v8, v2;
	v22 =	vadd.f32 v6, v18  }
0x16c: {  	v24 =	vld [tilespmem:s31+$0x6F0];
	v3 =	vadd.f32 v4, v3  }
0x16d: {  	v26 =	vld [tilespmem:s31+$0x770];
	v2 =	vadd.f32 v2, v20;
	[tilespmem:s31+$0x6E0] =	vst v22  }
0x16e: {  	v27 =	vld [tilespmem:s31+$0x8770];
	[tilespmem:s31+$0x660] =	vst v3  }
0x16f: {  	[tilespmem:s31+$0x760] =	vst v2;
	v3 =	vld [tilespmem:s31+$0x670]  }
0x170: {  	v2 =	vld [tilespmem:s24+$0x10C70];
	_ =	sdelay $0x2  }
0x171: {  	v6 =	vsub.f32 v25, v24  }
0x172: {  	v4 =	vsub.f32 v23, v3  }
0x173: {  	v8 =	vsub.f32 v27, v26;
	v6 =	vmul.f32 v6, v2  }
0x174: {  	v31 =	vld [tilespmem:s31+$0x8880];
	v4 =	vmul.f32 v4, v2  }
0x175: {  	v29 =	vld [tilespmem:s31+$0x8800];
	v2 =	vmul.f32 v8, v2;
	v28 =	vadd.f32 v6, v24  }
0x176: {  	v30 =	vld [tilespmem:s31+$0x880];
	v3 =	vadd.f32 v4, v3  }
0x177: {  	v32 =	vld [tilespmem:s31+$0x900];
	v2 =	vadd.f32 v2, v26;
	[tilespmem:s31+$0x6F0] =	vst v28  }
0x178: {  	v33 =	vld [tilespmem:s31+$0x8900];
	[tilespmem:s31+$0x670] =	vst v3  }
0x179: {  	[tilespmem:s31+$0x770] =	vst v2;
	v3 =	vld [tilespmem:s31+$0x800]  }
0x17a: {  	v2 =	vld [tilespmem:s24+$0x11000];
	_ =	sdelay $0x2  }
0x17b: {  	v6 =	vsub.f32 v31, v30  }
0x17c: {  	v4 =	vsub.f32 v29, v3  }
0x17d: {  	v8 =	vsub.f32 v33, v32;
	v6 =	vmul.f32 v6, v2  }
0x17e: {  	v37 =	vld [tilespmem:s31+$0x8890];
	v4 =	vmul.f32 v4, v2  }
0x17f: {  	v35 =	vld [tilespmem:s31+$0x8810];
	v2 =	vmul.f32 v8, v2;
	v34 =	vadd.f32 v6, v30  }
0x180: {  	v36 =	vld [tilespmem:s31+$0x890];
	v3 =	vadd.f32 v4, v3  }
0x181: {  	v38 =	vld [tilespmem:s31+$0x910];
	v2 =	vadd.f32 v2, v32;
	[tilespmem:s31+$0x880] =	vst v34  }
0x182: {  	v39 =	vld [tilespmem:s31+$0x8910];
	[tilespmem:s31+$0x800] =	vst v3  }
0x183: {  	[tilespmem:s31+$0x900] =	vst v2;
	v3 =	vld [tilespmem:s31+$0x810]  }
0x184: {  	v2 =	vld [tilespmem:s24+$0x11010];
	_ =	sdelay $0x2  }
0x185: {  	v6 =	vsub.f32 v37, v36  }
0x186: {  	v4 =	vsub.f32 v35, v3  }
0x187: {  	v8 =	vsub.f32 v39, v38;
	v6 =	vmul.f32 v6, v2  }
0x188: {  	v43 =	vld [tilespmem:s31+$0x88A0];
	v4 =	vmul.f32 v4, v2  }
0x189: {  	v41 =	vld [tilespmem:s31+$0x8820];
	v2 =	vmul.f32 v8, v2;
	v40 =	vadd.f32 v6, v36  }
0x18a: {  	v42 =	vld [tilespmem:s31+$0x8A0];
	v3 =	vadd.f32 v4, v3  }
0x18b: {  	v44 =	vld [tilespmem:s31+$0x920];
	v2 =	vadd.f32 v2, v38;
	[tilespmem:s31+$0x890] =	vst v40  }
0x18c: {  	v45 =	vld [tilespmem:s31+$0x8920];
	[tilespmem:s31+$0x810] =	vst v3  }
0x18d: {  	[tilespmem:s31+$0x910] =	vst v2;
	v3 =	vld [tilespmem:s31+$0x820]  }
0x18e: {  	v2 =	vld [tilespmem:s24+$0x11020];
	_ =	sdelay $0x2  }
0x18f: {  	v6 =	vsub.f32 v43, v42  }
0x190: {  	v4 =	vsub.f32 v41, v3  }
0x191: {  	v8 =	vsub.f32 v45, v44;
	v6 =	vmul.f32 v6, v2  }
0x192: {  	v49 =	vld [tilespmem:s31+$0x88B0];
	v4 =	vmul.f32 v4, v2  }
0x193: {  	v47 =	vld [tilespmem:s31+$0x8830];
	v2 =	vmul.f32 v8, v2;
	v46 =	vadd.f32 v6, v42  }
0x194: {  	v48 =	vld [tilespmem:s31+$0x8B0];
	v3 =	vadd.f32 v4, v3  }
0x195: {  	v50 =	vld [tilespmem:s31+$0x930];
	v2 =	vadd.f32 v2, v44;
	[tilespmem:s31+$0x8A0] =	vst v46  }
0x196: {  	v51 =	vld [tilespmem:s31+$0x8930];
	[tilespmem:s31+$0x820] =	vst v3  }
0x197: {  	[tilespmem:s31+$0x920] =	vst v2;
	v3 =	vld [tilespmem:s31+$0x830]  }
0x198: {  	v2 =	vld [tilespmem:s24+$0x11030];
	_ =	sdelay $0x2  }
0x199: {  	v6 =	vsub.f32 v49, v48  }
0x19a: {  	v4 =	vsub.f32 v47, v3  }
0x19b: {  	v8 =	vsub.f32 v51, v50;
	v6 =	vmul.f32 v6, v2  }
0x19c: {  	v55 =	vld [tilespmem:s31+$0x88C0];
	v4 =	vmul.f32 v4, v2  }
0x19d: {  	v53 =	vld [tilespmem:s31+$0x8840];
	v2 =	vmul.f32 v8, v2;
	v52 =	vadd.f32 v6, v48  }
0x19e: {  	v54 =	vld [tilespmem:s31+$0x8C0];
	v3 =	vadd.f32 v4, v3  }
0x19f: {  	v56 =	vld [tilespmem:s31+$0x940];
	v2 =	vadd.f32 v2, v50;
	[tilespmem:s31+$0x8B0] =	vst v52  }
0x1a0: {  	v57 =	vld [tilespmem:s31+$0x8940];
	[tilespmem:s31+$0x830] =	vst v3  }
0x1a1: {  	[tilespmem:s31+$0x930] =	vst v2;
	v3 =	vld [tilespmem:s31+$0x840]  }
0x1a2: {  	v2 =	vld [tilespmem:s24+$0x11040];
	_ =	sdelay $0x2  }
0x1a3: {  	v6 =	vsub.f32 v55, v54  }
0x1a4: {  	v4 =	vsub.f32 v53, v3  }
0x1a5: {  	v8 =	vsub.f32 v57, v56;
	v6 =	vmul.f32 v6, v2  }
0x1a6: {  	v61 =	vld [tilespmem:s31+$0x88D0];
	v4 =	vmul.f32 v4, v2  }
0x1a7: {  	v59 =	vld [tilespmem:s31+$0x8850];
	v2 =	vmul.f32 v8, v2;
	v58 =	vadd.f32 v6, v54  }
0x1a8: {  	v60 =	vld [tilespmem:s31+$0x8D0];
	v3 =	vadd.f32 v4, v3  }
0x1a9: {  	v62 =	vld [tilespmem:s31+$0x950];
	v2 =	vadd.f32 v2, v56;
	[tilespmem:s31+$0x8C0] =	vst v58  }
0x1aa: {  	v63 =	vld [tilespmem:s31+$0x8950];
	[tilespmem:s31+$0x840] =	vst v3  }
0x1ab: {  	[tilespmem:s31+$0x940] =	vst v2;
	v3 =	vld [tilespmem:s31+$0x850]  }
0x1ac: {  	v2 =	vld [tilespmem:s24+$0x11050];
	_ =	sdelay $0x2  }
0x1ad: {  	v6 =	vsub.f32 v61, v60  }
0x1ae: {  	v4 =	vsub.f32 v59, v3  }
0x1af: {  	v8 =	vsub.f32 v63, v62;
	v6 =	vmul.f32 v6, v2  }
0x1b0: {  	v15 =	vld [tilespmem:s31+$0x960];
	v4 =	vmul.f32 v4, v2  }
0x1b1: {  	v13 =	vld [tilespmem:s31+$0x8E0];
	v2 =	vmul.f32 v8, v2;
	v11 =	vadd.f32 v6, v60  }
0x1b2: {  	v12 =	vld [tilespmem:s31+$0x8860];
	v3 =	vadd.f32 v4, v3  }
0x1b3: {  	v14 =	vld [tilespmem:s31+$0x88E0];
	v2 =	vadd.f32 v2, v62;
	[tilespmem:s31+$0x8D0] =	vst v11  }
0x1b4: {  	v16 =	vld [tilespmem:s31+$0x8960];
	[tilespmem:s31+$0x850] =	vst v3  }
0x1b5: {  	[tilespmem:s31+$0x950] =	vst v2;
	v3 =	vld [tilespmem:s31+$0x860]  }
0x1b6: {  	v2 =	vld [tilespmem:s24+$0x11060];
	_ =	sdelay $0x2  }
0x1b7: {  	v6 =	vsub.f32 v14, v13  }
0x1b8: {  	v4 =	vsub.f32 v12, v3  }
0x1b9: {  	v8 =	vsub.f32 v16, v15;
	v6 =	vmul.f32 v6, v2  }
0x1ba: {  	v21 =	vld [tilespmem:s31+$0x970];
	v4 =	vmul.f32 v4, v2  }
0x1bb: {  	v19 =	vld [tilespmem:s31+$0x8F0];
	v2 =	vmul.f32 v8, v2;
	v17 =	vadd.f32 v6, v13  }
0x1bc: {  	v18 =	vld [tilespmem:s31+$0x8870];
	v3 =	vadd.f32 v4, v3  }
0x1bd: {  	v20 =	vld [tilespmem:s31+$0x88F0];
	v2 =	vadd.f32 v2, v15;
	[tilespmem:s31+$0x8E0] =	vst v17  }
0x1be: {  	v22 =	vld [tilespmem:s31+$0x8970];
	[tilespmem:s31+$0x860] =	vst v3  }
0x1bf: {  	[tilespmem:s31+$0x960] =	vst v2;
	v3 =	vld [tilespmem:s31+$0x870]  }
0x1c0: {  	v2 =	vld [tilespmem:s24+$0x11070];
	_ =	sdelay $0x2  }
0x1c1: {  	v6 =	vsub.f32 v20, v19  }
0x1c2: {  	v4 =	vsub.f32 v18, v3  }
0x1c3: {  	v8 =	vsub.f32 v22, v21;
	v6 =	vmul.f32 v6, v2  }
0x1c4: {  	v27 =	vld [tilespmem:s31+$0xB00];
	v4 =	vmul.f32 v4, v2  }
0x1c5: {  	v25 =	vld [tilespmem:s31+$0xA80];
	v2 =	vmul.f32 v8, v2;
	v23 =	vadd.f32 v6, v19  }
0x1c6: {  	v24 =	vld [tilespmem:s31+$0x8A00];
	v3 =	vadd.f32 v4, v3  }
0x1c7: {  	v26 =	vld [tilespmem:s31+$0x8A80];
	v2 =	vadd.f32 v2, v21;
	[tilespmem:s31+$0x8F0] =	vst v23  }
0x1c8: {  	v28 =	vld [tilespmem:s31+$0x8B00];
	[tilespmem:s31+$0x870] =	vst v3  }
0x1c9: {  	[tilespmem:s31+$0x970] =	vst v2;
	v3 =	vld [tilespmem:s31+$0xA00]  }
0x1ca: {  	v2 =	vld [tilespmem:s24+$0x11400];
	_ =	sdelay $0x2  }
0x1cb: {  	v6 =	vsub.f32 v26, v25  }
0x1cc: {  	v4 =	vsub.f32 v24, v3  }
0x1cd: {  	v8 =	vsub.f32 v28, v27;
	v6 =	vmul.f32 v6, v2  }
0x1ce: {  	v33 =	vld [tilespmem:s31+$0xB10];
	v4 =	vmul.f32 v4, v2  }
0x1cf: {  	v31 =	vld [tilespmem:s31+$0xA90];
	v2 =	vmul.f32 v8, v2;
	v29 =	vadd.f32 v6, v25  }
0x1d0: {  	v30 =	vld [tilespmem:s31+$0x8A10];
	v3 =	vadd.f32 v4, v3  }
0x1d1: {  	v32 =	vld [tilespmem:s31+$0x8A90];
	v2 =	vadd.f32 v2, v27;
	[tilespmem:s31+$0xA80] =	vst v29  }
0x1d2: {  	v34 =	vld [tilespmem:s31+$0x8B10];
	[tilespmem:s31+$0xA00] =	vst v3  }
0x1d3: {  	[tilespmem:s31+$0xB00] =	vst v2;
	v3 =	vld [tilespmem:s31+$0xA10]  }
0x1d4: {  	v2 =	vld [tilespmem:s24+$0x11410];
	_ =	sdelay $0x2  }
0x1d5: {  	v6 =	vsub.f32 v32, v31  }
0x1d6: {  	v4 =	vsub.f32 v30, v3  }
0x1d7: {  	v8 =	vsub.f32 v34, v33;
	v6 =	vmul.f32 v6, v2  }
0x1d8: {  	v39 =	vld [tilespmem:s31+$0xB20];
	v4 =	vmul.f32 v4, v2  }
0x1d9: {  	v37 =	vld [tilespmem:s31+$0xAA0];
	v2 =	vmul.f32 v8, v2;
	v35 =	vadd.f32 v6, v31  }
0x1da: {  	v36 =	vld [tilespmem:s31+$0x8A20];
	v3 =	vadd.f32 v4, v3  }
0x1db: {  	v38 =	vld [tilespmem:s31+$0x8AA0];
	v2 =	vadd.f32 v2, v33;
	[tilespmem:s31+$0xA90] =	vst v35  }
0x1dc: {  	v40 =	vld [tilespmem:s31+$0x8B20];
	[tilespmem:s31+$0xA10] =	vst v3  }
0x1dd: {  	[tilespmem:s31+$0xB10] =	vst v2;
	v3 =	vld [tilespmem:s31+$0xA20]  }
0x1de: {  	v2 =	vld [tilespmem:s24+$0x11420];
	_ =	sdelay $0x2  }
0x1df: {  	v6 =	vsub.f32 v38, v37  }
0x1e0: {  	v4 =	vsub.f32 v36, v3  }
0x1e1: {  	v8 =	vsub.f32 v40, v39;
	v6 =	vmul.f32 v6, v2  }
0x1e2: {  	v45 =	vld [tilespmem:s31+$0xB30];
	v4 =	vmul.f32 v4, v2  }
0x1e3: {  	v43 =	vld [tilespmem:s31+$0xAB0];
	v2 =	vmul.f32 v8, v2;
	v41 =	vadd.f32 v6, v37  }
0x1e4: {  	v42 =	vld [tilespmem:s31+$0x8A30];
	v3 =	vadd.f32 v4, v3  }
0x1e5: {  	v44 =	vld [tilespmem:s31+$0x8AB0];
	v2 =	vadd.f32 v2, v39;
	[tilespmem:s31+$0xAA0] =	vst v41  }
0x1e6: {  	v46 =	vld [tilespmem:s31+$0x8B30];
	[tilespmem:s31+$0xA20] =	vst v3  }
0x1e7: {  	[tilespmem:s31+$0xB20] =	vst v2;
	v3 =	vld [tilespmem:s31+$0xA30]  }
0x1e8: {  	v2 =	vld [tilespmem:s24+$0x11430];
	_ =	sdelay $0x2  }
0x1e9: {  	v6 =	vsub.f32 v44, v43  }
0x1ea: {  	v4 =	vsub.f32 v42, v3  }
0x1eb: {  	v8 =	vsub.f32 v46, v45;
	v6 =	vmul.f32 v6, v2  }
0x1ec: {  	v51 =	vld [tilespmem:s31+$0xB40];
	v4 =	vmul.f32 v4, v2  }
0x1ed: {  	v49 =	vld [tilespmem:s31+$0xAC0];
	v2 =	vmul.f32 v8, v2;
	v47 =	vadd.f32 v6, v43  }
0x1ee: {  	v48 =	vld [tilespmem:s31+$0x8A40];
	v3 =	vadd.f32 v4, v3  }
0x1ef: {  	v50 =	vld [tilespmem:s31+$0x8AC0];
	v2 =	vadd.f32 v2, v45;
	[tilespmem:s31+$0xAB0] =	vst v47  }
0x1f0: {  	v52 =	vld [tilespmem:s31+$0x8B40];
	[tilespmem:s31+$0xA30] =	vst v3  }
0x1f1: {  	[tilespmem:s31+$0xB30] =	vst v2;
	v3 =	vld [tilespmem:s31+$0xA40]  }
0x1f2: {  	v2 =	vld [tilespmem:s24+$0x11440];
	_ =	sdelay $0x2  }
0x1f3: {  	v6 =	vsub.f32 v50, v49  }
0x1f4: {  	v4 =	vsub.f32 v48, v3  }
0x1f5: {  	v8 =	vsub.f32 v52, v51;
	v6 =	vmul.f32 v6, v2  }
0x1f6: {  	v57 =	vld [tilespmem:s31+$0xB50];
	v4 =	vmul.f32 v4, v2  }
0x1f7: {  	v55 =	vld [tilespmem:s31+$0xAD0];
	v2 =	vmul.f32 v8, v2;
	v53 =	vadd.f32 v6, v49  }
0x1f8: {  	v54 =	vld [tilespmem:s31+$0x8A50];
	v3 =	vadd.f32 v4, v3  }
0x1f9: {  	v56 =	vld [tilespmem:s31+$0x8AD0];
	v2 =	vadd.f32 v2, v51;
	[tilespmem:s31+$0xAC0] =	vst v53  }
0x1fa: {  	v58 =	vld [tilespmem:s31+$0x8B50];
	[tilespmem:s31+$0xA40] =	vst v3  }
0x1fb: {  	[tilespmem:s31+$0xB40] =	vst v2;
	v3 =	vld [tilespmem:s31+$0xA50]  }
0x1fc: {  	v2 =	vld [tilespmem:s24+$0x11450];
	_ =	sdelay $0x2  }
0x1fd: {  	v6 =	vsub.f32 v56, v55  }
0x1fe: {  	v4 =	vsub.f32 v54, v3  }
0x1ff: {  	v8 =	vsub.f32 v58, v57;
	v6 =	vmul.f32 v6, v2  }
0x200: {  	v63 =	vld [tilespmem:s31+$0xB60];
	v4 =	vmul.f32 v4, v2  }
0x201: {  	v61 =	vld [tilespmem:s31+$0xAE0];
	v2 =	vmul.f32 v8, v2;
	v59 =	vadd.f32 v6, v55  }
0x202: {  	v60 =	vld [tilespmem:s31+$0x8A60];
	v3 =	vadd.f32 v4, v3  }
0x203: {  	v62 =	vld [tilespmem:s31+$0x8AE0];
	v2 =	vadd.f32 v2, v57;
	[tilespmem:s31+$0xAD0] =	vst v59  }
0x204: {  	v12 =	vld [tilespmem:s31+$0x8B60];
	[tilespmem:s31+$0xA50] =	vst v3  }
0x205: {  	[tilespmem:s31+$0xB50] =	vst v2;
	v3 =	vld [tilespmem:s31+$0xA60]  }
0x206: {  	v2 =	vld [tilespmem:s24+$0x11460];
	_ =	sdelay $0x2  }
0x207: {  	v6 =	vsub.f32 v62, v61  }
0x208: {  	v4 =	vsub.f32 v60, v3  }
0x209: {  	v8 =	vsub.f32 v12, v63;
	v6 =	vmul.f32 v6, v2  }
0x20a: {  	v16 =	vld [tilespmem:s31+$0x8AF0];
	v4 =	vmul.f32 v4, v2  }
0x20b: {  	v14 =	vld [tilespmem:s31+$0x8A70];
	v2 =	vmul.f32 v8, v2;
	v13 =	vadd.f32 v6, v61  }
0x20c: {  	v15 =	vld [tilespmem:s31+$0xAF0];
	v3 =	vadd.f32 v4, v3  }
0x20d: {  	v17 =	vld [tilespmem:s31+$0xB70];
	v2 =	vadd.f32 v2, v63;
	[tilespmem:s31+$0xAE0] =	vst v13  }
0x20e: {  	v18 =	vld [tilespmem:s31+$0x8B70];
	[tilespmem:s31+$0xA60] =	vst v3  }
0x20f: {  	[tilespmem:s31+$0xB60] =	vst v2;
	v3 =	vld [tilespmem:s31+$0xA70]  }
0x210: {  	v2 =	vld [tilespmem:s24+$0x11470];
	_ =	sdelay $0x2  }
0x211: {  	v6 =	vsub.f32 v16, v15  }
0x212: {  	v4 =	vsub.f32 v14, v3  }
0x213: {  	v8 =	vsub.f32 v18, v17;
	v6 =	vmul.f32 v6, v2  }
0x214: {  	v22 =	vld [tilespmem:s31+$0x8C80];
	v4 =	vmul.f32 v4, v2  }
0x215: {  	v20 =	vld [tilespmem:s31+$0x8C00];
	v2 =	vmul.f32 v8, v2;
	v19 =	vadd.f32 v6, v15  }
0x216: {  	v21 =	vld [tilespmem:s31+$0xC80];
	v3 =	vadd.f32 v4, v3  }
0x217: {  	v23 =	vld [tilespmem:s31+$0xD00];
	v2 =	vadd.f32 v2, v17;
	[tilespmem:s31+$0xAF0] =	vst v19  }
0x218: {  	v24 =	vld [tilespmem:s31+$0x8D00];
	[tilespmem:s31+$0xA70] =	vst v3  }
0x219: {  	[tilespmem:s31+$0xB70] =	vst v2;
	v3 =	vld [tilespmem:s31+$0xC00]  }
0x21a: {  	v2 =	vld [tilespmem:s24+$0x11800];
	_ =	sdelay $0x2  }
0x21b: {  	v6 =	vsub.f32 v22, v21  }
0x21c: {  	v4 =	vsub.f32 v20, v3  }
0x21d: {  	v8 =	vsub.f32 v24, v23;
	v6 =	vmul.f32 v6, v2  }
0x21e: {  	v28 =	vld [tilespmem:s31+$0x8C90];
	v4 =	vmul.f32 v4, v2  }
0x21f: {  	v26 =	vld [tilespmem:s31+$0x8C10];
	v2 =	vmul.f32 v8, v2;
	v25 =	vadd.f32 v6, v21  }
0x220: {  	v27 =	vld [tilespmem:s31+$0xC90];
	v3 =	vadd.f32 v4, v3  }
0x221: {  	v29 =	vld [tilespmem:s31+$0xD10];
	v2 =	vadd.f32 v2, v23;
	[tilespmem:s31+$0xC80] =	vst v25  }
0x222: {  	v30 =	vld [tilespmem:s31+$0x8D10];
	[tilespmem:s31+$0xC00] =	vst v3  }
0x223: {  	[tilespmem:s31+$0xD00] =	vst v2;
	v3 =	vld [tilespmem:s31+$0xC10]  }
0x224: {  	v2 =	vld [tilespmem:s24+$0x11810];
	_ =	sdelay $0x2  }
0x225: {  	v6 =	vsub.f32 v28, v27  }
0x226: {  	v4 =	vsub.f32 v26, v3  }
0x227: {  	v8 =	vsub.f32 v30, v29;
	v6 =	vmul.f32 v6, v2  }
0x228: {  	v34 =	vld [tilespmem:s31+$0x8CA0];
	v4 =	vmul.f32 v4, v2  }
0x229: {  	v32 =	vld [tilespmem:s31+$0x8C20];
	v2 =	vmul.f32 v8, v2;
	v31 =	vadd.f32 v6, v27  }
0x22a: {  	v33 =	vld [tilespmem:s31+$0xCA0];
	v3 =	vadd.f32 v4, v3  }
0x22b: {  	v35 =	vld [tilespmem:s31+$0xD20];
	v2 =	vadd.f32 v2, v29;
	[tilespmem:s31+$0xC90] =	vst v31  }
0x22c: {  	v36 =	vld [tilespmem:s31+$0x8D20];
	[tilespmem:s31+$0xC10] =	vst v3  }
0x22d: {  	[tilespmem:s31+$0xD10] =	vst v2;
	v3 =	vld [tilespmem:s31+$0xC20]  }
0x22e: {  	v2 =	vld [tilespmem:s24+$0x11820];
	_ =	sdelay $0x2  }
0x22f: {  	v6 =	vsub.f32 v34, v33  }
0x230: {  	v4 =	vsub.f32 v32, v3  }
0x231: {  	v8 =	vsub.f32 v36, v35;
	v6 =	vmul.f32 v6, v2  }
0x232: {  	v40 =	vld [tilespmem:s31+$0x8CB0];
	v4 =	vmul.f32 v4, v2  }
0x233: {  	v38 =	vld [tilespmem:s31+$0x8C30];
	v2 =	vmul.f32 v8, v2;
	v37 =	vadd.f32 v6, v33  }
0x234: {  	v39 =	vld [tilespmem:s31+$0xCB0];
	v3 =	vadd.f32 v4, v3  }
0x235: {  	v41 =	vld [tilespmem:s31+$0xD30];
	v2 =	vadd.f32 v2, v35;
	[tilespmem:s31+$0xCA0] =	vst v37  }
0x236: {  	v42 =	vld [tilespmem:s31+$0x8D30];
	[tilespmem:s31+$0xC20] =	vst v3  }
0x237: {  	[tilespmem:s31+$0xD20] =	vst v2;
	v3 =	vld [tilespmem:s31+$0xC30]  }
0x238: {  	v2 =	vld [tilespmem:s24+$0x11830];
	_ =	sdelay $0x2  }
0x239: {  	v6 =	vsub.f32 v40, v39  }
0x23a: {  	v4 =	vsub.f32 v38, v3  }
0x23b: {  	v8 =	vsub.f32 v42, v41;
	v6 =	vmul.f32 v6, v2  }
0x23c: {  	v46 =	vld [tilespmem:s31+$0x8CC0];
	v4 =	vmul.f32 v4, v2  }
0x23d: {  	v44 =	vld [tilespmem:s31+$0x8C40];
	v2 =	vmul.f32 v8, v2;
	v43 =	vadd.f32 v6, v39  }
0x23e: {  	v45 =	vld [tilespmem:s31+$0xCC0];
	v3 =	vadd.f32 v4, v3  }
0x23f: {  	v47 =	vld [tilespmem:s31+$0xD40];
	v2 =	vadd.f32 v2, v41;
	[tilespmem:s31+$0xCB0] =	vst v43  }
0x240: {  	v48 =	vld [tilespmem:s31+$0x8D40];
	[tilespmem:s31+$0xC30] =	vst v3  }
0x241: {  	[tilespmem:s31+$0xD30] =	vst v2;
	v3 =	vld [tilespmem:s31+$0xC40]  }
0x242: {  	v2 =	vld [tilespmem:s24+$0x11840];
	_ =	sdelay $0x2  }
0x243: {  	v6 =	vsub.f32 v46, v45  }
0x244: {  	v4 =	vsub.f32 v44, v3  }
0x245: {  	v8 =	vsub.f32 v48, v47;
	v6 =	vmul.f32 v6, v2  }
0x246: {  	v52 =	vld [tilespmem:s31+$0x8CD0];
	v4 =	vmul.f32 v4, v2  }
0x247: {  	v50 =	vld [tilespmem:s31+$0x8C50];
	v2 =	vmul.f32 v8, v2;
	v49 =	vadd.f32 v6, v45  }
0x248: {  	v51 =	vld [tilespmem:s31+$0xCD0];
	v3 =	vadd.f32 v4, v3  }
0x249: {  	v53 =	vld [tilespmem:s31+$0xD50];
	v2 =	vadd.f32 v2, v47;
	[tilespmem:s31+$0xCC0] =	vst v49  }
0x24a: {  	v54 =	vld [tilespmem:s31+$0x8D50];
	[tilespmem:s31+$0xC40] =	vst v3  }
0x24b: {  	[tilespmem:s31+$0xD40] =	vst v2;
	v3 =	vld [tilespmem:s31+$0xC50]  }
0x24c: {  	v2 =	vld [tilespmem:s24+$0x11850];
	_ =	sdelay $0x2  }
0x24d: {  	v6 =	vsub.f32 v52, v51  }
0x24e: {  	v4 =	vsub.f32 v50, v3  }
0x24f: {  	v8 =	vsub.f32 v54, v53;
	v6 =	vmul.f32 v6, v2  }
0x250: {  	v58 =	vld [tilespmem:s31+$0x8CE0];
	v4 =	vmul.f32 v4, v2  }
0x251: {  	v56 =	vld [tilespmem:s31+$0x8C60];
	v2 =	vmul.f32 v8, v2;
	v55 =	vadd.f32 v6, v51  }
0x252: {  	v57 =	vld [tilespmem:s31+$0xCE0];
	v3 =	vadd.f32 v4, v3  }
0x253: {  	v59 =	vld [tilespmem:s31+$0xD60];
	v2 =	vadd.f32 v2, v53;
	[tilespmem:s31+$0xCD0] =	vst v55  }
0x254: {  	v60 =	vld [tilespmem:s31+$0x8D60];
	[tilespmem:s31+$0xC50] =	vst v3  }
0x255: {  	[tilespmem:s31+$0xD50] =	vst v2;
	v3 =	vld [tilespmem:s31+$0xC60]  }
0x256: {  	v2 =	vld [tilespmem:s24+$0x11860];
	_ =	sdelay $0x2  }
0x257: {  	v6 =	vsub.f32 v58, v57  }
0x258: {  	v4 =	vsub.f32 v56, v3  }
0x259: {  	v8 =	vsub.f32 v60, v59;
	v6 =	vmul.f32 v6, v2  }
0x25a: {  	v12 =	vld [tilespmem:s31+$0x8CF0];
	v4 =	vmul.f32 v4, v2  }
0x25b: {  	v62 =	vld [tilespmem:s31+$0x8C70];
	v2 =	vmul.f32 v8, v2;
	v61 =	vadd.f32 v6, v57  }
0x25c: {  	v63 =	vld [tilespmem:s31+$0xCF0];
	v3 =	vadd.f32 v4, v3  }
0x25d: {  	v13 =	vld [tilespmem:s31+$0xD70];
	v2 =	vadd.f32 v2, v59;
	[tilespmem:s31+$0xCE0] =	vst v61  }
0x25e: {  	v14 =	vld [tilespmem:s31+$0x8D70];
	[tilespmem:s31+$0xC60] =	vst v3  }
0x25f: {  	[tilespmem:s31+$0xD60] =	vst v2;
	v3 =	vld [tilespmem:s31+$0xC70]  }
0x260: {  	v2 =	vld [tilespmem:s24+$0x11870];
	_ =	sdelay $0x2  }
0x261: {  	v6 =	vsub.f32 v12, v63  }
0x262: {  	v4 =	vsub.f32 v62, v3  }
0x263: {  	v8 =	vsub.f32 v14, v13;
	v6 =	vmul.f32 v6, v2  }
0x264: {  	v18 =	vld [tilespmem:s31+$0x8E80];
	v4 =	vmul.f32 v4, v2  }
0x265: {  	v16 =	vld [tilespmem:s31+$0x8E00];
	v2 =	vmul.f32 v8, v2;
	v15 =	vadd.f32 v6, v63  }
0x266: {  	v17 =	vld [tilespmem:s31+$0xE80];
	v3 =	vadd.f32 v4, v3  }
0x267: {  	v19 =	vld [tilespmem:s31+$0xF00];
	v2 =	vadd.f32 v2, v13;
	[tilespmem:s31+$0xCF0] =	vst v15  }
0x268: {  	v20 =	vld [tilespmem:s31+$0x8F00];
	[tilespmem:s31+$0xC70] =	vst v3  }
0x269: {  	[tilespmem:s31+$0xD70] =	vst v2;
	v3 =	vld [tilespmem:s31+$0xE00]  }
0x26a: {  	v2 =	vld [tilespmem:s24+$0x11C00];
	_ =	sdelay $0x2  }
0x26b: {  	v6 =	vsub.f32 v18, v17  }
0x26c: {  	v4 =	vsub.f32 v16, v3  }
0x26d: {  	v8 =	vsub.f32 v20, v19;
	v6 =	vmul.f32 v6, v2  }
0x26e: {  	v24 =	vld [tilespmem:s31+$0x8E90];
	v4 =	vmul.f32 v4, v2  }
0x26f: {  	v22 =	vld [tilespmem:s31+$0x8E10];
	v2 =	vmul.f32 v8, v2;
	v21 =	vadd.f32 v6, v17  }
0x270: {  	v23 =	vld [tilespmem:s31+$0xE90];
	v3 =	vadd.f32 v4, v3  }
0x271: {  	v25 =	vld [tilespmem:s31+$0xF10];
	v2 =	vadd.f32 v2, v19;
	[tilespmem:s31+$0xE80] =	vst v21  }
0x272: {  	v26 =	vld [tilespmem:s31+$0x8F10];
	[tilespmem:s31+$0xE00] =	vst v3  }
0x273: {  	[tilespmem:s31+$0xF00] =	vst v2;
	v3 =	vld [tilespmem:s31+$0xE10]  }
0x274: {  	v2 =	vld [tilespmem:s24+$0x11C10];
	_ =	sdelay $0x2  }
0x275: {  	v6 =	vsub.f32 v24, v23  }
0x276: {  	v4 =	vsub.f32 v22, v3  }
0x277: {  	v8 =	vsub.f32 v26, v25;
	v6 =	vmul.f32 v6, v2  }
0x278: {  	v30 =	vld [tilespmem:s31+$0x8EA0];
	v4 =	vmul.f32 v4, v2  }
0x279: {  	v28 =	vld [tilespmem:s31+$0x8E20];
	v2 =	vmul.f32 v8, v2;
	v27 =	vadd.f32 v6, v23  }
0x27a: {  	v29 =	vld [tilespmem:s31+$0xEA0];
	v3 =	vadd.f32 v4, v3  }
0x27b: {  	v31 =	vld [tilespmem:s31+$0xF20];
	v2 =	vadd.f32 v2, v25;
	[tilespmem:s31+$0xE90] =	vst v27  }
0x27c: {  	v32 =	vld [tilespmem:s31+$0x8F20];
	[tilespmem:s31+$0xE10] =	vst v3  }
0x27d: {  	[tilespmem:s31+$0xF10] =	vst v2;
	v3 =	vld [tilespmem:s31+$0xE20]  }
0x27e: {  	v2 =	vld [tilespmem:s24+$0x11C20];
	_ =	sdelay $0x2  }
0x27f: {  	v6 =	vsub.f32 v30, v29  }
0x280: {  	v4 =	vsub.f32 v28, v3  }
0x281: {  	v8 =	vsub.f32 v32, v31;
	v6 =	vmul.f32 v6, v2  }
0x282: {  	v36 =	vld [tilespmem:s31+$0x8EB0];
	v4 =	vmul.f32 v4, v2  }
0x283: {  	v34 =	vld [tilespmem:s31+$0x8E30];
	v2 =	vmul.f32 v8, v2;
	v33 =	vadd.f32 v6, v29  }
0x284: {  	v35 =	vld [tilespmem:s31+$0xEB0];
	v3 =	vadd.f32 v4, v3  }
0x285: {  	v37 =	vld [tilespmem:s31+$0xF30];
	v2 =	vadd.f32 v2, v31;
	[tilespmem:s31+$0xEA0] =	vst v33  }
0x286: {  	v38 =	vld [tilespmem:s31+$0x8F30];
	[tilespmem:s31+$0xE20] =	vst v3  }
0x287: {  	[tilespmem:s31+$0xF20] =	vst v2;
	v3 =	vld [tilespmem:s31+$0xE30]  }
0x288: {  	v2 =	vld [tilespmem:s24+$0x11C30];
	_ =	sdelay $0x2  }
0x289: {  	v6 =	vsub.f32 v36, v35  }
0x28a: {  	v4 =	vsub.f32 v34, v3  }
0x28b: {  	v8 =	vsub.f32 v38, v37;
	v6 =	vmul.f32 v6, v2  }
0x28c: {  	v42 =	vld [tilespmem:s31+$0x8EC0];
	v4 =	vmul.f32 v4, v2  }
0x28d: {  	v40 =	vld [tilespmem:s31+$0x8E40];
	v2 =	vmul.f32 v8, v2;
	v39 =	vadd.f32 v6, v35  }
0x28e: {  	v41 =	vld [tilespmem:s31+$0xEC0];
	v3 =	vadd.f32 v4, v3  }
0x28f: {  	v43 =	vld [tilespmem:s31+$0xF40];
	v2 =	vadd.f32 v2, v37;
	[tilespmem:s31+$0xEB0] =	vst v39  }
0x290: {  	v44 =	vld [tilespmem:s31+$0x8F40];
	[tilespmem:s31+$0xE30] =	vst v3  }
0x291: {  	[tilespmem:s31+$0xF30] =	vst v2;
	v3 =	vld [tilespmem:s31+$0xE40]  }
0x292: {  	v2 =	vld [tilespmem:s24+$0x11C40];
	_ =	sdelay $0x2  }
0x293: {  	v6 =	vsub.f32 v42, v41  }
0x294: {  	v4 =	vsub.f32 v40, v3  }
0x295: {  	v8 =	vsub.f32 v44, v43;
	v6 =	vmul.f32 v6, v2  }
0x296: {  	v48 =	vld [tilespmem:s31+$0x8ED0];
	v4 =	vmul.f32 v4, v2  }
0x297: {  	v46 =	vld [tilespmem:s31+$0x8E50];
	v2 =	vmul.f32 v8, v2;
	v45 =	vadd.f32 v6, v41  }
0x298: {  	v47 =	vld [tilespmem:s31+$0xED0];
	v3 =	vadd.f32 v4, v3  }
0x299: {  	v49 =	vld [tilespmem:s31+$0xF50];
	v2 =	vadd.f32 v2, v43;
	[tilespmem:s31+$0xEC0] =	vst v45  }
0x29a: {  	v50 =	vld [tilespmem:s31+$0x8F50];
	[tilespmem:s31+$0xE40] =	vst v3  }
0x29b: {  	[tilespmem:s31+$0xF40] =	vst v2;
	v3 =	vld [tilespmem:s31+$0xE50]  }
0x29c: {  	v2 =	vld [tilespmem:s24+$0x11C50];
	_ =	sdelay $0x2  }
0x29d: {  	v6 =	vsub.f32 v48, v47  }
0x29e: {  	v4 =	vsub.f32 v46, v3  }
0x29f: {  	v8 =	vsub.f32 v50, v49;
	v6 =	vmul.f32 v6, v2  }
0x2a0: {  	v54 =	vld [tilespmem:s31+$0x8EE0];
	v4 =	vmul.f32 v4, v2  }
0x2a1: {  	v52 =	vld [tilespmem:s31+$0x8E60];
	v2 =	vmul.f32 v8, v2;
	v51 =	vadd.f32 v6, v47  }
0x2a2: {  	v53 =	vld [tilespmem:s31+$0xEE0];
	v3 =	vadd.f32 v4, v3  }
0x2a3: {  	v55 =	vld [tilespmem:s31+$0xF60];
	v2 =	vadd.f32 v2, v49;
	[tilespmem:s31+$0xED0] =	vst v51  }
0x2a4: {  	v56 =	vld [tilespmem:s31+$0x8F60];
	[tilespmem:s31+$0xE50] =	vst v3  }
0x2a5: {  	[tilespmem:s31+$0xF50] =	vst v2;
	v3 =	vld [tilespmem:s31+$0xE60]  }
0x2a6: {  	v2 =	vld [tilespmem:s24+$0x11C60];
	_ =	sdelay $0x2  }
0x2a7: {  	v6 =	vsub.f32 v54, v53  }
0x2a8: {  	v4 =	vsub.f32 v52, v3  }
0x2a9: {  	v8 =	vsub.f32 v56, v55;
	v6 =	vmul.f32 v6, v2  }
0x2aa: {  	v60 =	vld [tilespmem:s31+$0x8EF0];
	v4 =	vmul.f32 v4, v2  }
0x2ab: {  	v58 =	vld [tilespmem:s31+$0x8E70];
	v2 =	vmul.f32 v8, v2;
	v57 =	vadd.f32 v6, v53  }
0x2ac: {  	v59 =	vld [tilespmem:s31+$0xEF0];
	v3 =	vadd.f32 v4, v3  }
0x2ad: {  	v61 =	vld [tilespmem:s31+$0xF70];
	v2 =	vadd.f32 v2, v55;
	[tilespmem:s31+$0xEE0] =	vst v57  }
0x2ae: {  	v62 =	vld [tilespmem:s31+$0x8F70];
	[tilespmem:s31+$0xE60] =	vst v3  }
0x2af: {  	[tilespmem:s31+$0xF60] =	vst v2;
	v3 =	vld [tilespmem:s31+$0xE70]  }
0x2b0: {  	v2 =	vld [tilespmem:s24+$0x11C70];
	_ =	sdelay $0x2  }
0x2b1: {  	v6 =	vsub.f32 v60, v59  }
0x2b2: {  	v4 =	vsub.f32 v58, v3  }
0x2b3: {  	v8 =	vsub.f32 v62, v61;
	v6 =	vmul.f32 v6, v2  }
0x2b4: {  	p0 =	sne.s32 s22, $0x7;
	v4 =	vmul.f32 v4, v2  }
.Ltmp0:
0x2b5: {  	v2 =	vmul.f32 v8, v2;
	v63 =	vadd.f32 v6, v59;
	(pc) =	sbr.rel @p0 .LBB2_2-.Ltmp0, $4  }
0x2b6: {  	v3 =	vadd.f32 v4, v3  }
0x2b7: {  	v2 =	vadd.f32 v2, v61;
	[tilespmem:s31+$0xEF0] =	vst v63  }
0x2b8: {  	[tilespmem:s31+$0xE70] =	vst v3  }
0x2b9: {  	s22 =	sadd.s32 $0x1, s22;
	[tilespmem:s31+$0xF70] =	vst v2  }
0x2ba: {  	s21 =	sadd.s32 $0x1, s21  }
0x2bb: {  	p0 =	sne.s32 s21, s11  }
.Ltmp1:
0x2bc: {  	_ = 	snop;
	(pc) =	sbr.rel @p0 .LBB2_1-.Ltmp1, $4  }
0x2bd: {  	[hbm4b:s10+s3] =	stream.linear.scatter [tilespmem:s3], [sflag:$0x3], $0x8000, $0x38;
	[tilespmem:$0x12080] =	vst v63  }
0x2be: {  	_ =	swait.ge [sflag:s14], $0x8000  }
0x2bf: {  	[sflag:s14] =	ssyncset.done $0x0  }
0x2c0: {  	[sflag:s14] =	ssyncadd.s32 $0xFFFF8000  }
0x2c1: {  	_ =	sfence.sel $0x180000  }
0x2c2: {  	[bflag:$0x0] =	sbarrier.arrive $0xFFFF  }
0x2c3: {  	p0 =	sne.s32 s1, $0x0;
	_ =	strace $0x90000047  }
0x2c4: {  	s0 =	sadd.s32 @!p0 $0x100000, s0;
	[bflag:$0x2] =	sbarrier.arrive $0xFFFF  }
0x2c5: {  	[sflag:s0] =	ssyncadd.tile.s32 @!p0 $0x1;
	_ =	shalt  }
.Lfunc_end2:
_tile_overlayer_lowered:
.L_overlay_start_2:
0x2c6: {  	(tag) =	ssettag $0x2  }
0x2c7: {  	s0 =	rddreg [dreg:$0x0];
	s2 =	stileid.u32  }
0x2c8: {  	s1 =	rddreg [dreg:$0x1];
	p0 =	sne.s32 s2, $0x0  }
0x2c9: {  	s3 =	rddreg [dreg:$0x2];
	[bflag:$0x3] =	sbarrier.arrive $0xFFFF;
	s2 =	simm.s32 @!p0 $0x1C03  }
0x2ca: {  	[timem:s3], [sflag:s2] =	dma.local @!p0 [hbm:s0], s1  }
0x2cb: {  	s0 =	simm.s32 @!p0 $0x3  }
0x2cc: {  	_ =	swait.ge @!p0 [sflag:s0], s1  }
0x2cd: {  	s1 =	ssub.s32 @!p0 $0x0, s1;
	[sflag:s0] =	ssyncset.done @!p0 $0x0  }
0x2ce: {  	[sflag:s0] =	ssyncadd.s32 @!p0 s1  }
0x2cf: {  	[bflag:$0x3] =	sbarrier.arrive $0xFFFF  }
0x2d0: {  	_ =	shalt  }

</sc_bundles>
